<compile_context>
chip_gen: v7x
topology: tpu7x:2x2x1
jax: 0.10.2.dev20260603
libtpu: 0.0.44.dev20260713+nightly
codegen_flags: <defaults>
</compile_context>

<pallas_src>
import functools

import jax
import jax.numpy as jnp
from jax import lax
from jax.experimental import pallas as pl
from jax.experimental.pallas import tpu as pltpu
from jax.experimental.pallas import tpu_sc as plsc

TOPK = 9
N_CLASSES = 80
BS = 8
N_MAX = 32
IMG = 1280
STRIDES = (8, 16, 32)
EPS = 1e-9
NS_GRID = tuple(IMG // s for s in STRIDES)
LEVEL_OFF = (0, NS_GRID[0] ** 2, NS_GRID[0] ** 2 + NS_GRID[1] ** 2)
NA = sum(n * n for n in NS_GRID)
NG = BS * N_MAX
W = 5
NSLOT = 3 * W * W
NSLOT_PAD = 80
CHUNK = 4200
NCH = NA // CHUNK
SC_CORES = 2
SC_SUBCORES = 16


def _iou_terms(x0, y0, x2, y3, a0, a1, a2, a3):
    area1 = (x2 - x0) * (y3 - y0)
    area2 = (a2 - a0) * (a3 - a1)
    ltx = jnp.maximum(x0, a0)
    lty = jnp.maximum(y0, a1)
    rbx = jnp.minimum(x2, a2)
    rby = jnp.minimum(y3, a3)
    w = jnp.clip(rbx - ltx, 0.0, None)
    h = jnp.clip(rby - lty, 0.0, None)
    inter = w * h
    return inter / (area1 + area2 - inter + EPS)


def _prep_body(gt_ref, x0b_ref, y0b_ref, x2b_ref, y3b_ref, mask_ref,
               idx_out, pay_out):
    gt = gt_ref[:, :]
    x0, y0, x2, y3 = gt[:, 0:1], gt[:, 1:2], gt[:, 2:3], gt[:, 3:4]
    gcx = (x0 + x2) / 2.0
    gcy = (y0 + y3) / 2.0

    in9_l, iou_l, gidx_l = [], [], []
    ingt_l, a0_l, a1_l, a2_l, a3_l = [], [], [], [], []
    for l, s in enumerate(STRIDES):
        n = NS_GRID[l]
        sf = float(s)
        i0x = jnp.clip(jnp.floor(gcx / sf).astype(jnp.int32) - 2, 0, n - W)
        i0y = jnp.clip(jnp.floor(gcy / sf).astype(jnp.int32) - 2, 0, n - W)
        lane = lax.broadcasted_iota(jnp.int32, (NG, W * W), 1)
        iyl = jnp.floor(lane.astype(jnp.float32) * 0.2).astype(jnp.int32)
        ixl = lane - iyl * W
        ix = i0x + ixl
        iy = i0y + iyl
        acx = (ix.astype(jnp.float32) + 0.5) * sf
        acy = (iy.astype(jnp.float32) + 0.5) * sf
        d = jnp.sqrt((gcx - acx) ** 2 + (gcy - acy) ** 2)
        v = jnp.full((NG, 1), -1.0, jnp.float32)
        c = jnp.zeros((NG, 1), jnp.float32)
        for _ in range(TOPK):
            nv = jnp.min(jnp.where(d > v, d, 3e38), axis=1, keepdims=True)
            nc = jnp.sum((d == nv).astype(jnp.float32), axis=1, keepdims=True)
            upd = c < float(TOPK)
            v = jnp.where(upd, nv, v)
            c = jnp.where(upd, c + nc, c)
        eqf = (d == v).astype(jnp.float32)
        jl = lax.broadcasted_iota(jnp.int32, (W * W, W * W), 0)
        il = lax.broadcasted_iota(jnp.int32, (W * W, W * W), 1)
        tri = (jl <= il).astype(jnp.float32)
        cum = lax.dot_general(eqf, tri, (((1,), (0,)), ((), ())),
                              preferred_element_type=jnp.float32)
        c_less = c - jnp.sum(eqf, axis=1, keepdims=True)
        in9 = (d < v) | ((d == v) & (c_less + cum <= float(TOPK)))
        half = 2.0 * sf
        a0, a1, a2, a3 = acx - half, acy - half, acx + half, acy + half
        iou = _iou_terms(x0, y0, x2, y3, a0, a1, a2, a3)
        ingt = (jnp.minimum(jnp.minimum(acx - x0, acy - y0),
                            jnp.minimum(x2 - acx, y3 - acy)) > EPS)
        in9_l.append(in9.astype(jnp.float32))
        iou_l.append(iou)
        gidx_l.append(LEVEL_OFF[l] + iy * n + ix)
        ingt_l.append(ingt.astype(jnp.float32))
        a0_l.append(a0); a1_l.append(a1); a2_l.append(a2); a3_l.append(a3)

    in9f = jnp.concatenate(in9_l, axis=1)
    iou = jnp.concatenate(iou_l, axis=1)
    gidx = jnp.concatenate(gidx_l, axis=1)
    ingtf = jnp.concatenate(ingt_l, axis=1)
    a0 = jnp.concatenate(a0_l, axis=1)
    a1 = jnp.concatenate(a1_l, axis=1)
    a2 = jnp.concatenate(a2_l, axis=1)
    a3 = jnp.concatenate(a3_l, axis=1)

    m = jnp.sum(iou * in9f, axis=1, keepdims=True) / 27.0
    var = jnp.sum(((iou - m) * in9f) ** 2, axis=1, keepdims=True) / 26.0
    thr = m + jnp.sqrt(var)
    is_pos = ((in9f > 0.5) & (iou > thr) & (ingtf > 0.5)
              & (mask_ref[:, :] > 0.5))

    area2 = (a2 - a0) * (a3 - a1)
    best = jnp.full((NG, NSLOT), -1.0, jnp.float32)
    bestj = jnp.zeros((NG, NSLOT), jnp.int32)
    for j in range(N_MAX):
        jx0 = x0b_ref[:, j:j + 1]
        jy0 = y0b_ref[:, j:j + 1]
        jx2 = x2b_ref[:, j:j + 1]
        jy3 = y3b_ref[:, j:j + 1]
        area1 = (jx2 - jx0) * (jy3 - jy0)
        ltx = jnp.maximum(jx0, a0)
        lty = jnp.maximum(jy0, a1)
        rbx = jnp.minimum(jx2, a2)
        rby = jnp.minimum(jy3, a3)
        w = jnp.clip(rbx - ltx, 0.0, None)
        h = jnp.clip(rby - lty, 0.0, None)
        inter = w * h
        o = inter / (area1 + area2 - inter + EPS)
        take = o > best
        bestj = jnp.where(take, j, bestj)
        best = jnp.where(take, o, best)

    row = lax.broadcasted_iota(jnp.int32, (NG, 1), 0)
    g = row - lax.shift_right_logical(row, 5) * N_MAX
    payload = jnp.where(is_pos, (1 << 20) + g * 1024 + bestj, 0)
    zpad = jnp.zeros((NG, NSLOT_PAD - NSLOT), jnp.int32)
    idx_out[:, :] = jnp.concatenate([gidx, zpad], axis=1)
    pay_out[:, :] = jnp.concatenate([payload, zpad], axis=1)


def _scatter_maps(sidx_flat, spay_flat, zrow):
    mesh = plsc.VectorSubcoreMesh(core_axis_name="c", subcore_axis_name="s",
                                  num_cores=SC_CORES, num_subcores=SC_SUBCORES)
    n_per_b = N_MAX * NSLOT_PAD

    @functools.partial(
        pl.kernel,
        out_type=jax.ShapeDtypeStruct((BS * NA,), jnp.int32),
        mesh=mesh,
        scratch_types=[
            pltpu.VMEM((NA,), jnp.int32),
            pltpu.VMEM((n_per_b,), jnp.int32),
            pltpu.VMEM((n_per_b,), jnp.int32),
        ],
        compiler_params=pltpu.CompilerParams(needs_layout_passes=False),
    )
    def run(sidx_hbm, spay_hbm, zero_hbm, out_hbm, map_v, idx_v, pay_v):
        w = lax.axis_index("s") * SC_CORES + lax.axis_index("c")

        @pl.when(w < BS)
        def _():
            pltpu.sync_copy(zero_hbm, map_v)
            base = w * n_per_b
            pltpu.sync_copy(sidx_hbm.at[pl.ds(base, n_per_b)], idx_v)
            pltpu.sync_copy(spay_hbm.at[pl.ds(base, n_per_b)], pay_v)
            for j in range(n_per_b // 16):
                iv = idx_v[pl.ds(16 * j, 16)]
                pv = pay_v[pl.ds(16 * j, 16)]
                plsc.addupdate_scatter(map_v, [iv], pv, mask=pv != 0)
            pltpu.sync_copy(map_v, out_hbm.at[pl.ds(w * NA, NA)])

    return run(sidx_flat, spay_flat, zrow)


def _expand_body(cmap_ref, gtb_ref, glab_ref, pred_ref,
                 lab_out, msk_out, box_out, sco_out):
    v = cmap_ref[0, 0].reshape(CHUNK, 1)
    count = lax.shift_right_logical(v, 20)
    sum_g = jnp.bitwise_and(lax.shift_right_logical(v, 10), 1023)
    sum_gs = jnp.bitwise_and(v, 1023)
    cf = count.astype(jnp.float32)
    gstar = (sum_gs.astype(jnp.float32) / jnp.maximum(cf, 1.0)).astype(jnp.int32)
    gf = jnp.where(count > 1, gstar, sum_g)

    oh = (gf == lax.broadcasted_iota(jnp.int32, (CHUNK, N_MAX), 1)
          ).astype(jnp.float32)
    table = jnp.concatenate([gtb_ref[0], glab_ref[0]], axis=1)
    got = lax.dot_general(oh, table, (((1,), (0,)), ((), ())),
                          precision=lax.Precision.HIGHEST,
                          preferred_element_type=jnp.float32)
    bx0, by0 = got[:, 0:1], got[:, 1:2]
    bx2, by3 = got[:, 2:3], got[:, 3:4]
    labf = got[:, 4:5]
    pred = pred_ref[0]
    iou = _iou_terms(bx0, by0, bx2, by3,
                     pred[:, 0:1], pred[:, 1:2], pred[:, 2:3], pred[:, 3:4])
    pos = count > 0
    iou = jnp.where(pos, iou, 0.0)
    labi = jnp.where(pos, labf.astype(jnp.int32), N_CLASSES)
    lanes = lax.broadcasted_iota(jnp.int32, (CHUNK, N_CLASSES), 1)
    sco = jnp.where(labi == lanes, iou, 0.0)
    lab_out[0, 0] = labi.reshape(1, CHUNK)
    msk_out[0, 0] = pos.astype(jnp.int32).reshape(1, CHUNK)
    box_out[0] = got[:, 0:4]
    sco_out[0] = sco


def kernel(anchor_bboxes, n_level_bboxes, gt_labels, gt_bboxes, mask_gt,
           pred_bboxes):
    f32 = jnp.float32
    gt_flat = gt_bboxes.reshape(NG, 4).astype(f32)
    bcast = lambda a: jnp.broadcast_to(a[:, None, :], (BS, N_MAX, N_MAX)
                                       ).reshape(NG, N_MAX)
    x0b = bcast(gt_bboxes[:, :, 0])
    y0b = bcast(gt_bboxes[:, :, 1])
    x2b = bcast(gt_bboxes[:, :, 2])
    y3b = bcast(gt_bboxes[:, :, 3])
    mask_flat = mask_gt.reshape(NG, 1).astype(f32)

    sidx, spay = pl.pallas_call(
        _prep_body,
        out_shape=[jax.ShapeDtypeStruct((NG, NSLOT_PAD), jnp.int32),
                   jax.ShapeDtypeStruct((NG, NSLOT_PAD), jnp.int32)],
    )(gt_flat, x0b, y0b, x2b, y3b, mask_flat)

    zrow = jnp.zeros((NA,), jnp.int32)
    cmap_flat = _scatter_maps(sidx.reshape(-1), spay.reshape(-1), zrow)
    cmap4 = cmap_flat.reshape(BS, NCH, 1, CHUNK)

    glabf = gt_labels.reshape(BS, N_MAX, 1).astype(f32)
    grid = (BS, NCH)
    lab4, msk4, boxes, scores = pl.pallas_call(
        _expand_body,
        grid=grid,
        in_specs=[
            pl.BlockSpec((1, 1, 1, CHUNK), lambda b, k: (b, k, 0, 0)),
            pl.BlockSpec((1, N_MAX, 4), lambda b, k: (b, 0, 0)),
            pl.BlockSpec((1, N_MAX, 1), lambda b, k: (b, 0, 0)),
            pl.BlockSpec((1, CHUNK, 4), lambda b, k: (b, k, 0)),
        ],
        out_specs=[
            pl.BlockSpec((1, 1, 1, CHUNK), lambda b, k: (b, k, 0, 0)),
            pl.BlockSpec((1, 1, 1, CHUNK), lambda b, k: (b, k, 0, 0)),
            pl.BlockSpec((1, CHUNK, 4), lambda b, k: (b, k, 0)),
            pl.BlockSpec((1, CHUNK, N_CLASSES), lambda b, k: (b, k, 0)),
        ],
        out_shape=[
            jax.ShapeDtypeStruct((BS, NCH, 1, CHUNK), jnp.int32),
            jax.ShapeDtypeStruct((BS, NCH, 1, CHUNK), jnp.int32),
            jax.ShapeDtypeStruct((BS, NA, 4), f32),
            jax.ShapeDtypeStruct((BS, NA, N_CLASSES), f32),
        ],
    )(cmap4, gt_bboxes, glabf, pred_bboxes)

    assigned_labels = lab4.reshape(BS, NA)
    mask_pos_sum = msk4.reshape(BS, NA).astype(bool)
    return assigned_labels, boxes, scores, mask_pos_sum

# --- scband reference (transcript-rebuilt; emitter-appended) ---
"""Pipeline reference for scband-atssassigner-40037685133861 (READ-ONLY COPY).

The authoritative reference and input builder live on the scoring server;
editing this copy changes nothing except your own understanding.
"""

import jax, jax.numpy as jnp
import numpy as np

TOPK = 9
N_CLASSES = 80
BS = 8
N_MAX = 32
IMG = 1280
STRIDES = (8, 16, 32)
EPS = 1e-9


def make_anchors():
    out = []
    for s in STRIDES:
        n = IMG // s
        xs = (np.arange(n, dtype=np.float32) + 0.5) * s
        cy, cx = np.meshgrid(xs, xs, indexing='ij')
        cx = cx.reshape(-1)
        cy = cy.reshape(-1)
        half = 2.0 * s
        out.append(np.stack([cx - half, cy - half, cx + half, cy + half], axis=1))
    return np.concatenate(out, axis=0).astype(np.float32)


def setup_inputs(seed: int = 0):
    key = jax.random.key(seed)
    k1, k2, k3, k4 = jax.random.split(key, 4)
    anchor_bboxes = jnp.asarray(make_anchors())
    n_anchors = anchor_bboxes.shape[0]
    cxy = jax.random.uniform(k1, (BS, N_MAX, 2), minval=100.0, maxval=IMG - 100.0)
    wh = jax.random.uniform(k2, (BS, N_MAX, 2), minval=30.0, maxval=300.0)
    gt_bboxes = jnp.concatenate([cxy - wh / 2.0, cxy + wh / 2.0], axis=-1)
    gt_labels = jax.random.randint(k3, (BS, N_MAX, 1), 0, N_CLASSES, dtype=jnp.int32)
    mask_gt = jnp.ones((BS, N_MAX, 1), dtype=jnp.float32)
    jitter = jax.random.normal(k4, (BS, n_anchors, 4), dtype=jnp.float32) * 4.0
    pred_bboxes = anchor_bboxes[None, :, :] + jitter
    n_level_bboxes = np.array([(IMG // s) ** 2 for s in STRIDES], dtype=np.int64)
    return {"anchor_bboxes": anchor_bboxes, "n_level_bboxes": n_level_bboxes, "gt_labels": gt_labels, "gt_bboxes": gt_bboxes, "mask_gt": mask_gt, "pred_bboxes": pred_bboxes}


def bbox_iou(box1, box2):
    area1 = (box1[:, 2] - box1[:, 0]) * (box1[:, 3] - box1[:, 1])
    area2 = (box2[:, 2] - box2[:, 0]) * (box2[:, 3] - box2[:, 1])
    lt = jnp.maximum(box1[:, None, :2], box2[None, :, :2])
    rb = jnp.minimum(box1[:, None, 2:], box2[None, :, 2:])
    wh = jnp.clip(rb - lt, 0.0, None)
    inter = wh[..., 0] * wh[..., 1]
    return inter / (area1[:, None] + area2[None, :] - inter + EPS)


def get_bbox_center(bbox):
    cx = (bbox[:, 0] + bbox[:, 2]) / 2.0
    cy = (bbox[:, 1] + bbox[:, 3]) / 2.0
    return jnp.stack((cx, cy), axis=1)


def candidates_in_gt(anchor_centers, gt_bboxes_flat):
    lt = anchor_centers[None, :, :] - gt_bboxes_flat[:, None, :2]
    rb = gt_bboxes_flat[:, None, 2:] - anchor_centers[None, :, :]
    delta = jnp.concatenate([lt, rb], axis=-1)
    return (delta.min(axis=-1) > EPS).astype(gt_bboxes_flat.dtype)


def select_topk_candidates(distances, levels, mask_gt):
    bs, n_max, _ = distances.shape
    mask = jnp.repeat(mask_gt.astype(bool), TOPK, axis=-1)
    bidx = jnp.arange(bs)[:, None, None]
    gidx = jnp.arange(n_max)[None, :, None]
    is_in_topk_list, topk_idxs_list = [], []
    start = 0
    for nb in levels:
        d = distances[..., start:start + nb]
        k = min(TOPK, nb)
        _, idxs = jax.lax.top_k(-d, k)
        topk_idxs_list.append(idxs + start)
        idxs_masked = jnp.where(mask[..., :k], idxs, 0)
        counts = jnp.zeros((bs, n_max, nb), distances.dtype)
        counts = counts.at[bidx, gidx, idxs_masked].add(1.0)
        is_in_topk = jnp.where(counts > 1, jnp.zeros_like(counts), counts)
        is_in_topk_list.append(is_in_topk)
        start += nb
    return jnp.concatenate(is_in_topk_list, axis=-1), jnp.concatenate(topk_idxs_list, axis=-1)


def get_positive_samples(is_in_topk, topk_idxs, overlaps):
    bs, n_max, n_anchors = overlaps.shape
    cand_overlaps = jnp.where(is_in_topk > 0, overlaps, jnp.zeros_like(overlaps))
    flat_idxs = topk_idxs.reshape(bs * n_max, -1) + n_anchors * jnp.arange(bs * n_max)[:, None]
    cand = cand_overlaps.reshape(-1)[flat_idxs].reshape(bs, n_max, -1)
    thr = cand.mean(axis=-1, keepdims=True) + jnp.std(cand, axis=-1, ddof=1, keepdims=True)
    return jnp.where(cand_overlaps > thr, is_in_topk, jnp.zeros_like(is_in_topk))


def fix_collisions(mask_pos, overlaps, n_max):
    mask_pos_sum = mask_pos.sum(axis=-2)
    mask_multi = jnp.repeat(mask_pos_sum[:, None, :] > 1, n_max, axis=1)
    max_idx = overlaps.argmax(axis=1)
    is_max = jax.nn.one_hot(max_idx, n_max, dtype=overlaps.dtype).transpose(0, 2, 1)
    mask_pos = jnp.where(mask_multi, is_max, mask_pos)
    mask_pos_sum = mask_pos.sum(axis=-2)
    assigned_gt_idx = mask_pos.argmax(axis=-2)
    return assigned_gt_idx, mask_pos_sum, mask_pos


def atss_forward(anchor_bboxes, gt_labels, gt_bboxes, mask_gt, pred_bboxes, levels):
    bs, n_max, _ = gt_bboxes.shape
    n_anchors = anchor_bboxes.shape[0]
    gt_flat = gt_bboxes.reshape(-1, 4)
    overlaps = bbox_iou(gt_flat, anchor_bboxes).reshape(bs, n_max, n_anchors)
    gt_centers = get_bbox_center(gt_flat)
    anchor_centers = get_bbox_center(anchor_bboxes)
    distances = jnp.sqrt(((gt_centers[:, None, :] - anchor_centers[None, :, :]) ** 2).sum(-1))
    distances = distances.reshape(bs, n_max, n_anchors)
    is_in_topk, topk_idxs = select_topk_candidates(distances, levels, mask_gt)
    is_pos = get_positive_samples(is_in_topk, topk_idxs, overlaps)
    is_in_gts = candidates_in_gt(anchor_centers, gt_flat).reshape(bs, n_max, n_anchors)
    mask_pos = is_pos * is_in_gts * mask_gt
    assigned_gt_idx, mask_pos_sum, mask_pos = fix_collisions(mask_pos, overlaps, n_max)
    flat_idx = assigned_gt_idx + jnp.arange(bs)[:, None] * n_max
    assigned_labels = gt_labels.reshape(-1)[flat_idx]
    assigned_bboxes = gt_bboxes.reshape(-1, 4)[flat_idx]
    assigned_labels = jnp.where(mask_pos_sum > 0, assigned_labels, N_CLASSES)
    assigned_scores = jax.nn.one_hot(assigned_labels, N_CLASSES + 1, dtype=jnp.float32)[..., :N_CLASSES]
    ious = jax.vmap(bbox_iou)(gt_bboxes, pred_bboxes) * mask_pos
    ious = ious.max(axis=-2)[..., None]
    assigned_scores = assigned_scores * ious
    return assigned_labels, assigned_bboxes, assigned_scores, mask_pos_sum.astype(bool)


def reference(anchor_bboxes, n_level_bboxes, gt_labels, gt_bboxes, mask_gt, pred_bboxes):
    levels = [(IMG // s) ** 2 for s in STRIDES]
    level_residual = (n_level_bboxes.astype(jnp.float32).sum() - float(sum(levels))) * 0.0
    return atss_forward(anchor_bboxes + level_residual, gt_labels, gt_bboxes, mask_gt, pred_bboxes, levels)

if __name__ == "__main__":
    import jax
    _d = setup_inputs()
    print(jax.jit(kernel)(*tuple(_d.values())))

</pallas_src>

<mosaic_0001>
#map = affine_map<(d0, d1) -> (0)>
module attributes {stable_mosaic.version = 14 : i64} {
  func.func @run(%arg0: i32, %arg1: i32, %arg2: memref<20480xi32, #tpu.memory_space<hbm>>, %arg3: memref<20480xi32, #tpu.memory_space<hbm>>, %arg4: memref<33600xi32, #tpu.memory_space<hbm>>, %arg5: memref<268800xi32, #tpu.memory_space<hbm>>, %arg6: memref<33600xi32, #tpu.memory_space<vmem>>, %arg7: memref<2560xi32, #tpu.memory_space<vmem>>, %arg8: memref<2560xi32, #tpu.memory_space<vmem>>) attributes {dimension_semantics = [#tpu.dimension_semantics<core_parallel>, #tpu.dimension_semantics<subcore_parallel>], iteration_bounds = array<i64: 2, 16>, scalar_prefetch = 0 : i64, scratch_operands = 3 : i64, tpu.core_type = #tpu.core_type<sc_vector_subcore>, window_params = [{transform_indices = #map}, {transform_indices = #map}, {transform_indices = #map}, {transform_indices = #map}]} {
    %mul3A = arith.constant 2 : i32
    %mul3A_0 = arith.muli %arg1, %mul3A : i32
    %add3A = arith.addi %mul3A_0, %arg0 : i32
    %lt3A = arith.constant 8 : i32
    %lt3A_1 = arith.cmpi slt, %add3A, %lt3A : i32
    %convert_element_type3A = arith.extui %lt3A_1 : i1 to i32
    %cond3A = arith.constant 0 : i32
    %cond3A_2 = arith.cmpi ne, %convert_element_type3A, %cond3A : i32
    scf.if %cond3A_2 {
      "tpu.region"() ({
        %run_scoped3A = tpu.sem_alloc : memref<!tpu.dma_semaphore, #tpu.memory_space<semaphore_mem>>
        tpu.enqueue_dma source(%arg4 : memref<33600xi32, #tpu.memory_space<hbm>>) target(%arg6 : memref<33600xi32, #tpu.memory_space<vmem>>) target_semaphore(%run_scoped3A : memref<!tpu.dma_semaphore, #tpu.memory_space<semaphore_mem>>)
        tpu.wait_dma2 semaphore(%run_scoped3A : memref<!tpu.dma_semaphore, #tpu.memory_space<semaphore_mem>>) src(%arg4 : memref<33600xi32, #tpu.memory_space<hbm>>) dst(%arg6 : memref<33600xi32, #tpu.memory_space<vmem>>)
        tpu.yield
      }) : () -> ()
      %mul3A_3 = arith.constant 2560 : i32
      %mul3A_4 = arith.muli %add3A, %mul3A_3 : i32
      "tpu.region"() ({
        %run_scoped3A = tpu.sem_alloc : memref<!tpu.dma_semaphore, #tpu.memory_space<semaphore_mem>>
        %dma_start3A = tpu.memref_slice %arg2[%mul3A_4] : memref<20480xi32, #tpu.memory_space<hbm>> -> memref<2560xi32, #tpu.memory_space<hbm>>
        %dma_start3A_1125 = tpu.memref_slice %arg2[%mul3A_4] : memref<20480xi32, #tpu.memory_space<hbm>> -> memref<2560xi32, #tpu.memory_space<hbm>>
        tpu.enqueue_dma source(%dma_start3A_1125 : memref<2560xi32, #tpu.memory_space<hbm>>) target(%arg7 : memref<2560xi32, #tpu.memory_space<vmem>>) target_semaphore(%run_scoped3A : memref<!tpu.dma_semaphore, #tpu.memory_space<semaphore_mem>>)
        %dma_wait3A = tpu.memref_slice %arg2[%mul3A_4] : memref<20480xi32, #tpu.memory_space<hbm>> -> memref<2560xi32, #tpu.memory_space<hbm>>
        %dma_wait3A_1126 = tpu.memref_slice %arg2[%mul3A_4] : memref<20480xi32, #tpu.memory_space<hbm>> -> memref<2560xi32, #tpu.memory_space<hbm>>
        tpu.wait_dma2 semaphore(%run_scoped3A : memref<!tpu.dma_semaphore, #tpu.memory_space<semaphore_mem>>) src(%dma_wait3A_1126 : memref<2560xi32, #tpu.memory_space<hbm>>) dst(%arg7 : memref<2560xi32, #tpu.memory_space<vmem>>)
        tpu.yield
      }) : () -> ()
      "tpu.region"() ({
        %run_scoped3A = tpu.sem_alloc : memref<!tpu.dma_semaphore, #tpu.memory_space<semaphore_mem>>
        %dma_start3A = tpu.memref_slice %arg3[%mul3A_4] : memref<20480xi32, #tpu.memory_space<hbm>> -> memref<2560xi32, #tpu.memory_space<hbm>>
        %dma_start3A_1125 = tpu.memref_slice %arg3[%mul3A_4] : memref<20480xi32, #tpu.memory_space<hbm>> -> memref<2560xi32, #tpu.memory_space<hbm>>
        tpu.enqueue_dma source(%dma_start3A_1125 : memref<2560xi32, #tpu.memory_space<hbm>>) target(%arg8 : memref<2560xi32, #tpu.memory_space<vmem>>) target_semaphore(%run_scoped3A : memref<!tpu.dma_semaphore, #tpu.memory_space<semaphore_mem>>)
        %dma_wait3A = tpu.memref_slice %arg3[%mul3A_4] : memref<20480xi32, #tpu.memory_space<hbm>> -> memref<2560xi32, #tpu.memory_space<hbm>>
        %dma_wait3A_1126 = tpu.memref_slice %arg3[%mul3A_4] : memref<20480xi32, #tpu.memory_space<hbm>> -> memref<2560xi32, #tpu.memory_space<hbm>>
        tpu.wait_dma2 semaphore(%run_scoped3A : memref<!tpu.dma_semaphore, #tpu.memory_space<semaphore_mem>>) src(%dma_wait3A_1126 : memref<2560xi32, #tpu.memory_space<hbm>>) dst(%arg8 : memref<2560xi32, #tpu.memory_space<vmem>>)
        tpu.yield
      }) : () -> ()
      %get3A = arith.constant 0 : index
      %get3A_5 = tpu.vector_load %arg7[%get3A] {strides = array<i32>} : memref<2560xi32, #tpu.memory_space<vmem>>, vector<16xi32>,
      %get3A_6 = arith.constant 0 : index
      %get3A_7 = tpu.vector_load %arg8[%get3A_6] {strides = array<i32>} : memref<2560xi32, #tpu.memory_space<vmem>>, vector<16xi32>,
      %ne3A = arith.constant 0 : i32
      %ne3A_8 = vector.broadcast %ne3A : i32 to vector<16xi32>
      %ne3A_9 = arith.cmpi ne, %get3A_7, %ne3A_8 : vector<16xi32>
      tpu.vector_store_idx %arg6[%get3A_5], %get3A_7 masked %ne3A_9 {add = true} : memref<33600xi32, #tpu.memory_space<vmem>>[vector<16xi32>], vector<16xi32>, vector<16xi1>
      %get3A_10 = arith.constant 16 : index
      %get3A_11 = tpu.vector_load %arg7[%get3A_10] {strides = array<i32>} : memref<2560xi32, #tpu.memory_space<vmem>>, vector<16xi32>,
      %get3A_12 = arith.constant 16 : index
      %get3A_13 = tpu.vector_load %arg8[%get3A_12] {strides = array<i32>} : memref<2560xi32, #tpu.memory_space<vmem>>, vector<16xi32>,
      %ne3A_14 = arith.constant 0 : i32
      %ne3A_15 = vector.broadcast %ne3A_14 : i32 to vector<16xi32>
      %ne3A_16 = arith.cmpi ne, %get3A_13, %ne3A_15 : vector<16xi32>
      tpu.vector_store_idx %arg6[%get3A_11], %get3A_13 masked %ne3A_16 {add = true} : memref<33600xi32, #tpu.memory_space<vmem>>[vector<16xi32>], vector<16xi32>, vector<16xi1>
      %get3A_17 = arith.constant 32 : index
      %get3A_18 = tpu.vector_load %arg7[%get3A_17] {strides = array<i32>} : memref<2560xi32, #tpu.memory_space<vmem>>, vector<16xi32>,
      %get3A_19 = arith.constant 32 : index
      %get3A_20 = tpu.vector_load %arg8[%get3A_19] {strides = array<i32>} : memref<2560xi32, #tpu.memory_space<vmem>>, vector<16xi32>,
      %ne3A_21 = arith.constant 0 : i32
      %ne3A_22 = vector.broadcast %ne3A_21 : i32 to vector<16xi32>
      %ne3A_23 = arith.cmpi ne, %get3A_20, %ne3A_22 : vector<16xi32>
      tpu.vector_store_idx %arg6[%get3A_18], %get3A_20 masked %ne3A_23 {add = true} : memref<33600xi32, #tpu.memory_space<vmem>>[vector<16xi32>], vector<16xi32>, vector<16xi1>
      %get3A_24 = arith.constant 48 : index
      %get3A_25 = tpu.vector_load %arg7[%get3A_24] {strides = array<i32>} : memref<2560xi32, #tpu.memory_space<vmem>>, vector<16xi32>,
      %get3A_26 = arith.constant 48 : index
      %get3A_27 = tpu.vector_load %arg8[%get3A_26] {strides = array<i32>} : memref<2560xi32, #tpu.memory_space<vmem>>, vector<16xi32>,
      %ne3A_28 = arith.constant 0 : i32
      %ne3A_29 = vector.broadcast %ne3A_28 : i32 to vector<16xi32>
      %ne3A_30 = arith.cmpi ne, %get3A_27, %ne3A_29 : vector<16xi32>
      tpu.vector_store_idx %arg6[%get3A_25], %get3A_27 masked %ne3A_30 {add = true} : memref<33600xi32, #tpu.memory_space<vmem>>[vector<16xi32>], vector<16xi32>, vector<16xi1>
      %get3A_31 = arith.constant 64 : index
      %get3A_32 = tpu.vector_load %arg7[%get3A_31] {strides = array<i32>} : memref<2560xi32, #tpu.memory_space<vmem>>, vector<16xi32>,
      %get3A_33 = arith.constant 64 : index
      %get3A_34 = tpu.vector_load %arg8[%get3A_33] {strides = array<i32>} : memref<2560xi32, #tpu.memory_space<vmem>>, vector<16xi32>,
      %ne3A_35 = arith.constant 0 : i32
      %ne3A_36 = vector.broadcast %ne3A_35 : i32 to vector<16xi32>
      %ne3A_37 = arith.cmpi ne, %get3A_34, %ne3A_36 : vector<16xi32>
      tpu.vector_store_idx %arg6[%get3A_32], %get3A_34 masked %ne3A_37 {add = true} : memref<33600xi32, #tpu.memory_space<vmem>>[vector<16xi32>], vector<16xi32>, vector<16xi1>
      %get3A_38 = arith.constant 80 : index
      %get3A_39 = tpu.vector_load %arg7[%get3A_38] {strides = array<i32>} : memref<2560xi32, #tpu.memory_space<vmem>>, vector<16xi32>,
      %get3A_40 = arith.constant 80 : index
      %get3A_41 = tpu.vector_load %arg8[%get3A_40] {strides = array<i32>} : memref<2560xi32, #tpu.memory_space<vmem>>, vector<16xi32>,
      %ne3A_42 = arith.constant 0 : i32
      %ne3A_43 = vector.broadcast %ne3A_42 : i32 to vector<16xi32>
      %ne3A_44 = arith.cmpi ne, %get3A_41, %ne3A_43 : vector<16xi32>
      tpu.vector_store_idx %arg6[%get3A_39], %get3A_41 masked %ne3A_44 {add = true} : memref<33600xi32, #tpu.memory_space<vmem>>[vector<16xi32>], vector<16xi32>, vector<16xi1>
      %get3A_45 = arith.constant 96 : index
      %get3A_46 = tpu.vector_load %arg7[%get3A_45] {strides = array<i32>} : memref<2560xi32, #tpu.memory_space<vmem>>, vector<16xi32>,
      %get3A_47 = arith.constant 96 : index
      %get3A_48 = tpu.vector_load %arg8[%get3A_47] {strides = array<i32>} : memref<2560xi32, #tpu.memory_space<vmem>>, vector<16xi32>,
      %ne3A_49 = arith.constant 0 : i32
      %ne3A_50 = vector.broadcast %ne3A_49 : i32 to vector<16xi32>
      %ne3A_51 = arith.cmpi ne, %get3A_48, %ne3A_50 : vector<16xi32>
      tpu.vector_store_idx %arg6[%get3A_46], %get3A_48 masked %ne3A_51 {add = true} : memref<33600xi32, #tpu.memory_space<vmem>>[vector<16xi32>], vector<16xi32>, vector<16xi1>
      %get3A_52 = arith.constant 112 : index
      %get3A_53 = tpu.vector_load %arg7[%get3A_52] {strides = array<i32>} : memref<2560xi32, #tpu.memory_space<vmem>>, vector<16xi32>,
      %get3A_54 = arith.constant 112 : index
      %get3A_55 = tpu.vector_load %arg8[%get3A_54] {strides = array<i32>} : memref<2560xi32, #tpu.memory_space<vmem>>, vector<16xi32>,
      %ne3A_56 = arith.constant 0 : i32
      %ne3A_57 = vector.broadcast %ne3A_56 : i32 to vector<16xi32>
      %ne3A_58 = arith.cmpi ne, %get3A_55, %ne3A_57 : vector<16xi32>
      tpu.vector_store_idx %arg6[%get3A_53], %get3A_55 masked %ne3A_58 {add = true} : memref<33600xi32, #tpu.memory_space<vmem>>[vector<16xi32>], vector<16xi32>, vector<16xi1>
      %get3A_59 = arith.constant 128 : index
      %get3A_60 = tpu.vector_load %arg7[%get3A_59] {strides = array<i32>} : memref<2560xi32, #tpu.memory_space<vmem>>, vector<16xi32>,
      %get3A_61 = arith.constant 128 : index
      %get3A_62 = tpu.vector_load %arg8[%get3A_61] {strides = array<i32>} : memref<2560xi32, #tpu.memory_space<vmem>>, vector<16xi32>,
      %ne3A_63 = arith.constant 0 : i32
      %ne3A_64 = vector.broadcast %ne3A_63 : i32 to vector<16xi32>
      %ne3A_65 = arith.cmpi ne, %get3A_62, %ne3A_64 : vector<16xi32>
      tpu.vector_store_idx %arg6[%get3A_60], %get3A_62 masked %ne3A_65 {add = true} : memref<33600xi32, #tpu.memory_space<vmem>>[vector<16xi32>], vector<16xi32>, vector<16xi1>
      %get3A_66 = arith.constant 144 : index
      %get3A_67 = tpu.vector_load %arg7[%get3A_66] {strides = array<i32>} : memref<2560xi32, #tpu.memory_space<vmem>>, vector<16xi32>,
      %get3A_68 = arith.constant 144 : index
      %get3A_69 = tpu.vector_load %arg8[%get3A_68] {strides = array<i32>} : memref<2560xi32, #tpu.memory_space<vmem>>, vector<16xi32>,
      %ne3A_70 = arith.constant 0 : i32
      %ne3A_71 = vector.broadcast %ne3A_70 : i32 to vector<16xi32>
      %ne3A_72 = arith.cmpi ne, %get3A_69, %ne3A_71 : vector<16xi32>
      tpu.vector_store_idx %arg6[%get3A_67], %get3A_69 masked %ne3A_72 {add = true} : memref<33600xi32, #tpu.memory_space<vmem>>[vector<16xi32>], vector<16xi32>, vector<16xi1>
      %get3A_73 = arith.constant 160 : index
      %get3A_74 = tpu.vector_load %arg7[%get3A_73] {strides = array<i32>} : memref<2560xi32, #tpu.memory_space<vmem>>, vector<16xi32>,
      %get3A_75 = arith.constant 160 : index
      %get3A_76 = tpu.vector_load %arg8[%get3A_75] {strides = array<i32>} : memref<2560xi32, #tpu.memory_space<vmem>>, vector<16xi32>,
      %ne3A_77 = arith.constant 0 : i32
      %ne3A_78 = vector.broadcast %ne3A_77 : i32 to vector<16xi32>
      %ne3A_79 = arith.cmpi ne, %get3A_76, %ne3A_78 : vector<16xi32>
      tpu.vector_store_idx %arg6[%get3A_74], %get3A_76 masked %ne3A_79 {add = true} : memref<33600xi32, #tpu.memory_space<vmem>>[vector<16xi32>], vector<16xi32>, vector<16xi1>
      %get3A_80 = arith.constant 176 : index
      %get3A_81 = tpu.vector_load %arg7[%get3A_80] {strides = array<i32>} : memref<2560xi32, #tpu.memory_space<vmem>>, vector<16xi32>,
      %get3A_82 = arith.constant 176 : index
      %get3A_83 = tpu.vector_load %arg8[%get3A_82] {strides = array<i32>} : memref<2560xi32, #tpu.memory_space<vmem>>, vector<16xi32>,
      %ne3A_84 = arith.constant 0 : i32
      %ne3A_85 = vector.broadcast %ne3A_84 : i32 to vector<16xi32>
      %ne3A_86 = arith.cmpi ne, %get3A_83, %ne3A_85 : vector<16xi32>
      tpu.vector_store_idx %arg6[%get3A_81], %get3A_83 masked %ne3A_86 {add = true} : memref<33600xi32, #tpu.memory_space<vmem>>[vector<16xi32>], vector<16xi32>, vector<16xi1>
      %get3A_87 = arith.constant 192 : index
      %get3A_88 = tpu.vector_load %arg7[%get3A_87] {strides = array<i32>} : memref<2560xi32, #tpu.memory_space<vmem>>, vector<16xi32>,
      %get3A_89 = arith.constant 192 : index
      %get3A_90 = tpu.vector_load %arg8[%get3A_89] {strides = array<i32>} : memref<2560xi32, #tpu.memory_space<vmem>>, vector<16xi32>,
      %ne3A_91 = arith.constant 0 : i32
      %ne3A_92 = vector.broadcast %ne3A_91 : i32 to vector<16xi32>
      %ne3A_93 = arith.cmpi ne, %get3A_90, %ne3A_92 : vector<16xi32>
      tpu.vector_store_idx %arg6[%get3A_88], %get3A_90 masked %ne3A_93 {add = true} : memref<33600xi32, #tpu.memory_space<vmem>>[vector<16xi32>], vector<16xi32>, vector<16xi1>
      %get3A_94 = arith.constant 208 : index
      %get3A_95 = tpu.vector_load %arg7[%get3A_94] {strides = array<i32>} : memref<2560xi32, #tpu.memory_space<vmem>>, vector<16xi32>,
      %get3A_96 = arith.constant 208 : index
      %get3A_97 = tpu.vector_load %arg8[%get3A_96] {strides = array<i32>} : memref<2560xi32, #tpu.memory_space<vmem>>, vector<16xi32>,
      %ne3A_98 = arith.constant 0 : i32
      %ne3A_99 = vector.broadcast %ne3A_98 : i32 to vector<16xi32>
      %ne3A_100 = arith.cmpi ne, %get3A_97, %ne3A_99 : vector<16xi32>
      tpu.vector_store_idx %arg6[%get3A_95], %get3A_97 masked %ne3A_100 {add = true} : memref<33600xi32, #tpu.memory_space<vmem>>[vector<16xi32>], vector<16xi32>, vector<16xi1>
      %get3A_101 = arith.constant 224 : index
      %get3A_102 = tpu.vector_load %arg7[%get3A_101] {strides = array<i32>} : memref<2560xi32, #tpu.memory_space<vmem>>, vector<16xi32>,
      %get3A_103 = arith.constant 224 : index
      %get3A_104 = tpu.vector_load %arg8[%get3A_103] {strides = array<i32>} : memref<2560xi32, #tpu.memory_space<vmem>>, vector<16xi32>,
      %ne3A_105 = arith.constant 0 : i32
      %ne3A_106 = vector.broadcast %ne3A_105 : i32 to vector<16xi32>
      %ne3A_107 = arith.cmpi ne, %get3A_104, %ne3A_106 : vector<16xi32>
      tpu.vector_store_idx %arg6[%get3A_102], %get3A_104 masked %ne3A_107 {add = true} : memref<33600xi32, #tpu.memory_space<vmem>>[vector<16xi32>], vector<16xi32>, vector<16xi1>
      %get3A_108 = arith.constant 240 : index
      %get3A_109 = tpu.vector_load %arg7[%get3A_108] {strides = array<i32>} : memref<2560xi32, #tpu.memory_space<vmem>>, vector<16xi32>,
      %get3A_110 = arith.constant 240 : index
      %get3A_111 = tpu.vector_load %arg8[%get3A_110] {strides = array<i32>} : memref<2560xi32, #tpu.memory_space<vmem>>, vector<16xi32>,
      %ne3A_112 = arith.constant 0 : i32
      %ne3A_113 = vector.broadcast %ne3A_112 : i32 to vector<16xi32>
      %ne3A_114 = arith.cmpi ne, %get3A_111, %ne3A_113 : vector<16xi32>
      tpu.vector_store_idx %arg6[%get3A_109], %get3A_111 masked %ne3A_114 {add = true} : memref<33600xi32, #tpu.memory_space<vmem>>[vector<16xi32>], vector<16xi32>, vector<16xi1>
      %get3A_115 = arith.constant 256 : index
      %get3A_116 = tpu.vector_load %arg7[%get3A_115] {strides = array<i32>} : memref<2560xi32, #tpu.memory_space<vmem>>, vector<16xi32>,
      %get3A_117 = arith.constant 256 : index
      %get3A_118 = tpu.vector_load %arg8[%get3A_117] {strides = array<i32>} : memref<2560xi32, #tpu.memory_space<vmem>>, vector<16xi32>,
      %ne3A_119 = arith.constant 0 : i32
      %ne3A_120 = vector.broadcast %ne3A_119 : i32 to vector<16xi32>
      %ne3A_121 = arith.cmpi ne, %get3A_118, %ne3A_120 : vector<16xi32>
      tpu.vector_store_idx %arg6[%get3A_116], %get3A_118 masked %ne3A_121 {add = true} : memref<33600xi32, #tpu.memory_space<vmem>>[vector<16xi32>], vector<16xi32>, vector<16xi1>
      %get3A_122 = arith.constant 272 : index
      %get3A_123 = tpu.vector_load %arg7[%get3A_122] {strides = array<i32>} : memref<2560xi32, #tpu.memory_space<vmem>>, vector<16xi32>,
      %get3A_124 = arith.constant 272 : index
      %get3A_125 = tpu.vector_load %arg8[%get3A_124] {strides = array<i32>} : memref<2560xi32, #tpu.memory_space<vmem>>, vector<16xi32>,
      %ne3A_126 = arith.constant 0 : i32
      %ne3A_127 = vector.broadcast %ne3A_126 : i32 to vector<16xi32>
      %ne3A_128 = arith.cmpi ne, %get3A_125, %ne3A_127 : vector<16xi32>
      tpu.vector_store_idx %arg6[%get3A_123], %get3A_125 masked %ne3A_128 {add = true} : memref<33600xi32, #tpu.memory_space<vmem>>[vector<16xi32>], vector<16xi32>, vector<16xi1>
      %get3A_129 = arith.constant 288 : index
      %get3A_130 = tpu.vector_load %arg7[%get3A_129] {strides = array<i32>} : memref<2560xi32, #tpu.memory_space<vmem>>, vector<16xi32>,
      %get3A_131 = arith.constant 288 : index
      %get3A_132 = tpu.vector_load %arg8[%get3A_131] {strides = array<i32>} : memref<2560xi32, #tpu.memory_space<vmem>>, vector<16xi32>,
      %ne3A_133 = arith.constant 0 : i32
      %ne3A_134 = vector.broadcast %ne3A_133 : i32 to vector<16xi32>
      %ne3A_135 = arith.cmpi ne, %get3A_132, %ne3A_134 : vector<16xi32>
      tpu.vector_store_idx %arg6[%get3A_130], %get3A_132 masked %ne3A_135 {add = true} : memref<33600xi32, #tpu.memory_space<vmem>>[vector<16xi32>], vector<16xi32>, vector<16xi1>
      %get3A_136 = arith.constant 304 : index
      %get3A_137 = tpu.vector_load %arg7[%get3A_136] {strides = array<i32>} : memref<2560xi32, #tpu.memory_space<vmem>>, vector<16xi32>,
      %get3A_138 = arith.constant 304 : index
      %get3A_139 = tpu.vector_load %arg8[%get3A_138] {strides = array<i32>} : memref<2560xi32, #tpu.memory_space<vmem>>, vector<16xi32>,
      %ne3A_140 = arith.constant 0 : i32
      %ne3A_141 = vector.broadcast %ne3A_140 : i32 to vector<16xi32>
      %ne3A_142 = arith.cmpi ne, %get3A_139, %ne3A_141 : vector<16xi32>
      tpu.vector_store_idx %arg6[%get3A_137], %get3A_139 masked %ne3A_142 {add = true} : memref<33600xi32, #tpu.memory_space<vmem>>[vector<16xi32>], vector<16xi32>, vector<16xi1>
      %get3A_143 = arith.constant 320 : index
      %get3A_144 = tpu.vector_load %arg7[%get3A_143] {strides = array<i32>} : memref<2560xi32, #tpu.memory_space<vmem>>, vector<16xi32>,
      %get3A_145 = arith.constant 320 : index
      %get3A_146 = tpu.vector_load %arg8[%get3A_145] {strides = array<i32>} : memref<2560xi32, #tpu.memory_space<vmem>>, vector<16xi32>,
      %ne3A_147 = arith.constant 0 : i32
      %ne3A_148 = vector.broadcast %ne3A_147 : i32 to vector<16xi32>
      %ne3A_149 = arith.cmpi ne, %get3A_146, %ne3A_148 : vector<16xi32>
      tpu.vector_store_idx %arg6[%get3A_144], %get3A_146 masked %ne3A_149 {add = true} : memref<33600xi32, #tpu.memory_space<vmem>>[vector<16xi32>], vector<16xi32>, vector<16xi1>
      %get3A_150 = arith.constant 336 : index
      %get3A_151 = tpu.vector_load %arg7[%get3A_150] {strides = array<i32>} : memref<2560xi32, #tpu.memory_space<vmem>>, vector<16xi32>,
      %get3A_152 = arith.constant 336 : index
      %get3A_153 = tpu.vector_load %arg8[%get3A_152] {strides = array<i32>} : memref<2560xi32, #tpu.memory_space<vmem>>, vector<16xi32>,
      %ne3A_154 = arith.constant 0 : i32
      %ne3A_155 = vector.broadcast %ne3A_154 : i32 to vector<16xi32>
      %ne3A_156 = arith.cmpi ne, %get3A_153, %ne3A_155 : vector<16xi32>
      tpu.vector_store_idx %arg6[%get3A_151], %get3A_153 masked %ne3A_156 {add = true} : memref<33600xi32, #tpu.memory_space<vmem>>[vector<16xi32>], vector<16xi32>, vector<16xi1>
      %get3A_157 = arith.constant 352 : index
      %get3A_158 = tpu.vector_load %arg7[%get3A_157] {strides = array<i32>} : memref<2560xi32, #tpu.memory_space<vmem>>, vector<16xi32>,
      %get3A_159 = arith.constant 352 : index
      %get3A_160 = tpu.vector_load %arg8[%get3A_159] {strides = array<i32>} : memref<2560xi32, #tpu.memory_space<vmem>>, vector<16xi32>,
      %ne3A_161 = arith.constant 0 : i32
      %ne3A_162 = vector.broadcast %ne3A_161 : i32 to vector<16xi32>
      %ne3A_163 = arith.cmpi ne, %get3A_160, %ne3A_162 : vector<16xi32>
      tpu.vector_store_idx %arg6[%get3A_158], %get3A_160 masked %ne3A_163 {add = true} : memref<33600xi32, #tpu.memory_space<vmem>>[vector<16xi32>], vector<16xi32>, vector<16xi1>
      %get3A_164 = arith.constant 368 : index
      %get3A_165 = tpu.vector_load %arg7[%get3A_164] {strides = array<i32>} : memref<2560xi32, #tpu.memory_space<vmem>>, vector<16xi32>,
      %get3A_166 = arith.constant 368 : index
      %get3A_167 = tpu.vector_load %arg8[%get3A_166] {strides = array<i32>} : memref<2560xi32, #tpu.memory_space<vmem>>, vector<16xi32>,
      %ne3A_168 = arith.constant 0 : i32
      %ne3A_169 = vector.broadcast %ne3A_168 : i32 to vector<16xi32>
      %ne3A_170 = arith.cmpi ne, %get3A_167, %ne3A_169 : vector<16xi32>
      tpu.vector_store_idx %arg6[%get3A_165], %get3A_167 masked %ne3A_170 {add = true} : memref<33600xi32, #tpu.memory_space<vmem>>[vector<16xi32>], vector<16xi32>, vector<16xi1>
      %get3A_171 = arith.constant 384 : index
      %get3A_172 = tpu.vector_load %arg7[%get3A_171] {strides = array<i32>} : memref<2560xi32, #tpu.memory_space<vmem>>, vector<16xi32>,
      %get3A_173 = arith.constant 384 : index
      %get3A_174 = tpu.vector_load %arg8[%get3A_173] {strides = array<i32>} : memref<2560xi32, #tpu.memory_space<vmem>>, vector<16xi32>,
      %ne3A_175 = arith.constant 0 : i32
      %ne3A_176 = vector.broadcast %ne3A_175 : i32 to vector<16xi32>
      %ne3A_177 = arith.cmpi ne, %get3A_174, %ne3A_176 : vector<16xi32>
      tpu.vector_store_idx %arg6[%get3A_172], %get3A_174 masked %ne3A_177 {add = true} : memref<33600xi32, #tpu.memory_space<vmem>>[vector<16xi32>], vector<16xi32>, vector<16xi1>
      %get3A_178 = arith.constant 400 : index
      %get3A_179 = tpu.vector_load %arg7[%get3A_178] {strides = array<i32>} : memref<2560xi32, #tpu.memory_space<vmem>>, vector<16xi32>,
      %get3A_180 = arith.constant 400 : index
      %get3A_181 = tpu.vector_load %arg8[%get3A_180] {strides = array<i32>} : memref<2560xi32, #tpu.memory_space<vmem>>, vector<16xi32>,
      %ne3A_182 = arith.constant 0 : i32
      %ne3A_183 = vector.broadcast %ne3A_182 : i32 to vector<16xi32>
      %ne3A_184 = arith.cmpi ne, %get3A_181, %ne3A_183 : vector<16xi32>
      tpu.vector_store_idx %arg6[%get3A_179], %get3A_181 masked %ne3A_184 {add = true} : memref<33600xi32, #tpu.memory_space<vmem>>[vector<16xi32>], vector<16xi32>, vector<16xi1>
      %get3A_185 = arith.constant 416 : index
      %get3A_186 = tpu.vector_load %arg7[%get3A_185] {strides = array<i32>} : memref<2560xi32, #tpu.memory_space<vmem>>, vector<16xi32>,
      %get3A_187 = arith.constant 416 : index
      %get3A_188 = tpu.vector_load %arg8[%get3A_187] {strides = array<i32>} : memref<2560xi32, #tpu.memory_space<vmem>>, vector<16xi32>,
      %ne3A_189 = arith.constant 0 : i32
      %ne3A_190 = vector.broadcast %ne3A_189 : i32 to vector<16xi32>
      %ne3A_191 = arith.cmpi ne, %get3A_188, %ne3A_190 : vector<16xi32>
      tpu.vector_store_idx %arg6[%get3A_186], %get3A_188 masked %ne3A_191 {add = true} : memref<33600xi32, #tpu.memory_space<vmem>>[vector<16xi32>], vector<16xi32>, vector<16xi1>
      %get3A_192 = arith.constant 432 : index
      %get3A_193 = tpu.vector_load %arg7[%get3A_192] {strides = array<i32>} : memref<2560xi32, #tpu.memory_space<vmem>>, vector<16xi32>,
      %get3A_194 = arith.constant 432 : index
      %get3A_195 = tpu.vector_load %arg8[%get3A_194] {strides = array<i32>} : memref<2560xi32, #tpu.memory_space<vmem>>, vector<16xi32>,
      %ne3A_196 = arith.constant 0 : i32
      %ne3A_197 = vector.broadcast %ne3A_196 : i32 to vector<16xi32>
      %ne3A_198 = arith.cmpi ne, %get3A_195, %ne3A_197 : vector<16xi32>
      tpu.vector_store_idx %arg6[%get3A_193], %get3A_195 masked %ne3A_198 {add = true} : memref<33600xi32, #tpu.memory_space<vmem>>[vector<16xi32>], vector<16xi32>, vector<16xi1>
      %get3A_199 = arith.constant 448 : index
      %get3A_200 = tpu.vector_load %arg7[%get3A_199] {strides = array<i32>} : memref<2560xi32, #tpu.memory_space<vmem>>, vector<16xi32>,
      %get3A_201 = arith.constant 448 : index
      %get3A_202 = tpu.vector_load %arg8[%get3A_201] {strides = array<i32>} : memref<2560xi32, #tpu.memory_space<vmem>>, vector<16xi32>,
      %ne3A_203 = arith.constant 0 : i32
      %ne3A_204 = vector.broadcast %ne3A_203 : i32 to vector<16xi32>
      %ne3A_205 = arith.cmpi ne, %get3A_202, %ne3A_204 : vector<16xi32>
      tpu.vector_store_idx %arg6[%get3A_200], %get3A_202 masked %ne3A_205 {add = true} : memref<33600xi32, #tpu.memory_space<vmem>>[vector<16xi32>], vector<16xi32>, vector<16xi1>
      %get3A_206 = arith.constant 464 : index
      %get3A_207 = tpu.vector_load %arg7[%get3A_206] {strides = array<i32>} : memref<2560xi32, #tpu.memory_space<vmem>>, vector<16xi32>,
      %get3A_208 = arith.constant 464 : index
      %get3A_209 = tpu.vector_load %arg8[%get3A_208] {strides = array<i32>} : memref<2560xi32, #tpu.memory_space<vmem>>, vector<16xi32>,
      %ne3A_210 = arith.constant 0 : i32
      %ne3A_211 = vector.broadcast %ne3A_210 : i32 to vector<16xi32>
      %ne3A_212 = arith.cmpi ne, %get3A_209, %ne3A_211 : vector<16xi32>
      tpu.vector_store_idx %arg6[%get3A_207], %get3A_209 masked %ne3A_212 {add = true} : memref<33600xi32, #tpu.memory_space<vmem>>[vector<16xi32>], vector<16xi32>, vector<16xi1>
      %get3A_213 = arith.constant 480 : index
      %get3A_214 = tpu.vector_load %arg7[%get3A_213] {strides = array<i32>} : memref<2560xi32, #tpu.memory_space<vmem>>, vector<16xi32>,
      %get3A_215 = arith.constant 480 : index
      %get3A_216 = tpu.vector_load %arg8[%get3A_215] {strides = array<i32>} : memref<2560xi32, #tpu.memory_space<vmem>>, vector<16xi32>,
      %ne3A_217 = arith.constant 0 : i32
      %ne3A_218 = vector.broadcast %ne3A_217 : i32 to vector<16xi32>
      %ne3A_219 = arith.cmpi ne, %get3A_216, %ne3A_218 : vector<16xi32>
      tpu.vector_store_idx %arg6[%get3A_214], %get3A_216 masked %ne3A_219 {add = true} : memref<33600xi32, #tpu.memory_space<vmem>>[vector<16xi32>], vector<16xi32>, vector<16xi1>
      %get3A_220 = arith.constant 496 : index
      %get3A_221 = tpu.vector_load %arg7[%get3A_220] {strides = array<i32>} : memref<2560xi32, #tpu.memory_space<vmem>>, vector<16xi32>,
      %get3A_222 = arith.constant 496 : index
      %get3A_223 = tpu.vector_load %arg8[%get3A_222] {strides = array<i32>} : memref<2560xi32, #tpu.memory_space<vmem>>, vector<16xi32>,
      %ne3A_224 = arith.constant 0 : i32
      %ne3A_225 = vector.broadcast %ne3A_224 : i32 to vector<16xi32>
      %ne3A_226 = arith.cmpi ne, %get3A_223, %ne3A_225 : vector<16xi32>
      tpu.vector_store_idx %arg6[%get3A_221], %get3A_223 masked %ne3A_226 {add = true} : memref<33600xi32, #tpu.memory_space<vmem>>[vector<16xi32>], vector<16xi32>, vector<16xi1>
      %get3A_227 = arith.constant 512 : index
      %get3A_228 = tpu.vector_load %arg7[%get3A_227] {strides = array<i32>} : memref<2560xi32, #tpu.memory_space<vmem>>, vector<16xi32>,
      %get3A_229 = arith.constant 512 : index
      %get3A_230 = tpu.vector_load %arg8[%get3A_229] {strides = array<i32>} : memref<2560xi32, #tpu.memory_space<vmem>>, vector<16xi32>,
      %ne3A_231 = arith.constant 0 : i32
      %ne3A_232 = vector.broadcast %ne3A_231 : i32 to vector<16xi32>
      %ne3A_233 = arith.cmpi ne, %get3A_230, %ne3A_232 : vector<16xi32>
      tpu.vector_store_idx %arg6[%get3A_228], %get3A_230 masked %ne3A_233 {add = true} : memref<33600xi32, #tpu.memory_space<vmem>>[vector<16xi32>], vector<16xi32>, vector<16xi1>
      %get3A_234 = arith.constant 528 : index
      %get3A_235 = tpu.vector_load %arg7[%get3A_234] {strides = array<i32>} : memref<2560xi32, #tpu.memory_space<vmem>>, vector<16xi32>,
      %get3A_236 = arith.constant 528 : index
      %get3A_237 = tpu.vector_load %arg8[%get3A_236] {strides = array<i32>} : memref<2560xi32, #tpu.memory_space<vmem>>, vector<16xi32>,
      %ne3A_238 = arith.constant 0 : i32
      %ne3A_239 = vector.broadcast %ne3A_238 : i32 to vector<16xi32>
      %ne3A_240 = arith.cmpi ne, %get3A_237, %ne3A_239 : vector<16xi32>
      tpu.vector_store_idx %arg6[%get3A_235], %get3A_237 masked %ne3A_240 {add = true} : memref<33600xi32, #tpu.memory_space<vmem>>[vector<16xi32>], vector<16xi32>, vector<16xi1>
      %get3A_241 = arith.constant 544 : index
      %get3A_242 = tpu.vector_load %arg7[%get3A_241] {strides = array<i32>} : memref<2560xi32, #tpu.memory_space<vmem>>, vector<16xi32>,
      %get3A_243 = arith.constant 544 : index
      %get3A_244 = tpu.vector_load %arg8[%get3A_243] {strides = array<i32>} : memref<2560xi32, #tpu.memory_space<vmem>>, vector<16xi32>,
      %ne3A_245 = arith.constant 0 : i32
      %ne3A_246 = vector.broadcast %ne3A_245 : i32 to vector<16xi32>
      %ne3A_247 = arith.cmpi ne, %get3A_244, %ne3A_246 : vector<16xi32>
      tpu.vector_store_idx %arg6[%get3A_242], %get3A_244 masked %ne3A_247 {add = true} : memref<33600xi32, #tpu.memory_space<vmem>>[vector<16xi32>], vector<16xi32>, vector<16xi1>
      %get3A_248 = arith.constant 560 : index
      %get3A_249 = tpu.vector_load %arg7[%get3A_248] {strides = array<i32>} : memref<2560xi32, #tpu.memory_space<vmem>>, vector<16xi32>,
      %get3A_250 = arith.constant 560 : index
      %get3A_251 = tpu.vector_load %arg8[%get3A_250] {strides = array<i32>} : memref<2560xi32, #tpu.memory_space<vmem>>, vector<16xi32>,
      %ne3A_252 = arith.constant 0 : i32
      %ne3A_253 = vector.broadcast %ne3A_252 : i32 to vector<16xi32>
      %ne3A_254 = arith.cmpi ne, %get3A_251, %ne3A_253 : vector<16xi32>
      tpu.vector_store_idx %arg6[%get3A_249], %get3A_251 masked %ne3A_254 {add = true} : memref<33600xi32, #tpu.memory_space<vmem>>[vector<16xi32>], vector<16xi32>, vector<16xi1>
      %get3A_255 = arith.constant 576 : index
      %get3A_256 = tpu.vector_load %arg7[%get3A_255] {strides = array<i32>} : memref<2560xi32, #tpu.memory_space<vmem>>, vector<16xi32>,
      %get3A_257 = arith.constant 576 : index
      %get3A_258 = tpu.vector_load %arg8[%get3A_257] {strides = array<i32>} : memref<2560xi32, #tpu.memory_space<vmem>>, vector<16xi32>,
      %ne3A_259 = arith.constant 0 : i32
      %ne3A_260 = vector.broadcast %ne3A_259 : i32 to vector<16xi32>
      %ne3A_261 = arith.cmpi ne, %get3A_258, %ne3A_260 : vector<16xi32>
      tpu.vector_store_idx %arg6[%get3A_256], %get3A_258 masked %ne3A_261 {add = true} : memref<33600xi32, #tpu.memory_space<vmem>>[vector<16xi32>], vector<16xi32>, vector<16xi1>
      %get3A_262 = arith.constant 592 : index
      %get3A_263 = tpu.vector_load %arg7[%get3A_262] {strides = array<i32>} : memref<2560xi32, #tpu.memory_space<vmem>>, vector<16xi32>,
      %get3A_264 = arith.constant 592 : index
      %get3A_265 = tpu.vector_load %arg8[%get3A_264] {strides = array<i32>} : memref<2560xi32, #tpu.memory_space<vmem>>, vector<16xi32>,
      %ne3A_266 = arith.constant 0 : i32
      %ne3A_267 = vector.broadcast %ne3A_266 : i32 to vector<16xi32>
      %ne3A_268 = arith.cmpi ne, %get3A_265, %ne3A_267 : vector<16xi32>
      tpu.vector_store_idx %arg6[%get3A_263], %get3A_265 masked %ne3A_268 {add = true} : memref<33600xi32, #tpu.memory_space<vmem>>[vector<16xi32>], vector<16xi32>, vector<16xi1>
      %get3A_269 = arith.constant 608 : index
      %get3A_270 = tpu.vector_load %arg7[%get3A_269] {strides = array<i32>} : memref<2560xi32, #tpu.memory_space<vmem>>, vector<16xi32>,
      %get3A_271 = arith.constant 608 : index
      %get3A_272 = tpu.vector_load %arg8[%get3A_271] {strides = array<i32>} : memref<2560xi32, #tpu.memory_space<vmem>>, vector<16xi32>,
      %ne3A_273 = arith.constant 0 : i32
      %ne3A_274 = vector.broadcast %ne3A_273 : i32 to vector<16xi32>
      %ne3A_275 = arith.cmpi ne, %get3A_272, %ne3A_274 : vector<16xi32>
      tpu.vector_store_idx %arg6[%get3A_270], %get3A_272 masked %ne3A_275 {add = true} : memref<33600xi32, #tpu.memory_space<vmem>>[vector<16xi32>], vector<16xi32>, vector<16xi1>
      %get3A_276 = arith.constant 624 : index
      %get3A_277 = tpu.vector_load %arg7[%get3A_276] {strides = array<i32>} : memref<2560xi32, #tpu.memory_space<vmem>>, vector<16xi32>,
      %get3A_278 = arith.constant 624 : index
      %get3A_279 = tpu.vector_load %arg8[%get3A_278] {strides = array<i32>} : memref<2560xi32, #tpu.memory_space<vmem>>, vector<16xi32>,
      %ne3A_280 = arith.constant 0 : i32
      %ne3A_281 = vector.broadcast %ne3A_280 : i32 to vector<16xi32>
      %ne3A_282 = arith.cmpi ne, %get3A_279, %ne3A_281 : vector<16xi32>
      tpu.vector_store_idx %arg6[%get3A_277], %get3A_279 masked %ne3A_282 {add = true} : memref<33600xi32, #tpu.memory_space<vmem>>[vector<16xi32>], vector<16xi32>, vector<16xi1>
      %get3A_283 = arith.constant 640 : index
      %get3A_284 = tpu.vector_load %arg7[%get3A_283] {strides = array<i32>} : memref<2560xi32, #tpu.memory_space<vmem>>, vector<16xi32>,
      %get3A_285 = arith.constant 640 : index
      %get3A_286 = tpu.vector_load %arg8[%get3A_285] {strides = array<i32>} : memref<2560xi32, #tpu.memory_space<vmem>>, vector<16xi32>,
      %ne3A_287 = arith.constant 0 : i32
      %ne3A_288 = vector.broadcast %ne3A_287 : i32 to vector<16xi32>
      %ne3A_289 = arith.cmpi ne, %get3A_286, %ne3A_288 : vector<16xi32>
      tpu.vector_store_idx %arg6[%get3A_284], %get3A_286 masked %ne3A_289 {add = true} : memref<33600xi32, #tpu.memory_space<vmem>>[vector<16xi32>], vector<16xi32>, vector<16xi1>
      %get3A_290 = arith.constant 656 : index
      %get3A_291 = tpu.vector_load %arg7[%get3A_290] {strides = array<i32>} : memref<2560xi32, #tpu.memory_space<vmem>>, vector<16xi32>,
      %get3A_292 = arith.constant 656 : index
      %get3A_293 = tpu.vector_load %arg8[%get3A_292] {strides = array<i32>} : memref<2560xi32, #tpu.memory_space<vmem>>, vector<16xi32>,
      %ne3A_294 = arith.constant 0 : i32
      %ne3A_295 = vector.broadcast %ne3A_294 : i32 to vector<16xi32>
      %ne3A_296 = arith.cmpi ne, %get3A_293, %ne3A_295 : vector<16xi32>
      tpu.vector_store_idx %arg6[%get3A_291], %get3A_293 masked %ne3A_296 {add = true} : memref<33600xi32, #tpu.memory_space<vmem>>[vector<16xi32>], vector<16xi32>, vector<16xi1>
      %get3A_297 = arith.constant 672 : index
      %get3A_298 = tpu.vector_load %arg7[%get3A_297] {strides = array<i32>} : memref<2560xi32, #tpu.memory_space<vmem>>, vector<16xi32>,
      %get3A_299 = arith.constant 672 : index
      %get3A_300 = tpu.vector_load %arg8[%get3A_299] {strides = array<i32>} : memref<2560xi32, #tpu.memory_space<vmem>>, vector<16xi32>,
      %ne3A_301 = arith.constant 0 : i32
      %ne3A_302 = vector.broadcast %ne3A_301 : i32 to vector<16xi32>
      %ne3A_303 = arith.cmpi ne, %get3A_300, %ne3A_302 : vector<16xi32>
      tpu.vector_store_idx %arg6[%get3A_298], %get3A_300 masked %ne3A_303 {add = true} : memref<33600xi32, #tpu.memory_space<vmem>>[vector<16xi32>], vector<16xi32>, vector<16xi1>
      %get3A_304 = arith.constant 688 : index
      %get3A_305 = tpu.vector_load %arg7[%get3A_304] {strides = array<i32>} : memref<2560xi32, #tpu.memory_space<vmem>>, vector<16xi32>,
      %get3A_306 = arith.constant 688 : index
      %get3A_307 = tpu.vector_load %arg8[%get3A_306] {strides = array<i32>} : memref<2560xi32, #tpu.memory_space<vmem>>, vector<16xi32>,
      %ne3A_308 = arith.constant 0 : i32
      %ne3A_309 = vector.broadcast %ne3A_308 : i32 to vector<16xi32>
      %ne3A_310 = arith.cmpi ne, %get3A_307, %ne3A_309 : vector<16xi32>
      tpu.vector_store_idx %arg6[%get3A_305], %get3A_307 masked %ne3A_310 {add = true} : memref<33600xi32, #tpu.memory_space<vmem>>[vector<16xi32>], vector<16xi32>, vector<16xi1>
      %get3A_311 = arith.constant 704 : index
      %get3A_312 = tpu.vector_load %arg7[%get3A_311] {strides = array<i32>} : memref<2560xi32, #tpu.memory_space<vmem>>, vector<16xi32>,
      %get3A_313 = arith.constant 704 : index
      %get3A_314 = tpu.vector_load %arg8[%get3A_313] {strides = array<i32>} : memref<2560xi32, #tpu.memory_space<vmem>>, vector<16xi32>,
      %ne3A_315 = arith.constant 0 : i32
      %ne3A_316 = vector.broadcast %ne3A_315 : i32 to vector<16xi32>
      %ne3A_317 = arith.cmpi ne, %get3A_314, %ne3A_316 : vector<16xi32>
      tpu.vector_store_idx %arg6[%get3A_312], %get3A_314 masked %ne3A_317 {add = true} : memref<33600xi32, #tpu.memory_space<vmem>>[vector<16xi32>], vector<16xi32>, vector<16xi1>
      %get3A_318 = arith.constant 720 : index
      %get3A_319 = tpu.vector_load %arg7[%get3A_318] {strides = array<i32>} : memref<2560xi32, #tpu.memory_space<vmem>>, vector<16xi32>,
      %get3A_320 = arith.constant 720 : index
      %get3A_321 = tpu.vector_load %arg8[%get3A_320] {strides = array<i32>} : memref<2560xi32, #tpu.memory_space<vmem>>, vector<16xi32>,
      %ne3A_322 = arith.constant 0 : i32
      %ne3A_323 = vector.broadcast %ne3A_322 : i32 to vector<16xi32>
      %ne3A_324 = arith.cmpi ne, %get3A_321, %ne3A_323 : vector<16xi32>
      tpu.vector_store_idx %arg6[%get3A_319], %get3A_321 masked %ne3A_324 {add = true} : memref<33600xi32, #tpu.memory_space<vmem>>[vector<16xi32>], vector<16xi32>, vector<16xi1>
      %get3A_325 = arith.constant 736 : index
      %get3A_326 = tpu.vector_load %arg7[%get3A_325] {strides = array<i32>} : memref<2560xi32, #tpu.memory_space<vmem>>, vector<16xi32>,
      %get3A_327 = arith.constant 736 : index
      %get3A_328 = tpu.vector_load %arg8[%get3A_327] {strides = array<i32>} : memref<2560xi32, #tpu.memory_space<vmem>>, vector<16xi32>,
      %ne3A_329 = arith.constant 0 : i32
      %ne3A_330 = vector.broadcast %ne3A_329 : i32 to vector<16xi32>
      %ne3A_331 = arith.cmpi ne, %get3A_328, %ne3A_330 : vector<16xi32>
      tpu.vector_store_idx %arg6[%get3A_326], %get3A_328 masked %ne3A_331 {add = true} : memref<33600xi32, #tpu.memory_space<vmem>>[vector<16xi32>], vector<16xi32>, vector<16xi1>
      %get3A_332 = arith.constant 752 : index
      %get3A_333 = tpu.vector_load %arg7[%get3A_332] {strides = array<i32>} : memref<2560xi32, #tpu.memory_space<vmem>>, vector<16xi32>,
      %get3A_334 = arith.constant 752 : index
      %get3A_335 = tpu.vector_load %arg8[%get3A_334] {strides = array<i32>} : memref<2560xi32, #tpu.memory_space<vmem>>, vector<16xi32>,
      %ne3A_336 = arith.constant 0 : i32
      %ne3A_337 = vector.broadcast %ne3A_336 : i32 to vector<16xi32>
      %ne3A_338 = arith.cmpi ne, %get3A_335, %ne3A_337 : vector<16xi32>
      tpu.vector_store_idx %arg6[%get3A_333], %get3A_335 masked %ne3A_338 {add = true} : memref<33600xi32, #tpu.memory_space<vmem>>[vector<16xi32>], vector<16xi32>, vector<16xi1>
      %get3A_339 = arith.constant 768 : index
      %get3A_340 = tpu.vector_load %arg7[%get3A_339] {strides = array<i32>} : memref<2560xi32, #tpu.memory_space<vmem>>, vector<16xi32>,
      %get3A_341 = arith.constant 768 : index
      %get3A_342 = tpu.vector_load %arg8[%get3A_341] {strides = array<i32>} : memref<2560xi32, #tpu.memory_space<vmem>>, vector<16xi32>,
      %ne3A_343 = arith.constant 0 : i32
      %ne3A_344 = vector.broadcast %ne3A_343 : i32 to vector<16xi32>
      %ne3A_345 = arith.cmpi ne, %get3A_342, %ne3A_344 : vector<16xi32>
      tpu.vector_store_idx %arg6[%get3A_340], %get3A_342 masked %ne3A_345 {add = true} : memref<33600xi32, #tpu.memory_space<vmem>>[vector<16xi32>], vector<16xi32>, vector<16xi1>
      %get3A_346 = arith.constant 784 : index
      %get3A_347 = tpu.vector_load %arg7[%get3A_346] {strides = array<i32>} : memref<2560xi32, #tpu.memory_space<vmem>>, vector<16xi32>,
      %get3A_348 = arith.constant 784 : index
      %get3A_349 = tpu.vector_load %arg8[%get3A_348] {strides = array<i32>} : memref<2560xi32, #tpu.memory_space<vmem>>, vector<16xi32>,
      %ne3A_350 = arith.constant 0 : i32
      %ne3A_351 = vector.broadcast %ne3A_350 : i32 to vector<16xi32>
      %ne3A_352 = arith.cmpi ne, %get3A_349, %ne3A_351 : vector<16xi32>
      tpu.vector_store_idx %arg6[%get3A_347], %get3A_349 masked %ne3A_352 {add = true} : memref<33600xi32, #tpu.memory_space<vmem>>[vector<16xi32>], vector<16xi32>, vector<16xi1>
      %get3A_353 = arith.constant 800 : index
      %get3A_354 = tpu.vector_load %arg7[%get3A_353] {strides = array<i32>} : memref<2560xi32, #tpu.memory_space<vmem>>, vector<16xi32>,
      %get3A_355 = arith.constant 800 : index
      %get3A_356 = tpu.vector_load %arg8[%get3A_355] {strides = array<i32>} : memref<2560xi32, #tpu.memory_space<vmem>>, vector<16xi32>,
      %ne3A_357 = arith.constant 0 : i32
      %ne3A_358 = vector.broadcast %ne3A_357 : i32 to vector<16xi32>
      %ne3A_359 = arith.cmpi ne, %get3A_356, %ne3A_358 : vector<16xi32>
      tpu.vector_store_idx %arg6[%get3A_354], %get3A_356 masked %ne3A_359 {add = true} : memref<33600xi32, #tpu.memory_space<vmem>>[vector<16xi32>], vector<16xi32>, vector<16xi1>
      %get3A_360 = arith.constant 816 : index
      %get3A_361 = tpu.vector_load %arg7[%get3A_360] {strides = array<i32>} : memref<2560xi32, #tpu.memory_space<vmem>>, vector<16xi32>,
      %get3A_362 = arith.constant 816 : index
      %get3A_363 = tpu.vector_load %arg8[%get3A_362] {strides = array<i32>} : memref<2560xi32, #tpu.memory_space<vmem>>, vector<16xi32>,
      %ne3A_364 = arith.constant 0 : i32
      %ne3A_365 = vector.broadcast %ne3A_364 : i32 to vector<16xi32>
      %ne3A_366 = arith.cmpi ne, %get3A_363, %ne3A_365 : vector<16xi32>
      tpu.vector_store_idx %arg6[%get3A_361], %get3A_363 masked %ne3A_366 {add = true} : memref<33600xi32, #tpu.memory_space<vmem>>[vector<16xi32>], vector<16xi32>, vector<16xi1>
      %get3A_367 = arith.constant 832 : index
      %get3A_368 = tpu.vector_load %arg7[%get3A_367] {strides = array<i32>} : memref<2560xi32, #tpu.memory_space<vmem>>, vector<16xi32>,
      %get3A_369 = arith.constant 832 : index
      %get3A_370 = tpu.vector_load %arg8[%get3A_369] {strides = array<i32>} : memref<2560xi32, #tpu.memory_space<vmem>>, vector<16xi32>,
      %ne3A_371 = arith.constant 0 : i32
      %ne3A_372 = vector.broadcast %ne3A_371 : i32 to vector<16xi32>
      %ne3A_373 = arith.cmpi ne, %get3A_370, %ne3A_372 : vector<16xi32>
      tpu.vector_store_idx %arg6[%get3A_368], %get3A_370 masked %ne3A_373 {add = true} : memref<33600xi32, #tpu.memory_space<vmem>>[vector<16xi32>], vector<16xi32>, vector<16xi1>
      %get3A_374 = arith.constant 848 : index
      %get3A_375 = tpu.vector_load %arg7[%get3A_374] {strides = array<i32>} : memref<2560xi32, #tpu.memory_space<vmem>>, vector<16xi32>,
      %get3A_376 = arith.constant 848 : index
      %get3A_377 = tpu.vector_load %arg8[%get3A_376] {strides = array<i32>} : memref<2560xi32, #tpu.memory_space<vmem>>, vector<16xi32>,
      %ne3A_378 = arith.constant 0 : i32
      %ne3A_379 = vector.broadcast %ne3A_378 : i32 to vector<16xi32>
      %ne3A_380 = arith.cmpi ne, %get3A_377, %ne3A_379 : vector<16xi32>
      tpu.vector_store_idx %arg6[%get3A_375], %get3A_377 masked %ne3A_380 {add = true} : memref<33600xi32, #tpu.memory_space<vmem>>[vector<16xi32>], vector<16xi32>, vector<16xi1>
      %get3A_381 = arith.constant 864 : index
      %get3A_382 = tpu.vector_load %arg7[%get3A_381] {strides = array<i32>} : memref<2560xi32, #tpu.memory_space<vmem>>, vector<16xi32>,
      %get3A_383 = arith.constant 864 : index
      %get3A_384 = tpu.vector_load %arg8[%get3A_383] {strides = array<i32>} : memref<2560xi32, #tpu.memory_space<vmem>>, vector<16xi32>,
      %ne3A_385 = arith.constant 0 : i32
      %ne3A_386 = vector.broadcast %ne3A_385 : i32 to vector<16xi32>
      %ne3A_387 = arith.cmpi ne, %get3A_384, %ne3A_386 : vector<16xi32>
      tpu.vector_store_idx %arg6[%get3A_382], %get3A_384 masked %ne3A_387 {add = true} : memref<33600xi32, #tpu.memory_space<vmem>>[vector<16xi32>], vector<16xi32>, vector<16xi1>
      %get3A_388 = arith.constant 880 : index
      %get3A_389 = tpu.vector_load %arg7[%get3A_388] {strides = array<i32>} : memref<2560xi32, #tpu.memory_space<vmem>>, vector<16xi32>,
      %get3A_390 = arith.constant 880 : index
      %get3A_391 = tpu.vector_load %arg8[%get3A_390] {strides = array<i32>} : memref<2560xi32, #tpu.memory_space<vmem>>, vector<16xi32>,
      %ne3A_392 = arith.constant 0 : i32
      %ne3A_393 = vector.broadcast %ne3A_392 : i32 to vector<16xi32>
      %ne3A_394 = arith.cmpi ne, %get3A_391, %ne3A_393 : vector<16xi32>
      tpu.vector_store_idx %arg6[%get3A_389], %get3A_391 masked %ne3A_394 {add = true} : memref<33600xi32, #tpu.memory_space<vmem>>[vector<16xi32>], vector<16xi32>, vector<16xi1>
      %get3A_395 = arith.constant 896 : index
      %get3A_396 = tpu.vector_load %arg7[%get3A_395] {strides = array<i32>} : memref<2560xi32, #tpu.memory_space<vmem>>, vector<16xi32>,
      %get3A_397 = arith.constant 896 : index
      %get3A_398 = tpu.vector_load %arg8[%get3A_397] {strides = array<i32>} : memref<2560xi32, #tpu.memory_space<vmem>>, vector<16xi32>,
      %ne3A_399 = arith.constant 0 : i32
      %ne3A_400 = vector.broadcast %ne3A_399 : i32 to vector<16xi32>
      %ne3A_401 = arith.cmpi ne, %get3A_398, %ne3A_400 : vector<16xi32>
      tpu.vector_store_idx %arg6[%get3A_396], %get3A_398 masked %ne3A_401 {add = true} : memref<33600xi32, #tpu.memory_space<vmem>>[vector<16xi32>], vector<16xi32>, vector<16xi1>
      %get3A_402 = arith.constant 912 : index
      %get3A_403 = tpu.vector_load %arg7[%get3A_402] {strides = array<i32>} : memref<2560xi32, #tpu.memory_space<vmem>>, vector<16xi32>,
      %get3A_404 = arith.constant 912 : index
      %get3A_405 = tpu.vector_load %arg8[%get3A_404] {strides = array<i32>} : memref<2560xi32, #tpu.memory_space<vmem>>, vector<16xi32>,
      %ne3A_406 = arith.constant 0 : i32
      %ne3A_407 = vector.broadcast %ne3A_406 : i32 to vector<16xi32>
      %ne3A_408 = arith.cmpi ne, %get3A_405, %ne3A_407 : vector<16xi32>
      tpu.vector_store_idx %arg6[%get3A_403], %get3A_405 masked %ne3A_408 {add = true} : memref<33600xi32, #tpu.memory_space<vmem>>[vector<16xi32>], vector<16xi32>, vector<16xi1>
      %get3A_409 = arith.constant 928 : index
      %get3A_410 = tpu.vector_load %arg7[%get3A_409] {strides = array<i32>} : memref<2560xi32, #tpu.memory_space<vmem>>, vector<16xi32>,
      %get3A_411 = arith.constant 928 : index
      %get3A_412 = tpu.vector_load %arg8[%get3A_411] {strides = array<i32>} : memref<2560xi32, #tpu.memory_space<vmem>>, vector<16xi32>,
      %ne3A_413 = arith.constant 0 : i32
      %ne3A_414 = vector.broadcast %ne3A_413 : i32 to vector<16xi32>
      %ne3A_415 = arith.cmpi ne, %get3A_412, %ne3A_414 : vector<16xi32>
      tpu.vector_store_idx %arg6[%get3A_410], %get3A_412 masked %ne3A_415 {add = true} : memref<33600xi32, #tpu.memory_space<vmem>>[vector<16xi32>], vector<16xi32>, vector<16xi1>
      %get3A_416 = arith.constant 944 : index
      %get3A_417 = tpu.vector_load %arg7[%get3A_416] {strides = array<i32>} : memref<2560xi32, #tpu.memory_space<vmem>>, vector<16xi32>,
      %get3A_418 = arith.constant 944 : index
      %get3A_419 = tpu.vector_load %arg8[%get3A_418] {strides = array<i32>} : memref<2560xi32, #tpu.memory_space<vmem>>, vector<16xi32>,
      %ne3A_420 = arith.constant 0 : i32
      %ne3A_421 = vector.broadcast %ne3A_420 : i32 to vector<16xi32>
      %ne3A_422 = arith.cmpi ne, %get3A_419, %ne3A_421 : vector<16xi32>
      tpu.vector_store_idx %arg6[%get3A_417], %get3A_419 masked %ne3A_422 {add = true} : memref<33600xi32, #tpu.memory_space<vmem>>[vector<16xi32>], vector<16xi32>, vector<16xi1>
      %get3A_423 = arith.constant 960 : index
      %get3A_424 = tpu.vector_load %arg7[%get3A_423] {strides = array<i32>} : memref<2560xi32, #tpu.memory_space<vmem>>, vector<16xi32>,
      %get3A_425 = arith.constant 960 : index
      %get3A_426 = tpu.vector_load %arg8[%get3A_425] {strides = array<i32>} : memref<2560xi32, #tpu.memory_space<vmem>>, vector<16xi32>,
      %ne3A_427 = arith.constant 0 : i32
      %ne3A_428 = vector.broadcast %ne3A_427 : i32 to vector<16xi32>
      %ne3A_429 = arith.cmpi ne, %get3A_426, %ne3A_428 : vector<16xi32>
      tpu.vector_store_idx %arg6[%get3A_424], %get3A_426 masked %ne3A_429 {add = true} : memref<33600xi32, #tpu.memory_space<vmem>>[vector<16xi32>], vector<16xi32>, vector<16xi1>
      %get3A_430 = arith.constant 976 : index
      %get3A_431 = tpu.vector_load %arg7[%get3A_430] {strides = array<i32>} : memref<2560xi32, #tpu.memory_space<vmem>>, vector<16xi32>,
      %get3A_432 = arith.constant 976 : index
      %get3A_433 = tpu.vector_load %arg8[%get3A_432] {strides = array<i32>} : memref<2560xi32, #tpu.memory_space<vmem>>, vector<16xi32>,
      %ne3A_434 = arith.constant 0 : i32
      %ne3A_435 = vector.broadcast %ne3A_434 : i32 to vector<16xi32>
      %ne3A_436 = arith.cmpi ne, %get3A_433, %ne3A_435 : vector<16xi32>
      tpu.vector_store_idx %arg6[%get3A_431], %get3A_433 masked %ne3A_436 {add = true} : memref<33600xi32, #tpu.memory_space<vmem>>[vector<16xi32>], vector<16xi32>, vector<16xi1>
      %get3A_437 = arith.constant 992 : index
      %get3A_438 = tpu.vector_load %arg7[%get3A_437] {strides = array<i32>} : memref<2560xi32, #tpu.memory_space<vmem>>, vector<16xi32>,
      %get3A_439 = arith.constant 992 : index
      %get3A_440 = tpu.vector_load %arg8[%get3A_439] {strides = array<i32>} : memref<2560xi32, #tpu.memory_space<vmem>>, vector<16xi32>,
      %ne3A_441 = arith.constant 0 : i32
      %ne3A_442 = vector.broadcast %ne3A_441 : i32 to vector<16xi32>
      %ne3A_443 = arith.cmpi ne, %get3A_440, %ne3A_442 : vector<16xi32>
      tpu.vector_store_idx %arg6[%get3A_438], %get3A_440 masked %ne3A_443 {add = true} : memref<33600xi32, #tpu.memory_space<vmem>>[vector<16xi32>], vector<16xi32>, vector<16xi1>
      %get3A_444 = arith.constant 1008 : index
      %get3A_445 = tpu.vector_load %arg7[%get3A_444] {strides = array<i32>} : memref<2560xi32, #tpu.memory_space<vmem>>, vector<16xi32>,
      %get3A_446 = arith.constant 1008 : index
      %get3A_447 = tpu.vector_load %arg8[%get3A_446] {strides = array<i32>} : memref<2560xi32, #tpu.memory_space<vmem>>, vector<16xi32>,
      %ne3A_448 = arith.constant 0 : i32
      %ne3A_449 = vector.broadcast %ne3A_448 : i32 to vector<16xi32>
      %ne3A_450 = arith.cmpi ne, %get3A_447, %ne3A_449 : vector<16xi32>
      tpu.vector_store_idx %arg6[%get3A_445], %get3A_447 masked %ne3A_450 {add = true} : memref<33600xi32, #tpu.memory_space<vmem>>[vector<16xi32>], vector<16xi32>, vector<16xi1>
      %get3A_451 = arith.constant 1024 : index
      %get3A_452 = tpu.vector_load %arg7[%get3A_451] {strides = array<i32>} : memref<2560xi32, #tpu.memory_space<vmem>>, vector<16xi32>,
      %get3A_453 = arith.constant 1024 : index
      %get3A_454 = tpu.vector_load %arg8[%get3A_453] {strides = array<i32>} : memref<2560xi32, #tpu.memory_space<vmem>>, vector<16xi32>,
      %ne3A_455 = arith.constant 0 : i32
      %ne3A_456 = vector.broadcast %ne3A_455 : i32 to vector<16xi32>
      %ne3A_457 = arith.cmpi ne, %get3A_454, %ne3A_456 : vector<16xi32>
      tpu.vector_store_idx %arg6[%get3A_452], %get3A_454 masked %ne3A_457 {add = true} : memref<33600xi32, #tpu.memory_space<vmem>>[vector<16xi32>], vector<16xi32>, vector<16xi1>
      %get3A_458 = arith.constant 1040 : index
      %get3A_459 = tpu.vector_load %arg7[%get3A_458] {strides = array<i32>} : memref<2560xi32, #tpu.memory_space<vmem>>, vector<16xi32>,
      %get3A_460 = arith.constant 1040 : index
      %get3A_461 = tpu.vector_load %arg8[%get3A_460] {strides = array<i32>} : memref<2560xi32, #tpu.memory_space<vmem>>, vector<16xi32>,
      %ne3A_462 = arith.constant 0 : i32
      %ne3A_463 = vector.broadcast %ne3A_462 : i32 to vector<16xi32>
      %ne3A_464 = arith.cmpi ne, %get3A_461, %ne3A_463 : vector<16xi32>
      tpu.vector_store_idx %arg6[%get3A_459], %get3A_461 masked %ne3A_464 {add = true} : memref<33600xi32, #tpu.memory_space<vmem>>[vector<16xi32>], vector<16xi32>, vector<16xi1>
      %get3A_465 = arith.constant 1056 : index
      %get3A_466 = tpu.vector_load %arg7[%get3A_465] {strides = array<i32>} : memref<2560xi32, #tpu.memory_space<vmem>>, vector<16xi32>,
      %get3A_467 = arith.constant 1056 : index
      %get3A_468 = tpu.vector_load %arg8[%get3A_467] {strides = array<i32>} : memref<2560xi32, #tpu.memory_space<vmem>>, vector<16xi32>,
      %ne3A_469 = arith.constant 0 : i32
      %ne3A_470 = vector.broadcast %ne3A_469 : i32 to vector<16xi32>
      %ne3A_471 = arith.cmpi ne, %get3A_468, %ne3A_470 : vector<16xi32>
      tpu.vector_store_idx %arg6[%get3A_466], %get3A_468 masked %ne3A_471 {add = true} : memref<33600xi32, #tpu.memory_space<vmem>>[vector<16xi32>], vector<16xi32>, vector<16xi1>
      %get3A_472 = arith.constant 1072 : index
      %get3A_473 = tpu.vector_load %arg7[%get3A_472] {strides = array<i32>} : memref<2560xi32, #tpu.memory_space<vmem>>, vector<16xi32>,
      %get3A_474 = arith.constant 1072 : index
      %get3A_475 = tpu.vector_load %arg8[%get3A_474] {strides = array<i32>} : memref<2560xi32, #tpu.memory_space<vmem>>, vector<16xi32>,
      %ne3A_476 = arith.constant 0 : i32
      %ne3A_477 = vector.broadcast %ne3A_476 : i32 to vector<16xi32>
      %ne3A_478 = arith.cmpi ne, %get3A_475, %ne3A_477 : vector<16xi32>
      tpu.vector_store_idx %arg6[%get3A_473], %get3A_475 masked %ne3A_478 {add = true} : memref<33600xi32, #tpu.memory_space<vmem>>[vector<16xi32>], vector<16xi32>, vector<16xi1>
      %get3A_479 = arith.constant 1088 : index
      %get3A_480 = tpu.vector_load %arg7[%get3A_479] {strides = array<i32>} : memref<2560xi32, #tpu.memory_space<vmem>>, vector<16xi32>,
      %get3A_481 = arith.constant 1088 : index
      %get3A_482 = tpu.vector_load %arg8[%get3A_481] {strides = array<i32>} : memref<2560xi32, #tpu.memory_space<vmem>>, vector<16xi32>,
      %ne3A_483 = arith.constant 0 : i32
      %ne3A_484 = vector.broadcast %ne3A_483 : i32 to vector<16xi32>
      %ne3A_485 = arith.cmpi ne, %get3A_482, %ne3A_484 : vector<16xi32>
      tpu.vector_store_idx %arg6[%get3A_480], %get3A_482 masked %ne3A_485 {add = true} : memref<33600xi32, #tpu.memory_space<vmem>>[vector<16xi32>], vector<16xi32>, vector<16xi1>
      %get3A_486 = arith.constant 1104 : index
      %get3A_487 = tpu.vector_load %arg7[%get3A_486] {strides = array<i32>} : memref<2560xi32, #tpu.memory_space<vmem>>, vector<16xi32>,
      %get3A_488 = arith.constant 1104 : index
      %get3A_489 = tpu.vector_load %arg8[%get3A_488] {strides = array<i32>} : memref<2560xi32, #tpu.memory_space<vmem>>, vector<16xi32>,
      %ne3A_490 = arith.constant 0 : i32
      %ne3A_491 = vector.broadcast %ne3A_490 : i32 to vector<16xi32>
      %ne3A_492 = arith.cmpi ne, %get3A_489, %ne3A_491 : vector<16xi32>
      tpu.vector_store_idx %arg6[%get3A_487], %get3A_489 masked %ne3A_492 {add = true} : memref<33600xi32, #tpu.memory_space<vmem>>[vector<16xi32>], vector<16xi32>, vector<16xi1>
      %get3A_493 = arith.constant 1120 : index
      %get3A_494 = tpu.vector_load %arg7[%get3A_493] {strides = array<i32>} : memref<2560xi32, #tpu.memory_space<vmem>>, vector<16xi32>,
      %get3A_495 = arith.constant 1120 : index
      %get3A_496 = tpu.vector_load %arg8[%get3A_495] {strides = array<i32>} : memref<2560xi32, #tpu.memory_space<vmem>>, vector<16xi32>,
      %ne3A_497 = arith.constant 0 : i32
      %ne3A_498 = vector.broadcast %ne3A_497 : i32 to vector<16xi32>
      %ne3A_499 = arith.cmpi ne, %get3A_496, %ne3A_498 : vector<16xi32>
      tpu.vector_store_idx %arg6[%get3A_494], %get3A_496 masked %ne3A_499 {add = true} : memref<33600xi32, #tpu.memory_space<vmem>>[vector<16xi32>], vector<16xi32>, vector<16xi1>
      %get3A_500 = arith.constant 1136 : index
      %get3A_501 = tpu.vector_load %arg7[%get3A_500] {strides = array<i32>} : memref<2560xi32, #tpu.memory_space<vmem>>, vector<16xi32>,
      %get3A_502 = arith.constant 1136 : index
      %get3A_503 = tpu.vector_load %arg8[%get3A_502] {strides = array<i32>} : memref<2560xi32, #tpu.memory_space<vmem>>, vector<16xi32>,
      %ne3A_504 = arith.constant 0 : i32
      %ne3A_505 = vector.broadcast %ne3A_504 : i32 to vector<16xi32>
      %ne3A_506 = arith.cmpi ne, %get3A_503, %ne3A_505 : vector<16xi32>
      tpu.vector_store_idx %arg6[%get3A_501], %get3A_503 masked %ne3A_506 {add = true} : memref<33600xi32, #tpu.memory_space<vmem>>[vector<16xi32>], vector<16xi32>, vector<16xi1>
      %get3A_507 = arith.constant 1152 : index
      %get3A_508 = tpu.vector_load %arg7[%get3A_507] {strides = array<i32>} : memref<2560xi32, #tpu.memory_space<vmem>>, vector<16xi32>,
      %get3A_509 = arith.constant 1152 : index
      %get3A_510 = tpu.vector_load %arg8[%get3A_509] {strides = array<i32>} : memref<2560xi32, #tpu.memory_space<vmem>>, vector<16xi32>,
      %ne3A_511 = arith.constant 0 : i32
      %ne3A_512 = vector.broadcast %ne3A_511 : i32 to vector<16xi32>
      %ne3A_513 = arith.cmpi ne, %get3A_510, %ne3A_512 : vector<16xi32>
      tpu.vector_store_idx %arg6[%get3A_508], %get3A_510 masked %ne3A_513 {add = true} : memref<33600xi32, #tpu.memory_space<vmem>>[vector<16xi32>], vector<16xi32>, vector<16xi1>
      %get3A_514 = arith.constant 1168 : index
      %get3A_515 = tpu.vector_load %arg7[%get3A_514] {strides = array<i32>} : memref<2560xi32, #tpu.memory_space<vmem>>, vector<16xi32>,
      %get3A_516 = arith.constant 1168 : index
      %get3A_517 = tpu.vector_load %arg8[%get3A_516] {strides = array<i32>} : memref<2560xi32, #tpu.memory_space<vmem>>, vector<16xi32>,
      %ne3A_518 = arith.constant 0 : i32
      %ne3A_519 = vector.broadcast %ne3A_518 : i32 to vector<16xi32>
      %ne3A_520 = arith.cmpi ne, %get3A_517, %ne3A_519 : vector<16xi32>
      tpu.vector_store_idx %arg6[%get3A_515], %get3A_517 masked %ne3A_520 {add = true} : memref<33600xi32, #tpu.memory_space<vmem>>[vector<16xi32>], vector<16xi32>, vector<16xi1>
      %get3A_521 = arith.constant 1184 : index
      %get3A_522 = tpu.vector_load %arg7[%get3A_521] {strides = array<i32>} : memref<2560xi32, #tpu.memory_space<vmem>>, vector<16xi32>,
      %get3A_523 = arith.constant 1184 : index
      %get3A_524 = tpu.vector_load %arg8[%get3A_523] {strides = array<i32>} : memref<2560xi32, #tpu.memory_space<vmem>>, vector<16xi32>,
      %ne3A_525 = arith.constant 0 : i32
      %ne3A_526 = vector.broadcast %ne3A_525 : i32 to vector<16xi32>
      %ne3A_527 = arith.cmpi ne, %get3A_524, %ne3A_526 : vector<16xi32>
      tpu.vector_store_idx %arg6[%get3A_522], %get3A_524 masked %ne3A_527 {add = true} : memref<33600xi32, #tpu.memory_space<vmem>>[vector<16xi32>], vector<16xi32>, vector<16xi1>
      %get3A_528 = arith.constant 1200 : index
      %get3A_529 = tpu.vector_load %arg7[%get3A_528] {strides = array<i32>} : memref<2560xi32, #tpu.memory_space<vmem>>, vector<16xi32>,
      %get3A_530 = arith.constant 1200 : index
      %get3A_531 = tpu.vector_load %arg8[%get3A_530] {strides = array<i32>} : memref<2560xi32, #tpu.memory_space<vmem>>, vector<16xi32>,
      %ne3A_532 = arith.constant 0 : i32
      %ne3A_533 = vector.broadcast %ne3A_532 : i32 to vector<16xi32>
      %ne3A_534 = arith.cmpi ne, %get3A_531, %ne3A_533 : vector<16xi32>
      tpu.vector_store_idx %arg6[%get3A_529], %get3A_531 masked %ne3A_534 {add = true} : memref<33600xi32, #tpu.memory_space<vmem>>[vector<16xi32>], vector<16xi32>, vector<16xi1>
      %get3A_535 = arith.constant 1216 : index
      %get3A_536 = tpu.vector_load %arg7[%get3A_535] {strides = array<i32>} : memref<2560xi32, #tpu.memory_space<vmem>>, vector<16xi32>,
      %get3A_537 = arith.constant 1216 : index
      %get3A_538 = tpu.vector_load %arg8[%get3A_537] {strides = array<i32>} : memref<2560xi32, #tpu.memory_space<vmem>>, vector<16xi32>,
      %ne3A_539 = arith.constant 0 : i32
      %ne3A_540 = vector.broadcast %ne3A_539 : i32 to vector<16xi32>
      %ne3A_541 = arith.cmpi ne, %get3A_538, %ne3A_540 : vector<16xi32>
      tpu.vector_store_idx %arg6[%get3A_536], %get3A_538 masked %ne3A_541 {add = true} : memref<33600xi32, #tpu.memory_space<vmem>>[vector<16xi32>], vector<16xi32>, vector<16xi1>
      %get3A_542 = arith.constant 1232 : index
      %get3A_543 = tpu.vector_load %arg7[%get3A_542] {strides = array<i32>} : memref<2560xi32, #tpu.memory_space<vmem>>, vector<16xi32>,
      %get3A_544 = arith.constant 1232 : index
      %get3A_545 = tpu.vector_load %arg8[%get3A_544] {strides = array<i32>} : memref<2560xi32, #tpu.memory_space<vmem>>, vector<16xi32>,
      %ne3A_546 = arith.constant 0 : i32
      %ne3A_547 = vector.broadcast %ne3A_546 : i32 to vector<16xi32>
      %ne3A_548 = arith.cmpi ne, %get3A_545, %ne3A_547 : vector<16xi32>
      tpu.vector_store_idx %arg6[%get3A_543], %get3A_545 masked %ne3A_548 {add = true} : memref<33600xi32, #tpu.memory_space<vmem>>[vector<16xi32>], vector<16xi32>, vector<16xi1>
      %get3A_549 = arith.constant 1248 : index
      %get3A_550 = tpu.vector_load %arg7[%get3A_549] {strides = array<i32>} : memref<2560xi32, #tpu.memory_space<vmem>>, vector<16xi32>,
      %get3A_551 = arith.constant 1248 : index
      %get3A_552 = tpu.vector_load %arg8[%get3A_551] {strides = array<i32>} : memref<2560xi32, #tpu.memory_space<vmem>>, vector<16xi32>,
      %ne3A_553 = arith.constant 0 : i32
      %ne3A_554 = vector.broadcast %ne3A_553 : i32 to vector<16xi32>
      %ne3A_555 = arith.cmpi ne, %get3A_552, %ne3A_554 : vector<16xi32>
      tpu.vector_store_idx %arg6[%get3A_550], %get3A_552 masked %ne3A_555 {add = true} : memref<33600xi32, #tpu.memory_space<vmem>>[vector<16xi32>], vector<16xi32>, vector<16xi1>
      %get3A_556 = arith.constant 1264 : index
      %get3A_557 = tpu.vector_load %arg7[%get3A_556] {strides = array<i32>} : memref<2560xi32, #tpu.memory_space<vmem>>, vector<16xi32>,
      %get3A_558 = arith.constant 1264 : index
      %get3A_559 = tpu.vector_load %arg8[%get3A_558] {strides = array<i32>} : memref<2560xi32, #tpu.memory_space<vmem>>, vector<16xi32>,
      %ne3A_560 = arith.constant 0 : i32
      %ne3A_561 = vector.broadcast %ne3A_560 : i32 to vector<16xi32>
      %ne3A_562 = arith.cmpi ne, %get3A_559, %ne3A_561 : vector<16xi32>
      tpu.vector_store_idx %arg6[%get3A_557], %get3A_559 masked %ne3A_562 {add = true} : memref<33600xi32, #tpu.memory_space<vmem>>[vector<16xi32>], vector<16xi32>, vector<16xi1>
      %get3A_563 = arith.constant 1280 : index
      %get3A_564 = tpu.vector_load %arg7[%get3A_563] {strides = array<i32>} : memref<2560xi32, #tpu.memory_space<vmem>>, vector<16xi32>,
      %get3A_565 = arith.constant 1280 : index
      %get3A_566 = tpu.vector_load %arg8[%get3A_565] {strides = array<i32>} : memref<2560xi32, #tpu.memory_space<vmem>>, vector<16xi32>,
      %ne3A_567 = arith.constant 0 : i32
      %ne3A_568 = vector.broadcast %ne3A_567 : i32 to vector<16xi32>
      %ne3A_569 = arith.cmpi ne, %get3A_566, %ne3A_568 : vector<16xi32>
      tpu.vector_store_idx %arg6[%get3A_564], %get3A_566 masked %ne3A_569 {add = true} : memref<33600xi32, #tpu.memory_space<vmem>>[vector<16xi32>], vector<16xi32>, vector<16xi1>
      %get3A_570 = arith.constant 1296 : index
      %get3A_571 = tpu.vector_load %arg7[%get3A_570] {strides = array<i32>} : memref<2560xi32, #tpu.memory_space<vmem>>, vector<16xi32>,
      %get3A_572 = arith.constant 1296 : index
      %get3A_573 = tpu.vector_load %arg8[%get3A_572] {strides = array<i32>} : memref<2560xi32, #tpu.memory_space<vmem>>, vector<16xi32>,
      %ne3A_574 = arith.constant 0 : i32
      %ne3A_575 = vector.broadcast %ne3A_574 : i32 to vector<16xi32>
      %ne3A_576 = arith.cmpi ne, %get3A_573, %ne3A_575 : vector<16xi32>
      tpu.vector_store_idx %arg6[%get3A_571], %get3A_573 masked %ne3A_576 {add = true} : memref<33600xi32, #tpu.memory_space<vmem>>[vector<16xi32>], vector<16xi32>, vector<16xi1>
      %get3A_577 = arith.constant 1312 : index
      %get3A_578 = tpu.vector_load %arg7[%get3A_577] {strides = array<i32>} : memref<2560xi32, #tpu.memory_space<vmem>>, vector<16xi32>,
      %get3A_579 = arith.constant 1312 : index
      %get3A_580 = tpu.vector_load %arg8[%get3A_579] {strides = array<i32>} : memref<2560xi32, #tpu.memory_space<vmem>>, vector<16xi32>,
      %ne3A_581 = arith.constant 0 : i32
      %ne3A_582 = vector.broadcast %ne3A_581 : i32 to vector<16xi32>
      %ne3A_583 = arith.cmpi ne, %get3A_580, %ne3A_582 : vector<16xi32>
      tpu.vector_store_idx %arg6[%get3A_578], %get3A_580 masked %ne3A_583 {add = true} : memref<33600xi32, #tpu.memory_space<vmem>>[vector<16xi32>], vector<16xi32>, vector<16xi1>
      %get3A_584 = arith.constant 1328 : index
      %get3A_585 = tpu.vector_load %arg7[%get3A_584] {strides = array<i32>} : memref<2560xi32, #tpu.memory_space<vmem>>, vector<16xi32>,
      %get3A_586 = arith.constant 1328 : index
      %get3A_587 = tpu.vector_load %arg8[%get3A_586] {strides = array<i32>} : memref<2560xi32, #tpu.memory_space<vmem>>, vector<16xi32>,
      %ne3A_588 = arith.constant 0 : i32
      %ne3A_589 = vector.broadcast %ne3A_588 : i32 to vector<16xi32>
      %ne3A_590 = arith.cmpi ne, %get3A_587, %ne3A_589 : vector<16xi32>
      tpu.vector_store_idx %arg6[%get3A_585], %get3A_587 masked %ne3A_590 {add = true} : memref<33600xi32, #tpu.memory_space<vmem>>[vector<16xi32>], vector<16xi32>, vector<16xi1>
      %get3A_591 = arith.constant 1344 : index
      %get3A_592 = tpu.vector_load %arg7[%get3A_591] {strides = array<i32>} : memref<2560xi32, #tpu.memory_space<vmem>>, vector<16xi32>,
      %get3A_593 = arith.constant 1344 : index
      %get3A_594 = tpu.vector_load %arg8[%get3A_593] {strides = array<i32>} : memref<2560xi32, #tpu.memory_space<vmem>>, vector<16xi32>,
      %ne3A_595 = arith.constant 0 : i32
      %ne3A_596 = vector.broadcast %ne3A_595 : i32 to vector<16xi32>
      %ne3A_597 = arith.cmpi ne, %get3A_594, %ne3A_596 : vector<16xi32>
      tpu.vector_store_idx %arg6[%get3A_592], %get3A_594 masked %ne3A_597 {add = true} : memref<33600xi32, #tpu.memory_space<vmem>>[vector<16xi32>], vector<16xi32>, vector<16xi1>
      %get3A_598 = arith.constant 1360 : index
      %get3A_599 = tpu.vector_load %arg7[%get3A_598] {strides = array<i32>} : memref<2560xi32, #tpu.memory_space<vmem>>, vector<16xi32>,
      %get3A_600 = arith.constant 1360 : index
      %get3A_601 = tpu.vector_load %arg8[%get3A_600] {strides = array<i32>} : memref<2560xi32, #tpu.memory_space<vmem>>, vector<16xi32>,
      %ne3A_602 = arith.constant 0 : i32
      %ne3A_603 = vector.broadcast %ne3A_602 : i32 to vector<16xi32>
      %ne3A_604 = arith.cmpi ne, %get3A_601, %ne3A_603 : vector<16xi32>
      tpu.vector_store_idx %arg6[%get3A_599], %get3A_601 masked %ne3A_604 {add = true} : memref<33600xi32, #tpu.memory_space<vmem>>[vector<16xi32>], vector<16xi32>, vector<16xi1>
      %get3A_605 = arith.constant 1376 : index
      %get3A_606 = tpu.vector_load %arg7[%get3A_605] {strides = array<i32>} : memref<2560xi32, #tpu.memory_space<vmem>>, vector<16xi32>,
      %get3A_607 = arith.constant 1376 : index
      %get3A_608 = tpu.vector_load %arg8[%get3A_607] {strides = array<i32>} : memref<2560xi32, #tpu.memory_space<vmem>>, vector<16xi32>,
      %ne3A_609 = arith.constant 0 : i32
      %ne3A_610 = vector.broadcast %ne3A_609 : i32 to vector<16xi32>
      %ne3A_611 = arith.cmpi ne, %get3A_608, %ne3A_610 : vector<16xi32>
      tpu.vector_store_idx %arg6[%get3A_606], %get3A_608 masked %ne3A_611 {add = true} : memref<33600xi32, #tpu.memory_space<vmem>>[vector<16xi32>], vector<16xi32>, vector<16xi1>
      %get3A_612 = arith.constant 1392 : index
      %get3A_613 = tpu.vector_load %arg7[%get3A_612] {strides = array<i32>} : memref<2560xi32, #tpu.memory_space<vmem>>, vector<16xi32>,
      %get3A_614 = arith.constant 1392 : index
      %get3A_615 = tpu.vector_load %arg8[%get3A_614] {strides = array<i32>} : memref<2560xi32, #tpu.memory_space<vmem>>, vector<16xi32>,
      %ne3A_616 = arith.constant 0 : i32
      %ne3A_617 = vector.broadcast %ne3A_616 : i32 to vector<16xi32>
      %ne3A_618 = arith.cmpi ne, %get3A_615, %ne3A_617 : vector<16xi32>
      tpu.vector_store_idx %arg6[%get3A_613], %get3A_615 masked %ne3A_618 {add = true} : memref<33600xi32, #tpu.memory_space<vmem>>[vector<16xi32>], vector<16xi32>, vector<16xi1>
      %get3A_619 = arith.constant 1408 : index
      %get3A_620 = tpu.vector_load %arg7[%get3A_619] {strides = array<i32>} : memref<2560xi32, #tpu.memory_space<vmem>>, vector<16xi32>,
      %get3A_621 = arith.constant 1408 : index
      %get3A_622 = tpu.vector_load %arg8[%get3A_621] {strides = array<i32>} : memref<2560xi32, #tpu.memory_space<vmem>>, vector<16xi32>,
      %ne3A_623 = arith.constant 0 : i32
      %ne3A_624 = vector.broadcast %ne3A_623 : i32 to vector<16xi32>
      %ne3A_625 = arith.cmpi ne, %get3A_622, %ne3A_624 : vector<16xi32>
      tpu.vector_store_idx %arg6[%get3A_620], %get3A_622 masked %ne3A_625 {add = true} : memref<33600xi32, #tpu.memory_space<vmem>>[vector<16xi32>], vector<16xi32>, vector<16xi1>
      %get3A_626 = arith.constant 1424 : index
      %get3A_627 = tpu.vector_load %arg7[%get3A_626] {strides = array<i32>} : memref<2560xi32, #tpu.memory_space<vmem>>, vector<16xi32>,
      %get3A_628 = arith.constant 1424 : index
      %get3A_629 = tpu.vector_load %arg8[%get3A_628] {strides = array<i32>} : memref<2560xi32, #tpu.memory_space<vmem>>, vector<16xi32>,
      %ne3A_630 = arith.constant 0 : i32
      %ne3A_631 = vector.broadcast %ne3A_630 : i32 to vector<16xi32>
      %ne3A_632 = arith.cmpi ne, %get3A_629, %ne3A_631 : vector<16xi32>
      tpu.vector_store_idx %arg6[%get3A_627], %get3A_629 masked %ne3A_632 {add = true} : memref<33600xi32, #tpu.memory_space<vmem>>[vector<16xi32>], vector<16xi32>, vector<16xi1>
      %get3A_633 = arith.constant 1440 : index
      %get3A_634 = tpu.vector_load %arg7[%get3A_633] {strides = array<i32>} : memref<2560xi32, #tpu.memory_space<vmem>>, vector<16xi32>,
      %get3A_635 = arith.constant 1440 : index
      %get3A_636 = tpu.vector_load %arg8[%get3A_635] {strides = array<i32>} : memref<2560xi32, #tpu.memory_space<vmem>>, vector<16xi32>,
      %ne3A_637 = arith.constant 0 : i32
      %ne3A_638 = vector.broadcast %ne3A_637 : i32 to vector<16xi32>
      %ne3A_639 = arith.cmpi ne, %get3A_636, %ne3A_638 : vector<16xi32>
      tpu.vector_store_idx %arg6[%get3A_634], %get3A_636 masked %ne3A_639 {add = true} : memref<33600xi32, #tpu.memory_space<vmem>>[vector<16xi32>], vector<16xi32>, vector<16xi1>
      %get3A_640 = arith.constant 1456 : index
      %get3A_641 = tpu.vector_load %arg7[%get3A_640] {strides = array<i32>} : memref<2560xi32, #tpu.memory_space<vmem>>, vector<16xi32>,
      %get3A_642 = arith.constant 1456 : index
      %get3A_643 = tpu.vector_load %arg8[%get3A_642] {strides = array<i32>} : memref<2560xi32, #tpu.memory_space<vmem>>, vector<16xi32>,
      %ne3A_644 = arith.constant 0 : i32
      %ne3A_645 = vector.broadcast %ne3A_644 : i32 to vector<16xi32>
      %ne3A_646 = arith.cmpi ne, %get3A_643, %ne3A_645 : vector<16xi32>
      tpu.vector_store_idx %arg6[%get3A_641], %get3A_643 masked %ne3A_646 {add = true} : memref<33600xi32, #tpu.memory_space<vmem>>[vector<16xi32>], vector<16xi32>, vector<16xi1>
      %get3A_647 = arith.constant 1472 : index
      %get3A_648 = tpu.vector_load %arg7[%get3A_647] {strides = array<i32>} : memref<2560xi32, #tpu.memory_space<vmem>>, vector<16xi32>,
      %get3A_649 = arith.constant 1472 : index
      %get3A_650 = tpu.vector_load %arg8[%get3A_649] {strides = array<i32>} : memref<2560xi32, #tpu.memory_space<vmem>>, vector<16xi32>,
      %ne3A_651 = arith.constant 0 : i32
      %ne3A_652 = vector.broadcast %ne3A_651 : i32 to vector<16xi32>
      %ne3A_653 = arith.cmpi ne, %get3A_650, %ne3A_652 : vector<16xi32>
      tpu.vector_store_idx %arg6[%get3A_648], %get3A_650 masked %ne3A_653 {add = true} : memref<33600xi32, #tpu.memory_space<vmem>>[vector<16xi32>], vector<16xi32>, vector<16xi1>
      %get3A_654 = arith.constant 1488 : index
      %get3A_655 = tpu.vector_load %arg7[%get3A_654] {strides = array<i32>} : memref<2560xi32, #tpu.memory_space<vmem>>, vector<16xi32>,
      %get3A_656 = arith.constant 1488 : index
      %get3A_657 = tpu.vector_load %arg8[%get3A_656] {strides = array<i32>} : memref<2560xi32, #tpu.memory_space<vmem>>, vector<16xi32>,
      %ne3A_658 = arith.constant 0 : i32
      %ne3A_659 = vector.broadcast %ne3A_658 : i32 to vector<16xi32>
      %ne3A_660 = arith.cmpi ne, %get3A_657, %ne3A_659 : vector<16xi32>
      tpu.vector_store_idx %arg6[%get3A_655], %get3A_657 masked %ne3A_660 {add = true} : memref<33600xi32, #tpu.memory_space<vmem>>[vector<16xi32>], vector<16xi32>, vector<16xi1>
      %get3A_661 = arith.constant 1504 : index
      %get3A_662 = tpu.vector_load %arg7[%get3A_661] {strides = array<i32>} : memref<2560xi32, #tpu.memory_space<vmem>>, vector<16xi32>,
      %get3A_663 = arith.constant 1504 : index
      %get3A_664 = tpu.vector_load %arg8[%get3A_663] {strides = array<i32>} : memref<2560xi32, #tpu.memory_space<vmem>>, vector<16xi32>,
      %ne3A_665 = arith.constant 0 : i32
      %ne3A_666 = vector.broadcast %ne3A_665 : i32 to vector<16xi32>
      %ne3A_667 = arith.cmpi ne, %get3A_664, %ne3A_666 : vector<16xi32>
      tpu.vector_store_idx %arg6[%get3A_662], %get3A_664 masked %ne3A_667 {add = true} : memref<33600xi32, #tpu.memory_space<vmem>>[vector<16xi32>], vector<16xi32>, vector<16xi1>
      %get3A_668 = arith.constant 1520 : index
      %get3A_669 = tpu.vector_load %arg7[%get3A_668] {strides = array<i32>} : memref<2560xi32, #tpu.memory_space<vmem>>, vector<16xi32>,
      %get3A_670 = arith.constant 1520 : index
      %get3A_671 = tpu.vector_load %arg8[%get3A_670] {strides = array<i32>} : memref<2560xi32, #tpu.memory_space<vmem>>, vector<16xi32>,
      %ne3A_672 = arith.constant 0 : i32
      %ne3A_673 = vector.broadcast %ne3A_672 : i32 to vector<16xi32>
      %ne3A_674 = arith.cmpi ne, %get3A_671, %ne3A_673 : vector<16xi32>
      tpu.vector_store_idx %arg6[%get3A_669], %get3A_671 masked %ne3A_674 {add = true} : memref<33600xi32, #tpu.memory_space<vmem>>[vector<16xi32>], vector<16xi32>, vector<16xi1>
      %get3A_675 = arith.constant 1536 : index
      %get3A_676 = tpu.vector_load %arg7[%get3A_675] {strides = array<i32>} : memref<2560xi32, #tpu.memory_space<vmem>>, vector<16xi32>,
      %get3A_677 = arith.constant 1536 : index
      %get3A_678 = tpu.vector_load %arg8[%get3A_677] {strides = array<i32>} : memref<2560xi32, #tpu.memory_space<vmem>>, vector<16xi32>,
      %ne3A_679 = arith.constant 0 : i32
      %ne3A_680 = vector.broadcast %ne3A_679 : i32 to vector<16xi32>
      %ne3A_681 = arith.cmpi ne, %get3A_678, %ne3A_680 : vector<16xi32>
      tpu.vector_store_idx %arg6[%get3A_676], %get3A_678 masked %ne3A_681 {add = true} : memref<33600xi32, #tpu.memory_space<vmem>>[vector<16xi32>], vector<16xi32>, vector<16xi1>
      %get3A_682 = arith.constant 1552 : index
      %get3A_683 = tpu.vector_load %arg7[%get3A_682] {strides = array<i32>} : memref<2560xi32, #tpu.memory_space<vmem>>, vector<16xi32>,
      %get3A_684 = arith.constant 1552 : index
      %get3A_685 = tpu.vector_load %arg8[%get3A_684] {strides = array<i32>} : memref<2560xi32, #tpu.memory_space<vmem>>, vector<16xi32>,
      %ne3A_686 = arith.constant 0 : i32
      %ne3A_687 = vector.broadcast %ne3A_686 : i32 to vector<16xi32>
      %ne3A_688 = arith.cmpi ne, %get3A_685, %ne3A_687 : vector<16xi32>
      tpu.vector_store_idx %arg6[%get3A_683], %get3A_685 masked %ne3A_688 {add = true} : memref<33600xi32, #tpu.memory_space<vmem>>[vector<16xi32>], vector<16xi32>, vector<16xi1>
      %get3A_689 = arith.constant 1568 : index
      %get3A_690 = tpu.vector_load %arg7[%get3A_689] {strides = array<i32>} : memref<2560xi32, #tpu.memory_space<vmem>>, vector<16xi32>,
      %get3A_691 = arith.constant 1568 : index
      %get3A_692 = tpu.vector_load %arg8[%get3A_691] {strides = array<i32>} : memref<2560xi32, #tpu.memory_space<vmem>>, vector<16xi32>,
      %ne3A_693 = arith.constant 0 : i32
      %ne3A_694 = vector.broadcast %ne3A_693 : i32 to vector<16xi32>
      %ne3A_695 = arith.cmpi ne, %get3A_692, %ne3A_694 : vector<16xi32>
      tpu.vector_store_idx %arg6[%get3A_690], %get3A_692 masked %ne3A_695 {add = true} : memref<33600xi32, #tpu.memory_space<vmem>>[vector<16xi32>], vector<16xi32>, vector<16xi1>
      %get3A_696 = arith.constant 1584 : index
      %get3A_697 = tpu.vector_load %arg7[%get3A_696] {strides = array<i32>} : memref<2560xi32, #tpu.memory_space<vmem>>, vector<16xi32>,
      %get3A_698 = arith.constant 1584 : index
      %get3A_699 = tpu.vector_load %arg8[%get3A_698] {strides = array<i32>} : memref<2560xi32, #tpu.memory_space<vmem>>, vector<16xi32>,
      %ne3A_700 = arith.constant 0 : i32
      %ne3A_701 = vector.broadcast %ne3A_700 : i32 to vector<16xi32>
      %ne3A_702 = arith.cmpi ne, %get3A_699, %ne3A_701 : vector<16xi32>
      tpu.vector_store_idx %arg6[%get3A_697], %get3A_699 masked %ne3A_702 {add = true} : memref<33600xi32, #tpu.memory_space<vmem>>[vector<16xi32>], vector<16xi32>, vector<16xi1>
      %get3A_703 = arith.constant 1600 : index
      %get3A_704 = tpu.vector_load %arg7[%get3A_703] {strides = array<i32>} : memref<2560xi32, #tpu.memory_space<vmem>>, vector<16xi32>,
      %get3A_705 = arith.constant 1600 : index
      %get3A_706 = tpu.vector_load %arg8[%get3A_705] {strides = array<i32>} : memref<2560xi32, #tpu.memory_space<vmem>>, vector<16xi32>,
      %ne3A_707 = arith.constant 0 : i32
      %ne3A_708 = vector.broadcast %ne3A_707 : i32 to vector<16xi32>
      %ne3A_709 = arith.cmpi ne, %get3A_706, %ne3A_708 : vector<16xi32>
      tpu.vector_store_idx %arg6[%get3A_704], %get3A_706 masked %ne3A_709 {add = true} : memref<33600xi32, #tpu.memory_space<vmem>>[vector<16xi32>], vector<16xi32>, vector<16xi1>
      %get3A_710 = arith.constant 1616 : index
      %get3A_711 = tpu.vector_load %arg7[%get3A_710] {strides = array<i32>} : memref<2560xi32, #tpu.memory_space<vmem>>, vector<16xi32>,
      %get3A_712 = arith.constant 1616 : index
      %get3A_713 = tpu.vector_load %arg8[%get3A_712] {strides = array<i32>} : memref<2560xi32, #tpu.memory_space<vmem>>, vector<16xi32>,
      %ne3A_714 = arith.constant 0 : i32
      %ne3A_715 = vector.broadcast %ne3A_714 : i32 to vector<16xi32>
      %ne3A_716 = arith.cmpi ne, %get3A_713, %ne3A_715 : vector<16xi32>
      tpu.vector_store_idx %arg6[%get3A_711], %get3A_713 masked %ne3A_716 {add = true} : memref<33600xi32, #tpu.memory_space<vmem>>[vector<16xi32>], vector<16xi32>, vector<16xi1>
      %get3A_717 = arith.constant 1632 : index
      %get3A_718 = tpu.vector_load %arg7[%get3A_717] {strides = array<i32>} : memref<2560xi32, #tpu.memory_space<vmem>>, vector<16xi32>,
      %get3A_719 = arith.constant 1632 : index
      %get3A_720 = tpu.vector_load %arg8[%get3A_719] {strides = array<i32>} : memref<2560xi32, #tpu.memory_space<vmem>>, vector<16xi32>,
      %ne3A_721 = arith.constant 0 : i32
      %ne3A_722 = vector.broadcast %ne3A_721 : i32 to vector<16xi32>
      %ne3A_723 = arith.cmpi ne, %get3A_720, %ne3A_722 : vector<16xi32>
      tpu.vector_store_idx %arg6[%get3A_718], %get3A_720 masked %ne3A_723 {add = true} : memref<33600xi32, #tpu.memory_space<vmem>>[vector<16xi32>], vector<16xi32>, vector<16xi1>
      %get3A_724 = arith.constant 1648 : index
      %get3A_725 = tpu.vector_load %arg7[%get3A_724] {strides = array<i32>} : memref<2560xi32, #tpu.memory_space<vmem>>, vector<16xi32>,
      %get3A_726 = arith.constant 1648 : index
      %get3A_727 = tpu.vector_load %arg8[%get3A_726] {strides = array<i32>} : memref<2560xi32, #tpu.memory_space<vmem>>, vector<16xi32>,
      %ne3A_728 = arith.constant 0 : i32
      %ne3A_729 = vector.broadcast %ne3A_728 : i32 to vector<16xi32>
      %ne3A_730 = arith.cmpi ne, %get3A_727, %ne3A_729 : vector<16xi32>
      tpu.vector_store_idx %arg6[%get3A_725], %get3A_727 masked %ne3A_730 {add = true} : memref<33600xi32, #tpu.memory_space<vmem>>[vector<16xi32>], vector<16xi32>, vector<16xi1>
      %get3A_731 = arith.constant 1664 : index
      %get3A_732 = tpu.vector_load %arg7[%get3A_731] {strides = array<i32>} : memref<2560xi32, #tpu.memory_space<vmem>>, vector<16xi32>,
      %get3A_733 = arith.constant 1664 : index
      %get3A_734 = tpu.vector_load %arg8[%get3A_733] {strides = array<i32>} : memref<2560xi32, #tpu.memory_space<vmem>>, vector<16xi32>,
      %ne3A_735 = arith.constant 0 : i32
      %ne3A_736 = vector.broadcast %ne3A_735 : i32 to vector<16xi32>
      %ne3A_737 = arith.cmpi ne, %get3A_734, %ne3A_736 : vector<16xi32>
      tpu.vector_store_idx %arg6[%get3A_732], %get3A_734 masked %ne3A_737 {add = true} : memref<33600xi32, #tpu.memory_space<vmem>>[vector<16xi32>], vector<16xi32>, vector<16xi1>
      %get3A_738 = arith.constant 1680 : index
      %get3A_739 = tpu.vector_load %arg7[%get3A_738] {strides = array<i32>} : memref<2560xi32, #tpu.memory_space<vmem>>, vector<16xi32>,
      %get3A_740 = arith.constant 1680 : index
      %get3A_741 = tpu.vector_load %arg8[%get3A_740] {strides = array<i32>} : memref<2560xi32, #tpu.memory_space<vmem>>, vector<16xi32>,
      %ne3A_742 = arith.constant 0 : i32
      %ne3A_743 = vector.broadcast %ne3A_742 : i32 to vector<16xi32>
      %ne3A_744 = arith.cmpi ne, %get3A_741, %ne3A_743 : vector<16xi32>
      tpu.vector_store_idx %arg6[%get3A_739], %get3A_741 masked %ne3A_744 {add = true} : memref<33600xi32, #tpu.memory_space<vmem>>[vector<16xi32>], vector<16xi32>, vector<16xi1>
      %get3A_745 = arith.constant 1696 : index
      %get3A_746 = tpu.vector_load %arg7[%get3A_745] {strides = array<i32>} : memref<2560xi32, #tpu.memory_space<vmem>>, vector<16xi32>,
      %get3A_747 = arith.constant 1696 : index
      %get3A_748 = tpu.vector_load %arg8[%get3A_747] {strides = array<i32>} : memref<2560xi32, #tpu.memory_space<vmem>>, vector<16xi32>,
      %ne3A_749 = arith.constant 0 : i32
      %ne3A_750 = vector.broadcast %ne3A_749 : i32 to vector<16xi32>
      %ne3A_751 = arith.cmpi ne, %get3A_748, %ne3A_750 : vector<16xi32>
      tpu.vector_store_idx %arg6[%get3A_746], %get3A_748 masked %ne3A_751 {add = true} : memref<33600xi32, #tpu.memory_space<vmem>>[vector<16xi32>], vector<16xi32>, vector<16xi1>
      %get3A_752 = arith.constant 1712 : index
      %get3A_753 = tpu.vector_load %arg7[%get3A_752] {strides = array<i32>} : memref<2560xi32, #tpu.memory_space<vmem>>, vector<16xi32>,
      %get3A_754 = arith.constant 1712 : index
      %get3A_755 = tpu.vector_load %arg8[%get3A_754] {strides = array<i32>} : memref<2560xi32, #tpu.memory_space<vmem>>, vector<16xi32>,
      %ne3A_756 = arith.constant 0 : i32
      %ne3A_757 = vector.broadcast %ne3A_756 : i32 to vector<16xi32>
      %ne3A_758 = arith.cmpi ne, %get3A_755, %ne3A_757 : vector<16xi32>
      tpu.vector_store_idx %arg6[%get3A_753], %get3A_755 masked %ne3A_758 {add = true} : memref<33600xi32, #tpu.memory_space<vmem>>[vector<16xi32>], vector<16xi32>, vector<16xi1>
      %get3A_759 = arith.constant 1728 : index
      %get3A_760 = tpu.vector_load %arg7[%get3A_759] {strides = array<i32>} : memref<2560xi32, #tpu.memory_space<vmem>>, vector<16xi32>,
      %get3A_761 = arith.constant 1728 : index
      %get3A_762 = tpu.vector_load %arg8[%get3A_761] {strides = array<i32>} : memref<2560xi32, #tpu.memory_space<vmem>>, vector<16xi32>,
      %ne3A_763 = arith.constant 0 : i32
      %ne3A_764 = vector.broadcast %ne3A_763 : i32 to vector<16xi32>
      %ne3A_765 = arith.cmpi ne, %get3A_762, %ne3A_764 : vector<16xi32>
      tpu.vector_store_idx %arg6[%get3A_760], %get3A_762 masked %ne3A_765 {add = true} : memref<33600xi32, #tpu.memory_space<vmem>>[vector<16xi32>], vector<16xi32>, vector<16xi1>
      %get3A_766 = arith.constant 1744 : index
      %get3A_767 = tpu.vector_load %arg7[%get3A_766] {strides = array<i32>} : memref<2560xi32, #tpu.memory_space<vmem>>, vector<16xi32>,
      %get3A_768 = arith.constant 1744 : index
      %get3A_769 = tpu.vector_load %arg8[%get3A_768] {strides = array<i32>} : memref<2560xi32, #tpu.memory_space<vmem>>, vector<16xi32>,
      %ne3A_770 = arith.constant 0 : i32
      %ne3A_771 = vector.broadcast %ne3A_770 : i32 to vector<16xi32>
      %ne3A_772 = arith.cmpi ne, %get3A_769, %ne3A_771 : vector<16xi32>
      tpu.vector_store_idx %arg6[%get3A_767], %get3A_769 masked %ne3A_772 {add = true} : memref<33600xi32, #tpu.memory_space<vmem>>[vector<16xi32>], vector<16xi32>, vector<16xi1>
      %get3A_773 = arith.constant 1760 : index
      %get3A_774 = tpu.vector_load %arg7[%get3A_773] {strides = array<i32>} : memref<2560xi32, #tpu.memory_space<vmem>>, vector<16xi32>,
      %get3A_775 = arith.constant 1760 : index
      %get3A_776 = tpu.vector_load %arg8[%get3A_775] {strides = array<i32>} : memref<2560xi32, #tpu.memory_space<vmem>>, vector<16xi32>,
      %ne3A_777 = arith.constant 0 : i32
      %ne3A_778 = vector.broadcast %ne3A_777 : i32 to vector<16xi32>
      %ne3A_779 = arith.cmpi ne, %get3A_776, %ne3A_778 : vector<16xi32>
      tpu.vector_store_idx %arg6[%get3A_774], %get3A_776 masked %ne3A_779 {add = true} : memref<33600xi32, #tpu.memory_space<vmem>>[vector<16xi32>], vector<16xi32>, vector<16xi1>
      %get3A_780 = arith.constant 1776 : index
      %get3A_781 = tpu.vector_load %arg7[%get3A_780] {strides = array<i32>} : memref<2560xi32, #tpu.memory_space<vmem>>, vector<16xi32>,
      %get3A_782 = arith.constant 1776 : index
      %get3A_783 = tpu.vector_load %arg8[%get3A_782] {strides = array<i32>} : memref<2560xi32, #tpu.memory_space<vmem>>, vector<16xi32>,
      %ne3A_784 = arith.constant 0 : i32
      %ne3A_785 = vector.broadcast %ne3A_784 : i32 to vector<16xi32>
      %ne3A_786 = arith.cmpi ne, %get3A_783, %ne3A_785 : vector<16xi32>
      tpu.vector_store_idx %arg6[%get3A_781], %get3A_783 masked %ne3A_786 {add = true} : memref<33600xi32, #tpu.memory_space<vmem>>[vector<16xi32>], vector<16xi32>, vector<16xi1>
      %get3A_787 = arith.constant 1792 : index
      %get3A_788 = tpu.vector_load %arg7[%get3A_787] {strides = array<i32>} : memref<2560xi32, #tpu.memory_space<vmem>>, vector<16xi32>,
      %get3A_789 = arith.constant 1792 : index
      %get3A_790 = tpu.vector_load %arg8[%get3A_789] {strides = array<i32>} : memref<2560xi32, #tpu.memory_space<vmem>>, vector<16xi32>,
      %ne3A_791 = arith.constant 0 : i32
      %ne3A_792 = vector.broadcast %ne3A_791 : i32 to vector<16xi32>
      %ne3A_793 = arith.cmpi ne, %get3A_790, %ne3A_792 : vector<16xi32>
      tpu.vector_store_idx %arg6[%get3A_788], %get3A_790 masked %ne3A_793 {add = true} : memref<33600xi32, #tpu.memory_space<vmem>>[vector<16xi32>], vector<16xi32>, vector<16xi1>
      %get3A_794 = arith.constant 1808 : index
      %get3A_795 = tpu.vector_load %arg7[%get3A_794] {strides = array<i32>} : memref<2560xi32, #tpu.memory_space<vmem>>, vector<16xi32>,
      %get3A_796 = arith.constant 1808 : index
      %get3A_797 = tpu.vector_load %arg8[%get3A_796] {strides = array<i32>} : memref<2560xi32, #tpu.memory_space<vmem>>, vector<16xi32>,
      %ne3A_798 = arith.constant 0 : i32
      %ne3A_799 = vector.broadcast %ne3A_798 : i32 to vector<16xi32>
      %ne3A_800 = arith.cmpi ne, %get3A_797, %ne3A_799 : vector<16xi32>
      tpu.vector_store_idx %arg6[%get3A_795], %get3A_797 masked %ne3A_800 {add = true} : memref<33600xi32, #tpu.memory_space<vmem>>[vector<16xi32>], vector<16xi32>, vector<16xi1>
      %get3A_801 = arith.constant 1824 : index
      %get3A_802 = tpu.vector_load %arg7[%get3A_801] {strides = array<i32>} : memref<2560xi32, #tpu.memory_space<vmem>>, vector<16xi32>,
      %get3A_803 = arith.constant 1824 : index
      %get3A_804 = tpu.vector_load %arg8[%get3A_803] {strides = array<i32>} : memref<2560xi32, #tpu.memory_space<vmem>>, vector<16xi32>,
      %ne3A_805 = arith.constant 0 : i32
      %ne3A_806 = vector.broadcast %ne3A_805 : i32 to vector<16xi32>
      %ne3A_807 = arith.cmpi ne, %get3A_804, %ne3A_806 : vector<16xi32>
      tpu.vector_store_idx %arg6[%get3A_802], %get3A_804 masked %ne3A_807 {add = true} : memref<33600xi32, #tpu.memory_space<vmem>>[vector<16xi32>], vector<16xi32>, vector<16xi1>
      %get3A_808 = arith.constant 1840 : index
      %get3A_809 = tpu.vector_load %arg7[%get3A_808] {strides = array<i32>} : memref<2560xi32, #tpu.memory_space<vmem>>, vector<16xi32>,
      %get3A_810 = arith.constant 1840 : index
      %get3A_811 = tpu.vector_load %arg8[%get3A_810] {strides = array<i32>} : memref<2560xi32, #tpu.memory_space<vmem>>, vector<16xi32>,
      %ne3A_812 = arith.constant 0 : i32
      %ne3A_813 = vector.broadcast %ne3A_812 : i32 to vector<16xi32>
      %ne3A_814 = arith.cmpi ne, %get3A_811, %ne3A_813 : vector<16xi32>
      tpu.vector_store_idx %arg6[%get3A_809], %get3A_811 masked %ne3A_814 {add = true} : memref<33600xi32, #tpu.memory_space<vmem>>[vector<16xi32>], vector<16xi32>, vector<16xi1>
      %get3A_815 = arith.constant 1856 : index
      %get3A_816 = tpu.vector_load %arg7[%get3A_815] {strides = array<i32>} : memref<2560xi32, #tpu.memory_space<vmem>>, vector<16xi32>,
      %get3A_817 = arith.constant 1856 : index
      %get3A_818 = tpu.vector_load %arg8[%get3A_817] {strides = array<i32>} : memref<2560xi32, #tpu.memory_space<vmem>>, vector<16xi32>,
      %ne3A_819 = arith.constant 0 : i32
      %ne3A_820 = vector.broadcast %ne3A_819 : i32 to vector<16xi32>
      %ne3A_821 = arith.cmpi ne, %get3A_818, %ne3A_820 : vector<16xi32>
      tpu.vector_store_idx %arg6[%get3A_816], %get3A_818 masked %ne3A_821 {add = true} : memref<33600xi32, #tpu.memory_space<vmem>>[vector<16xi32>], vector<16xi32>, vector<16xi1>
      %get3A_822 = arith.constant 1872 : index
      %get3A_823 = tpu.vector_load %arg7[%get3A_822] {strides = array<i32>} : memref<2560xi32, #tpu.memory_space<vmem>>, vector<16xi32>,
      %get3A_824 = arith.constant 1872 : index
      %get3A_825 = tpu.vector_load %arg8[%get3A_824] {strides = array<i32>} : memref<2560xi32, #tpu.memory_space<vmem>>, vector<16xi32>,
      %ne3A_826 = arith.constant 0 : i32
      %ne3A_827 = vector.broadcast %ne3A_826 : i32 to vector<16xi32>
      %ne3A_828 = arith.cmpi ne, %get3A_825, %ne3A_827 : vector<16xi32>
      tpu.vector_store_idx %arg6[%get3A_823], %get3A_825 masked %ne3A_828 {add = true} : memref<33600xi32, #tpu.memory_space<vmem>>[vector<16xi32>], vector<16xi32>, vector<16xi1>
      %get3A_829 = arith.constant 1888 : index
      %get3A_830 = tpu.vector_load %arg7[%get3A_829] {strides = array<i32>} : memref<2560xi32, #tpu.memory_space<vmem>>, vector<16xi32>,
      %get3A_831 = arith.constant 1888 : index
      %get3A_832 = tpu.vector_load %arg8[%get3A_831] {strides = array<i32>} : memref<2560xi32, #tpu.memory_space<vmem>>, vector<16xi32>,
      %ne3A_833 = arith.constant 0 : i32
      %ne3A_834 = vector.broadcast %ne3A_833 : i32 to vector<16xi32>
      %ne3A_835 = arith.cmpi ne, %get3A_832, %ne3A_834 : vector<16xi32>
      tpu.vector_store_idx %arg6[%get3A_830], %get3A_832 masked %ne3A_835 {add = true} : memref<33600xi32, #tpu.memory_space<vmem>>[vector<16xi32>], vector<16xi32>, vector<16xi1>
      %get3A_836 = arith.constant 1904 : index
      %get3A_837 = tpu.vector_load %arg7[%get3A_836] {strides = array<i32>} : memref<2560xi32, #tpu.memory_space<vmem>>, vector<16xi32>,
      %get3A_838 = arith.constant 1904 : index
      %get3A_839 = tpu.vector_load %arg8[%get3A_838] {strides = array<i32>} : memref<2560xi32, #tpu.memory_space<vmem>>, vector<16xi32>,
      %ne3A_840 = arith.constant 0 : i32
      %ne3A_841 = vector.broadcast %ne3A_840 : i32 to vector<16xi32>
      %ne3A_842 = arith.cmpi ne, %get3A_839, %ne3A_841 : vector<16xi32>
      tpu.vector_store_idx %arg6[%get3A_837], %get3A_839 masked %ne3A_842 {add = true} : memref<33600xi32, #tpu.memory_space<vmem>>[vector<16xi32>], vector<16xi32>, vector<16xi1>
      %get3A_843 = arith.constant 1920 : index
      %get3A_844 = tpu.vector_load %arg7[%get3A_843] {strides = array<i32>} : memref<2560xi32, #tpu.memory_space<vmem>>, vector<16xi32>,
      %get3A_845 = arith.constant 1920 : index
      %get3A_846 = tpu.vector_load %arg8[%get3A_845] {strides = array<i32>} : memref<2560xi32, #tpu.memory_space<vmem>>, vector<16xi32>,
      %ne3A_847 = arith.constant 0 : i32
      %ne3A_848 = vector.broadcast %ne3A_847 : i32 to vector<16xi32>
      %ne3A_849 = arith.cmpi ne, %get3A_846, %ne3A_848 : vector<16xi32>
      tpu.vector_store_idx %arg6[%get3A_844], %get3A_846 masked %ne3A_849 {add = true} : memref<33600xi32, #tpu.memory_space<vmem>>[vector<16xi32>], vector<16xi32>, vector<16xi1>
      %get3A_850 = arith.constant 1936 : index
      %get3A_851 = tpu.vector_load %arg7[%get3A_850] {strides = array<i32>} : memref<2560xi32, #tpu.memory_space<vmem>>, vector<16xi32>,
      %get3A_852 = arith.constant 1936 : index
      %get3A_853 = tpu.vector_load %arg8[%get3A_852] {strides = array<i32>} : memref<2560xi32, #tpu.memory_space<vmem>>, vector<16xi32>,
      %ne3A_854 = arith.constant 0 : i32
      %ne3A_855 = vector.broadcast %ne3A_854 : i32 to vector<16xi32>
      %ne3A_856 = arith.cmpi ne, %get3A_853, %ne3A_855 : vector<16xi32>
      tpu.vector_store_idx %arg6[%get3A_851], %get3A_853 masked %ne3A_856 {add = true} : memref<33600xi32, #tpu.memory_space<vmem>>[vector<16xi32>], vector<16xi32>, vector<16xi1>
      %get3A_857 = arith.constant 1952 : index
      %get3A_858 = tpu.vector_load %arg7[%get3A_857] {strides = array<i32>} : memref<2560xi32, #tpu.memory_space<vmem>>, vector<16xi32>,
      %get3A_859 = arith.constant 1952 : index
      %get3A_860 = tpu.vector_load %arg8[%get3A_859] {strides = array<i32>} : memref<2560xi32, #tpu.memory_space<vmem>>, vector<16xi32>,
      %ne3A_861 = arith.constant 0 : i32
      %ne3A_862 = vector.broadcast %ne3A_861 : i32 to vector<16xi32>
      %ne3A_863 = arith.cmpi ne, %get3A_860, %ne3A_862 : vector<16xi32>
      tpu.vector_store_idx %arg6[%get3A_858], %get3A_860 masked %ne3A_863 {add = true} : memref<33600xi32, #tpu.memory_space<vmem>>[vector<16xi32>], vector<16xi32>, vector<16xi1>
      %get3A_864 = arith.constant 1968 : index
      %get3A_865 = tpu.vector_load %arg7[%get3A_864] {strides = array<i32>} : memref<2560xi32, #tpu.memory_space<vmem>>, vector<16xi32>,
      %get3A_866 = arith.constant 1968 : index
      %get3A_867 = tpu.vector_load %arg8[%get3A_866] {strides = array<i32>} : memref<2560xi32, #tpu.memory_space<vmem>>, vector<16xi32>,
      %ne3A_868 = arith.constant 0 : i32
      %ne3A_869 = vector.broadcast %ne3A_868 : i32 to vector<16xi32>
      %ne3A_870 = arith.cmpi ne, %get3A_867, %ne3A_869 : vector<16xi32>
      tpu.vector_store_idx %arg6[%get3A_865], %get3A_867 masked %ne3A_870 {add = true} : memref<33600xi32, #tpu.memory_space<vmem>>[vector<16xi32>], vector<16xi32>, vector<16xi1>
      %get3A_871 = arith.constant 1984 : index
      %get3A_872 = tpu.vector_load %arg7[%get3A_871] {strides = array<i32>} : memref<2560xi32, #tpu.memory_space<vmem>>, vector<16xi32>,
      %get3A_873 = arith.constant 1984 : index
      %get3A_874 = tpu.vector_load %arg8[%get3A_873] {strides = array<i32>} : memref<2560xi32, #tpu.memory_space<vmem>>, vector<16xi32>,
      %ne3A_875 = arith.constant 0 : i32
      %ne3A_876 = vector.broadcast %ne3A_875 : i32 to vector<16xi32>
      %ne3A_877 = arith.cmpi ne, %get3A_874, %ne3A_876 : vector<16xi32>
      tpu.vector_store_idx %arg6[%get3A_872], %get3A_874 masked %ne3A_877 {add = true} : memref<33600xi32, #tpu.memory_space<vmem>>[vector<16xi32>], vector<16xi32>, vector<16xi1>
      %get3A_878 = arith.constant 2000 : index
      %get3A_879 = tpu.vector_load %arg7[%get3A_878] {strides = array<i32>} : memref<2560xi32, #tpu.memory_space<vmem>>, vector<16xi32>,
      %get3A_880 = arith.constant 2000 : index
      %get3A_881 = tpu.vector_load %arg8[%get3A_880] {strides = array<i32>} : memref<2560xi32, #tpu.memory_space<vmem>>, vector<16xi32>,
      %ne3A_882 = arith.constant 0 : i32
      %ne3A_883 = vector.broadcast %ne3A_882 : i32 to vector<16xi32>
      %ne3A_884 = arith.cmpi ne, %get3A_881, %ne3A_883 : vector<16xi32>
      tpu.vector_store_idx %arg6[%get3A_879], %get3A_881 masked %ne3A_884 {add = true} : memref<33600xi32, #tpu.memory_space<vmem>>[vector<16xi32>], vector<16xi32>, vector<16xi1>
      %get3A_885 = arith.constant 2016 : index
      %get3A_886 = tpu.vector_load %arg7[%get3A_885] {strides = array<i32>} : memref<2560xi32, #tpu.memory_space<vmem>>, vector<16xi32>,
      %get3A_887 = arith.constant 2016 : index
      %get3A_888 = tpu.vector_load %arg8[%get3A_887] {strides = array<i32>} : memref<2560xi32, #tpu.memory_space<vmem>>, vector<16xi32>,
      %ne3A_889 = arith.constant 0 : i32
      %ne3A_890 = vector.broadcast %ne3A_889 : i32 to vector<16xi32>
      %ne3A_891 = arith.cmpi ne, %get3A_888, %ne3A_890 : vector<16xi32>
      tpu.vector_store_idx %arg6[%get3A_886], %get3A_888 masked %ne3A_891 {add = true} : memref<33600xi32, #tpu.memory_space<vmem>>[vector<16xi32>], vector<16xi32>, vector<16xi1>
      %get3A_892 = arith.constant 2032 : index
      %get3A_893 = tpu.vector_load %arg7[%get3A_892] {strides = array<i32>} : memref<2560xi32, #tpu.memory_space<vmem>>, vector<16xi32>,
      %get3A_894 = arith.constant 2032 : index
      %get3A_895 = tpu.vector_load %arg8[%get3A_894] {strides = array<i32>} : memref<2560xi32, #tpu.memory_space<vmem>>, vector<16xi32>,
      %ne3A_896 = arith.constant 0 : i32
      %ne3A_897 = vector.broadcast %ne3A_896 : i32 to vector<16xi32>
      %ne3A_898 = arith.cmpi ne, %get3A_895, %ne3A_897 : vector<16xi32>
      tpu.vector_store_idx %arg6[%get3A_893], %get3A_895 masked %ne3A_898 {add = true} : memref<33600xi32, #tpu.memory_space<vmem>>[vector<16xi32>], vector<16xi32>, vector<16xi1>
      %get3A_899 = arith.constant 2048 : index
      %get3A_900 = tpu.vector_load %arg7[%get3A_899] {strides = array<i32>} : memref<2560xi32, #tpu.memory_space<vmem>>, vector<16xi32>,
      %get3A_901 = arith.constant 2048 : index
      %get3A_902 = tpu.vector_load %arg8[%get3A_901] {strides = array<i32>} : memref<2560xi32, #tpu.memory_space<vmem>>, vector<16xi32>,
      %ne3A_903 = arith.constant 0 : i32
      %ne3A_904 = vector.broadcast %ne3A_903 : i32 to vector<16xi32>
      %ne3A_905 = arith.cmpi ne, %get3A_902, %ne3A_904 : vector<16xi32>
      tpu.vector_store_idx %arg6[%get3A_900], %get3A_902 masked %ne3A_905 {add = true} : memref<33600xi32, #tpu.memory_space<vmem>>[vector<16xi32>], vector<16xi32>, vector<16xi1>
      %get3A_906 = arith.constant 2064 : index
      %get3A_907 = tpu.vector_load %arg7[%get3A_906] {strides = array<i32>} : memref<2560xi32, #tpu.memory_space<vmem>>, vector<16xi32>,
      %get3A_908 = arith.constant 2064 : index
      %get3A_909 = tpu.vector_load %arg8[%get3A_908] {strides = array<i32>} : memref<2560xi32, #tpu.memory_space<vmem>>, vector<16xi32>,
      %ne3A_910 = arith.constant 0 : i32
      %ne3A_911 = vector.broadcast %ne3A_910 : i32 to vector<16xi32>
      %ne3A_912 = arith.cmpi ne, %get3A_909, %ne3A_911 : vector<16xi32>
      tpu.vector_store_idx %arg6[%get3A_907], %get3A_909 masked %ne3A_912 {add = true} : memref<33600xi32, #tpu.memory_space<vmem>>[vector<16xi32>], vector<16xi32>, vector<16xi1>
      %get3A_913 = arith.constant 2080 : index
      %get3A_914 = tpu.vector_load %arg7[%get3A_913] {strides = array<i32>} : memref<2560xi32, #tpu.memory_space<vmem>>, vector<16xi32>,
      %get3A_915 = arith.constant 2080 : index
      %get3A_916 = tpu.vector_load %arg8[%get3A_915] {strides = array<i32>} : memref<2560xi32, #tpu.memory_space<vmem>>, vector<16xi32>,
      %ne3A_917 = arith.constant 0 : i32
      %ne3A_918 = vector.broadcast %ne3A_917 : i32 to vector<16xi32>
      %ne3A_919 = arith.cmpi ne, %get3A_916, %ne3A_918 : vector<16xi32>
      tpu.vector_store_idx %arg6[%get3A_914], %get3A_916 masked %ne3A_919 {add = true} : memref<33600xi32, #tpu.memory_space<vmem>>[vector<16xi32>], vector<16xi32>, vector<16xi1>
      %get3A_920 = arith.constant 2096 : index
      %get3A_921 = tpu.vector_load %arg7[%get3A_920] {strides = array<i32>} : memref<2560xi32, #tpu.memory_space<vmem>>, vector<16xi32>,
      %get3A_922 = arith.constant 2096 : index
      %get3A_923 = tpu.vector_load %arg8[%get3A_922] {strides = array<i32>} : memref<2560xi32, #tpu.memory_space<vmem>>, vector<16xi32>,
      %ne3A_924 = arith.constant 0 : i32
      %ne3A_925 = vector.broadcast %ne3A_924 : i32 to vector<16xi32>
      %ne3A_926 = arith.cmpi ne, %get3A_923, %ne3A_925 : vector<16xi32>
      tpu.vector_store_idx %arg6[%get3A_921], %get3A_923 masked %ne3A_926 {add = true} : memref<33600xi32, #tpu.memory_space<vmem>>[vector<16xi32>], vector<16xi32>, vector<16xi1>
      %get3A_927 = arith.constant 2112 : index
      %get3A_928 = tpu.vector_load %arg7[%get3A_927] {strides = array<i32>} : memref<2560xi32, #tpu.memory_space<vmem>>, vector<16xi32>,
      %get3A_929 = arith.constant 2112 : index
      %get3A_930 = tpu.vector_load %arg8[%get3A_929] {strides = array<i32>} : memref<2560xi32, #tpu.memory_space<vmem>>, vector<16xi32>,
      %ne3A_931 = arith.constant 0 : i32
      %ne3A_932 = vector.broadcast %ne3A_931 : i32 to vector<16xi32>
      %ne3A_933 = arith.cmpi ne, %get3A_930, %ne3A_932 : vector<16xi32>
      tpu.vector_store_idx %arg6[%get3A_928], %get3A_930 masked %ne3A_933 {add = true} : memref<33600xi32, #tpu.memory_space<vmem>>[vector<16xi32>], vector<16xi32>, vector<16xi1>
      %get3A_934 = arith.constant 2128 : index
      %get3A_935 = tpu.vector_load %arg7[%get3A_934] {strides = array<i32>} : memref<2560xi32, #tpu.memory_space<vmem>>, vector<16xi32>,
      %get3A_936 = arith.constant 2128 : index
      %get3A_937 = tpu.vector_load %arg8[%get3A_936] {strides = array<i32>} : memref<2560xi32, #tpu.memory_space<vmem>>, vector<16xi32>,
      %ne3A_938 = arith.constant 0 : i32
      %ne3A_939 = vector.broadcast %ne3A_938 : i32 to vector<16xi32>
      %ne3A_940 = arith.cmpi ne, %get3A_937, %ne3A_939 : vector<16xi32>
      tpu.vector_store_idx %arg6[%get3A_935], %get3A_937 masked %ne3A_940 {add = true} : memref<33600xi32, #tpu.memory_space<vmem>>[vector<16xi32>], vector<16xi32>, vector<16xi1>
      %get3A_941 = arith.constant 2144 : index
      %get3A_942 = tpu.vector_load %arg7[%get3A_941] {strides = array<i32>} : memref<2560xi32, #tpu.memory_space<vmem>>, vector<16xi32>,
      %get3A_943 = arith.constant 2144 : index
      %get3A_944 = tpu.vector_load %arg8[%get3A_943] {strides = array<i32>} : memref<2560xi32, #tpu.memory_space<vmem>>, vector<16xi32>,
      %ne3A_945 = arith.constant 0 : i32
      %ne3A_946 = vector.broadcast %ne3A_945 : i32 to vector<16xi32>
      %ne3A_947 = arith.cmpi ne, %get3A_944, %ne3A_946 : vector<16xi32>
      tpu.vector_store_idx %arg6[%get3A_942], %get3A_944 masked %ne3A_947 {add = true} : memref<33600xi32, #tpu.memory_space<vmem>>[vector<16xi32>], vector<16xi32>, vector<16xi1>
      %get3A_948 = arith.constant 2160 : index
      %get3A_949 = tpu.vector_load %arg7[%get3A_948] {strides = array<i32>} : memref<2560xi32, #tpu.memory_space<vmem>>, vector<16xi32>,
      %get3A_950 = arith.constant 2160 : index
      %get3A_951 = tpu.vector_load %arg8[%get3A_950] {strides = array<i32>} : memref<2560xi32, #tpu.memory_space<vmem>>, vector<16xi32>,
      %ne3A_952 = arith.constant 0 : i32
      %ne3A_953 = vector.broadcast %ne3A_952 : i32 to vector<16xi32>
      %ne3A_954 = arith.cmpi ne, %get3A_951, %ne3A_953 : vector<16xi32>
      tpu.vector_store_idx %arg6[%get3A_949], %get3A_951 masked %ne3A_954 {add = true} : memref<33600xi32, #tpu.memory_space<vmem>>[vector<16xi32>], vector<16xi32>, vector<16xi1>
      %get3A_955 = arith.constant 2176 : index
      %get3A_956 = tpu.vector_load %arg7[%get3A_955] {strides = array<i32>} : memref<2560xi32, #tpu.memory_space<vmem>>, vector<16xi32>,
      %get3A_957 = arith.constant 2176 : index
      %get3A_958 = tpu.vector_load %arg8[%get3A_957] {strides = array<i32>} : memref<2560xi32, #tpu.memory_space<vmem>>, vector<16xi32>,
      %ne3A_959 = arith.constant 0 : i32
      %ne3A_960 = vector.broadcast %ne3A_959 : i32 to vector<16xi32>
      %ne3A_961 = arith.cmpi ne, %get3A_958, %ne3A_960 : vector<16xi32>
      tpu.vector_store_idx %arg6[%get3A_956], %get3A_958 masked %ne3A_961 {add = true} : memref<33600xi32, #tpu.memory_space<vmem>>[vector<16xi32>], vector<16xi32>, vector<16xi1>
      %get3A_962 = arith.constant 2192 : index
      %get3A_963 = tpu.vector_load %arg7[%get3A_962] {strides = array<i32>} : memref<2560xi32, #tpu.memory_space<vmem>>, vector<16xi32>,
      %get3A_964 = arith.constant 2192 : index
      %get3A_965 = tpu.vector_load %arg8[%get3A_964] {strides = array<i32>} : memref<2560xi32, #tpu.memory_space<vmem>>, vector<16xi32>,
      %ne3A_966 = arith.constant 0 : i32
      %ne3A_967 = vector.broadcast %ne3A_966 : i32 to vector<16xi32>
      %ne3A_968 = arith.cmpi ne, %get3A_965, %ne3A_967 : vector<16xi32>
      tpu.vector_store_idx %arg6[%get3A_963], %get3A_965 masked %ne3A_968 {add = true} : memref<33600xi32, #tpu.memory_space<vmem>>[vector<16xi32>], vector<16xi32>, vector<16xi1>
      %get3A_969 = arith.constant 2208 : index
      %get3A_970 = tpu.vector_load %arg7[%get3A_969] {strides = array<i32>} : memref<2560xi32, #tpu.memory_space<vmem>>, vector<16xi32>,
      %get3A_971 = arith.constant 2208 : index
      %get3A_972 = tpu.vector_load %arg8[%get3A_971] {strides = array<i32>} : memref<2560xi32, #tpu.memory_space<vmem>>, vector<16xi32>,
      %ne3A_973 = arith.constant 0 : i32
      %ne3A_974 = vector.broadcast %ne3A_973 : i32 to vector<16xi32>
      %ne3A_975 = arith.cmpi ne, %get3A_972, %ne3A_974 : vector<16xi32>
      tpu.vector_store_idx %arg6[%get3A_970], %get3A_972 masked %ne3A_975 {add = true} : memref<33600xi32, #tpu.memory_space<vmem>>[vector<16xi32>], vector<16xi32>, vector<16xi1>
      %get3A_976 = arith.constant 2224 : index
      %get3A_977 = tpu.vector_load %arg7[%get3A_976] {strides = array<i32>} : memref<2560xi32, #tpu.memory_space<vmem>>, vector<16xi32>,
      %get3A_978 = arith.constant 2224 : index
      %get3A_979 = tpu.vector_load %arg8[%get3A_978] {strides = array<i32>} : memref<2560xi32, #tpu.memory_space<vmem>>, vector<16xi32>,
      %ne3A_980 = arith.constant 0 : i32
      %ne3A_981 = vector.broadcast %ne3A_980 : i32 to vector<16xi32>
      %ne3A_982 = arith.cmpi ne, %get3A_979, %ne3A_981 : vector<16xi32>
      tpu.vector_store_idx %arg6[%get3A_977], %get3A_979 masked %ne3A_982 {add = true} : memref<33600xi32, #tpu.memory_space<vmem>>[vector<16xi32>], vector<16xi32>, vector<16xi1>
      %get3A_983 = arith.constant 2240 : index
      %get3A_984 = tpu.vector_load %arg7[%get3A_983] {strides = array<i32>} : memref<2560xi32, #tpu.memory_space<vmem>>, vector<16xi32>,
      %get3A_985 = arith.constant 2240 : index
      %get3A_986 = tpu.vector_load %arg8[%get3A_985] {strides = array<i32>} : memref<2560xi32, #tpu.memory_space<vmem>>, vector<16xi32>,
      %ne3A_987 = arith.constant 0 : i32
      %ne3A_988 = vector.broadcast %ne3A_987 : i32 to vector<16xi32>
      %ne3A_989 = arith.cmpi ne, %get3A_986, %ne3A_988 : vector<16xi32>
      tpu.vector_store_idx %arg6[%get3A_984], %get3A_986 masked %ne3A_989 {add = true} : memref<33600xi32, #tpu.memory_space<vmem>>[vector<16xi32>], vector<16xi32>, vector<16xi1>
      %get3A_990 = arith.constant 2256 : index
      %get3A_991 = tpu.vector_load %arg7[%get3A_990] {strides = array<i32>} : memref<2560xi32, #tpu.memory_space<vmem>>, vector<16xi32>,
      %get3A_992 = arith.constant 2256 : index
      %get3A_993 = tpu.vector_load %arg8[%get3A_992] {strides = array<i32>} : memref<2560xi32, #tpu.memory_space<vmem>>, vector<16xi32>,
      %ne3A_994 = arith.constant 0 : i32
      %ne3A_995 = vector.broadcast %ne3A_994 : i32 to vector<16xi32>
      %ne3A_996 = arith.cmpi ne, %get3A_993, %ne3A_995 : vector<16xi32>
      tpu.vector_store_idx %arg6[%get3A_991], %get3A_993 masked %ne3A_996 {add = true} : memref<33600xi32, #tpu.memory_space<vmem>>[vector<16xi32>], vector<16xi32>, vector<16xi1>
      %get3A_997 = arith.constant 2272 : index
      %get3A_998 = tpu.vector_load %arg7[%get3A_997] {strides = array<i32>} : memref<2560xi32, #tpu.memory_space<vmem>>, vector<16xi32>,
      %get3A_999 = arith.constant 2272 : index
      %get3A_1000 = tpu.vector_load %arg8[%get3A_999] {strides = array<i32>} : memref<2560xi32, #tpu.memory_space<vmem>>, vector<16xi32>,
      %ne3A_1001 = arith.constant 0 : i32
      %ne3A_1002 = vector.broadcast %ne3A_1001 : i32 to vector<16xi32>
      %ne3A_1003 = arith.cmpi ne, %get3A_1000, %ne3A_1002 : vector<16xi32>
      tpu.vector_store_idx %arg6[%get3A_998], %get3A_1000 masked %ne3A_1003 {add = true} : memref<33600xi32, #tpu.memory_space<vmem>>[vector<16xi32>], vector<16xi32>, vector<16xi1>
      %get3A_1004 = arith.constant 2288 : index
      %get3A_1005 = tpu.vector_load %arg7[%get3A_1004] {strides = array<i32>} : memref<2560xi32, #tpu.memory_space<vmem>>, vector<16xi32>,
      %get3A_1006 = arith.constant 2288 : index
      %get3A_1007 = tpu.vector_load %arg8[%get3A_1006] {strides = array<i32>} : memref<2560xi32, #tpu.memory_space<vmem>>, vector<16xi32>,
      %ne3A_1008 = arith.constant 0 : i32
      %ne3A_1009 = vector.broadcast %ne3A_1008 : i32 to vector<16xi32>
      %ne3A_1010 = arith.cmpi ne, %get3A_1007, %ne3A_1009 : vector<16xi32>
      tpu.vector_store_idx %arg6[%get3A_1005], %get3A_1007 masked %ne3A_1010 {add = true} : memref<33600xi32, #tpu.memory_space<vmem>>[vector<16xi32>], vector<16xi32>, vector<16xi1>
      %get3A_1011 = arith.constant 2304 : index
      %get3A_1012 = tpu.vector_load %arg7[%get3A_1011] {strides = array<i32>} : memref<2560xi32, #tpu.memory_space<vmem>>, vector<16xi32>,
      %get3A_1013 = arith.constant 2304 : index
      %get3A_1014 = tpu.vector_load %arg8[%get3A_1013] {strides = array<i32>} : memref<2560xi32, #tpu.memory_space<vmem>>, vector<16xi32>,
      %ne3A_1015 = arith.constant 0 : i32
      %ne3A_1016 = vector.broadcast %ne3A_1015 : i32 to vector<16xi32>
      %ne3A_1017 = arith.cmpi ne, %get3A_1014, %ne3A_1016 : vector<16xi32>
      tpu.vector_store_idx %arg6[%get3A_1012], %get3A_1014 masked %ne3A_1017 {add = true} : memref<33600xi32, #tpu.memory_space<vmem>>[vector<16xi32>], vector<16xi32>, vector<16xi1>
      %get3A_1018 = arith.constant 2320 : index
      %get3A_1019 = tpu.vector_load %arg7[%get3A_1018] {strides = array<i32>} : memref<2560xi32, #tpu.memory_space<vmem>>, vector<16xi32>,
      %get3A_1020 = arith.constant 2320 : index
      %get3A_1021 = tpu.vector_load %arg8[%get3A_1020] {strides = array<i32>} : memref<2560xi32, #tpu.memory_space<vmem>>, vector<16xi32>,
      %ne3A_1022 = arith.constant 0 : i32
      %ne3A_1023 = vector.broadcast %ne3A_1022 : i32 to vector<16xi32>
      %ne3A_1024 = arith.cmpi ne, %get3A_1021, %ne3A_1023 : vector<16xi32>
      tpu.vector_store_idx %arg6[%get3A_1019], %get3A_1021 masked %ne3A_1024 {add = true} : memref<33600xi32, #tpu.memory_space<vmem>>[vector<16xi32>], vector<16xi32>, vector<16xi1>
      %get3A_1025 = arith.constant 2336 : index
      %get3A_1026 = tpu.vector_load %arg7[%get3A_1025] {strides = array<i32>} : memref<2560xi32, #tpu.memory_space<vmem>>, vector<16xi32>,
      %get3A_1027 = arith.constant 2336 : index
      %get3A_1028 = tpu.vector_load %arg8[%get3A_1027] {strides = array<i32>} : memref<2560xi32, #tpu.memory_space<vmem>>, vector<16xi32>,
      %ne3A_1029 = arith.constant 0 : i32
      %ne3A_1030 = vector.broadcast %ne3A_1029 : i32 to vector<16xi32>
      %ne3A_1031 = arith.cmpi ne, %get3A_1028, %ne3A_1030 : vector<16xi32>
      tpu.vector_store_idx %arg6[%get3A_1026], %get3A_1028 masked %ne3A_1031 {add = true} : memref<33600xi32, #tpu.memory_space<vmem>>[vector<16xi32>], vector<16xi32>, vector<16xi1>
      %get3A_1032 = arith.constant 2352 : index
      %get3A_1033 = tpu.vector_load %arg7[%get3A_1032] {strides = array<i32>} : memref<2560xi32, #tpu.memory_space<vmem>>, vector<16xi32>,
      %get3A_1034 = arith.constant 2352 : index
      %get3A_1035 = tpu.vector_load %arg8[%get3A_1034] {strides = array<i32>} : memref<2560xi32, #tpu.memory_space<vmem>>, vector<16xi32>,
      %ne3A_1036 = arith.constant 0 : i32
      %ne3A_1037 = vector.broadcast %ne3A_1036 : i32 to vector<16xi32>
      %ne3A_1038 = arith.cmpi ne, %get3A_1035, %ne3A_1037 : vector<16xi32>
      tpu.vector_store_idx %arg6[%get3A_1033], %get3A_1035 masked %ne3A_1038 {add = true} : memref<33600xi32, #tpu.memory_space<vmem>>[vector<16xi32>], vector<16xi32>, vector<16xi1>
      %get3A_1039 = arith.constant 2368 : index
      %get3A_1040 = tpu.vector_load %arg7[%get3A_1039] {strides = array<i32>} : memref<2560xi32, #tpu.memory_space<vmem>>, vector<16xi32>,
      %get3A_1041 = arith.constant 2368 : index
      %get3A_1042 = tpu.vector_load %arg8[%get3A_1041] {strides = array<i32>} : memref<2560xi32, #tpu.memory_space<vmem>>, vector<16xi32>,
      %ne3A_1043 = arith.constant 0 : i32
      %ne3A_1044 = vector.broadcast %ne3A_1043 : i32 to vector<16xi32>
      %ne3A_1045 = arith.cmpi ne, %get3A_1042, %ne3A_1044 : vector<16xi32>
      tpu.vector_store_idx %arg6[%get3A_1040], %get3A_1042 masked %ne3A_1045 {add = true} : memref<33600xi32, #tpu.memory_space<vmem>>[vector<16xi32>], vector<16xi32>, vector<16xi1>
      %get3A_1046 = arith.constant 2384 : index
      %get3A_1047 = tpu.vector_load %arg7[%get3A_1046] {strides = array<i32>} : memref<2560xi32, #tpu.memory_space<vmem>>, vector<16xi32>,
      %get3A_1048 = arith.constant 2384 : index
      %get3A_1049 = tpu.vector_load %arg8[%get3A_1048] {strides = array<i32>} : memref<2560xi32, #tpu.memory_space<vmem>>, vector<16xi32>,
      %ne3A_1050 = arith.constant 0 : i32
      %ne3A_1051 = vector.broadcast %ne3A_1050 : i32 to vector<16xi32>
      %ne3A_1052 = arith.cmpi ne, %get3A_1049, %ne3A_1051 : vector<16xi32>
      tpu.vector_store_idx %arg6[%get3A_1047], %get3A_1049 masked %ne3A_1052 {add = true} : memref<33600xi32, #tpu.memory_space<vmem>>[vector<16xi32>], vector<16xi32>, vector<16xi1>
      %get3A_1053 = arith.constant 2400 : index
      %get3A_1054 = tpu.vector_load %arg7[%get3A_1053] {strides = array<i32>} : memref<2560xi32, #tpu.memory_space<vmem>>, vector<16xi32>,
      %get3A_1055 = arith.constant 2400 : index
      %get3A_1056 = tpu.vector_load %arg8[%get3A_1055] {strides = array<i32>} : memref<2560xi32, #tpu.memory_space<vmem>>, vector<16xi32>,
      %ne3A_1057 = arith.constant 0 : i32
      %ne3A_1058 = vector.broadcast %ne3A_1057 : i32 to vector<16xi32>
      %ne3A_1059 = arith.cmpi ne, %get3A_1056, %ne3A_1058 : vector<16xi32>
      tpu.vector_store_idx %arg6[%get3A_1054], %get3A_1056 masked %ne3A_1059 {add = true} : memref<33600xi32, #tpu.memory_space<vmem>>[vector<16xi32>], vector<16xi32>, vector<16xi1>
      %get3A_1060 = arith.constant 2416 : index
      %get3A_1061 = tpu.vector_load %arg7[%get3A_1060] {strides = array<i32>} : memref<2560xi32, #tpu.memory_space<vmem>>, vector<16xi32>,
      %get3A_1062 = arith.constant 2416 : index
      %get3A_1063 = tpu.vector_load %arg8[%get3A_1062] {strides = array<i32>} : memref<2560xi32, #tpu.memory_space<vmem>>, vector<16xi32>,
      %ne3A_1064 = arith.constant 0 : i32
      %ne3A_1065 = vector.broadcast %ne3A_1064 : i32 to vector<16xi32>
      %ne3A_1066 = arith.cmpi ne, %get3A_1063, %ne3A_1065 : vector<16xi32>
      tpu.vector_store_idx %arg6[%get3A_1061], %get3A_1063 masked %ne3A_1066 {add = true} : memref<33600xi32, #tpu.memory_space<vmem>>[vector<16xi32>], vector<16xi32>, vector<16xi1>
      %get3A_1067 = arith.constant 2432 : index
      %get3A_1068 = tpu.vector_load %arg7[%get3A_1067] {strides = array<i32>} : memref<2560xi32, #tpu.memory_space<vmem>>, vector<16xi32>,
      %get3A_1069 = arith.constant 2432 : index
      %get3A_1070 = tpu.vector_load %arg8[%get3A_1069] {strides = array<i32>} : memref<2560xi32, #tpu.memory_space<vmem>>, vector<16xi32>,
      %ne3A_1071 = arith.constant 0 : i32
      %ne3A_1072 = vector.broadcast %ne3A_1071 : i32 to vector<16xi32>
      %ne3A_1073 = arith.cmpi ne, %get3A_1070, %ne3A_1072 : vector<16xi32>
      tpu.vector_store_idx %arg6[%get3A_1068], %get3A_1070 masked %ne3A_1073 {add = true} : memref<33600xi32, #tpu.memory_space<vmem>>[vector<16xi32>], vector<16xi32>, vector<16xi1>
      %get3A_1074 = arith.constant 2448 : index
      %get3A_1075 = tpu.vector_load %arg7[%get3A_1074] {strides = array<i32>} : memref<2560xi32, #tpu.memory_space<vmem>>, vector<16xi32>,
      %get3A_1076 = arith.constant 2448 : index
      %get3A_1077 = tpu.vector_load %arg8[%get3A_1076] {strides = array<i32>} : memref<2560xi32, #tpu.memory_space<vmem>>, vector<16xi32>,
      %ne3A_1078 = arith.constant 0 : i32
      %ne3A_1079 = vector.broadcast %ne3A_1078 : i32 to vector<16xi32>
      %ne3A_1080 = arith.cmpi ne, %get3A_1077, %ne3A_1079 : vector<16xi32>
      tpu.vector_store_idx %arg6[%get3A_1075], %get3A_1077 masked %ne3A_1080 {add = true} : memref<33600xi32, #tpu.memory_space<vmem>>[vector<16xi32>], vector<16xi32>, vector<16xi1>
      %get3A_1081 = arith.constant 2464 : index
      %get3A_1082 = tpu.vector_load %arg7[%get3A_1081] {strides = array<i32>} : memref<2560xi32, #tpu.memory_space<vmem>>, vector<16xi32>,
      %get3A_1083 = arith.constant 2464 : index
      %get3A_1084 = tpu.vector_load %arg8[%get3A_1083] {strides = array<i32>} : memref<2560xi32, #tpu.memory_space<vmem>>, vector<16xi32>,
      %ne3A_1085 = arith.constant 0 : i32
      %ne3A_1086 = vector.broadcast %ne3A_1085 : i32 to vector<16xi32>
      %ne3A_1087 = arith.cmpi ne, %get3A_1084, %ne3A_1086 : vector<16xi32>
      tpu.vector_store_idx %arg6[%get3A_1082], %get3A_1084 masked %ne3A_1087 {add = true} : memref<33600xi32, #tpu.memory_space<vmem>>[vector<16xi32>], vector<16xi32>, vector<16xi1>
      %get3A_1088 = arith.constant 2480 : index
      %get3A_1089 = tpu.vector_load %arg7[%get3A_1088] {strides = array<i32>} : memref<2560xi32, #tpu.memory_space<vmem>>, vector<16xi32>,
      %get3A_1090 = arith.constant 2480 : index
      %get3A_1091 = tpu.vector_load %arg8[%get3A_1090] {strides = array<i32>} : memref<2560xi32, #tpu.memory_space<vmem>>, vector<16xi32>,
      %ne3A_1092 = arith.constant 0 : i32
      %ne3A_1093 = vector.broadcast %ne3A_1092 : i32 to vector<16xi32>
      %ne3A_1094 = arith.cmpi ne, %get3A_1091, %ne3A_1093 : vector<16xi32>
      tpu.vector_store_idx %arg6[%get3A_1089], %get3A_1091 masked %ne3A_1094 {add = true} : memref<33600xi32, #tpu.memory_space<vmem>>[vector<16xi32>], vector<16xi32>, vector<16xi1>
      %get3A_1095 = arith.constant 2496 : index
      %get3A_1096 = tpu.vector_load %arg7[%get3A_1095] {strides = array<i32>} : memref<2560xi32, #tpu.memory_space<vmem>>, vector<16xi32>,
      %get3A_1097 = arith.constant 2496 : index
      %get3A_1098 = tpu.vector_load %arg8[%get3A_1097] {strides = array<i32>} : memref<2560xi32, #tpu.memory_space<vmem>>, vector<16xi32>,
      %ne3A_1099 = arith.constant 0 : i32
      %ne3A_1100 = vector.broadcast %ne3A_1099 : i32 to vector<16xi32>
      %ne3A_1101 = arith.cmpi ne, %get3A_1098, %ne3A_1100 : vector<16xi32>
      tpu.vector_store_idx %arg6[%get3A_1096], %get3A_1098 masked %ne3A_1101 {add = true} : memref<33600xi32, #tpu.memory_space<vmem>>[vector<16xi32>], vector<16xi32>, vector<16xi1>
      %get3A_1102 = arith.constant 2512 : index
      %get3A_1103 = tpu.vector_load %arg7[%get3A_1102] {strides = array<i32>} : memref<2560xi32, #tpu.memory_space<vmem>>, vector<16xi32>,
      %get3A_1104 = arith.constant 2512 : index
      %get3A_1105 = tpu.vector_load %arg8[%get3A_1104] {strides = array<i32>} : memref<2560xi32, #tpu.memory_space<vmem>>, vector<16xi32>,
      %ne3A_1106 = arith.constant 0 : i32
      %ne3A_1107 = vector.broadcast %ne3A_1106 : i32 to vector<16xi32>
      %ne3A_1108 = arith.cmpi ne, %get3A_1105, %ne3A_1107 : vector<16xi32>
      tpu.vector_store_idx %arg6[%get3A_1103], %get3A_1105 masked %ne3A_1108 {add = true} : memref<33600xi32, #tpu.memory_space<vmem>>[vector<16xi32>], vector<16xi32>, vector<16xi1>
      %get3A_1109 = arith.constant 2528 : index
      %get3A_1110 = tpu.vector_load %arg7[%get3A_1109] {strides = array<i32>} : memref<2560xi32, #tpu.memory_space<vmem>>, vector<16xi32>,
      %get3A_1111 = arith.constant 2528 : index
      %get3A_1112 = tpu.vector_load %arg8[%get3A_1111] {strides = array<i32>} : memref<2560xi32, #tpu.memory_space<vmem>>, vector<16xi32>,
      %ne3A_1113 = arith.constant 0 : i32
      %ne3A_1114 = vector.broadcast %ne3A_1113 : i32 to vector<16xi32>
      %ne3A_1115 = arith.cmpi ne, %get3A_1112, %ne3A_1114 : vector<16xi32>
      tpu.vector_store_idx %arg6[%get3A_1110], %get3A_1112 masked %ne3A_1115 {add = true} : memref<33600xi32, #tpu.memory_space<vmem>>[vector<16xi32>], vector<16xi32>, vector<16xi1>
      %get3A_1116 = arith.constant 2544 : index
      %get3A_1117 = tpu.vector_load %arg7[%get3A_1116] {strides = array<i32>} : memref<2560xi32, #tpu.memory_space<vmem>>, vector<16xi32>,
      %get3A_1118 = arith.constant 2544 : index
      %get3A_1119 = tpu.vector_load %arg8[%get3A_1118] {strides = array<i32>} : memref<2560xi32, #tpu.memory_space<vmem>>, vector<16xi32>,
      %ne3A_1120 = arith.constant 0 : i32
      %ne3A_1121 = vector.broadcast %ne3A_1120 : i32 to vector<16xi32>
      %ne3A_1122 = arith.cmpi ne, %get3A_1119, %ne3A_1121 : vector<16xi32>
      tpu.vector_store_idx %arg6[%get3A_1117], %get3A_1119 masked %ne3A_1122 {add = true} : memref<33600xi32, #tpu.memory_space<vmem>>[vector<16xi32>], vector<16xi32>, vector<16xi1>
      %mul3A_1123 = arith.constant 33600 : i32
      %mul3A_1124 = arith.muli %add3A, %mul3A_1123 : i32
      "tpu.region"() ({
        %run_scoped3A = tpu.sem_alloc : memref<!tpu.dma_semaphore, #tpu.memory_space<semaphore_mem>>
        %dma_start3A = tpu.memref_slice %arg5[%mul3A_1124] : memref<268800xi32, #tpu.memory_space<hbm>> -> memref<33600xi32, #tpu.memory_space<hbm>>
        %dma_start3A_1125 = tpu.memref_slice %arg5[%mul3A_1124] : memref<268800xi32, #tpu.memory_space<hbm>> -> memref<33600xi32, #tpu.memory_space<hbm>>
        tpu.enqueue_dma source(%arg6 : memref<33600xi32, #tpu.memory_space<vmem>>) target(%dma_start3A_1125 : memref<33600xi32, #tpu.memory_space<hbm>>) target_semaphore(%run_scoped3A : memref<!tpu.dma_semaphore, #tpu.memory_space<semaphore_mem>>)
        %dma_wait3A = tpu.memref_slice %arg5[%mul3A_1124] : memref<268800xi32, #tpu.memory_space<hbm>> -> memref<33600xi32, #tpu.memory_space<hbm>>
        %dma_wait3A_1126 = tpu.memref_slice %arg5[%mul3A_1124] : memref<268800xi32, #tpu.memory_space<hbm>> -> memref<33600xi32, #tpu.memory_space<hbm>>
        tpu.wait_dma2 semaphore(%run_scoped3A : memref<!tpu.dma_semaphore, #tpu.memory_space<semaphore_mem>>) src(%arg6 : memref<33600xi32, #tpu.memory_space<vmem>>) dst(%dma_wait3A_1126 : memref<33600xi32, #tpu.memory_space<hbm>>)
        tpu.yield
      }) : () -> ()
    } else {
    }
    return
  }
}

module attributes {stable_mosaic.version = 14 : i64} {
  func.func @_prep_body(%arg0: memref<256x4xf32, #tpu.memory_space<vmem>>, %arg1: memref<256x32xf32, #tpu.memory_space<vmem>>, %arg2: memref<256x32xf32, #tpu.memory_space<vmem>>, %arg3: memref<256x32xf32, #tpu.memory_space<vmem>>, %arg4: memref<256x32xf32, #tpu.memory_space<vmem>>, %arg5: memref<256x1xf32, #tpu.memory_space<vmem>>, %arg6: memref<256x80xi32, #tpu.memory_space<vmem>>, %arg7: memref<256x80xi32, #tpu.memory_space<vmem>>) attributes {dimension_semantics = [], scalar_prefetch = 0 : i64, scratch_operands = 0 : i64, tpu.core_type = #tpu.core_type<tc>} {
    %get3A = arith.constant 0 : index
    %get3A_0 = arith.constant 0 : index
    %get3A_1 = vector.load %arg0[%get3A, %get3A_0] : memref<256x4xf32, #tpu.memory_space<vmem>>, vector<256x4xf32>
    %slice3A = vector.extract_strided_slice %get3A_1 {offsets = [0, 0], sizes = [256, 1], strides = [1, 1]} : vector<256x4xf32> to vector<256x1xf32>
    %slice3A_2 = vector.extract_strided_slice %get3A_1 {offsets = [0, 1], sizes = [256, 1], strides = [1, 1]} : vector<256x4xf32> to vector<256x1xf32>
    %slice3A_3 = vector.extract_strided_slice %get3A_1 {offsets = [0, 2], sizes = [256, 1], strides = [1, 1]} : vector<256x4xf32> to vector<256x1xf32>
    %slice3A_4 = vector.extract_strided_slice %get3A_1 {offsets = [0, 3], sizes = [256, 1], strides = [1, 1]} : vector<256x4xf32> to vector<256x1xf32>
    %add3A = arith.addf %slice3A, %slice3A_3 : vector<256x1xf32>
    %div3A = arith.constant 2.000000e+00 : f32
    %div3A_5 = vector.broadcast %div3A : f32 to vector<256x1xf32>
    %div3A_6 = arith.divf %add3A, %div3A_5 : vector<256x1xf32>
    %add3A_7 = arith.addf %slice3A_2, %slice3A_4 : vector<256x1xf32>
    %div3A_8 = arith.constant 2.000000e+00 : f32
    %div3A_9 = vector.broadcast %div3A_8 : f32 to vector<256x1xf32>
    %div3A_10 = arith.divf %add3A_7, %div3A_9 : vector<256x1xf32>
    %div3A_11 = arith.constant 8.000000e+00 : f32
    %div3A_12 = vector.broadcast %div3A_11 : f32 to vector<256x1xf32>
    %div3A_13 = arith.divf %div3A_6, %div3A_12 : vector<256x1xf32>
    %floor3A = math.floor %div3A_13 : vector<256x1xf32>
    %convert_element_type3A = arith.fptosi %floor3A : vector<256x1xf32> to vector<256x1xi32>
    %sub3A = arith.constant 2 : i32
    %sub3A_14 = vector.broadcast %sub3A : i32 to vector<256x1xi32>
    %sub3A_15 = arith.subi %convert_element_type3A, %sub3A_14 : vector<256x1xi32>
    %jit3A = arith.constant 0 : i32
    %jit3A_16 = arith.constant 155 : i32
    %max3A = vector.broadcast %jit3A : i32 to vector<256x1xi32>
    %max3A_17 = arith.maxsi %max3A, %sub3A_15 : vector<256x1xi32>
    %min3A = vector.broadcast %jit3A_16 : i32 to vector<256x1xi32>
    %min3A_18 = arith.minsi %min3A, %max3A_17 : vector<256x1xi32>
    %div3A_19 = arith.constant 8.000000e+00 : f32
    %div3A_20 = vector.broadcast %div3A_19 : f32 to vector<256x1xf32>
    %div3A_21 = arith.divf %div3A_10, %div3A_20 : vector<256x1xf32>
    %floor3A_22 = math.floor %div3A_21 : vector<256x1xf32>
    %convert_element_type3A_23 = arith.fptosi %floor3A_22 : vector<256x1xf32> to vector<256x1xi32>
    %sub3A_24 = arith.constant 2 : i32
    %sub3A_25 = vector.broadcast %sub3A_24 : i32 to vector<256x1xi32>
    %sub3A_26 = arith.subi %convert_element_type3A_23, %sub3A_25 : vector<256x1xi32>
    %jit3A_27 = arith.constant 0 : i32
    %jit3A_28 = arith.constant 155 : i32
    %max3A_29 = vector.broadcast %jit3A_27 : i32 to vector<256x1xi32>
    %max3A_30 = arith.maxsi %max3A_29, %sub3A_26 : vector<256x1xi32>
    %min3A_31 = vector.broadcast %jit3A_28 : i32 to vector<256x1xi32>
    %min3A_32 = arith.minsi %min3A_31, %max3A_30 : vector<256x1xi32>
    %iota3A = tpu.iota {dimensions = array<i32: 1>} : vector<256x25xi32>
    %convert_element_type3A_33 = arith.sitofp %iota3A : vector<256x25xi32> to vector<256x25xf32>
    %mul3A = arith.constant 2.000000e-01 : f32
    %mul3A_34 = vector.broadcast %mul3A : f32 to vector<256x25xf32>
    %mul3A_35 = arith.mulf %convert_element_type3A_33, %mul3A_34 : vector<256x25xf32>
    %floor3A_36 = math.floor %mul3A_35 : vector<256x25xf32>
    %convert_element_type3A_37 = arith.fptosi %floor3A_36 : vector<256x25xf32> to vector<256x25xi32>
    %mul3A_38 = arith.constant 5 : i32
    %mul3A_39 = vector.broadcast %mul3A_38 : i32 to vector<256x25xi32>
    %mul3A_40 = arith.muli %convert_element_type3A_37, %mul3A_39 : vector<256x25xi32>
    %sub3A_41 = arith.subi %iota3A, %mul3A_40 : vector<256x25xi32>
    %add3A_42 = vector.broadcast %min3A_18 : vector<256x1xi32> to vector<256x25xi32>
    %add3A_43 = arith.addi %add3A_42, %sub3A_41 : vector<256x25xi32>
    %add3A_44 = vector.broadcast %min3A_32 : vector<256x1xi32> to vector<256x25xi32>
    %add3A_45 = arith.addi %add3A_44, %convert_element_type3A_37 : vector<256x25xi32>
    %convert_element_type3A_46 = arith.sitofp %add3A_43 : vector<256x25xi32> to vector<256x25xf32>
    %add3A_47 = arith.constant 5.000000e-01 : f32
    %add3A_48 = vector.broadcast %add3A_47 : f32 to vector<256x25xf32>
    %add3A_49 = arith.addf %convert_element_type3A_46, %add3A_48 : vector<256x25xf32>
    %mul3A_50 = arith.constant 8.000000e+00 : f32
    %mul3A_51 = vector.broadcast %mul3A_50 : f32 to vector<256x25xf32>
    %mul3A_52 = arith.mulf %add3A_49, %mul3A_51 : vector<256x25xf32>
    %convert_element_type3A_53 = arith.sitofp %add3A_45 : vector<256x25xi32> to vector<256x25xf32>
    %add3A_54 = arith.constant 5.000000e-01 : f32
    %add3A_55 = vector.broadcast %add3A_54 : f32 to vector<256x25xf32>
    %add3A_56 = arith.addf %convert_element_type3A_53, %add3A_55 : vector<256x25xf32>
    %mul3A_57 = arith.constant 8.000000e+00 : f32
    %mul3A_58 = vector.broadcast %mul3A_57 : f32 to vector<256x25xf32>
    %mul3A_59 = arith.mulf %add3A_56, %mul3A_58 : vector<256x25xf32>
    %sub3A_60 = vector.broadcast %div3A_6 : vector<256x1xf32> to vector<256x25xf32>
    %sub3A_61 = arith.subf %sub3A_60, %mul3A_52 : vector<256x25xf32>
    %integer_pow3A = arith.mulf %sub3A_61, %sub3A_61 : vector<256x25xf32>
    %sub3A_62 = vector.broadcast %div3A_10 : vector<256x1xf32> to vector<256x25xf32>
    %sub3A_63 = arith.subf %sub3A_62, %mul3A_59 : vector<256x25xf32>
    %integer_pow3A_64 = arith.mulf %sub3A_63, %sub3A_63 : vector<256x25xf32>
    %add3A_65 = arith.addf %integer_pow3A, %integer_pow3A_64 : vector<256x25xf32>
    %sqrt3A = math.sqrt %add3A_65 : vector<256x25xf32>
    %broadcast_in_dim3A = arith.constant -1.000000e+00 : f32
    %broadcast_in_dim3A_66 = vector.broadcast %broadcast_in_dim3A : f32 to vector<256x1xf32>
    %broadcast_in_dim3A_67 = arith.constant 0.000000e+00 : f32
    %broadcast_in_dim3A_68 = vector.broadcast %broadcast_in_dim3A_67 : f32 to vector<256x1xf32>
    %gt3A = vector.broadcast %broadcast_in_dim3A_66 : vector<256x1xf32> to vector<256x25xf32>
    %gt3A_69 = arith.cmpf ogt, %sqrt3A, %gt3A : vector<256x25xf32>
    %jit3A_70 = arith.constant 3.000000e+38 : f32
    %broadcast_in_dim3A_71 = vector.broadcast %jit3A_70 : f32 to vector<256x25xf32>
    %select_n3A = arith.select %gt3A_69, %sqrt3A, %broadcast_in_dim3A_71 : vector<256x25xi1>, vector<256x25xf32>
    %reduce_min3A = arith.constant dense<0x7F800000> : vector<256xf32>
    %reduce_min3A_72 = vector.multi_reduction <minimumf>, %select_n3A, %reduce_min3A [1] : vector<256x25xf32> to vector<256xf32>
    %broadcast_in_dim3A_73 = vector.shape_cast %reduce_min3A_72 : vector<256xf32> to vector<256x1xf32>
    %eq3A = vector.broadcast %broadcast_in_dim3A_73 : vector<256x1xf32> to vector<256x25xf32>
    %eq3A_74 = arith.cmpf oeq, %sqrt3A, %eq3A : vector<256x25xf32>
    %convert_element_type3A_75 = arith.extui %eq3A_74 : vector<256x25xi1> to vector<256x25xi32>
    %convert_element_type3A_76 = arith.sitofp %convert_element_type3A_75 : vector<256x25xi32> to vector<256x25xf32>
    %reduce_sum3A = arith.constant dense<0.000000e+00> : vector<256xf32>
    %reduce_sum3A_77 = vector.multi_reduction <add>, %convert_element_type3A_76, %reduce_sum3A [1] : vector<256x25xf32> to vector<256xf32>
    %broadcast_in_dim3A_78 = vector.shape_cast %reduce_sum3A_77 : vector<256xf32> to vector<256x1xf32>
    %lt3A = arith.constant 9.000000e+00 : f32
    %lt3A_79 = vector.broadcast %lt3A : f32 to vector<256x1xf32>
    %lt3A_80 = arith.cmpf olt, %broadcast_in_dim3A_68, %lt3A_79 : vector<256x1xf32>
    %select_n3A_81 = arith.select %lt3A_80, %broadcast_in_dim3A_73, %broadcast_in_dim3A_66 : vector<256x1xi1>, vector<256x1xf32>
    %add3A_82 = arith.addf %broadcast_in_dim3A_68, %broadcast_in_dim3A_78 : vector<256x1xf32>
    %select_n3A_83 = arith.select %lt3A_80, %add3A_82, %broadcast_in_dim3A_68 : vector<256x1xi1>, vector<256x1xf32>
    %gt3A_84 = vector.broadcast %select_n3A_81 : vector<256x1xf32> to vector<256x25xf32>
    %gt3A_85 = arith.cmpf ogt, %sqrt3A, %gt3A_84 : vector<256x25xf32>
    %jit3A_86 = arith.constant 3.000000e+38 : f32
    %broadcast_in_dim3A_87 = vector.broadcast %jit3A_86 : f32 to vector<256x25xf32>
    %select_n3A_88 = arith.select %gt3A_85, %sqrt3A, %broadcast_in_dim3A_87 : vector<256x25xi1>, vector<256x25xf32>
    %reduce_min3A_89 = arith.constant dense<0x7F800000> : vector<256xf32>
    %reduce_min3A_90 = vector.multi_reduction <minimumf>, %select_n3A_88, %reduce_min3A_89 [1] : vector<256x25xf32> to vector<256xf32>
    %broadcast_in_dim3A_91 = vector.shape_cast %reduce_min3A_90 : vector<256xf32> to vector<256x1xf32>
    %eq3A_92 = vector.broadcast %broadcast_in_dim3A_91 : vector<256x1xf32> to vector<256x25xf32>
    %eq3A_93 = arith.cmpf oeq, %sqrt3A, %eq3A_92 : vector<256x25xf32>
    %convert_element_type3A_94 = arith.extui %eq3A_93 : vector<256x25xi1> to vector<256x25xi32>
    %convert_element_type3A_95 = arith.sitofp %convert_element_type3A_94 : vector<256x25xi32> to vector<256x25xf32>
    %reduce_sum3A_96 = arith.constant dense<0.000000e+00> : vector<256xf32>
    %reduce_sum3A_97 = vector.multi_reduction <add>, %convert_element_type3A_95, %reduce_sum3A_96 [1] : vector<256x25xf32> to vector<256xf32>
    %broadcast_in_dim3A_98 = vector.shape_cast %reduce_sum3A_97 : vector<256xf32> to vector<256x1xf32>
    %lt3A_99 = arith.constant 9.000000e+00 : f32
    %lt3A_100 = vector.broadcast %lt3A_99 : f32 to vector<256x1xf32>
    %lt3A_101 = arith.cmpf olt, %select_n3A_83, %lt3A_100 : vector<256x1xf32>
    %select_n3A_102 = arith.select %lt3A_101, %broadcast_in_dim3A_91, %select_n3A_81 : vector<256x1xi1>, vector<256x1xf32>
    %add3A_103 = arith.addf %select_n3A_83, %broadcast_in_dim3A_98 : vector<256x1xf32>
    %select_n3A_104 = arith.select %lt3A_101, %add3A_103, %select_n3A_83 : vector<256x1xi1>, vector<256x1xf32>
    %gt3A_105 = vector.broadcast %select_n3A_102 : vector<256x1xf32> to vector<256x25xf32>
    %gt3A_106 = arith.cmpf ogt, %sqrt3A, %gt3A_105 : vector<256x25xf32>
    %jit3A_107 = arith.constant 3.000000e+38 : f32
    %broadcast_in_dim3A_108 = vector.broadcast %jit3A_107 : f32 to vector<256x25xf32>
    %select_n3A_109 = arith.select %gt3A_106, %sqrt3A, %broadcast_in_dim3A_108 : vector<256x25xi1>, vector<256x25xf32>
    %reduce_min3A_110 = arith.constant dense<0x7F800000> : vector<256xf32>
    %reduce_min3A_111 = vector.multi_reduction <minimumf>, %select_n3A_109, %reduce_min3A_110 [1] : vector<256x25xf32> to vector<256xf32>
    %broadcast_in_dim3A_112 = vector.shape_cast %reduce_min3A_111 : vector<256xf32> to vector<256x1xf32>
    %eq3A_113 = vector.broadcast %broadcast_in_dim3A_112 : vector<256x1xf32> to vector<256x25xf32>
    %eq3A_114 = arith.cmpf oeq, %sqrt3A, %eq3A_113 : vector<256x25xf32>
    %convert_element_type3A_115 = arith.extui %eq3A_114 : vector<256x25xi1> to vector<256x25xi32>
    %convert_element_type3A_116 = arith.sitofp %convert_element_type3A_115 : vector<256x25xi32> to vector<256x25xf32>
    %reduce_sum3A_117 = arith.constant dense<0.000000e+00> : vector<256xf32>
    %reduce_sum3A_118 = vector.multi_reduction <add>, %convert_element_type3A_116, %reduce_sum3A_117 [1] : vector<256x25xf32> to vector<256xf32>
    %broadcast_in_dim3A_119 = vector.shape_cast %reduce_sum3A_118 : vector<256xf32> to vector<256x1xf32>
    %lt3A_120 = arith.constant 9.000000e+00 : f32
    %lt3A_121 = vector.broadcast %lt3A_120 : f32 to vector<256x1xf32>
    %lt3A_122 = arith.cmpf olt, %select_n3A_104, %lt3A_121 : vector<256x1xf32>
    %select_n3A_123 = arith.select %lt3A_122, %broadcast_in_dim3A_112, %select_n3A_102 : vector<256x1xi1>, vector<256x1xf32>
    %add3A_124 = arith.addf %select_n3A_104, %broadcast_in_dim3A_119 : vector<256x1xf32>
    %select_n3A_125 = arith.select %lt3A_122, %add3A_124, %select_n3A_104 : vector<256x1xi1>, vector<256x1xf32>
    %gt3A_126 = vector.broadcast %select_n3A_123 : vector<256x1xf32> to vector<256x25xf32>
    %gt3A_127 = arith.cmpf ogt, %sqrt3A, %gt3A_126 : vector<256x25xf32>
    %jit3A_128 = arith.constant 3.000000e+38 : f32
    %broadcast_in_dim3A_129 = vector.broadcast %jit3A_128 : f32 to vector<256x25xf32>
    %select_n3A_130 = arith.select %gt3A_127, %sqrt3A, %broadcast_in_dim3A_129 : vector<256x25xi1>, vector<256x25xf32>
    %reduce_min3A_131 = arith.constant dense<0x7F800000> : vector<256xf32>
    %reduce_min3A_132 = vector.multi_reduction <minimumf>, %select_n3A_130, %reduce_min3A_131 [1] : vector<256x25xf32> to vector<256xf32>
    %broadcast_in_dim3A_133 = vector.shape_cast %reduce_min3A_132 : vector<256xf32> to vector<256x1xf32>
    %eq3A_134 = vector.broadcast %broadcast_in_dim3A_133 : vector<256x1xf32> to vector<256x25xf32>
    %eq3A_135 = arith.cmpf oeq, %sqrt3A, %eq3A_134 : vector<256x25xf32>
    %convert_element_type3A_136 = arith.extui %eq3A_135 : vector<256x25xi1> to vector<256x25xi32>
    %convert_element_type3A_137 = arith.sitofp %convert_element_type3A_136 : vector<256x25xi32> to vector<256x25xf32>
    %reduce_sum3A_138 = arith.constant dense<0.000000e+00> : vector<256xf32>
    %reduce_sum3A_139 = vector.multi_reduction <add>, %convert_element_type3A_137, %reduce_sum3A_138 [1] : vector<256x25xf32> to vector<256xf32>
    %broadcast_in_dim3A_140 = vector.shape_cast %reduce_sum3A_139 : vector<256xf32> to vector<256x1xf32>
    %lt3A_141 = arith.constant 9.000000e+00 : f32
    %lt3A_142 = vector.broadcast %lt3A_141 : f32 to vector<256x1xf32>
    %lt3A_143 = arith.cmpf olt, %select_n3A_125, %lt3A_142 : vector<256x1xf32>
    %select_n3A_144 = arith.select %lt3A_143, %broadcast_in_dim3A_133, %select_n3A_123 : vector<256x1xi1>, vector<256x1xf32>
    %add3A_145 = arith.addf %select_n3A_125, %broadcast_in_dim3A_140 : vector<256x1xf32>
    %select_n3A_146 = arith.select %lt3A_143, %add3A_145, %select_n3A_125 : vector<256x1xi1>, vector<256x1xf32>
    %gt3A_147 = vector.broadcast %select_n3A_144 : vector<256x1xf32> to vector<256x25xf32>
    %gt3A_148 = arith.cmpf ogt, %sqrt3A, %gt3A_147 : vector<256x25xf32>
    %jit3A_149 = arith.constant 3.000000e+38 : f32
    %broadcast_in_dim3A_150 = vector.broadcast %jit3A_149 : f32 to vector<256x25xf32>
    %select_n3A_151 = arith.select %gt3A_148, %sqrt3A, %broadcast_in_dim3A_150 : vector<256x25xi1>, vector<256x25xf32>
    %reduce_min3A_152 = arith.constant dense<0x7F800000> : vector<256xf32>
    %reduce_min3A_153 = vector.multi_reduction <minimumf>, %select_n3A_151, %reduce_min3A_152 [1] : vector<256x25xf32> to vector<256xf32>
    %broadcast_in_dim3A_154 = vector.shape_cast %reduce_min3A_153 : vector<256xf32> to vector<256x1xf32>
    %eq3A_155 = vector.broadcast %broadcast_in_dim3A_154 : vector<256x1xf32> to vector<256x25xf32>
    %eq3A_156 = arith.cmpf oeq, %sqrt3A, %eq3A_155 : vector<256x25xf32>
    %convert_element_type3A_157 = arith.extui %eq3A_156 : vector<256x25xi1> to vector<256x25xi32>
    %convert_element_type3A_158 = arith.sitofp %convert_element_type3A_157 : vector<256x25xi32> to vector<256x25xf32>
    %reduce_sum3A_159 = arith.constant dense<0.000000e+00> : vector<256xf32>
    %reduce_sum3A_160 = vector.multi_reduction <add>, %convert_element_type3A_158, %reduce_sum3A_159 [1] : vector<256x25xf32> to vector<256xf32>
    %broadcast_in_dim3A_161 = vector.shape_cast %reduce_sum3A_160 : vector<256xf32> to vector<256x1xf32>
    %lt3A_162 = arith.constant 9.000000e+00 : f32
    %lt3A_163 = vector.broadcast %lt3A_162 : f32 to vector<256x1xf32>
    %lt3A_164 = arith.cmpf olt, %select_n3A_146, %lt3A_163 : vector<256x1xf32>
    %select_n3A_165 = arith.select %lt3A_164, %broadcast_in_dim3A_154, %select_n3A_144 : vector<256x1xi1>, vector<256x1xf32>
    %add3A_166 = arith.addf %select_n3A_146, %broadcast_in_dim3A_161 : vector<256x1xf32>
    %select_n3A_167 = arith.select %lt3A_164, %add3A_166, %select_n3A_146 : vector<256x1xi1>, vector<256x1xf32>
    %gt3A_168 = vector.broadcast %select_n3A_165 : vector<256x1xf32> to vector<256x25xf32>
    %gt3A_169 = arith.cmpf ogt, %sqrt3A, %gt3A_168 : vector<256x25xf32>
    %jit3A_170 = arith.constant 3.000000e+38 : f32
    %broadcast_in_dim3A_171 = vector.broadcast %jit3A_170 : f32 to vector<256x25xf32>
    %select_n3A_172 = arith.select %gt3A_169, %sqrt3A, %broadcast_in_dim3A_171 : vector<256x25xi1>, vector<256x25xf32>
    %reduce_min3A_173 = arith.constant dense<0x7F800000> : vector<256xf32>
    %reduce_min3A_174 = vector.multi_reduction <minimumf>, %select_n3A_172, %reduce_min3A_173 [1] : vector<256x25xf32> to vector<256xf32>
    %broadcast_in_dim3A_175 = vector.shape_cast %reduce_min3A_174 : vector<256xf32> to vector<256x1xf32>
    %eq3A_176 = vector.broadcast %broadcast_in_dim3A_175 : vector<256x1xf32> to vector<256x25xf32>
    %eq3A_177 = arith.cmpf oeq, %sqrt3A, %eq3A_176 : vector<256x25xf32>
    %convert_element_type3A_178 = arith.extui %eq3A_177 : vector<256x25xi1> to vector<256x25xi32>
    %convert_element_type3A_179 = arith.sitofp %convert_element_type3A_178 : vector<256x25xi32> to vector<256x25xf32>
    %reduce_sum3A_180 = arith.constant dense<0.000000e+00> : vector<256xf32>
    %reduce_sum3A_181 = vector.multi_reduction <add>, %convert_element_type3A_179, %reduce_sum3A_180 [1] : vector<256x25xf32> to vector<256xf32>
    %broadcast_in_dim3A_182 = vector.shape_cast %reduce_sum3A_181 : vector<256xf32> to vector<256x1xf32>
    %lt3A_183 = arith.constant 9.000000e+00 : f32
    %lt3A_184 = vector.broadcast %lt3A_183 : f32 to vector<256x1xf32>
    %lt3A_185 = arith.cmpf olt, %select_n3A_167, %lt3A_184 : vector<256x1xf32>
    %select_n3A_186 = arith.select %lt3A_185, %broadcast_in_dim3A_175, %select_n3A_165 : vector<256x1xi1>, vector<256x1xf32>
    %add3A_187 = arith.addf %select_n3A_167, %broadcast_in_dim3A_182 : vector<256x1xf32>
    %select_n3A_188 = arith.select %lt3A_185, %add3A_187, %select_n3A_167 : vector<256x1xi1>, vector<256x1xf32>
    %gt3A_189 = vector.broadcast %select_n3A_186 : vector<256x1xf32> to vector<256x25xf32>
    %gt3A_190 = arith.cmpf ogt, %sqrt3A, %gt3A_189 : vector<256x25xf32>
    %jit3A_191 = arith.constant 3.000000e+38 : f32
    %broadcast_in_dim3A_192 = vector.broadcast %jit3A_191 : f32 to vector<256x25xf32>
    %select_n3A_193 = arith.select %gt3A_190, %sqrt3A, %broadcast_in_dim3A_192 : vector<256x25xi1>, vector<256x25xf32>
    %reduce_min3A_194 = arith.constant dense<0x7F800000> : vector<256xf32>
    %reduce_min3A_195 = vector.multi_reduction <minimumf>, %select_n3A_193, %reduce_min3A_194 [1] : vector<256x25xf32> to vector<256xf32>
    %broadcast_in_dim3A_196 = vector.shape_cast %reduce_min3A_195 : vector<256xf32> to vector<256x1xf32>
    %eq3A_197 = vector.broadcast %broadcast_in_dim3A_196 : vector<256x1xf32> to vector<256x25xf32>
    %eq3A_198 = arith.cmpf oeq, %sqrt3A, %eq3A_197 : vector<256x25xf32>
    %convert_element_type3A_199 = arith.extui %eq3A_198 : vector<256x25xi1> to vector<256x25xi32>
    %convert_element_type3A_200 = arith.sitofp %convert_element_type3A_199 : vector<256x25xi32> to vector<256x25xf32>
    %reduce_sum3A_201 = arith.constant dense<0.000000e+00> : vector<256xf32>
    %reduce_sum3A_202 = vector.multi_reduction <add>, %convert_element_type3A_200, %reduce_sum3A_201 [1] : vector<256x25xf32> to vector<256xf32>
    %broadcast_in_dim3A_203 = vector.shape_cast %reduce_sum3A_202 : vector<256xf32> to vector<256x1xf32>
    %lt3A_204 = arith.constant 9.000000e+00 : f32
    %lt3A_205 = vector.broadcast %lt3A_204 : f32 to vector<256x1xf32>
    %lt3A_206 = arith.cmpf olt, %select_n3A_188, %lt3A_205 : vector<256x1xf32>
    %select_n3A_207 = arith.select %lt3A_206, %broadcast_in_dim3A_196, %select_n3A_186 : vector<256x1xi1>, vector<256x1xf32>
    %add3A_208 = arith.addf %select_n3A_188, %broadcast_in_dim3A_203 : vector<256x1xf32>
    %select_n3A_209 = arith.select %lt3A_206, %add3A_208, %select_n3A_188 : vector<256x1xi1>, vector<256x1xf32>
    %gt3A_210 = vector.broadcast %select_n3A_207 : vector<256x1xf32> to vector<256x25xf32>
    %gt3A_211 = arith.cmpf ogt, %sqrt3A, %gt3A_210 : vector<256x25xf32>
    %jit3A_212 = arith.constant 3.000000e+38 : f32
    %broadcast_in_dim3A_213 = vector.broadcast %jit3A_212 : f32 to vector<256x25xf32>
    %select_n3A_214 = arith.select %gt3A_211, %sqrt3A, %broadcast_in_dim3A_213 : vector<256x25xi1>, vector<256x25xf32>
    %reduce_min3A_215 = arith.constant dense<0x7F800000> : vector<256xf32>
    %reduce_min3A_216 = vector.multi_reduction <minimumf>, %select_n3A_214, %reduce_min3A_215 [1] : vector<256x25xf32> to vector<256xf32>
    %broadcast_in_dim3A_217 = vector.shape_cast %reduce_min3A_216 : vector<256xf32> to vector<256x1xf32>
    %eq3A_218 = vector.broadcast %broadcast_in_dim3A_217 : vector<256x1xf32> to vector<256x25xf32>
    %eq3A_219 = arith.cmpf oeq, %sqrt3A, %eq3A_218 : vector<256x25xf32>
    %convert_element_type3A_220 = arith.extui %eq3A_219 : vector<256x25xi1> to vector<256x25xi32>
    %convert_element_type3A_221 = arith.sitofp %convert_element_type3A_220 : vector<256x25xi32> to vector<256x25xf32>
    %reduce_sum3A_222 = arith.constant dense<0.000000e+00> : vector<256xf32>
    %reduce_sum3A_223 = vector.multi_reduction <add>, %convert_element_type3A_221, %reduce_sum3A_222 [1] : vector<256x25xf32> to vector<256xf32>
    %broadcast_in_dim3A_224 = vector.shape_cast %reduce_sum3A_223 : vector<256xf32> to vector<256x1xf32>
    %lt3A_225 = arith.constant 9.000000e+00 : f32
    %lt3A_226 = vector.broadcast %lt3A_225 : f32 to vector<256x1xf32>
    %lt3A_227 = arith.cmpf olt, %select_n3A_209, %lt3A_226 : vector<256x1xf32>
    %select_n3A_228 = arith.select %lt3A_227, %broadcast_in_dim3A_217, %select_n3A_207 : vector<256x1xi1>, vector<256x1xf32>
    %add3A_229 = arith.addf %select_n3A_209, %broadcast_in_dim3A_224 : vector<256x1xf32>
    %select_n3A_230 = arith.select %lt3A_227, %add3A_229, %select_n3A_209 : vector<256x1xi1>, vector<256x1xf32>
    %gt3A_231 = vector.broadcast %select_n3A_228 : vector<256x1xf32> to vector<256x25xf32>
    %gt3A_232 = arith.cmpf ogt, %sqrt3A, %gt3A_231 : vector<256x25xf32>
    %jit3A_233 = arith.constant 3.000000e+38 : f32
    %broadcast_in_dim3A_234 = vector.broadcast %jit3A_233 : f32 to vector<256x25xf32>
    %select_n3A_235 = arith.select %gt3A_232, %sqrt3A, %broadcast_in_dim3A_234 : vector<256x25xi1>, vector<256x25xf32>
    %reduce_min3A_236 = arith.constant dense<0x7F800000> : vector<256xf32>
    %reduce_min3A_237 = vector.multi_reduction <minimumf>, %select_n3A_235, %reduce_min3A_236 [1] : vector<256x25xf32> to vector<256xf32>
    %broadcast_in_dim3A_238 = vector.shape_cast %reduce_min3A_237 : vector<256xf32> to vector<256x1xf32>
    %eq3A_239 = vector.broadcast %broadcast_in_dim3A_238 : vector<256x1xf32> to vector<256x25xf32>
    %eq3A_240 = arith.cmpf oeq, %sqrt3A, %eq3A_239 : vector<256x25xf32>
    %convert_element_type3A_241 = arith.extui %eq3A_240 : vector<256x25xi1> to vector<256x25xi32>
    %convert_element_type3A_242 = arith.sitofp %convert_element_type3A_241 : vector<256x25xi32> to vector<256x25xf32>
    %reduce_sum3A_243 = arith.constant dense<0.000000e+00> : vector<256xf32>
    %reduce_sum3A_244 = vector.multi_reduction <add>, %convert_element_type3A_242, %reduce_sum3A_243 [1] : vector<256x25xf32> to vector<256xf32>
    %broadcast_in_dim3A_245 = vector.shape_cast %reduce_sum3A_244 : vector<256xf32> to vector<256x1xf32>
    %lt3A_246 = arith.constant 9.000000e+00 : f32
    %lt3A_247 = vector.broadcast %lt3A_246 : f32 to vector<256x1xf32>
    %lt3A_248 = arith.cmpf olt, %select_n3A_230, %lt3A_247 : vector<256x1xf32>
    %select_n3A_249 = arith.select %lt3A_248, %broadcast_in_dim3A_238, %select_n3A_228 : vector<256x1xi1>, vector<256x1xf32>
    %add3A_250 = arith.addf %select_n3A_230, %broadcast_in_dim3A_245 : vector<256x1xf32>
    %select_n3A_251 = arith.select %lt3A_248, %add3A_250, %select_n3A_230 : vector<256x1xi1>, vector<256x1xf32>
    %eq3A_252 = vector.broadcast %select_n3A_249 : vector<256x1xf32> to vector<256x25xf32>
    %eq3A_253 = arith.cmpf oeq, %sqrt3A, %eq3A_252 : vector<256x25xf32>
    %convert_element_type3A_254 = arith.extui %eq3A_253 : vector<256x25xi1> to vector<256x25xi32>
    %convert_element_type3A_255 = arith.sitofp %convert_element_type3A_254 : vector<256x25xi32> to vector<256x25xf32>
    %iota3A_256 = tpu.iota {dimensions = array<i32: 0>} : vector<25x25xi32>
    %iota3A_257 = tpu.iota {dimensions = array<i32: 1>} : vector<25x25xi32>
    %le3A = arith.cmpi sle, %iota3A_256, %iota3A_257 : vector<25x25xi32>
    %convert_element_type3A_258 = arith.extui %le3A : vector<25x25xi1> to vector<25x25xi32>
    %convert_element_type3A_259 = arith.sitofp %convert_element_type3A_258 : vector<25x25xi32> to vector<25x25xf32>
    %dot_general3A = arith.constant dense<0.000000e+00> : vector<256x25xf32>
    %dot_general3A_260 = tpu.matmul %convert_element_type3A_255, %convert_element_type3A_259, %dot_general3A {dimension_numbers = #tpu.dot_dimension_numbers<[1], [0], [0], [1], [0, 0, 1, 1], [], []>, transpose_lhs_hint = false} : vector<256x25xf32>, vector<25x25xf32>, vector<256x25xf32> -> vector<256x25xf32>
    %reduce_sum3A_261 = arith.constant dense<0.000000e+00> : vector<256xf32>
    %reduce_sum3A_262 = vector.multi_reduction <add>, %convert_element_type3A_255, %reduce_sum3A_261 [1] : vector<256x25xf32> to vector<256xf32>
    %broadcast_in_dim3A_263 = vector.shape_cast %reduce_sum3A_262 : vector<256xf32> to vector<256x1xf32>
    %sub3A_264 = arith.subf %select_n3A_251, %broadcast_in_dim3A_263 : vector<256x1xf32>
    %lt3A_265 = vector.broadcast %select_n3A_249 : vector<256x1xf32> to vector<256x25xf32>
    %lt3A_266 = arith.cmpf olt, %sqrt3A, %lt3A_265 : vector<256x25xf32>
    %eq3A_267 = vector.broadcast %select_n3A_249 : vector<256x1xf32> to vector<256x25xf32>
    %eq3A_268 = arith.cmpf oeq, %sqrt3A, %eq3A_267 : vector<256x25xf32>
    %add3A_269 = vector.broadcast %sub3A_264 : vector<256x1xf32> to vector<256x25xf32>
    %add3A_270 = arith.addf %add3A_269, %dot_general3A_260 : vector<256x25xf32>
    %le3A_271 = arith.constant 9.000000e+00 : f32
    %le3A_272 = vector.broadcast %le3A_271 : f32 to vector<256x25xf32>
    %le3A_273 = arith.cmpf ole, %add3A_270, %le3A_272 : vector<256x25xf32>
    %and3A = arith.andi %eq3A_268, %le3A_273 : vector<256x25xi1>
    %or3A = arith.ori %lt3A_266, %and3A : vector<256x25xi1>
    %sub3A_274 = arith.constant 1.600000e+01 : f32
    %sub3A_275 = vector.broadcast %sub3A_274 : f32 to vector<256x25xf32>
    %sub3A_276 = arith.subf %mul3A_52, %sub3A_275 : vector<256x25xf32>
    %sub3A_277 = arith.constant 1.600000e+01 : f32
    %sub3A_278 = vector.broadcast %sub3A_277 : f32 to vector<256x25xf32>
    %sub3A_279 = arith.subf %mul3A_59, %sub3A_278 : vector<256x25xf32>
    %add3A_280 = arith.constant 1.600000e+01 : f32
    %add3A_281 = vector.broadcast %add3A_280 : f32 to vector<256x25xf32>
    %add3A_282 = arith.addf %mul3A_52, %add3A_281 : vector<256x25xf32>
    %add3A_283 = arith.constant 1.600000e+01 : f32
    %add3A_284 = vector.broadcast %add3A_283 : f32 to vector<256x25xf32>
    %add3A_285 = arith.addf %mul3A_59, %add3A_284 : vector<256x25xf32>
    %sub3A_286 = arith.subf %slice3A_3, %slice3A : vector<256x1xf32>
    %sub3A_287 = arith.subf %slice3A_4, %slice3A_2 : vector<256x1xf32>
    %mul3A_288 = arith.mulf %sub3A_286, %sub3A_287 : vector<256x1xf32>
    %sub3A_289 = arith.subf %add3A_282, %sub3A_276 : vector<256x25xf32>
    %sub3A_290 = arith.subf %add3A_285, %sub3A_279 : vector<256x25xf32>
    %mul3A_291 = arith.mulf %sub3A_289, %sub3A_290 : vector<256x25xf32>
    %max3A_292 = vector.broadcast %slice3A : vector<256x1xf32> to vector<256x25xf32>
    %max3A_293 = arith.maximumf %max3A_292, %sub3A_276 : vector<256x25xf32>
    %max3A_294 = vector.broadcast %slice3A_2 : vector<256x1xf32> to vector<256x25xf32>
    %max3A_295 = arith.maximumf %max3A_294, %sub3A_279 : vector<256x25xf32>
    %min3A_296 = vector.broadcast %slice3A_3 : vector<256x1xf32> to vector<256x25xf32>
    %min3A_297 = arith.minimumf %min3A_296, %add3A_282 : vector<256x25xf32>
    %min3A_298 = vector.broadcast %slice3A_4 : vector<256x1xf32> to vector<256x25xf32>
    %min3A_299 = arith.minimumf %min3A_298, %add3A_285 : vector<256x25xf32>
    %sub3A_300 = arith.subf %min3A_297, %max3A_293 : vector<256x25xf32>
    %jit3A_301 = arith.constant 0.000000e+00 : f32
    %max3A_302 = vector.broadcast %jit3A_301 : f32 to vector<256x25xf32>
    %max3A_303 = arith.maximumf %max3A_302, %sub3A_300 : vector<256x25xf32>
    %sub3A_304 = arith.subf %min3A_299, %max3A_295 : vector<256x25xf32>
    %jit3A_305 = arith.constant 0.000000e+00 : f32
    %max3A_306 = vector.broadcast %jit3A_305 : f32 to vector<256x25xf32>
    %max3A_307 = arith.maximumf %max3A_306, %sub3A_304 : vector<256x25xf32>
    %mul3A_308 = arith.mulf %max3A_303, %max3A_307 : vector<256x25xf32>
    %add3A_309 = vector.broadcast %mul3A_288 : vector<256x1xf32> to vector<256x25xf32>
    %add3A_310 = arith.addf %add3A_309, %mul3A_291 : vector<256x25xf32>
    %sub3A_311 = arith.subf %add3A_310, %mul3A_308 : vector<256x25xf32>
    %add3A_312 = arith.constant 9.99999971E-10 : f32
    %add3A_313 = vector.broadcast %add3A_312 : f32 to vector<256x25xf32>
    %add3A_314 = arith.addf %sub3A_311, %add3A_313 : vector<256x25xf32>
    %div3A_315 = arith.divf %mul3A_308, %add3A_314 : vector<256x25xf32>
    %sub3A_316 = vector.broadcast %slice3A : vector<256x1xf32> to vector<256x25xf32>
    %sub3A_317 = arith.subf %mul3A_52, %sub3A_316 : vector<256x25xf32>
    %sub3A_318 = vector.broadcast %slice3A_2 : vector<256x1xf32> to vector<256x25xf32>
    %sub3A_319 = arith.subf %mul3A_59, %sub3A_318 : vector<256x25xf32>
    %min3A_320 = arith.minimumf %sub3A_317, %sub3A_319 : vector<256x25xf32>
    %sub3A_321 = vector.broadcast %slice3A_3 : vector<256x1xf32> to vector<256x25xf32>
    %sub3A_322 = arith.subf %sub3A_321, %mul3A_52 : vector<256x25xf32>
    %sub3A_323 = vector.broadcast %slice3A_4 : vector<256x1xf32> to vector<256x25xf32>
    %sub3A_324 = arith.subf %sub3A_323, %mul3A_59 : vector<256x25xf32>
    %min3A_325 = arith.minimumf %sub3A_322, %sub3A_324 : vector<256x25xf32>
    %min3A_326 = arith.minimumf %min3A_320, %min3A_325 : vector<256x25xf32>
    %gt3A_327 = arith.constant 9.99999971E-10 : f32
    %gt3A_328 = vector.broadcast %gt3A_327 : f32 to vector<256x25xf32>
    %gt3A_329 = arith.cmpf ogt, %min3A_326, %gt3A_328 : vector<256x25xf32>
    %convert_element_type3A_330 = arith.extui %or3A : vector<256x25xi1> to vector<256x25xi32>
    %convert_element_type3A_331 = arith.sitofp %convert_element_type3A_330 : vector<256x25xi32> to vector<256x25xf32>
    %mul3A_332 = arith.constant 160 : i32
    %mul3A_333 = vector.broadcast %mul3A_332 : i32 to vector<256x25xi32>
    %mul3A_334 = arith.muli %add3A_45, %mul3A_333 : vector<256x25xi32>
    %add3A_335 = arith.constant 0 : i32
    %add3A_336 = vector.broadcast %add3A_335 : i32 to vector<256x25xi32>
    %add3A_337 = arith.addi %add3A_336, %mul3A_334 : vector<256x25xi32>
    %add3A_338 = arith.addi %add3A_337, %add3A_43 : vector<256x25xi32>
    %convert_element_type3A_339 = arith.extui %gt3A_329 : vector<256x25xi1> to vector<256x25xi32>
    %convert_element_type3A_340 = arith.sitofp %convert_element_type3A_339 : vector<256x25xi32> to vector<256x25xf32>
    %div3A_341 = arith.constant 1.600000e+01 : f32
    %div3A_342 = vector.broadcast %div3A_341 : f32 to vector<256x1xf32>
    %div3A_343 = arith.divf %div3A_6, %div3A_342 : vector<256x1xf32>
    %floor3A_344 = math.floor %div3A_343 : vector<256x1xf32>
    %convert_element_type3A_345 = arith.fptosi %floor3A_344 : vector<256x1xf32> to vector<256x1xi32>
    %sub3A_346 = arith.constant 2 : i32
    %sub3A_347 = vector.broadcast %sub3A_346 : i32 to vector<256x1xi32>
    %sub3A_348 = arith.subi %convert_element_type3A_345, %sub3A_347 : vector<256x1xi32>
    %jit3A_349 = arith.constant 0 : i32
    %jit3A_350 = arith.constant 75 : i32
    %max3A_351 = vector.broadcast %jit3A_349 : i32 to vector<256x1xi32>
    %max3A_352 = arith.maxsi %max3A_351, %sub3A_348 : vector<256x1xi32>
    %min3A_353 = vector.broadcast %jit3A_350 : i32 to vector<256x1xi32>
    %min3A_354 = arith.minsi %min3A_353, %max3A_352 : vector<256x1xi32>
    %div3A_355 = arith.constant 1.600000e+01 : f32
    %div3A_356 = vector.broadcast %div3A_355 : f32 to vector<256x1xf32>
    %div3A_357 = arith.divf %div3A_10, %div3A_356 : vector<256x1xf32>
    %floor3A_358 = math.floor %div3A_357 : vector<256x1xf32>
    %convert_element_type3A_359 = arith.fptosi %floor3A_358 : vector<256x1xf32> to vector<256x1xi32>
    %sub3A_360 = arith.constant 2 : i32
    %sub3A_361 = vector.broadcast %sub3A_360 : i32 to vector<256x1xi32>
    %sub3A_362 = arith.subi %convert_element_type3A_359, %sub3A_361 : vector<256x1xi32>
    %jit3A_363 = arith.constant 0 : i32
    %jit3A_364 = arith.constant 75 : i32
    %max3A_365 = vector.broadcast %jit3A_363 : i32 to vector<256x1xi32>
    %max3A_366 = arith.maxsi %max3A_365, %sub3A_362 : vector<256x1xi32>
    %min3A_367 = vector.broadcast %jit3A_364 : i32 to vector<256x1xi32>
    %min3A_368 = arith.minsi %min3A_367, %max3A_366 : vector<256x1xi32>
    %iota3A_369 = tpu.iota {dimensions = array<i32: 1>} : vector<256x25xi32>
    %convert_element_type3A_370 = arith.sitofp %iota3A_369 : vector<256x25xi32> to vector<256x25xf32>
    %mul3A_371 = arith.constant 2.000000e-01 : f32
    %mul3A_372 = vector.broadcast %mul3A_371 : f32 to vector<256x25xf32>
    %mul3A_373 = arith.mulf %convert_element_type3A_370, %mul3A_372 : vector<256x25xf32>
    %floor3A_374 = math.floor %mul3A_373 : vector<256x25xf32>
    %convert_element_type3A_375 = arith.fptosi %floor3A_374 : vector<256x25xf32> to vector<256x25xi32>
    %mul3A_376 = arith.constant 5 : i32
    %mul3A_377 = vector.broadcast %mul3A_376 : i32 to vector<256x25xi32>
    %mul3A_378 = arith.muli %convert_element_type3A_375, %mul3A_377 : vector<256x25xi32>
    %sub3A_379 = arith.subi %iota3A_369, %mul3A_378 : vector<256x25xi32>
    %add3A_380 = vector.broadcast %min3A_354 : vector<256x1xi32> to vector<256x25xi32>
    %add3A_381 = arith.addi %add3A_380, %sub3A_379 : vector<256x25xi32>
    %add3A_382 = vector.broadcast %min3A_368 : vector<256x1xi32> to vector<256x25xi32>
    %add3A_383 = arith.addi %add3A_382, %convert_element_type3A_375 : vector<256x25xi32>
    %convert_element_type3A_384 = arith.sitofp %add3A_381 : vector<256x25xi32> to vector<256x25xf32>
    %add3A_385 = arith.constant 5.000000e-01 : f32
    %add3A_386 = vector.broadcast %add3A_385 : f32 to vector<256x25xf32>
    %add3A_387 = arith.addf %convert_element_type3A_384, %add3A_386 : vector<256x25xf32>
    %mul3A_388 = arith.constant 1.600000e+01 : f32
    %mul3A_389 = vector.broadcast %mul3A_388 : f32 to vector<256x25xf32>
    %mul3A_390 = arith.mulf %add3A_387, %mul3A_389 : vector<256x25xf32>
    %convert_element_type3A_391 = arith.sitofp %add3A_383 : vector<256x25xi32> to vector<256x25xf32>
    %add3A_392 = arith.constant 5.000000e-01 : f32
    %add3A_393 = vector.broadcast %add3A_392 : f32 to vector<256x25xf32>
    %add3A_394 = arith.addf %convert_element_type3A_391, %add3A_393 : vector<256x25xf32>
    %mul3A_395 = arith.constant 1.600000e+01 : f32
    %mul3A_396 = vector.broadcast %mul3A_395 : f32 to vector<256x25xf32>
    %mul3A_397 = arith.mulf %add3A_394, %mul3A_396 : vector<256x25xf32>
    %sub3A_398 = vector.broadcast %div3A_6 : vector<256x1xf32> to vector<256x25xf32>
    %sub3A_399 = arith.subf %sub3A_398, %mul3A_390 : vector<256x25xf32>
    %integer_pow3A_400 = arith.mulf %sub3A_399, %sub3A_399 : vector<256x25xf32>
    %sub3A_401 = vector.broadcast %div3A_10 : vector<256x1xf32> to vector<256x25xf32>
    %sub3A_402 = arith.subf %sub3A_401, %mul3A_397 : vector<256x25xf32>
    %integer_pow3A_403 = arith.mulf %sub3A_402, %sub3A_402 : vector<256x25xf32>
    %add3A_404 = arith.addf %integer_pow3A_400, %integer_pow3A_403 : vector<256x25xf32>
    %sqrt3A_405 = math.sqrt %add3A_404 : vector<256x25xf32>
    %broadcast_in_dim3A_406 = arith.constant -1.000000e+00 : f32
    %broadcast_in_dim3A_407 = vector.broadcast %broadcast_in_dim3A_406 : f32 to vector<256x1xf32>
    %broadcast_in_dim3A_408 = arith.constant 0.000000e+00 : f32
    %broadcast_in_dim3A_409 = vector.broadcast %broadcast_in_dim3A_408 : f32 to vector<256x1xf32>
    %gt3A_410 = vector.broadcast %broadcast_in_dim3A_407 : vector<256x1xf32> to vector<256x25xf32>
    %gt3A_411 = arith.cmpf ogt, %sqrt3A_405, %gt3A_410 : vector<256x25xf32>
    %jit3A_412 = arith.constant 3.000000e+38 : f32
    %broadcast_in_dim3A_413 = vector.broadcast %jit3A_412 : f32 to vector<256x25xf32>
    %select_n3A_414 = arith.select %gt3A_411, %sqrt3A_405, %broadcast_in_dim3A_413 : vector<256x25xi1>, vector<256x25xf32>
    %reduce_min3A_415 = arith.constant dense<0x7F800000> : vector<256xf32>
    %reduce_min3A_416 = vector.multi_reduction <minimumf>, %select_n3A_414, %reduce_min3A_415 [1] : vector<256x25xf32> to vector<256xf32>
    %broadcast_in_dim3A_417 = vector.shape_cast %reduce_min3A_416 : vector<256xf32> to vector<256x1xf32>
    %eq3A_418 = vector.broadcast %broadcast_in_dim3A_417 : vector<256x1xf32> to vector<256x25xf32>
    %eq3A_419 = arith.cmpf oeq, %sqrt3A_405, %eq3A_418 : vector<256x25xf32>
    %convert_element_type3A_420 = arith.extui %eq3A_419 : vector<256x25xi1> to vector<256x25xi32>
    %convert_element_type3A_421 = arith.sitofp %convert_element_type3A_420 : vector<256x25xi32> to vector<256x25xf32>
    %reduce_sum3A_422 = arith.constant dense<0.000000e+00> : vector<256xf32>
    %reduce_sum3A_423 = vector.multi_reduction <add>, %convert_element_type3A_421, %reduce_sum3A_422 [1] : vector<256x25xf32> to vector<256xf32>
    %broadcast_in_dim3A_424 = vector.shape_cast %reduce_sum3A_423 : vector<256xf32> to vector<256x1xf32>
    %lt3A_425 = arith.constant 9.000000e+00 : f32
    %lt3A_426 = vector.broadcast %lt3A_425 : f32 to vector<256x1xf32>
    %lt3A_427 = arith.cmpf olt, %broadcast_in_dim3A_409, %lt3A_426 : vector<256x1xf32>
    %select_n3A_428 = arith.select %lt3A_427, %broadcast_in_dim3A_417, %broadcast_in_dim3A_407 : vector<256x1xi1>, vector<256x1xf32>
    %add3A_429 = arith.addf %broadcast_in_dim3A_409, %broadcast_in_dim3A_424 : vector<256x1xf32>
    %select_n3A_430 = arith.select %lt3A_427, %add3A_429, %broadcast_in_dim3A_409 : vector<256x1xi1>, vector<256x1xf32>
    %gt3A_431 = vector.broadcast %select_n3A_428 : vector<256x1xf32> to vector<256x25xf32>
    %gt3A_432 = arith.cmpf ogt, %sqrt3A_405, %gt3A_431 : vector<256x25xf32>
    %jit3A_433 = arith.constant 3.000000e+38 : f32
    %broadcast_in_dim3A_434 = vector.broadcast %jit3A_433 : f32 to vector<256x25xf32>
    %select_n3A_435 = arith.select %gt3A_432, %sqrt3A_405, %broadcast_in_dim3A_434 : vector<256x25xi1>, vector<256x25xf32>
    %reduce_min3A_436 = arith.constant dense<0x7F800000> : vector<256xf32>
    %reduce_min3A_437 = vector.multi_reduction <minimumf>, %select_n3A_435, %reduce_min3A_436 [1] : vector<256x25xf32> to vector<256xf32>
    %broadcast_in_dim3A_438 = vector.shape_cast %reduce_min3A_437 : vector<256xf32> to vector<256x1xf32>
    %eq3A_439 = vector.broadcast %broadcast_in_dim3A_438 : vector<256x1xf32> to vector<256x25xf32>
    %eq3A_440 = arith.cmpf oeq, %sqrt3A_405, %eq3A_439 : vector<256x25xf32>
    %convert_element_type3A_441 = arith.extui %eq3A_440 : vector<256x25xi1> to vector<256x25xi32>
    %convert_element_type3A_442 = arith.sitofp %convert_element_type3A_441 : vector<256x25xi32> to vector<256x25xf32>
    %reduce_sum3A_443 = arith.constant dense<0.000000e+00> : vector<256xf32>
    %reduce_sum3A_444 = vector.multi_reduction <add>, %convert_element_type3A_442, %reduce_sum3A_443 [1] : vector<256x25xf32> to vector<256xf32>
    %broadcast_in_dim3A_445 = vector.shape_cast %reduce_sum3A_444 : vector<256xf32> to vector<256x1xf32>
    %lt3A_446 = arith.constant 9.000000e+00 : f32
    %lt3A_447 = vector.broadcast %lt3A_446 : f32 to vector<256x1xf32>
    %lt3A_448 = arith.cmpf olt, %select_n3A_430, %lt3A_447 : vector<256x1xf32>
    %select_n3A_449 = arith.select %lt3A_448, %broadcast_in_dim3A_438, %select_n3A_428 : vector<256x1xi1>, vector<256x1xf32>
    %add3A_450 = arith.addf %select_n3A_430, %broadcast_in_dim3A_445 : vector<256x1xf32>
    %select_n3A_451 = arith.select %lt3A_448, %add3A_450, %select_n3A_430 : vector<256x1xi1>, vector<256x1xf32>
    %gt3A_452 = vector.broadcast %select_n3A_449 : vector<256x1xf32> to vector<256x25xf32>
    %gt3A_453 = arith.cmpf ogt, %sqrt3A_405, %gt3A_452 : vector<256x25xf32>
    %jit3A_454 = arith.constant 3.000000e+38 : f32
    %broadcast_in_dim3A_455 = vector.broadcast %jit3A_454 : f32 to vector<256x25xf32>
    %select_n3A_456 = arith.select %gt3A_453, %sqrt3A_405, %broadcast_in_dim3A_455 : vector<256x25xi1>, vector<256x25xf32>
    %reduce_min3A_457 = arith.constant dense<0x7F800000> : vector<256xf32>
    %reduce_min3A_458 = vector.multi_reduction <minimumf>, %select_n3A_456, %reduce_min3A_457 [1] : vector<256x25xf32> to vector<256xf32>
    %broadcast_in_dim3A_459 = vector.shape_cast %reduce_min3A_458 : vector<256xf32> to vector<256x1xf32>
    %eq3A_460 = vector.broadcast %broadcast_in_dim3A_459 : vector<256x1xf32> to vector<256x25xf32>
    %eq3A_461 = arith.cmpf oeq, %sqrt3A_405, %eq3A_460 : vector<256x25xf32>
    %convert_element_type3A_462 = arith.extui %eq3A_461 : vector<256x25xi1> to vector<256x25xi32>
    %convert_element_type3A_463 = arith.sitofp %convert_element_type3A_462 : vector<256x25xi32> to vector<256x25xf32>
    %reduce_sum3A_464 = arith.constant dense<0.000000e+00> : vector<256xf32>
    %reduce_sum3A_465 = vector.multi_reduction <add>, %convert_element_type3A_463, %reduce_sum3A_464 [1] : vector<256x25xf32> to vector<256xf32>
    %broadcast_in_dim3A_466 = vector.shape_cast %reduce_sum3A_465 : vector<256xf32> to vector<256x1xf32>
    %lt3A_467 = arith.constant 9.000000e+00 : f32
    %lt3A_468 = vector.broadcast %lt3A_467 : f32 to vector<256x1xf32>
    %lt3A_469 = arith.cmpf olt, %select_n3A_451, %lt3A_468 : vector<256x1xf32>
    %select_n3A_470 = arith.select %lt3A_469, %broadcast_in_dim3A_459, %select_n3A_449 : vector<256x1xi1>, vector<256x1xf32>
    %add3A_471 = arith.addf %select_n3A_451, %broadcast_in_dim3A_466 : vector<256x1xf32>
    %select_n3A_472 = arith.select %lt3A_469, %add3A_471, %select_n3A_451 : vector<256x1xi1>, vector<256x1xf32>
    %gt3A_473 = vector.broadcast %select_n3A_470 : vector<256x1xf32> to vector<256x25xf32>
    %gt3A_474 = arith.cmpf ogt, %sqrt3A_405, %gt3A_473 : vector<256x25xf32>
    %jit3A_475 = arith.constant 3.000000e+38 : f32
    %broadcast_in_dim3A_476 = vector.broadcast %jit3A_475 : f32 to vector<256x25xf32>
    %select_n3A_477 = arith.select %gt3A_474, %sqrt3A_405, %broadcast_in_dim3A_476 : vector<256x25xi1>, vector<256x25xf32>
    %reduce_min3A_478 = arith.constant dense<0x7F800000> : vector<256xf32>
    %reduce_min3A_479 = vector.multi_reduction <minimumf>, %select_n3A_477, %reduce_min3A_478 [1] : vector<256x25xf32> to vector<256xf32>
    %broadcast_in_dim3A_480 = vector.shape_cast %reduce_min3A_479 : vector<256xf32> to vector<256x1xf32>
    %eq3A_481 = vector.broadcast %broadcast_in_dim3A_480 : vector<256x1xf32> to vector<256x25xf32>
    %eq3A_482 = arith.cmpf oeq, %sqrt3A_405, %eq3A_481 : vector<256x25xf32>
    %convert_element_type3A_483 = arith.extui %eq3A_482 : vector<256x25xi1> to vector<256x25xi32>
    %convert_element_type3A_484 = arith.sitofp %convert_element_type3A_483 : vector<256x25xi32> to vector<256x25xf32>
    %reduce_sum3A_485 = arith.constant dense<0.000000e+00> : vector<256xf32>
    %reduce_sum3A_486 = vector.multi_reduction <add>, %convert_element_type3A_484, %reduce_sum3A_485 [1] : vector<256x25xf32> to vector<256xf32>
    %broadcast_in_dim3A_487 = vector.shape_cast %reduce_sum3A_486 : vector<256xf32> to vector<256x1xf32>
    %lt3A_488 = arith.constant 9.000000e+00 : f32
    %lt3A_489 = vector.broadcast %lt3A_488 : f32 to vector<256x1xf32>
    %lt3A_490 = arith.cmpf olt, %select_n3A_472, %lt3A_489 : vector<256x1xf32>
    %select_n3A_491 = arith.select %lt3A_490, %broadcast_in_dim3A_480, %select_n3A_470 : vector<256x1xi1>, vector<256x1xf32>
    %add3A_492 = arith.addf %select_n3A_472, %broadcast_in_dim3A_487 : vector<256x1xf32>
    %select_n3A_493 = arith.select %lt3A_490, %add3A_492, %select_n3A_472 : vector<256x1xi1>, vector<256x1xf32>
    %gt3A_494 = vector.broadcast %select_n3A_491 : vector<256x1xf32> to vector<256x25xf32>
    %gt3A_495 = arith.cmpf ogt, %sqrt3A_405, %gt3A_494 : vector<256x25xf32>
    %jit3A_496 = arith.constant 3.000000e+38 : f32
    %broadcast_in_dim3A_497 = vector.broadcast %jit3A_496 : f32 to vector<256x25xf32>
    %select_n3A_498 = arith.select %gt3A_495, %sqrt3A_405, %broadcast_in_dim3A_497 : vector<256x25xi1>, vector<256x25xf32>
    %reduce_min3A_499 = arith.constant dense<0x7F800000> : vector<256xf32>
    %reduce_min3A_500 = vector.multi_reduction <minimumf>, %select_n3A_498, %reduce_min3A_499 [1] : vector<256x25xf32> to vector<256xf32>
    %broadcast_in_dim3A_501 = vector.shape_cast %reduce_min3A_500 : vector<256xf32> to vector<256x1xf32>
    %eq3A_502 = vector.broadcast %broadcast_in_dim3A_501 : vector<256x1xf32> to vector<256x25xf32>
    %eq3A_503 = arith.cmpf oeq, %sqrt3A_405, %eq3A_502 : vector<256x25xf32>
    %convert_element_type3A_504 = arith.extui %eq3A_503 : vector<256x25xi1> to vector<256x25xi32>
    %convert_element_type3A_505 = arith.sitofp %convert_element_type3A_504 : vector<256x25xi32> to vector<256x25xf32>
    %reduce_sum3A_506 = arith.constant dense<0.000000e+00> : vector<256xf32>
    %reduce_sum3A_507 = vector.multi_reduction <add>, %convert_element_type3A_505, %reduce_sum3A_506 [1] : vector<256x25xf32> to vector<256xf32>
    %broadcast_in_dim3A_508 = vector.shape_cast %reduce_sum3A_507 : vector<256xf32> to vector<256x1xf32>
    %lt3A_509 = arith.constant 9.000000e+00 : f32
    %lt3A_510 = vector.broadcast %lt3A_509 : f32 to vector<256x1xf32>
    %lt3A_511 = arith.cmpf olt, %select_n3A_493, %lt3A_510 : vector<256x1xf32>
    %select_n3A_512 = arith.select %lt3A_511, %broadcast_in_dim3A_501, %select_n3A_491 : vector<256x1xi1>, vector<256x1xf32>
    %add3A_513 = arith.addf %select_n3A_493, %broadcast_in_dim3A_508 : vector<256x1xf32>
    %select_n3A_514 = arith.select %lt3A_511, %add3A_513, %select_n3A_493 : vector<256x1xi1>, vector<256x1xf32>
    %gt3A_515 = vector.broadcast %select_n3A_512 : vector<256x1xf32> to vector<256x25xf32>
    %gt3A_516 = arith.cmpf ogt, %sqrt3A_405, %gt3A_515 : vector<256x25xf32>
    %jit3A_517 = arith.constant 3.000000e+38 : f32
    %broadcast_in_dim3A_518 = vector.broadcast %jit3A_517 : f32 to vector<256x25xf32>
    %select_n3A_519 = arith.select %gt3A_516, %sqrt3A_405, %broadcast_in_dim3A_518 : vector<256x25xi1>, vector<256x25xf32>
    %reduce_min3A_520 = arith.constant dense<0x7F800000> : vector<256xf32>
    %reduce_min3A_521 = vector.multi_reduction <minimumf>, %select_n3A_519, %reduce_min3A_520 [1] : vector<256x25xf32> to vector<256xf32>
    %broadcast_in_dim3A_522 = vector.shape_cast %reduce_min3A_521 : vector<256xf32> to vector<256x1xf32>
    %eq3A_523 = vector.broadcast %broadcast_in_dim3A_522 : vector<256x1xf32> to vector<256x25xf32>
    %eq3A_524 = arith.cmpf oeq, %sqrt3A_405, %eq3A_523 : vector<256x25xf32>
    %convert_element_type3A_525 = arith.extui %eq3A_524 : vector<256x25xi1> to vector<256x25xi32>
    %convert_element_type3A_526 = arith.sitofp %convert_element_type3A_525 : vector<256x25xi32> to vector<256x25xf32>
    %reduce_sum3A_527 = arith.constant dense<0.000000e+00> : vector<256xf32>
    %reduce_sum3A_528 = vector.multi_reduction <add>, %convert_element_type3A_526, %reduce_sum3A_527 [1] : vector<256x25xf32> to vector<256xf32>
    %broadcast_in_dim3A_529 = vector.shape_cast %reduce_sum3A_528 : vector<256xf32> to vector<256x1xf32>
    %lt3A_530 = arith.constant 9.000000e+00 : f32
    %lt3A_531 = vector.broadcast %lt3A_530 : f32 to vector<256x1xf32>
    %lt3A_532 = arith.cmpf olt, %select_n3A_514, %lt3A_531 : vector<256x1xf32>
    %select_n3A_533 = arith.select %lt3A_532, %broadcast_in_dim3A_522, %select_n3A_512 : vector<256x1xi1>, vector<256x1xf32>
    %add3A_534 = arith.addf %select_n3A_514, %broadcast_in_dim3A_529 : vector<256x1xf32>
    %select_n3A_535 = arith.select %lt3A_532, %add3A_534, %select_n3A_514 : vector<256x1xi1>, vector<256x1xf32>
    %gt3A_536 = vector.broadcast %select_n3A_533 : vector<256x1xf32> to vector<256x25xf32>
    %gt3A_537 = arith.cmpf ogt, %sqrt3A_405, %gt3A_536 : vector<256x25xf32>
    %jit3A_538 = arith.constant 3.000000e+38 : f32
    %broadcast_in_dim3A_539 = vector.broadcast %jit3A_538 : f32 to vector<256x25xf32>
    %select_n3A_540 = arith.select %gt3A_537, %sqrt3A_405, %broadcast_in_dim3A_539 : vector<256x25xi1>, vector<256x25xf32>
    %reduce_min3A_541 = arith.constant dense<0x7F800000> : vector<256xf32>
    %reduce_min3A_542 = vector.multi_reduction <minimumf>, %select_n3A_540, %reduce_min3A_541 [1] : vector<256x25xf32> to vector<256xf32>
    %broadcast_in_dim3A_543 = vector.shape_cast %reduce_min3A_542 : vector<256xf32> to vector<256x1xf32>
    %eq3A_544 = vector.broadcast %broadcast_in_dim3A_543 : vector<256x1xf32> to vector<256x25xf32>
    %eq3A_545 = arith.cmpf oeq, %sqrt3A_405, %eq3A_544 : vector<256x25xf32>
    %convert_element_type3A_546 = arith.extui %eq3A_545 : vector<256x25xi1> to vector<256x25xi32>
    %convert_element_type3A_547 = arith.sitofp %convert_element_type3A_546 : vector<256x25xi32> to vector<256x25xf32>
    %reduce_sum3A_548 = arith.constant dense<0.000000e+00> : vector<256xf32>
    %reduce_sum3A_549 = vector.multi_reduction <add>, %convert_element_type3A_547, %reduce_sum3A_548 [1] : vector<256x25xf32> to vector<256xf32>
    %broadcast_in_dim3A_550 = vector.shape_cast %reduce_sum3A_549 : vector<256xf32> to vector<256x1xf32>
    %lt3A_551 = arith.constant 9.000000e+00 : f32
    %lt3A_552 = vector.broadcast %lt3A_551 : f32 to vector<256x1xf32>
    %lt3A_553 = arith.cmpf olt, %select_n3A_535, %lt3A_552 : vector<256x1xf32>
    %select_n3A_554 = arith.select %lt3A_553, %broadcast_in_dim3A_543, %select_n3A_533 : vector<256x1xi1>, vector<256x1xf32>
    %add3A_555 = arith.addf %select_n3A_535, %broadcast_in_dim3A_550 : vector<256x1xf32>
    %select_n3A_556 = arith.select %lt3A_553, %add3A_555, %select_n3A_535 : vector<256x1xi1>, vector<256x1xf32>
    %gt3A_557 = vector.broadcast %select_n3A_554 : vector<256x1xf32> to vector<256x25xf32>
    %gt3A_558 = arith.cmpf ogt, %sqrt3A_405, %gt3A_557 : vector<256x25xf32>
    %jit3A_559 = arith.constant 3.000000e+38 : f32
    %broadcast_in_dim3A_560 = vector.broadcast %jit3A_559 : f32 to vector<256x25xf32>
    %select_n3A_561 = arith.select %gt3A_558, %sqrt3A_405, %broadcast_in_dim3A_560 : vector<256x25xi1>, vector<256x25xf32>
    %reduce_min3A_562 = arith.constant dense<0x7F800000> : vector<256xf32>
    %reduce_min3A_563 = vector.multi_reduction <minimumf>, %select_n3A_561, %reduce_min3A_562 [1] : vector<256x25xf32> to vector<256xf32>
    %broadcast_in_dim3A_564 = vector.shape_cast %reduce_min3A_563 : vector<256xf32> to vector<256x1xf32>
    %eq3A_565 = vector.broadcast %broadcast_in_dim3A_564 : vector<256x1xf32> to vector<256x25xf32>
    %eq3A_566 = arith.cmpf oeq, %sqrt3A_405, %eq3A_565 : vector<256x25xf32>
    %convert_element_type3A_567 = arith.extui %eq3A_566 : vector<256x25xi1> to vector<256x25xi32>
    %convert_element_type3A_568 = arith.sitofp %convert_element_type3A_567 : vector<256x25xi32> to vector<256x25xf32>
    %reduce_sum3A_569 = arith.constant dense<0.000000e+00> : vector<256xf32>
    %reduce_sum3A_570 = vector.multi_reduction <add>, %convert_element_type3A_568, %reduce_sum3A_569 [1] : vector<256x25xf32> to vector<256xf32>
    %broadcast_in_dim3A_571 = vector.shape_cast %reduce_sum3A_570 : vector<256xf32> to vector<256x1xf32>
    %lt3A_572 = arith.constant 9.000000e+00 : f32
    %lt3A_573 = vector.broadcast %lt3A_572 : f32 to vector<256x1xf32>
    %lt3A_574 = arith.cmpf olt, %select_n3A_556, %lt3A_573 : vector<256x1xf32>
    %select_n3A_575 = arith.select %lt3A_574, %broadcast_in_dim3A_564, %select_n3A_554 : vector<256x1xi1>, vector<256x1xf32>
    %add3A_576 = arith.addf %select_n3A_556, %broadcast_in_dim3A_571 : vector<256x1xf32>
    %select_n3A_577 = arith.select %lt3A_574, %add3A_576, %select_n3A_556 : vector<256x1xi1>, vector<256x1xf32>
    %gt3A_578 = vector.broadcast %select_n3A_575 : vector<256x1xf32> to vector<256x25xf32>
    %gt3A_579 = arith.cmpf ogt, %sqrt3A_405, %gt3A_578 : vector<256x25xf32>
    %jit3A_580 = arith.constant 3.000000e+38 : f32
    %broadcast_in_dim3A_581 = vector.broadcast %jit3A_580 : f32 to vector<256x25xf32>
    %select_n3A_582 = arith.select %gt3A_579, %sqrt3A_405, %broadcast_in_dim3A_581 : vector<256x25xi1>, vector<256x25xf32>
    %reduce_min3A_583 = arith.constant dense<0x7F800000> : vector<256xf32>
    %reduce_min3A_584 = vector.multi_reduction <minimumf>, %select_n3A_582, %reduce_min3A_583 [1] : vector<256x25xf32> to vector<256xf32>
    %broadcast_in_dim3A_585 = vector.shape_cast %reduce_min3A_584 : vector<256xf32> to vector<256x1xf32>
    %eq3A_586 = vector.broadcast %broadcast_in_dim3A_585 : vector<256x1xf32> to vector<256x25xf32>
    %eq3A_587 = arith.cmpf oeq, %sqrt3A_405, %eq3A_586 : vector<256x25xf32>
    %convert_element_type3A_588 = arith.extui %eq3A_587 : vector<256x25xi1> to vector<256x25xi32>
    %convert_element_type3A_589 = arith.sitofp %convert_element_type3A_588 : vector<256x25xi32> to vector<256x25xf32>
    %reduce_sum3A_590 = arith.constant dense<0.000000e+00> : vector<256xf32>
    %reduce_sum3A_591 = vector.multi_reduction <add>, %convert_element_type3A_589, %reduce_sum3A_590 [1] : vector<256x25xf32> to vector<256xf32>
    %broadcast_in_dim3A_592 = vector.shape_cast %reduce_sum3A_591 : vector<256xf32> to vector<256x1xf32>
    %lt3A_593 = arith.constant 9.000000e+00 : f32
    %lt3A_594 = vector.broadcast %lt3A_593 : f32 to vector<256x1xf32>
    %lt3A_595 = arith.cmpf olt, %select_n3A_577, %lt3A_594 : vector<256x1xf32>
    %select_n3A_596 = arith.select %lt3A_595, %broadcast_in_dim3A_585, %select_n3A_575 : vector<256x1xi1>, vector<256x1xf32>
    %add3A_597 = arith.addf %select_n3A_577, %broadcast_in_dim3A_592 : vector<256x1xf32>
    %select_n3A_598 = arith.select %lt3A_595, %add3A_597, %select_n3A_577 : vector<256x1xi1>, vector<256x1xf32>
    %eq3A_599 = vector.broadcast %select_n3A_596 : vector<256x1xf32> to vector<256x25xf32>
    %eq3A_600 = arith.cmpf oeq, %sqrt3A_405, %eq3A_599 : vector<256x25xf32>
    %convert_element_type3A_601 = arith.extui %eq3A_600 : vector<256x25xi1> to vector<256x25xi32>
    %convert_element_type3A_602 = arith.sitofp %convert_element_type3A_601 : vector<256x25xi32> to vector<256x25xf32>
    %iota3A_603 = tpu.iota {dimensions = array<i32: 0>} : vector<25x25xi32>
    %iota3A_604 = tpu.iota {dimensions = array<i32: 1>} : vector<25x25xi32>
    %le3A_605 = arith.cmpi sle, %iota3A_603, %iota3A_604 : vector<25x25xi32>
    %convert_element_type3A_606 = arith.extui %le3A_605 : vector<25x25xi1> to vector<25x25xi32>
    %convert_element_type3A_607 = arith.sitofp %convert_element_type3A_606 : vector<25x25xi32> to vector<25x25xf32>
    %dot_general3A_608 = arith.constant dense<0.000000e+00> : vector<256x25xf32>
    %dot_general3A_609 = tpu.matmul %convert_element_type3A_602, %convert_element_type3A_607, %dot_general3A_608 {dimension_numbers = #tpu.dot_dimension_numbers<[1], [0], [0], [1], [0, 0, 1, 1], [], []>, transpose_lhs_hint = false} : vector<256x25xf32>, vector<25x25xf32>, vector<256x25xf32> -> vector<256x25xf32>
    %reduce_sum3A_610 = arith.constant dense<0.000000e+00> : vector<256xf32>
    %reduce_sum3A_611 = vector.multi_reduction <add>, %convert_element_type3A_602, %reduce_sum3A_610 [1] : vector<256x25xf32> to vector<256xf32>
    %broadcast_in_dim3A_612 = vector.shape_cast %reduce_sum3A_611 : vector<256xf32> to vector<256x1xf32>
    %sub3A_613 = arith.subf %select_n3A_598, %broadcast_in_dim3A_612 : vector<256x1xf32>
    %lt3A_614 = vector.broadcast %select_n3A_596 : vector<256x1xf32> to vector<256x25xf32>
    %lt3A_615 = arith.cmpf olt, %sqrt3A_405, %lt3A_614 : vector<256x25xf32>
    %eq3A_616 = vector.broadcast %select_n3A_596 : vector<256x1xf32> to vector<256x25xf32>
    %eq3A_617 = arith.cmpf oeq, %sqrt3A_405, %eq3A_616 : vector<256x25xf32>
    %add3A_618 = vector.broadcast %sub3A_613 : vector<256x1xf32> to vector<256x25xf32>
    %add3A_619 = arith.addf %add3A_618, %dot_general3A_609 : vector<256x25xf32>
    %le3A_620 = arith.constant 9.000000e+00 : f32
    %le3A_621 = vector.broadcast %le3A_620 : f32 to vector<256x25xf32>
    %le3A_622 = arith.cmpf ole, %add3A_619, %le3A_621 : vector<256x25xf32>
    %and3A_623 = arith.andi %eq3A_617, %le3A_622 : vector<256x25xi1>
    %or3A_624 = arith.ori %lt3A_615, %and3A_623 : vector<256x25xi1>
    %sub3A_625 = arith.constant 3.200000e+01 : f32
    %sub3A_626 = vector.broadcast %sub3A_625 : f32 to vector<256x25xf32>
    %sub3A_627 = arith.subf %mul3A_390, %sub3A_626 : vector<256x25xf32>
    %sub3A_628 = arith.constant 3.200000e+01 : f32
    %sub3A_629 = vector.broadcast %sub3A_628 : f32 to vector<256x25xf32>
    %sub3A_630 = arith.subf %mul3A_397, %sub3A_629 : vector<256x25xf32>
    %add3A_631 = arith.constant 3.200000e+01 : f32
    %add3A_632 = vector.broadcast %add3A_631 : f32 to vector<256x25xf32>
    %add3A_633 = arith.addf %mul3A_390, %add3A_632 : vector<256x25xf32>
    %add3A_634 = arith.constant 3.200000e+01 : f32
    %add3A_635 = vector.broadcast %add3A_634 : f32 to vector<256x25xf32>
    %add3A_636 = arith.addf %mul3A_397, %add3A_635 : vector<256x25xf32>
    %sub3A_637 = arith.subf %slice3A_3, %slice3A : vector<256x1xf32>
    %sub3A_638 = arith.subf %slice3A_4, %slice3A_2 : vector<256x1xf32>
    %mul3A_639 = arith.mulf %sub3A_637, %sub3A_638 : vector<256x1xf32>
    %sub3A_640 = arith.subf %add3A_633, %sub3A_627 : vector<256x25xf32>
    %sub3A_641 = arith.subf %add3A_636, %sub3A_630 : vector<256x25xf32>
    %mul3A_642 = arith.mulf %sub3A_640, %sub3A_641 : vector<256x25xf32>
    %max3A_643 = vector.broadcast %slice3A : vector<256x1xf32> to vector<256x25xf32>
    %max3A_644 = arith.maximumf %max3A_643, %sub3A_627 : vector<256x25xf32>
    %max3A_645 = vector.broadcast %slice3A_2 : vector<256x1xf32> to vector<256x25xf32>
    %max3A_646 = arith.maximumf %max3A_645, %sub3A_630 : vector<256x25xf32>
    %min3A_647 = vector.broadcast %slice3A_3 : vector<256x1xf32> to vector<256x25xf32>
    %min3A_648 = arith.minimumf %min3A_647, %add3A_633 : vector<256x25xf32>
    %min3A_649 = vector.broadcast %slice3A_4 : vector<256x1xf32> to vector<256x25xf32>
    %min3A_650 = arith.minimumf %min3A_649, %add3A_636 : vector<256x25xf32>
    %sub3A_651 = arith.subf %min3A_648, %max3A_644 : vector<256x25xf32>
    %jit3A_652 = arith.constant 0.000000e+00 : f32
    %max3A_653 = vector.broadcast %jit3A_652 : f32 to vector<256x25xf32>
    %max3A_654 = arith.maximumf %max3A_653, %sub3A_651 : vector<256x25xf32>
    %sub3A_655 = arith.subf %min3A_650, %max3A_646 : vector<256x25xf32>
    %jit3A_656 = arith.constant 0.000000e+00 : f32
    %max3A_657 = vector.broadcast %jit3A_656 : f32 to vector<256x25xf32>
    %max3A_658 = arith.maximumf %max3A_657, %sub3A_655 : vector<256x25xf32>
    %mul3A_659 = arith.mulf %max3A_654, %max3A_658 : vector<256x25xf32>
    %add3A_660 = vector.broadcast %mul3A_639 : vector<256x1xf32> to vector<256x25xf32>
    %add3A_661 = arith.addf %add3A_660, %mul3A_642 : vector<256x25xf32>
    %sub3A_662 = arith.subf %add3A_661, %mul3A_659 : vector<256x25xf32>
    %add3A_663 = arith.constant 9.99999971E-10 : f32
    %add3A_664 = vector.broadcast %add3A_663 : f32 to vector<256x25xf32>
    %add3A_665 = arith.addf %sub3A_662, %add3A_664 : vector<256x25xf32>
    %div3A_666 = arith.divf %mul3A_659, %add3A_665 : vector<256x25xf32>
    %sub3A_667 = vector.broadcast %slice3A : vector<256x1xf32> to vector<256x25xf32>
    %sub3A_668 = arith.subf %mul3A_390, %sub3A_667 : vector<256x25xf32>
    %sub3A_669 = vector.broadcast %slice3A_2 : vector<256x1xf32> to vector<256x25xf32>
    %sub3A_670 = arith.subf %mul3A_397, %sub3A_669 : vector<256x25xf32>
    %min3A_671 = arith.minimumf %sub3A_668, %sub3A_670 : vector<256x25xf32>
    %sub3A_672 = vector.broadcast %slice3A_3 : vector<256x1xf32> to vector<256x25xf32>
    %sub3A_673 = arith.subf %sub3A_672, %mul3A_390 : vector<256x25xf32>
    %sub3A_674 = vector.broadcast %slice3A_4 : vector<256x1xf32> to vector<256x25xf32>
    %sub3A_675 = arith.subf %sub3A_674, %mul3A_397 : vector<256x25xf32>
    %min3A_676 = arith.minimumf %sub3A_673, %sub3A_675 : vector<256x25xf32>
    %min3A_677 = arith.minimumf %min3A_671, %min3A_676 : vector<256x25xf32>
    %gt3A_678 = arith.constant 9.99999971E-10 : f32
    %gt3A_679 = vector.broadcast %gt3A_678 : f32 to vector<256x25xf32>
    %gt3A_680 = arith.cmpf ogt, %min3A_677, %gt3A_679 : vector<256x25xf32>
    %convert_element_type3A_681 = arith.extui %or3A_624 : vector<256x25xi1> to vector<256x25xi32>
    %convert_element_type3A_682 = arith.sitofp %convert_element_type3A_681 : vector<256x25xi32> to vector<256x25xf32>
    %mul3A_683 = arith.constant 80 : i32
    %mul3A_684 = vector.broadcast %mul3A_683 : i32 to vector<256x25xi32>
    %mul3A_685 = arith.muli %add3A_383, %mul3A_684 : vector<256x25xi32>
    %add3A_686 = arith.constant 25600 : i32
    %add3A_687 = vector.broadcast %add3A_686 : i32 to vector<256x25xi32>
    %add3A_688 = arith.addi %add3A_687, %mul3A_685 : vector<256x25xi32>
    %add3A_689 = arith.addi %add3A_688, %add3A_381 : vector<256x25xi32>
    %convert_element_type3A_690 = arith.extui %gt3A_680 : vector<256x25xi1> to vector<256x25xi32>
    %convert_element_type3A_691 = arith.sitofp %convert_element_type3A_690 : vector<256x25xi32> to vector<256x25xf32>
    %div3A_692 = arith.constant 3.200000e+01 : f32
    %div3A_693 = vector.broadcast %div3A_692 : f32 to vector<256x1xf32>
    %div3A_694 = arith.divf %div3A_6, %div3A_693 : vector<256x1xf32>
    %floor3A_695 = math.floor %div3A_694 : vector<256x1xf32>
    %convert_element_type3A_696 = arith.fptosi %floor3A_695 : vector<256x1xf32> to vector<256x1xi32>
    %sub3A_697 = arith.constant 2 : i32
    %sub3A_698 = vector.broadcast %sub3A_697 : i32 to vector<256x1xi32>
    %sub3A_699 = arith.subi %convert_element_type3A_696, %sub3A_698 : vector<256x1xi32>
    %jit3A_700 = arith.constant 0 : i32
    %jit3A_701 = arith.constant 35 : i32
    %max3A_702 = vector.broadcast %jit3A_700 : i32 to vector<256x1xi32>
    %max3A_703 = arith.maxsi %max3A_702, %sub3A_699 : vector<256x1xi32>
    %min3A_704 = vector.broadcast %jit3A_701 : i32 to vector<256x1xi32>
    %min3A_705 = arith.minsi %min3A_704, %max3A_703 : vector<256x1xi32>
    %div3A_706 = arith.constant 3.200000e+01 : f32
    %div3A_707 = vector.broadcast %div3A_706 : f32 to vector<256x1xf32>
    %div3A_708 = arith.divf %div3A_10, %div3A_707 : vector<256x1xf32>
    %floor3A_709 = math.floor %div3A_708 : vector<256x1xf32>
    %convert_element_type3A_710 = arith.fptosi %floor3A_709 : vector<256x1xf32> to vector<256x1xi32>
    %sub3A_711 = arith.constant 2 : i32
    %sub3A_712 = vector.broadcast %sub3A_711 : i32 to vector<256x1xi32>
    %sub3A_713 = arith.subi %convert_element_type3A_710, %sub3A_712 : vector<256x1xi32>
    %jit3A_714 = arith.constant 0 : i32
    %jit3A_715 = arith.constant 35 : i32
    %max3A_716 = vector.broadcast %jit3A_714 : i32 to vector<256x1xi32>
    %max3A_717 = arith.maxsi %max3A_716, %sub3A_713 : vector<256x1xi32>
    %min3A_718 = vector.broadcast %jit3A_715 : i32 to vector<256x1xi32>
    %min3A_719 = arith.minsi %min3A_718, %max3A_717 : vector<256x1xi32>
    %iota3A_720 = tpu.iota {dimensions = array<i32: 1>} : vector<256x25xi32>
    %convert_element_type3A_721 = arith.sitofp %iota3A_720 : vector<256x25xi32> to vector<256x25xf32>
    %mul3A_722 = arith.constant 2.000000e-01 : f32
    %mul3A_723 = vector.broadcast %mul3A_722 : f32 to vector<256x25xf32>
    %mul3A_724 = arith.mulf %convert_element_type3A_721, %mul3A_723 : vector<256x25xf32>
    %floor3A_725 = math.floor %mul3A_724 : vector<256x25xf32>
    %convert_element_type3A_726 = arith.fptosi %floor3A_725 : vector<256x25xf32> to vector<256x25xi32>
    %mul3A_727 = arith.constant 5 : i32
    %mul3A_728 = vector.broadcast %mul3A_727 : i32 to vector<256x25xi32>
    %mul3A_729 = arith.muli %convert_element_type3A_726, %mul3A_728 : vector<256x25xi32>
    %sub3A_730 = arith.subi %iota3A_720, %mul3A_729 : vector<256x25xi32>
    %add3A_731 = vector.broadcast %min3A_705 : vector<256x1xi32> to vector<256x25xi32>
    %add3A_732 = arith.addi %add3A_731, %sub3A_730 : vector<256x25xi32>
    %add3A_733 = vector.broadcast %min3A_719 : vector<256x1xi32> to vector<256x25xi32>
    %add3A_734 = arith.addi %add3A_733, %convert_element_type3A_726 : vector<256x25xi32>
    %convert_element_type3A_735 = arith.sitofp %add3A_732 : vector<256x25xi32> to vector<256x25xf32>
    %add3A_736 = arith.constant 5.000000e-01 : f32
    %add3A_737 = vector.broadcast %add3A_736 : f32 to vector<256x25xf32>
    %add3A_738 = arith.addf %convert_element_type3A_735, %add3A_737 : vector<256x25xf32>
    %mul3A_739 = arith.constant 3.200000e+01 : f32
    %mul3A_740 = vector.broadcast %mul3A_739 : f32 to vector<256x25xf32>
    %mul3A_741 = arith.mulf %add3A_738, %mul3A_740 : vector<256x25xf32>
    %convert_element_type3A_742 = arith.sitofp %add3A_734 : vector<256x25xi32> to vector<256x25xf32>
    %add3A_743 = arith.constant 5.000000e-01 : f32
    %add3A_744 = vector.broadcast %add3A_743 : f32 to vector<256x25xf32>
    %add3A_745 = arith.addf %convert_element_type3A_742, %add3A_744 : vector<256x25xf32>
    %mul3A_746 = arith.constant 3.200000e+01 : f32
    %mul3A_747 = vector.broadcast %mul3A_746 : f32 to vector<256x25xf32>
    %mul3A_748 = arith.mulf %add3A_745, %mul3A_747 : vector<256x25xf32>
    %sub3A_749 = vector.broadcast %div3A_6 : vector<256x1xf32> to vector<256x25xf32>
    %sub3A_750 = arith.subf %sub3A_749, %mul3A_741 : vector<256x25xf32>
    %integer_pow3A_751 = arith.mulf %sub3A_750, %sub3A_750 : vector<256x25xf32>
    %sub3A_752 = vector.broadcast %div3A_10 : vector<256x1xf32> to vector<256x25xf32>
    %sub3A_753 = arith.subf %sub3A_752, %mul3A_748 : vector<256x25xf32>
    %integer_pow3A_754 = arith.mulf %sub3A_753, %sub3A_753 : vector<256x25xf32>
    %add3A_755 = arith.addf %integer_pow3A_751, %integer_pow3A_754 : vector<256x25xf32>
    %sqrt3A_756 = math.sqrt %add3A_755 : vector<256x25xf32>
    %broadcast_in_dim3A_757 = arith.constant -1.000000e+00 : f32
    %broadcast_in_dim3A_758 = vector.broadcast %broadcast_in_dim3A_757 : f32 to vector<256x1xf32>
    %broadcast_in_dim3A_759 = arith.constant 0.000000e+00 : f32
    %broadcast_in_dim3A_760 = vector.broadcast %broadcast_in_dim3A_759 : f32 to vector<256x1xf32>
    %gt3A_761 = vector.broadcast %broadcast_in_dim3A_758 : vector<256x1xf32> to vector<256x25xf32>
    %gt3A_762 = arith.cmpf ogt, %sqrt3A_756, %gt3A_761 : vector<256x25xf32>
    %jit3A_763 = arith.constant 3.000000e+38 : f32
    %broadcast_in_dim3A_764 = vector.broadcast %jit3A_763 : f32 to vector<256x25xf32>
    %select_n3A_765 = arith.select %gt3A_762, %sqrt3A_756, %broadcast_in_dim3A_764 : vector<256x25xi1>, vector<256x25xf32>
    %reduce_min3A_766 = arith.constant dense<0x7F800000> : vector<256xf32>
    %reduce_min3A_767 = vector.multi_reduction <minimumf>, %select_n3A_765, %reduce_min3A_766 [1] : vector<256x25xf32> to vector<256xf32>
    %broadcast_in_dim3A_768 = vector.shape_cast %reduce_min3A_767 : vector<256xf32> to vector<256x1xf32>
    %eq3A_769 = vector.broadcast %broadcast_in_dim3A_768 : vector<256x1xf32> to vector<256x25xf32>
    %eq3A_770 = arith.cmpf oeq, %sqrt3A_756, %eq3A_769 : vector<256x25xf32>
    %convert_element_type3A_771 = arith.extui %eq3A_770 : vector<256x25xi1> to vector<256x25xi32>
    %convert_element_type3A_772 = arith.sitofp %convert_element_type3A_771 : vector<256x25xi32> to vector<256x25xf32>
    %reduce_sum3A_773 = arith.constant dense<0.000000e+00> : vector<256xf32>
    %reduce_sum3A_774 = vector.multi_reduction <add>, %convert_element_type3A_772, %reduce_sum3A_773 [1] : vector<256x25xf32> to vector<256xf32>
    %broadcast_in_dim3A_775 = vector.shape_cast %reduce_sum3A_774 : vector<256xf32> to vector<256x1xf32>
    %lt3A_776 = arith.constant 9.000000e+00 : f32
    %lt3A_777 = vector.broadcast %lt3A_776 : f32 to vector<256x1xf32>
    %lt3A_778 = arith.cmpf olt, %broadcast_in_dim3A_760, %lt3A_777 : vector<256x1xf32>
    %select_n3A_779 = arith.select %lt3A_778, %broadcast_in_dim3A_768, %broadcast_in_dim3A_758 : vector<256x1xi1>, vector<256x1xf32>
    %add3A_780 = arith.addf %broadcast_in_dim3A_760, %broadcast_in_dim3A_775 : vector<256x1xf32>
    %select_n3A_781 = arith.select %lt3A_778, %add3A_780, %broadcast_in_dim3A_760 : vector<256x1xi1>, vector<256x1xf32>
    %gt3A_782 = vector.broadcast %select_n3A_779 : vector<256x1xf32> to vector<256x25xf32>
    %gt3A_783 = arith.cmpf ogt, %sqrt3A_756, %gt3A_782 : vector<256x25xf32>
    %jit3A_784 = arith.constant 3.000000e+38 : f32
    %broadcast_in_dim3A_785 = vector.broadcast %jit3A_784 : f32 to vector<256x25xf32>
    %select_n3A_786 = arith.select %gt3A_783, %sqrt3A_756, %broadcast_in_dim3A_785 : vector<256x25xi1>, vector<256x25xf32>
    %reduce_min3A_787 = arith.constant dense<0x7F800000> : vector<256xf32>
    %reduce_min3A_788 = vector.multi_reduction <minimumf>, %select_n3A_786, %reduce_min3A_787 [1] : vector<256x25xf32> to vector<256xf32>
    %broadcast_in_dim3A_789 = vector.shape_cast %reduce_min3A_788 : vector<256xf32> to vector<256x1xf32>
    %eq3A_790 = vector.broadcast %broadcast_in_dim3A_789 : vector<256x1xf32> to vector<256x25xf32>
    %eq3A_791 = arith.cmpf oeq, %sqrt3A_756, %eq3A_790 : vector<256x25xf32>
    %convert_element_type3A_792 = arith.extui %eq3A_791 : vector<256x25xi1> to vector<256x25xi32>
    %convert_element_type3A_793 = arith.sitofp %convert_element_type3A_792 : vector<256x25xi32> to vector<256x25xf32>
    %reduce_sum3A_794 = arith.constant dense<0.000000e+00> : vector<256xf32>
    %reduce_sum3A_795 = vector.multi_reduction <add>, %convert_element_type3A_793, %reduce_sum3A_794 [1] : vector<256x25xf32> to vector<256xf32>
    %broadcast_in_dim3A_796 = vector.shape_cast %reduce_sum3A_795 : vector<256xf32> to vector<256x1xf32>
    %lt3A_797 = arith.constant 9.000000e+00 : f32
    %lt3A_798 = vector.broadcast %lt3A_797 : f32 to vector<256x1xf32>
    %lt3A_799 = arith.cmpf olt, %select_n3A_781, %lt3A_798 : vector<256x1xf32>
    %select_n3A_800 = arith.select %lt3A_799, %broadcast_in_dim3A_789, %select_n3A_779 : vector<256x1xi1>, vector<256x1xf32>
    %add3A_801 = arith.addf %select_n3A_781, %broadcast_in_dim3A_796 : vector<256x1xf32>
    %select_n3A_802 = arith.select %lt3A_799, %add3A_801, %select_n3A_781 : vector<256x1xi1>, vector<256x1xf32>
    %gt3A_803 = vector.broadcast %select_n3A_800 : vector<256x1xf32> to vector<256x25xf32>
    %gt3A_804 = arith.cmpf ogt, %sqrt3A_756, %gt3A_803 : vector<256x25xf32>
    %jit3A_805 = arith.constant 3.000000e+38 : f32
    %broadcast_in_dim3A_806 = vector.broadcast %jit3A_805 : f32 to vector<256x25xf32>
    %select_n3A_807 = arith.select %gt3A_804, %sqrt3A_756, %broadcast_in_dim3A_806 : vector<256x25xi1>, vector<256x25xf32>
    %reduce_min3A_808 = arith.constant dense<0x7F800000> : vector<256xf32>
    %reduce_min3A_809 = vector.multi_reduction <minimumf>, %select_n3A_807, %reduce_min3A_808 [1] : vector<256x25xf32> to vector<256xf32>
    %broadcast_in_dim3A_810 = vector.shape_cast %reduce_min3A_809 : vector<256xf32> to vector<256x1xf32>
    %eq3A_811 = vector.broadcast %broadcast_in_dim3A_810 : vector<256x1xf32> to vector<256x25xf32>
    %eq3A_812 = arith.cmpf oeq, %sqrt3A_756, %eq3A_811 : vector<256x25xf32>
    %convert_element_type3A_813 = arith.extui %eq3A_812 : vector<256x25xi1> to vector<256x25xi32>
    %convert_element_type3A_814 = arith.sitofp %convert_element_type3A_813 : vector<256x25xi32> to vector<256x25xf32>
    %reduce_sum3A_815 = arith.constant dense<0.000000e+00> : vector<256xf32>
    %reduce_sum3A_816 = vector.multi_reduction <add>, %convert_element_type3A_814, %reduce_sum3A_815 [1] : vector<256x25xf32> to vector<256xf32>
    %broadcast_in_dim3A_817 = vector.shape_cast %reduce_sum3A_816 : vector<256xf32> to vector<256x1xf32>
    %lt3A_818 = arith.constant 9.000000e+00 : f32
    %lt3A_819 = vector.broadcast %lt3A_818 : f32 to vector<256x1xf32>
    %lt3A_820 = arith.cmpf olt, %select_n3A_802, %lt3A_819 : vector<256x1xf32>
    %select_n3A_821 = arith.select %lt3A_820, %broadcast_in_dim3A_810, %select_n3A_800 : vector<256x1xi1>, vector<256x1xf32>
    %add3A_822 = arith.addf %select_n3A_802, %broadcast_in_dim3A_817 : vector<256x1xf32>
    %select_n3A_823 = arith.select %lt3A_820, %add3A_822, %select_n3A_802 : vector<256x1xi1>, vector<256x1xf32>
    %gt3A_824 = vector.broadcast %select_n3A_821 : vector<256x1xf32> to vector<256x25xf32>
    %gt3A_825 = arith.cmpf ogt, %sqrt3A_756, %gt3A_824 : vector<256x25xf32>
    %jit3A_826 = arith.constant 3.000000e+38 : f32
    %broadcast_in_dim3A_827 = vector.broadcast %jit3A_826 : f32 to vector<256x25xf32>
    %select_n3A_828 = arith.select %gt3A_825, %sqrt3A_756, %broadcast_in_dim3A_827 : vector<256x25xi1>, vector<256x25xf32>
    %reduce_min3A_829 = arith.constant dense<0x7F800000> : vector<256xf32>
    %reduce_min3A_830 = vector.multi_reduction <minimumf>, %select_n3A_828, %reduce_min3A_829 [1] : vector<256x25xf32> to vector<256xf32>
    %broadcast_in_dim3A_831 = vector.shape_cast %reduce_min3A_830 : vector<256xf32> to vector<256x1xf32>
    %eq3A_832 = vector.broadcast %broadcast_in_dim3A_831 : vector<256x1xf32> to vector<256x25xf32>
    %eq3A_833 = arith.cmpf oeq, %sqrt3A_756, %eq3A_832 : vector<256x25xf32>
    %convert_element_type3A_834 = arith.extui %eq3A_833 : vector<256x25xi1> to vector<256x25xi32>
    %convert_element_type3A_835 = arith.sitofp %convert_element_type3A_834 : vector<256x25xi32> to vector<256x25xf32>
    %reduce_sum3A_836 = arith.constant dense<0.000000e+00> : vector<256xf32>
    %reduce_sum3A_837 = vector.multi_reduction <add>, %convert_element_type3A_835, %reduce_sum3A_836 [1] : vector<256x25xf32> to vector<256xf32>
    %broadcast_in_dim3A_838 = vector.shape_cast %reduce_sum3A_837 : vector<256xf32> to vector<256x1xf32>
    %lt3A_839 = arith.constant 9.000000e+00 : f32
    %lt3A_840 = vector.broadcast %lt3A_839 : f32 to vector<256x1xf32>
    %lt3A_841 = arith.cmpf olt, %select_n3A_823, %lt3A_840 : vector<256x1xf32>
    %select_n3A_842 = arith.select %lt3A_841, %broadcast_in_dim3A_831, %select_n3A_821 : vector<256x1xi1>, vector<256x1xf32>
    %add3A_843 = arith.addf %select_n3A_823, %broadcast_in_dim3A_838 : vector<256x1xf32>
    %select_n3A_844 = arith.select %lt3A_841, %add3A_843, %select_n3A_823 : vector<256x1xi1>, vector<256x1xf32>
    %gt3A_845 = vector.broadcast %select_n3A_842 : vector<256x1xf32> to vector<256x25xf32>
    %gt3A_846 = arith.cmpf ogt, %sqrt3A_756, %gt3A_845 : vector<256x25xf32>
    %jit3A_847 = arith.constant 3.000000e+38 : f32
    %broadcast_in_dim3A_848 = vector.broadcast %jit3A_847 : f32 to vector<256x25xf32>
    %select_n3A_849 = arith.select %gt3A_846, %sqrt3A_756, %broadcast_in_dim3A_848 : vector<256x25xi1>, vector<256x25xf32>
    %reduce_min3A_850 = arith.constant dense<0x7F800000> : vector<256xf32>
    %reduce_min3A_851 = vector.multi_reduction <minimumf>, %select_n3A_849, %reduce_min3A_850 [1] : vector<256x25xf32> to vector<256xf32>
    %broadcast_in_dim3A_852 = vector.shape_cast %reduce_min3A_851 : vector<256xf32> to vector<256x1xf32>
    %eq3A_853 = vector.broadcast %broadcast_in_dim3A_852 : vector<256x1xf32> to vector<256x25xf32>
    %eq3A_854 = arith.cmpf oeq, %sqrt3A_756, %eq3A_853 : vector<256x25xf32>
    %convert_element_type3A_855 = arith.extui %eq3A_854 : vector<256x25xi1> to vector<256x25xi32>
    %convert_element_type3A_856 = arith.sitofp %convert_element_type3A_855 : vector<256x25xi32> to vector<256x25xf32>
    %reduce_sum3A_857 = arith.constant dense<0.000000e+00> : vector<256xf32>
    %reduce_sum3A_858 = vector.multi_reduction <add>, %convert_element_type3A_856, %reduce_sum3A_857 [1] : vector<256x25xf32> to vector<256xf32>
    %broadcast_in_dim3A_859 = vector.shape_cast %reduce_sum3A_858 : vector<256xf32> to vector<256x1xf32>
    %lt3A_860 = arith.constant 9.000000e+00 : f32
    %lt3A_861 = vector.broadcast %lt3A_860 : f32 to vector<256x1xf32>
    %lt3A_862 = arith.cmpf olt, %select_n3A_844, %lt3A_861 : vector<256x1xf32>
    %select_n3A_863 = arith.select %lt3A_862, %broadcast_in_dim3A_852, %select_n3A_842 : vector<256x1xi1>, vector<256x1xf32>
    %add3A_864 = arith.addf %select_n3A_844, %broadcast_in_dim3A_859 : vector<256x1xf32>
    %select_n3A_865 = arith.select %lt3A_862, %add3A_864, %select_n3A_844 : vector<256x1xi1>, vector<256x1xf32>
    %gt3A_866 = vector.broadcast %select_n3A_863 : vector<256x1xf32> to vector<256x25xf32>
    %gt3A_867 = arith.cmpf ogt, %sqrt3A_756, %gt3A_866 : vector<256x25xf32>
    %jit3A_868 = arith.constant 3.000000e+38 : f32
    %broadcast_in_dim3A_869 = vector.broadcast %jit3A_868 : f32 to vector<256x25xf32>
    %select_n3A_870 = arith.select %gt3A_867, %sqrt3A_756, %broadcast_in_dim3A_869 : vector<256x25xi1>, vector<256x25xf32>
    %reduce_min3A_871 = arith.constant dense<0x7F800000> : vector<256xf32>
    %reduce_min3A_872 = vector.multi_reduction <minimumf>, %select_n3A_870, %reduce_min3A_871 [1] : vector<256x25xf32> to vector<256xf32>
    %broadcast_in_dim3A_873 = vector.shape_cast %reduce_min3A_872 : vector<256xf32> to vector<256x1xf32>
    %eq3A_874 = vector.broadcast %broadcast_in_dim3A_873 : vector<256x1xf32> to vector<256x25xf32>
    %eq3A_875 = arith.cmpf oeq, %sqrt3A_756, %eq3A_874 : vector<256x25xf32>
    %convert_element_type3A_876 = arith.extui %eq3A_875 : vector<256x25xi1> to vector<256x25xi32>
    %convert_element_type3A_877 = arith.sitofp %convert_element_type3A_876 : vector<256x25xi32> to vector<256x25xf32>
    %reduce_sum3A_878 = arith.constant dense<0.000000e+00> : vector<256xf32>
    %reduce_sum3A_879 = vector.multi_reduction <add>, %convert_element_type3A_877, %reduce_sum3A_878 [1] : vector<256x25xf32> to vector<256xf32>
    %broadcast_in_dim3A_880 = vector.shape_cast %reduce_sum3A_879 : vector<256xf32> to vector<256x1xf32>
    %lt3A_881 = arith.constant 9.000000e+00 : f32
    %lt3A_882 = vector.broadcast %lt3A_881 : f32 to vector<256x1xf32>
    %lt3A_883 = arith.cmpf olt, %select_n3A_865, %lt3A_882 : vector<256x1xf32>
    %select_n3A_884 = arith.select %lt3A_883, %broadcast_in_dim3A_873, %select_n3A_863 : vector<256x1xi1>, vector<256x1xf32>
    %add3A_885 = arith.addf %select_n3A_865, %broadcast_in_dim3A_880 : vector<256x1xf32>
    %select_n3A_886 = arith.select %lt3A_883, %add3A_885, %select_n3A_865 : vector<256x1xi1>, vector<256x1xf32>
    %gt3A_887 = vector.broadcast %select_n3A_884 : vector<256x1xf32> to vector<256x25xf32>
    %gt3A_888 = arith.cmpf ogt, %sqrt3A_756, %gt3A_887 : vector<256x25xf32>
    %jit3A_889 = arith.constant 3.000000e+38 : f32
    %broadcast_in_dim3A_890 = vector.broadcast %jit3A_889 : f32 to vector<256x25xf32>
    %select_n3A_891 = arith.select %gt3A_888, %sqrt3A_756, %broadcast_in_dim3A_890 : vector<256x25xi1>, vector<256x25xf32>
    %reduce_min3A_892 = arith.constant dense<0x7F800000> : vector<256xf32>
    %reduce_min3A_893 = vector.multi_reduction <minimumf>, %select_n3A_891, %reduce_min3A_892 [1] : vector<256x25xf32> to vector<256xf32>
    %broadcast_in_dim3A_894 = vector.shape_cast %reduce_min3A_893 : vector<256xf32> to vector<256x1xf32>
    %eq3A_895 = vector.broadcast %broadcast_in_dim3A_894 : vector<256x1xf32> to vector<256x25xf32>
    %eq3A_896 = arith.cmpf oeq, %sqrt3A_756, %eq3A_895 : vector<256x25xf32>
    %convert_element_type3A_897 = arith.extui %eq3A_896 : vector<256x25xi1> to vector<256x25xi32>
    %convert_element_type3A_898 = arith.sitofp %convert_element_type3A_897 : vector<256x25xi32> to vector<256x25xf32>
    %reduce_sum3A_899 = arith.constant dense<0.000000e+00> : vector<256xf32>
    %reduce_sum3A_900 = vector.multi_reduction <add>, %convert_element_type3A_898, %reduce_sum3A_899 [1] : vector<256x25xf32> to vector<256xf32>
    %broadcast_in_dim3A_901 = vector.shape_cast %reduce_sum3A_900 : vector<256xf32> to vector<256x1xf32>
    %lt3A_902 = arith.constant 9.000000e+00 : f32
    %lt3A_903 = vector.broadcast %lt3A_902 : f32 to vector<256x1xf32>
    %lt3A_904 = arith.cmpf olt, %select_n3A_886, %lt3A_903 : vector<256x1xf32>
    %select_n3A_905 = arith.select %lt3A_904, %broadcast_in_dim3A_894, %select_n3A_884 : vector<256x1xi1>, vector<256x1xf32>
    %add3A_906 = arith.addf %select_n3A_886, %broadcast_in_dim3A_901 : vector<256x1xf32>
    %select_n3A_907 = arith.select %lt3A_904, %add3A_906, %select_n3A_886 : vector<256x1xi1>, vector<256x1xf32>
    %gt3A_908 = vector.broadcast %select_n3A_905 : vector<256x1xf32> to vector<256x25xf32>
    %gt3A_909 = arith.cmpf ogt, %sqrt3A_756, %gt3A_908 : vector<256x25xf32>
    %jit3A_910 = arith.constant 3.000000e+38 : f32
    %broadcast_in_dim3A_911 = vector.broadcast %jit3A_910 : f32 to vector<256x25xf32>
    %select_n3A_912 = arith.select %gt3A_909, %sqrt3A_756, %broadcast_in_dim3A_911 : vector<256x25xi1>, vector<256x25xf32>
    %reduce_min3A_913 = arith.constant dense<0x7F800000> : vector<256xf32>
    %reduce_min3A_914 = vector.multi_reduction <minimumf>, %select_n3A_912, %reduce_min3A_913 [1] : vector<256x25xf32> to vector<256xf32>
    %broadcast_in_dim3A_915 = vector.shape_cast %reduce_min3A_914 : vector<256xf32> to vector<256x1xf32>
    %eq3A_916 = vector.broadcast %broadcast_in_dim3A_915 : vector<256x1xf32> to vector<256x25xf32>
    %eq3A_917 = arith.cmpf oeq, %sqrt3A_756, %eq3A_916 : vector<256x25xf32>
    %convert_element_type3A_918 = arith.extui %eq3A_917 : vector<256x25xi1> to vector<256x25xi32>
    %convert_element_type3A_919 = arith.sitofp %convert_element_type3A_918 : vector<256x25xi32> to vector<256x25xf32>
    %reduce_sum3A_920 = arith.constant dense<0.000000e+00> : vector<256xf32>
    %reduce_sum3A_921 = vector.multi_reduction <add>, %convert_element_type3A_919, %reduce_sum3A_920 [1] : vector<256x25xf32> to vector<256xf32>
    %broadcast_in_dim3A_922 = vector.shape_cast %reduce_sum3A_921 : vector<256xf32> to vector<256x1xf32>
    %lt3A_923 = arith.constant 9.000000e+00 : f32
    %lt3A_924 = vector.broadcast %lt3A_923 : f32 to vector<256x1xf32>
    %lt3A_925 = arith.cmpf olt, %select_n3A_907, %lt3A_924 : vector<256x1xf32>
    %select_n3A_926 = arith.select %lt3A_925, %broadcast_in_dim3A_915, %select_n3A_905 : vector<256x1xi1>, vector<256x1xf32>
    %add3A_927 = arith.addf %select_n3A_907, %broadcast_in_dim3A_922 : vector<256x1xf32>
    %select_n3A_928 = arith.select %lt3A_925, %add3A_927, %select_n3A_907 : vector<256x1xi1>, vector<256x1xf32>
    %gt3A_929 = vector.broadcast %select_n3A_926 : vector<256x1xf32> to vector<256x25xf32>
    %gt3A_930 = arith.cmpf ogt, %sqrt3A_756, %gt3A_929 : vector<256x25xf32>
    %jit3A_931 = arith.constant 3.000000e+38 : f32
    %broadcast_in_dim3A_932 = vector.broadcast %jit3A_931 : f32 to vector<256x25xf32>
    %select_n3A_933 = arith.select %gt3A_930, %sqrt3A_756, %broadcast_in_dim3A_932 : vector<256x25xi1>, vector<256x25xf32>
    %reduce_min3A_934 = arith.constant dense<0x7F800000> : vector<256xf32>
    %reduce_min3A_935 = vector.multi_reduction <minimumf>, %select_n3A_933, %reduce_min3A_934 [1] : vector<256x25xf32> to vector<256xf32>
    %broadcast_in_dim3A_936 = vector.shape_cast %reduce_min3A_935 : vector<256xf32> to vector<256x1xf32>
    %eq3A_937 = vector.broadcast %broadcast_in_dim3A_936 : vector<256x1xf32> to vector<256x25xf32>
    %eq3A_938 = arith.cmpf oeq, %sqrt3A_756, %eq3A_937 : vector<256x25xf32>
    %convert_element_type3A_939 = arith.extui %eq3A_938 : vector<256x25xi1> to vector<256x25xi32>
    %convert_element_type3A_940 = arith.sitofp %convert_element_type3A_939 : vector<256x25xi32> to vector<256x25xf32>
    %reduce_sum3A_941 = arith.constant dense<0.000000e+00> : vector<256xf32>
    %reduce_sum3A_942 = vector.multi_reduction <add>, %convert_element_type3A_940, %reduce_sum3A_941 [1] : vector<256x25xf32> to vector<256xf32>
    %broadcast_in_dim3A_943 = vector.shape_cast %reduce_sum3A_942 : vector<256xf32> to vector<256x1xf32>
    %lt3A_944 = arith.constant 9.000000e+00 : f32
    %lt3A_945 = vector.broadcast %lt3A_944 : f32 to vector<256x1xf32>
    %lt3A_946 = arith.cmpf olt, %select_n3A_928, %lt3A_945 : vector<256x1xf32>
    %select_n3A_947 = arith.select %lt3A_946, %broadcast_in_dim3A_936, %select_n3A_926 : vector<256x1xi1>, vector<256x1xf32>
    %add3A_948 = arith.addf %select_n3A_928, %broadcast_in_dim3A_943 : vector<256x1xf32>
    %select_n3A_949 = arith.select %lt3A_946, %add3A_948, %select_n3A_928 : vector<256x1xi1>, vector<256x1xf32>
    %eq3A_950 = vector.broadcast %select_n3A_947 : vector<256x1xf32> to vector<256x25xf32>
    %eq3A_951 = arith.cmpf oeq, %sqrt3A_756, %eq3A_950 : vector<256x25xf32>
    %convert_element_type3A_952 = arith.extui %eq3A_951 : vector<256x25xi1> to vector<256x25xi32>
    %convert_element_type3A_953 = arith.sitofp %convert_element_type3A_952 : vector<256x25xi32> to vector<256x25xf32>
    %iota3A_954 = tpu.iota {dimensions = array<i32: 0>} : vector<25x25xi32>
    %iota3A_955 = tpu.iota {dimensions = array<i32: 1>} : vector<25x25xi32>
    %le3A_956 = arith.cmpi sle, %iota3A_954, %iota3A_955 : vector<25x25xi32>
    %convert_element_type3A_957 = arith.extui %le3A_956 : vector<25x25xi1> to vector<25x25xi32>
    %convert_element_type3A_958 = arith.sitofp %convert_element_type3A_957 : vector<25x25xi32> to vector<25x25xf32>
    %dot_general3A_959 = arith.constant dense<0.000000e+00> : vector<256x25xf32>
    %dot_general3A_960 = tpu.matmul %convert_element_type3A_953, %convert_element_type3A_958, %dot_general3A_959 {dimension_numbers = #tpu.dot_dimension_numbers<[1], [0], [0], [1], [0, 0, 1, 1], [], []>, transpose_lhs_hint = false} : vector<256x25xf32>, vector<25x25xf32>, vector<256x25xf32> -> vector<256x25xf32>
    %reduce_sum3A_961 = arith.constant dense<0.000000e+00> : vector<256xf32>
    %reduce_sum3A_962 = vector.multi_reduction <add>, %convert_element_type3A_953, %reduce_sum3A_961 [1] : vector<256x25xf32> to vector<256xf32>
    %broadcast_in_dim3A_963 = vector.shape_cast %reduce_sum3A_962 : vector<256xf32> to vector<256x1xf32>
    %sub3A_964 = arith.subf %select_n3A_949, %broadcast_in_dim3A_963 : vector<256x1xf32>
    %lt3A_965 = vector.broadcast %select_n3A_947 : vector<256x1xf32> to vector<256x25xf32>
    %lt3A_966 = arith.cmpf olt, %sqrt3A_756, %lt3A_965 : vector<256x25xf32>
    %eq3A_967 = vector.broadcast %select_n3A_947 : vector<256x1xf32> to vector<256x25xf32>
    %eq3A_968 = arith.cmpf oeq, %sqrt3A_756, %eq3A_967 : vector<256x25xf32>
    %add3A_969 = vector.broadcast %sub3A_964 : vector<256x1xf32> to vector<256x25xf32>
    %add3A_970 = arith.addf %add3A_969, %dot_general3A_960 : vector<256x25xf32>
    %le3A_971 = arith.constant 9.000000e+00 : f32
    %le3A_972 = vector.broadcast %le3A_971 : f32 to vector<256x25xf32>
    %le3A_973 = arith.cmpf ole, %add3A_970, %le3A_972 : vector<256x25xf32>
    %and3A_974 = arith.andi %eq3A_968, %le3A_973 : vector<256x25xi1>
    %or3A_975 = arith.ori %lt3A_966, %and3A_974 : vector<256x25xi1>
    %sub3A_976 = arith.constant 6.400000e+01 : f32
    %sub3A_977 = vector.broadcast %sub3A_976 : f32 to vector<256x25xf32>
    %sub3A_978 = arith.subf %mul3A_741, %sub3A_977 : vector<256x25xf32>
    %sub3A_979 = arith.constant 6.400000e+01 : f32
    %sub3A_980 = vector.broadcast %sub3A_979 : f32 to vector<256x25xf32>
    %sub3A_981 = arith.subf %mul3A_748, %sub3A_980 : vector<256x25xf32>
    %add3A_982 = arith.constant 6.400000e+01 : f32
    %add3A_983 = vector.broadcast %add3A_982 : f32 to vector<256x25xf32>
    %add3A_984 = arith.addf %mul3A_741, %add3A_983 : vector<256x25xf32>
    %add3A_985 = arith.constant 6.400000e+01 : f32
    %add3A_986 = vector.broadcast %add3A_985 : f32 to vector<256x25xf32>
    %add3A_987 = arith.addf %mul3A_748, %add3A_986 : vector<256x25xf32>
    %sub3A_988 = arith.subf %slice3A_3, %slice3A : vector<256x1xf32>
    %sub3A_989 = arith.subf %slice3A_4, %slice3A_2 : vector<256x1xf32>
    %mul3A_990 = arith.mulf %sub3A_988, %sub3A_989 : vector<256x1xf32>
    %sub3A_991 = arith.subf %add3A_984, %sub3A_978 : vector<256x25xf32>
    %sub3A_992 = arith.subf %add3A_987, %sub3A_981 : vector<256x25xf32>
    %mul3A_993 = arith.mulf %sub3A_991, %sub3A_992 : vector<256x25xf32>
    %max3A_994 = vector.broadcast %slice3A : vector<256x1xf32> to vector<256x25xf32>
    %max3A_995 = arith.maximumf %max3A_994, %sub3A_978 : vector<256x25xf32>
    %max3A_996 = vector.broadcast %slice3A_2 : vector<256x1xf32> to vector<256x25xf32>
    %max3A_997 = arith.maximumf %max3A_996, %sub3A_981 : vector<256x25xf32>
    %min3A_998 = vector.broadcast %slice3A_3 : vector<256x1xf32> to vector<256x25xf32>
    %min3A_999 = arith.minimumf %min3A_998, %add3A_984 : vector<256x25xf32>
    %min3A_1000 = vector.broadcast %slice3A_4 : vector<256x1xf32> to vector<256x25xf32>
    %min3A_1001 = arith.minimumf %min3A_1000, %add3A_987 : vector<256x25xf32>
    %sub3A_1002 = arith.subf %min3A_999, %max3A_995 : vector<256x25xf32>
    %jit3A_1003 = arith.constant 0.000000e+00 : f32
    %max3A_1004 = vector.broadcast %jit3A_1003 : f32 to vector<256x25xf32>
    %max3A_1005 = arith.maximumf %max3A_1004, %sub3A_1002 : vector<256x25xf32>
    %sub3A_1006 = arith.subf %min3A_1001, %max3A_997 : vector<256x25xf32>
    %jit3A_1007 = arith.constant 0.000000e+00 : f32
    %max3A_1008 = vector.broadcast %jit3A_1007 : f32 to vector<256x25xf32>
    %max3A_1009 = arith.maximumf %max3A_1008, %sub3A_1006 : vector<256x25xf32>
    %mul3A_1010 = arith.mulf %max3A_1005, %max3A_1009 : vector<256x25xf32>
    %add3A_1011 = vector.broadcast %mul3A_990 : vector<256x1xf32> to vector<256x25xf32>
    %add3A_1012 = arith.addf %add3A_1011, %mul3A_993 : vector<256x25xf32>
    %sub3A_1013 = arith.subf %add3A_1012, %mul3A_1010 : vector<256x25xf32>
    %add3A_1014 = arith.constant 9.99999971E-10 : f32
    %add3A_1015 = vector.broadcast %add3A_1014 : f32 to vector<256x25xf32>
    %add3A_1016 = arith.addf %sub3A_1013, %add3A_1015 : vector<256x25xf32>
    %div3A_1017 = arith.divf %mul3A_1010, %add3A_1016 : vector<256x25xf32>
    %sub3A_1018 = vector.broadcast %slice3A : vector<256x1xf32> to vector<256x25xf32>
    %sub3A_1019 = arith.subf %mul3A_741, %sub3A_1018 : vector<256x25xf32>
    %sub3A_1020 = vector.broadcast %slice3A_2 : vector<256x1xf32> to vector<256x25xf32>
    %sub3A_1021 = arith.subf %mul3A_748, %sub3A_1020 : vector<256x25xf32>
    %min3A_1022 = arith.minimumf %sub3A_1019, %sub3A_1021 : vector<256x25xf32>
    %sub3A_1023 = vector.broadcast %slice3A_3 : vector<256x1xf32> to vector<256x25xf32>
    %sub3A_1024 = arith.subf %sub3A_1023, %mul3A_741 : vector<256x25xf32>
    %sub3A_1025 = vector.broadcast %slice3A_4 : vector<256x1xf32> to vector<256x25xf32>
    %sub3A_1026 = arith.subf %sub3A_1025, %mul3A_748 : vector<256x25xf32>
    %min3A_1027 = arith.minimumf %sub3A_1024, %sub3A_1026 : vector<256x25xf32>
    %min3A_1028 = arith.minimumf %min3A_1022, %min3A_1027 : vector<256x25xf32>
    %gt3A_1029 = arith.constant 9.99999971E-10 : f32
    %gt3A_1030 = vector.broadcast %gt3A_1029 : f32 to vector<256x25xf32>
    %gt3A_1031 = arith.cmpf ogt, %min3A_1028, %gt3A_1030 : vector<256x25xf32>
    %convert_element_type3A_1032 = arith.extui %or3A_975 : vector<256x25xi1> to vector<256x25xi32>
    %convert_element_type3A_1033 = arith.sitofp %convert_element_type3A_1032 : vector<256x25xi32> to vector<256x25xf32>
    %mul3A_1034 = arith.constant 40 : i32
    %mul3A_1035 = vector.broadcast %mul3A_1034 : i32 to vector<256x25xi32>
    %mul3A_1036 = arith.muli %add3A_734, %mul3A_1035 : vector<256x25xi32>
    %add3A_1037 = arith.constant 32000 : i32
    %add3A_1038 = vector.broadcast %add3A_1037 : i32 to vector<256x25xi32>
    %add3A_1039 = arith.addi %add3A_1038, %mul3A_1036 : vector<256x25xi32>
    %add3A_1040 = arith.addi %add3A_1039, %add3A_732 : vector<256x25xi32>
    %convert_element_type3A_1041 = arith.extui %gt3A_1031 : vector<256x25xi1> to vector<256x25xi32>
    %convert_element_type3A_1042 = arith.sitofp %convert_element_type3A_1041 : vector<256x25xi32> to vector<256x25xf32>
    %concatenate3A = tpu.concatenate %convert_element_type3A_331, %convert_element_type3A_682, %convert_element_type3A_1033 in 1 : vector<256x25xf32>, vector<256x25xf32>, vector<256x25xf32> -> vector<256x75xf32>
    %concatenate3A_1043 = tpu.concatenate %div3A_315, %div3A_666, %div3A_1017 in 1 : vector<256x25xf32>, vector<256x25xf32>, vector<256x25xf32> -> vector<256x75xf32>
    %concatenate3A_1044 = tpu.concatenate %add3A_338, %add3A_689, %add3A_1040 in 1 : vector<256x25xi32>, vector<256x25xi32>, vector<256x25xi32> -> vector<256x75xi32>
    %concatenate3A_1045 = tpu.concatenate %convert_element_type3A_340, %convert_element_type3A_691, %convert_element_type3A_1042 in 1 : vector<256x25xf32>, vector<256x25xf32>, vector<256x25xf32> -> vector<256x75xf32>
    %concatenate3A_1046 = tpu.concatenate %sub3A_276, %sub3A_627, %sub3A_978 in 1 : vector<256x25xf32>, vector<256x25xf32>, vector<256x25xf32> -> vector<256x75xf32>
    %concatenate3A_1047 = tpu.concatenate %sub3A_279, %sub3A_630, %sub3A_981 in 1 : vector<256x25xf32>, vector<256x25xf32>, vector<256x25xf32> -> vector<256x75xf32>
    %concatenate3A_1048 = tpu.concatenate %add3A_282, %add3A_633, %add3A_984 in 1 : vector<256x25xf32>, vector<256x25xf32>, vector<256x25xf32> -> vector<256x75xf32>
    %concatenate3A_1049 = tpu.concatenate %add3A_285, %add3A_636, %add3A_987 in 1 : vector<256x25xf32>, vector<256x25xf32>, vector<256x25xf32> -> vector<256x75xf32>
    %mul3A_1050 = arith.mulf %concatenate3A_1043, %concatenate3A : vector<256x75xf32>
    %reduce_sum3A_1051 = arith.constant dense<0.000000e+00> : vector<256xf32>
    %reduce_sum3A_1052 = vector.multi_reduction <add>, %mul3A_1050, %reduce_sum3A_1051 [1] : vector<256x75xf32> to vector<256xf32>
    %broadcast_in_dim3A_1053 = vector.shape_cast %reduce_sum3A_1052 : vector<256xf32> to vector<256x1xf32>
    %div3A_1054 = arith.constant 2.700000e+01 : f32
    %div3A_1055 = vector.broadcast %div3A_1054 : f32 to vector<256x1xf32>
    %div3A_1056 = arith.divf %broadcast_in_dim3A_1053, %div3A_1055 : vector<256x1xf32>
    %sub3A_1057 = vector.broadcast %div3A_1056 : vector<256x1xf32> to vector<256x75xf32>
    %sub3A_1058 = arith.subf %concatenate3A_1043, %sub3A_1057 : vector<256x75xf32>
    %mul3A_1059 = arith.mulf %sub3A_1058, %concatenate3A : vector<256x75xf32>
    %integer_pow3A_1060 = arith.mulf %mul3A_1059, %mul3A_1059 : vector<256x75xf32>
    %reduce_sum3A_1061 = arith.constant dense<0.000000e+00> : vector<256xf32>
    %reduce_sum3A_1062 = vector.multi_reduction <add>, %integer_pow3A_1060, %reduce_sum3A_1061 [1] : vector<256x75xf32> to vector<256xf32>
    %broadcast_in_dim3A_1063 = vector.shape_cast %reduce_sum3A_1062 : vector<256xf32> to vector<256x1xf32>
    %div3A_1064 = arith.constant 2.600000e+01 : f32
    %div3A_1065 = vector.broadcast %div3A_1064 : f32 to vector<256x1xf32>
    %div3A_1066 = arith.divf %broadcast_in_dim3A_1063, %div3A_1065 : vector<256x1xf32>
    %sqrt3A_1067 = math.sqrt %div3A_1066 : vector<256x1xf32>
    %add3A_1068 = arith.addf %div3A_1056, %sqrt3A_1067 : vector<256x1xf32>
    %gt3A_1069 = arith.constant 5.000000e-01 : f32
    %gt3A_1070 = vector.broadcast %gt3A_1069 : f32 to vector<256x75xf32>
    %gt3A_1071 = arith.cmpf ogt, %concatenate3A, %gt3A_1070 : vector<256x75xf32>
    %gt3A_1072 = vector.broadcast %add3A_1068 : vector<256x1xf32> to vector<256x75xf32>
    %gt3A_1073 = arith.cmpf ogt, %concatenate3A_1043, %gt3A_1072 : vector<256x75xf32>
    %and3A_1074 = arith.andi %gt3A_1071, %gt3A_1073 : vector<256x75xi1>
    %gt3A_1075 = arith.constant 5.000000e-01 : f32
    %gt3A_1076 = vector.broadcast %gt3A_1075 : f32 to vector<256x75xf32>
    %gt3A_1077 = arith.cmpf ogt, %concatenate3A_1045, %gt3A_1076 : vector<256x75xf32>
    %and3A_1078 = arith.andi %and3A_1074, %gt3A_1077 : vector<256x75xi1>
    %get3A_1079 = arith.constant 0 : index
    %get3A_1080 = arith.constant 0 : index
    %get3A_1081 = vector.load %arg5[%get3A_1079, %get3A_1080] : memref<256x1xf32, #tpu.memory_space<vmem>>, vector<256x1xf32>
    %gt3A_1082 = arith.constant 5.000000e-01 : f32
    %gt3A_1083 = vector.broadcast %gt3A_1082 : f32 to vector<256x1xf32>
    %gt3A_1084 = arith.cmpf ogt, %get3A_1081, %gt3A_1083 : vector<256x1xf32>
    %and3A_1085 = vector.broadcast %gt3A_1084 : vector<256x1xi1> to vector<256x75xi1>
    %and3A_1086 = arith.andi %and3A_1078, %and3A_1085 : vector<256x75xi1>
    %sub3A_1087 = arith.subf %concatenate3A_1048, %concatenate3A_1046 : vector<256x75xf32>
    %sub3A_1088 = arith.subf %concatenate3A_1049, %concatenate3A_1047 : vector<256x75xf32>
    %mul3A_1089 = arith.mulf %sub3A_1087, %sub3A_1088 : vector<256x75xf32>
    %broadcast_in_dim3A_1090 = arith.constant -1.000000e+00 : f32
    %broadcast_in_dim3A_1091 = vector.broadcast %broadcast_in_dim3A_1090 : f32 to vector<256x75xf32>
    %broadcast_in_dim3A_1092 = arith.constant 0 : i32
    %broadcast_in_dim3A_1093 = vector.broadcast %broadcast_in_dim3A_1092 : i32 to vector<256x75xi32>
    %get3A_1094 = arith.constant 0 : index
    %get3A_1095 = arith.constant 0 : index
    %get3A_1096 = vector.load %arg1[%get3A_1094, %get3A_1095] : memref<256x32xf32, #tpu.memory_space<vmem>>, vector<256x1xf32>
    %get3A_1097 = arith.constant 0 : index
    %get3A_1098 = arith.constant 0 : index
    %get3A_1099 = vector.load %arg2[%get3A_1097, %get3A_1098] : memref<256x32xf32, #tpu.memory_space<vmem>>, vector<256x1xf32>
    %get3A_1100 = arith.constant 0 : index
    %get3A_1101 = arith.constant 0 : index
    %get3A_1102 = vector.load %arg3[%get3A_1100, %get3A_1101] : memref<256x32xf32, #tpu.memory_space<vmem>>, vector<256x1xf32>
    %get3A_1103 = arith.constant 0 : index
    %get3A_1104 = arith.constant 0 : index
    %get3A_1105 = vector.load %arg4[%get3A_1103, %get3A_1104] : memref<256x32xf32, #tpu.memory_space<vmem>>, vector<256x1xf32>
    %sub3A_1106 = arith.subf %get3A_1102, %get3A_1096 : vector<256x1xf32>
    %sub3A_1107 = arith.subf %get3A_1105, %get3A_1099 : vector<256x1xf32>
    %mul3A_1108 = arith.mulf %sub3A_1106, %sub3A_1107 : vector<256x1xf32>
    %max3A_1109 = vector.broadcast %get3A_1096 : vector<256x1xf32> to vector<256x75xf32>
    %max3A_1110 = arith.maximumf %max3A_1109, %concatenate3A_1046 : vector<256x75xf32>
    %max3A_1111 = vector.broadcast %get3A_1099 : vector<256x1xf32> to vector<256x75xf32>
    %max3A_1112 = arith.maximumf %max3A_1111, %concatenate3A_1047 : vector<256x75xf32>
    %min3A_1113 = vector.broadcast %get3A_1102 : vector<256x1xf32> to vector<256x75xf32>
    %min3A_1114 = arith.minimumf %min3A_1113, %concatenate3A_1048 : vector<256x75xf32>
    %min3A_1115 = vector.broadcast %get3A_1105 : vector<256x1xf32> to vector<256x75xf32>
    %min3A_1116 = arith.minimumf %min3A_1115, %concatenate3A_1049 : vector<256x75xf32>
    %sub3A_1117 = arith.subf %min3A_1114, %max3A_1110 : vector<256x75xf32>
    %jit3A_1118 = arith.constant 0.000000e+00 : f32
    %max3A_1119 = vector.broadcast %jit3A_1118 : f32 to vector<256x75xf32>
    %max3A_1120 = arith.maximumf %max3A_1119, %sub3A_1117 : vector<256x75xf32>
    %sub3A_1121 = arith.subf %min3A_1116, %max3A_1112 : vector<256x75xf32>
    %jit3A_1122 = arith.constant 0.000000e+00 : f32
    %max3A_1123 = vector.broadcast %jit3A_1122 : f32 to vector<256x75xf32>
    %max3A_1124 = arith.maximumf %max3A_1123, %sub3A_1121 : vector<256x75xf32>
    %mul3A_1125 = arith.mulf %max3A_1120, %max3A_1124 : vector<256x75xf32>
    %add3A_1126 = vector.broadcast %mul3A_1108 : vector<256x1xf32> to vector<256x75xf32>
    %add3A_1127 = arith.addf %add3A_1126, %mul3A_1089 : vector<256x75xf32>
    %sub3A_1128 = arith.subf %add3A_1127, %mul3A_1125 : vector<256x75xf32>
    %add3A_1129 = arith.constant 9.99999971E-10 : f32
    %add3A_1130 = vector.broadcast %add3A_1129 : f32 to vector<256x75xf32>
    %add3A_1131 = arith.addf %sub3A_1128, %add3A_1130 : vector<256x75xf32>
    %div3A_1132 = arith.divf %mul3A_1125, %add3A_1131 : vector<256x75xf32>
    %gt3A_1133 = arith.cmpf ogt, %div3A_1132, %broadcast_in_dim3A_1091 : vector<256x75xf32>
    %jit3A_1134 = arith.constant 0 : i32
    %broadcast_in_dim3A_1135 = vector.broadcast %jit3A_1134 : i32 to vector<256x75xi32>
    %select_n3A_1136 = arith.select %gt3A_1133, %broadcast_in_dim3A_1135, %broadcast_in_dim3A_1093 : vector<256x75xi1>, vector<256x75xi32>
    %select_n3A_1137 = arith.select %gt3A_1133, %div3A_1132, %broadcast_in_dim3A_1091 : vector<256x75xi1>, vector<256x75xf32>
    %get3A_1138 = arith.constant 0 : index
    %get3A_1139 = arith.constant 1 : index
    %get3A_1140 = vector.load %arg1[%get3A_1138, %get3A_1139] : memref<256x32xf32, #tpu.memory_space<vmem>>, vector<256x1xf32>
    %get3A_1141 = arith.constant 0 : index
    %get3A_1142 = arith.constant 1 : index
    %get3A_1143 = vector.load %arg2[%get3A_1141, %get3A_1142] : memref<256x32xf32, #tpu.memory_space<vmem>>, vector<256x1xf32>
    %get3A_1144 = arith.constant 0 : index
    %get3A_1145 = arith.constant 1 : index
    %get3A_1146 = vector.load %arg3[%get3A_1144, %get3A_1145] : memref<256x32xf32, #tpu.memory_space<vmem>>, vector<256x1xf32>
    %get3A_1147 = arith.constant 0 : index
    %get3A_1148 = arith.constant 1 : index
    %get3A_1149 = vector.load %arg4[%get3A_1147, %get3A_1148] : memref<256x32xf32, #tpu.memory_space<vmem>>, vector<256x1xf32>
    %sub3A_1150 = arith.subf %get3A_1146, %get3A_1140 : vector<256x1xf32>
    %sub3A_1151 = arith.subf %get3A_1149, %get3A_1143 : vector<256x1xf32>
    %mul3A_1152 = arith.mulf %sub3A_1150, %sub3A_1151 : vector<256x1xf32>
    %max3A_1153 = vector.broadcast %get3A_1140 : vector<256x1xf32> to vector<256x75xf32>
    %max3A_1154 = arith.maximumf %max3A_1153, %concatenate3A_1046 : vector<256x75xf32>
    %max3A_1155 = vector.broadcast %get3A_1143 : vector<256x1xf32> to vector<256x75xf32>
    %max3A_1156 = arith.maximumf %max3A_1155, %concatenate3A_1047 : vector<256x75xf32>
    %min3A_1157 = vector.broadcast %get3A_1146 : vector<256x1xf32> to vector<256x75xf32>
    %min3A_1158 = arith.minimumf %min3A_1157, %concatenate3A_1048 : vector<256x75xf32>
    %min3A_1159 = vector.broadcast %get3A_1149 : vector<256x1xf32> to vector<256x75xf32>
    %min3A_1160 = arith.minimumf %min3A_1159, %concatenate3A_1049 : vector<256x75xf32>
    %sub3A_1161 = arith.subf %min3A_1158, %max3A_1154 : vector<256x75xf32>
    %jit3A_1162 = arith.constant 0.000000e+00 : f32
    %max3A_1163 = vector.broadcast %jit3A_1162 : f32 to vector<256x75xf32>
    %max3A_1164 = arith.maximumf %max3A_1163, %sub3A_1161 : vector<256x75xf32>
    %sub3A_1165 = arith.subf %min3A_1160, %max3A_1156 : vector<256x75xf32>
    %jit3A_1166 = arith.constant 0.000000e+00 : f32
    %max3A_1167 = vector.broadcast %jit3A_1166 : f32 to vector<256x75xf32>
    %max3A_1168 = arith.maximumf %max3A_1167, %sub3A_1165 : vector<256x75xf32>
    %mul3A_1169 = arith.mulf %max3A_1164, %max3A_1168 : vector<256x75xf32>
    %add3A_1170 = vector.broadcast %mul3A_1152 : vector<256x1xf32> to vector<256x75xf32>
    %add3A_1171 = arith.addf %add3A_1170, %mul3A_1089 : vector<256x75xf32>
    %sub3A_1172 = arith.subf %add3A_1171, %mul3A_1169 : vector<256x75xf32>
    %add3A_1173 = arith.constant 9.99999971E-10 : f32
    %add3A_1174 = vector.broadcast %add3A_1173 : f32 to vector<256x75xf32>
    %add3A_1175 = arith.addf %sub3A_1172, %add3A_1174 : vector<256x75xf32>
    %div3A_1176 = arith.divf %mul3A_1169, %add3A_1175 : vector<256x75xf32>
    %gt3A_1177 = arith.cmpf ogt, %div3A_1176, %select_n3A_1137 : vector<256x75xf32>
    %jit3A_1178 = arith.constant 1 : i32
    %broadcast_in_dim3A_1179 = vector.broadcast %jit3A_1178 : i32 to vector<256x75xi32>
    %select_n3A_1180 = arith.select %gt3A_1177, %broadcast_in_dim3A_1179, %select_n3A_1136 : vector<256x75xi1>, vector<256x75xi32>
    %select_n3A_1181 = arith.select %gt3A_1177, %div3A_1176, %select_n3A_1137 : vector<256x75xi1>, vector<256x75xf32>
    %get3A_1182 = arith.constant 0 : index
    %get3A_1183 = arith.constant 2 : index
    %get3A_1184 = vector.load %arg1[%get3A_1182, %get3A_1183] : memref<256x32xf32, #tpu.memory_space<vmem>>, vector<256x1xf32>
    %get3A_1185 = arith.constant 0 : index
    %get3A_1186 = arith.constant 2 : index
    %get3A_1187 = vector.load %arg2[%get3A_1185, %get3A_1186] : memref<256x32xf32, #tpu.memory_space<vmem>>, vector<256x1xf32>
    %get3A_1188 = arith.constant 0 : index
    %get3A_1189 = arith.constant 2 : index
    %get3A_1190 = vector.load %arg3[%get3A_1188, %get3A_1189] : memref<256x32xf32, #tpu.memory_space<vmem>>, vector<256x1xf32>
    %get3A_1191 = arith.constant 0 : index
    %get3A_1192 = arith.constant 2 : index
    %get3A_1193 = vector.load %arg4[%get3A_1191, %get3A_1192] : memref<256x32xf32, #tpu.memory_space<vmem>>, vector<256x1xf32>
    %sub3A_1194 = arith.subf %get3A_1190, %get3A_1184 : vector<256x1xf32>
    %sub3A_1195 = arith.subf %get3A_1193, %get3A_1187 : vector<256x1xf32>
    %mul3A_1196 = arith.mulf %sub3A_1194, %sub3A_1195 : vector<256x1xf32>
    %max3A_1197 = vector.broadcast %get3A_1184 : vector<256x1xf32> to vector<256x75xf32>
    %max3A_1198 = arith.maximumf %max3A_1197, %concatenate3A_1046 : vector<256x75xf32>
    %max3A_1199 = vector.broadcast %get3A_1187 : vector<256x1xf32> to vector<256x75xf32>
    %max3A_1200 = arith.maximumf %max3A_1199, %concatenate3A_1047 : vector<256x75xf32>
    %min3A_1201 = vector.broadcast %get3A_1190 : vector<256x1xf32> to vector<256x75xf32>
    %min3A_1202 = arith.minimumf %min3A_1201, %concatenate3A_1048 : vector<256x75xf32>
    %min3A_1203 = vector.broadcast %get3A_1193 : vector<256x1xf32> to vector<256x75xf32>
    %min3A_1204 = arith.minimumf %min3A_1203, %concatenate3A_1049 : vector<256x75xf32>
    %sub3A_1205 = arith.subf %min3A_1202, %max3A_1198 : vector<256x75xf32>
    %jit3A_1206 = arith.constant 0.000000e+00 : f32
    %max3A_1207 = vector.broadcast %jit3A_1206 : f32 to vector<256x75xf32>
    %max3A_1208 = arith.maximumf %max3A_1207, %sub3A_1205 : vector<256x75xf32>
    %sub3A_1209 = arith.subf %min3A_1204, %max3A_1200 : vector<256x75xf32>
    %jit3A_1210 = arith.constant 0.000000e+00 : f32
    %max3A_1211 = vector.broadcast %jit3A_1210 : f32 to vector<256x75xf32>
    %max3A_1212 = arith.maximumf %max3A_1211, %sub3A_1209 : vector<256x75xf32>
    %mul3A_1213 = arith.mulf %max3A_1208, %max3A_1212 : vector<256x75xf32>
    %add3A_1214 = vector.broadcast %mul3A_1196 : vector<256x1xf32> to vector<256x75xf32>
    %add3A_1215 = arith.addf %add3A_1214, %mul3A_1089 : vector<256x75xf32>
    %sub3A_1216 = arith.subf %add3A_1215, %mul3A_1213 : vector<256x75xf32>
    %add3A_1217 = arith.constant 9.99999971E-10 : f32
    %add3A_1218 = vector.broadcast %add3A_1217 : f32 to vector<256x75xf32>
    %add3A_1219 = arith.addf %sub3A_1216, %add3A_1218 : vector<256x75xf32>
    %div3A_1220 = arith.divf %mul3A_1213, %add3A_1219 : vector<256x75xf32>
    %gt3A_1221 = arith.cmpf ogt, %div3A_1220, %select_n3A_1181 : vector<256x75xf32>
    %jit3A_1222 = arith.constant 2 : i32
    %broadcast_in_dim3A_1223 = vector.broadcast %jit3A_1222 : i32 to vector<256x75xi32>
    %select_n3A_1224 = arith.select %gt3A_1221, %broadcast_in_dim3A_1223, %select_n3A_1180 : vector<256x75xi1>, vector<256x75xi32>
    %select_n3A_1225 = arith.select %gt3A_1221, %div3A_1220, %select_n3A_1181 : vector<256x75xi1>, vector<256x75xf32>
    %get3A_1226 = arith.constant 0 : index
    %get3A_1227 = arith.constant 3 : index
    %get3A_1228 = vector.load %arg1[%get3A_1226, %get3A_1227] : memref<256x32xf32, #tpu.memory_space<vmem>>, vector<256x1xf32>
    %get3A_1229 = arith.constant 0 : index
    %get3A_1230 = arith.constant 3 : index
    %get3A_1231 = vector.load %arg2[%get3A_1229, %get3A_1230] : memref<256x32xf32, #tpu.memory_space<vmem>>, vector<256x1xf32>
    %get3A_1232 = arith.constant 0 : index
    %get3A_1233 = arith.constant 3 : index
    %get3A_1234 = vector.load %arg3[%get3A_1232, %get3A_1233] : memref<256x32xf32, #tpu.memory_space<vmem>>, vector<256x1xf32>
    %get3A_1235 = arith.constant 0 : index
    %get3A_1236 = arith.constant 3 : index
    %get3A_1237 = vector.load %arg4[%get3A_1235, %get3A_1236] : memref<256x32xf32, #tpu.memory_space<vmem>>, vector<256x1xf32>
    %sub3A_1238 = arith.subf %get3A_1234, %get3A_1228 : vector<256x1xf32>
    %sub3A_1239 = arith.subf %get3A_1237, %get3A_1231 : vector<256x1xf32>
    %mul3A_1240 = arith.mulf %sub3A_1238, %sub3A_1239 : vector<256x1xf32>
    %max3A_1241 = vector.broadcast %get3A_1228 : vector<256x1xf32> to vector<256x75xf32>
    %max3A_1242 = arith.maximumf %max3A_1241, %concatenate3A_1046 : vector<256x75xf32>
    %max3A_1243 = vector.broadcast %get3A_1231 : vector<256x1xf32> to vector<256x75xf32>
    %max3A_1244 = arith.maximumf %max3A_1243, %concatenate3A_1047 : vector<256x75xf32>
    %min3A_1245 = vector.broadcast %get3A_1234 : vector<256x1xf32> to vector<256x75xf32>
    %min3A_1246 = arith.minimumf %min3A_1245, %concatenate3A_1048 : vector<256x75xf32>
    %min3A_1247 = vector.broadcast %get3A_1237 : vector<256x1xf32> to vector<256x75xf32>
    %min3A_1248 = arith.minimumf %min3A_1247, %concatenate3A_1049 : vector<256x75xf32>
    %sub3A_1249 = arith.subf %min3A_1246, %max3A_1242 : vector<256x75xf32>
    %jit3A_1250 = arith.constant 0.000000e+00 : f32
    %max3A_1251 = vector.broadcast %jit3A_1250 : f32 to vector<256x75xf32>
    %max3A_1252 = arith.maximumf %max3A_1251, %sub3A_1249 : vector<256x75xf32>
    %sub3A_1253 = arith.subf %min3A_1248, %max3A_1244 : vector<256x75xf32>
    %jit3A_1254 = arith.constant 0.000000e+00 : f32
    %max3A_1255 = vector.broadcast %jit3A_1254 : f32 to vector<256x75xf32>
    %max3A_1256 = arith.maximumf %max3A_1255, %sub3A_1253 : vector<256x75xf32>
    %mul3A_1257 = arith.mulf %max3A_1252, %max3A_1256 : vector<256x75xf32>
    %add3A_1258 = vector.broadcast %mul3A_1240 : vector<256x1xf32> to vector<256x75xf32>
    %add3A_1259 = arith.addf %add3A_1258, %mul3A_1089 : vector<256x75xf32>
    %sub3A_1260 = arith.subf %add3A_1259, %mul3A_1257 : vector<256x75xf32>
    %add3A_1261 = arith.constant 9.99999971E-10 : f32
    %add3A_1262 = vector.broadcast %add3A_1261 : f32 to vector<256x75xf32>
    %add3A_1263 = arith.addf %sub3A_1260, %add3A_1262 : vector<256x75xf32>
    %div3A_1264 = arith.divf %mul3A_1257, %add3A_1263 : vector<256x75xf32>
    %gt3A_1265 = arith.cmpf ogt, %div3A_1264, %select_n3A_1225 : vector<256x75xf32>
    %jit3A_1266 = arith.constant 3 : i32
    %broadcast_in_dim3A_1267 = vector.broadcast %jit3A_1266 : i32 to vector<256x75xi32>
    %select_n3A_1268 = arith.select %gt3A_1265, %broadcast_in_dim3A_1267, %select_n3A_1224 : vector<256x75xi1>, vector<256x75xi32>
    %select_n3A_1269 = arith.select %gt3A_1265, %div3A_1264, %select_n3A_1225 : vector<256x75xi1>, vector<256x75xf32>
    %get3A_1270 = arith.constant 0 : index
    %get3A_1271 = arith.constant 4 : index
    %get3A_1272 = vector.load %arg1[%get3A_1270, %get3A_1271] : memref<256x32xf32, #tpu.memory_space<vmem>>, vector<256x1xf32>
    %get3A_1273 = arith.constant 0 : index
    %get3A_1274 = arith.constant 4 : index
    %get3A_1275 = vector.load %arg2[%get3A_1273, %get3A_1274] : memref<256x32xf32, #tpu.memory_space<vmem>>, vector<256x1xf32>
    %get3A_1276 = arith.constant 0 : index
    %get3A_1277 = arith.constant 4 : index
    %get3A_1278 = vector.load %arg3[%get3A_1276, %get3A_1277] : memref<256x32xf32, #tpu.memory_space<vmem>>, vector<256x1xf32>
    %get3A_1279 = arith.constant 0 : index
    %get3A_1280 = arith.constant 4 : index
    %get3A_1281 = vector.load %arg4[%get3A_1279, %get3A_1280] : memref<256x32xf32, #tpu.memory_space<vmem>>, vector<256x1xf32>
    %sub3A_1282 = arith.subf %get3A_1278, %get3A_1272 : vector<256x1xf32>
    %sub3A_1283 = arith.subf %get3A_1281, %get3A_1275 : vector<256x1xf32>
    %mul3A_1284 = arith.mulf %sub3A_1282, %sub3A_1283 : vector<256x1xf32>
    %max3A_1285 = vector.broadcast %get3A_1272 : vector<256x1xf32> to vector<256x75xf32>
    %max3A_1286 = arith.maximumf %max3A_1285, %concatenate3A_1046 : vector<256x75xf32>
    %max3A_1287 = vector.broadcast %get3A_1275 : vector<256x1xf32> to vector<256x75xf32>
    %max3A_1288 = arith.maximumf %max3A_1287, %concatenate3A_1047 : vector<256x75xf32>
    %min3A_1289 = vector.broadcast %get3A_1278 : vector<256x1xf32> to vector<256x75xf32>
    %min3A_1290 = arith.minimumf %min3A_1289, %concatenate3A_1048 : vector<256x75xf32>
    %min3A_1291 = vector.broadcast %get3A_1281 : vector<256x1xf32> to vector<256x75xf32>
    %min3A_1292 = arith.minimumf %min3A_1291, %concatenate3A_1049 : vector<256x75xf32>
    %sub3A_1293 = arith.subf %min3A_1290, %max3A_1286 : vector<256x75xf32>
    %jit3A_1294 = arith.constant 0.000000e+00 : f32
    %max3A_1295 = vector.broadcast %jit3A_1294 : f32 to vector<256x75xf32>
    %max3A_1296 = arith.maximumf %max3A_1295, %sub3A_1293 : vector<256x75xf32>
    %sub3A_1297 = arith.subf %min3A_1292, %max3A_1288 : vector<256x75xf32>
    %jit3A_1298 = arith.constant 0.000000e+00 : f32
    %max3A_1299 = vector.broadcast %jit3A_1298 : f32 to vector<256x75xf32>
    %max3A_1300 = arith.maximumf %max3A_1299, %sub3A_1297 : vector<256x75xf32>
    %mul3A_1301 = arith.mulf %max3A_1296, %max3A_1300 : vector<256x75xf32>
    %add3A_1302 = vector.broadcast %mul3A_1284 : vector<256x1xf32> to vector<256x75xf32>
    %add3A_1303 = arith.addf %add3A_1302, %mul3A_1089 : vector<256x75xf32>
    %sub3A_1304 = arith.subf %add3A_1303, %mul3A_1301 : vector<256x75xf32>
    %add3A_1305 = arith.constant 9.99999971E-10 : f32
    %add3A_1306 = vector.broadcast %add3A_1305 : f32 to vector<256x75xf32>
    %add3A_1307 = arith.addf %sub3A_1304, %add3A_1306 : vector<256x75xf32>
    %div3A_1308 = arith.divf %mul3A_1301, %add3A_1307 : vector<256x75xf32>
    %gt3A_1309 = arith.cmpf ogt, %div3A_1308, %select_n3A_1269 : vector<256x75xf32>
    %jit3A_1310 = arith.constant 4 : i32
    %broadcast_in_dim3A_1311 = vector.broadcast %jit3A_1310 : i32 to vector<256x75xi32>
    %select_n3A_1312 = arith.select %gt3A_1309, %broadcast_in_dim3A_1311, %select_n3A_1268 : vector<256x75xi1>, vector<256x75xi32>
    %select_n3A_1313 = arith.select %gt3A_1309, %div3A_1308, %select_n3A_1269 : vector<256x75xi1>, vector<256x75xf32>
    %get3A_1314 = arith.constant 0 : index
    %get3A_1315 = arith.constant 5 : index
    %get3A_1316 = vector.load %arg1[%get3A_1314, %get3A_1315] : memref<256x32xf32, #tpu.memory_space<vmem>>, vector<256x1xf32>
    %get3A_1317 = arith.constant 0 : index
    %get3A_1318 = arith.constant 5 : index
    %get3A_1319 = vector.load %arg2[%get3A_1317, %get3A_1318] : memref<256x32xf32, #tpu.memory_space<vmem>>, vector<256x1xf32>
    %get3A_1320 = arith.constant 0 : index
    %get3A_1321 = arith.constant 5 : index
    %get3A_1322 = vector.load %arg3[%get3A_1320, %get3A_1321] : memref<256x32xf32, #tpu.memory_space<vmem>>, vector<256x1xf32>
    %get3A_1323 = arith.constant 0 : index
    %get3A_1324 = arith.constant 5 : index
    %get3A_1325 = vector.load %arg4[%get3A_1323, %get3A_1324] : memref<256x32xf32, #tpu.memory_space<vmem>>, vector<256x1xf32>
    %sub3A_1326 = arith.subf %get3A_1322, %get3A_1316 : vector<256x1xf32>
    %sub3A_1327 = arith.subf %get3A_1325, %get3A_1319 : vector<256x1xf32>
    %mul3A_1328 = arith.mulf %sub3A_1326, %sub3A_1327 : vector<256x1xf32>
    %max3A_1329 = vector.broadcast %get3A_1316 : vector<256x1xf32> to vector<256x75xf32>
    %max3A_1330 = arith.maximumf %max3A_1329, %concatenate3A_1046 : vector<256x75xf32>
    %max3A_1331 = vector.broadcast %get3A_1319 : vector<256x1xf32> to vector<256x75xf32>
    %max3A_1332 = arith.maximumf %max3A_1331, %concatenate3A_1047 : vector<256x75xf32>
    %min3A_1333 = vector.broadcast %get3A_1322 : vector<256x1xf32> to vector<256x75xf32>
    %min3A_1334 = arith.minimumf %min3A_1333, %concatenate3A_1048 : vector<256x75xf32>
    %min3A_1335 = vector.broadcast %get3A_1325 : vector<256x1xf32> to vector<256x75xf32>
    %min3A_1336 = arith.minimumf %min3A_1335, %concatenate3A_1049 : vector<256x75xf32>
    %sub3A_1337 = arith.subf %min3A_1334, %max3A_1330 : vector<256x75xf32>
    %jit3A_1338 = arith.constant 0.000000e+00 : f32
    %max3A_1339 = vector.broadcast %jit3A_1338 : f32 to vector<256x75xf32>
    %max3A_1340 = arith.maximumf %max3A_1339, %sub3A_1337 : vector<256x75xf32>
    %sub3A_1341 = arith.subf %min3A_1336, %max3A_1332 : vector<256x75xf32>
    %jit3A_1342 = arith.constant 0.000000e+00 : f32
    %max3A_1343 = vector.broadcast %jit3A_1342 : f32 to vector<256x75xf32>
    %max3A_1344 = arith.maximumf %max3A_1343, %sub3A_1341 : vector<256x75xf32>
    %mul3A_1345 = arith.mulf %max3A_1340, %max3A_1344 : vector<256x75xf32>
    %add3A_1346 = vector.broadcast %mul3A_1328 : vector<256x1xf32> to vector<256x75xf32>
    %add3A_1347 = arith.addf %add3A_1346, %mul3A_1089 : vector<256x75xf32>
    %sub3A_1348 = arith.subf %add3A_1347, %mul3A_1345 : vector<256x75xf32>
    %add3A_1349 = arith.constant 9.99999971E-10 : f32
    %add3A_1350 = vector.broadcast %add3A_1349 : f32 to vector<256x75xf32>
    %add3A_1351 = arith.addf %sub3A_1348, %add3A_1350 : vector<256x75xf32>
    %div3A_1352 = arith.divf %mul3A_1345, %add3A_1351 : vector<256x75xf32>
    %gt3A_1353 = arith.cmpf ogt, %div3A_1352, %select_n3A_1313 : vector<256x75xf32>
    %jit3A_1354 = arith.constant 5 : i32
    %broadcast_in_dim3A_1355 = vector.broadcast %jit3A_1354 : i32 to vector<256x75xi32>
    %select_n3A_1356 = arith.select %gt3A_1353, %broadcast_in_dim3A_1355, %select_n3A_1312 : vector<256x75xi1>, vector<256x75xi32>
    %select_n3A_1357 = arith.select %gt3A_1353, %div3A_1352, %select_n3A_1313 : vector<256x75xi1>, vector<256x75xf32>
    %get3A_1358 = arith.constant 0 : index
    %get3A_1359 = arith.constant 6 : index
    %get3A_1360 = vector.load %arg1[%get3A_1358, %get3A_1359] : memref<256x32xf32, #tpu.memory_space<vmem>>, vector<256x1xf32>
    %get3A_1361 = arith.constant 0 : index
    %get3A_1362 = arith.constant 6 : index
    %get3A_1363 = vector.load %arg2[%get3A_1361, %get3A_1362] : memref<256x32xf32, #tpu.memory_space<vmem>>, vector<256x1xf32>
    %get3A_1364 = arith.constant 0 : index
    %get3A_1365 = arith.constant 6 : index
    %get3A_1366 = vector.load %arg3[%get3A_1364, %get3A_1365] : memref<256x32xf32, #tpu.memory_space<vmem>>, vector<256x1xf32>
    %get3A_1367 = arith.constant 0 : index
    %get3A_1368 = arith.constant 6 : index
    %get3A_1369 = vector.load %arg4[%get3A_1367, %get3A_1368] : memref<256x32xf32, #tpu.memory_space<vmem>>, vector<256x1xf32>
    %sub3A_1370 = arith.subf %get3A_1366, %get3A_1360 : vector<256x1xf32>
    %sub3A_1371 = arith.subf %get3A_1369, %get3A_1363 : vector<256x1xf32>
    %mul3A_1372 = arith.mulf %sub3A_1370, %sub3A_1371 : vector<256x1xf32>
    %max3A_1373 = vector.broadcast %get3A_1360 : vector<256x1xf32> to vector<256x75xf32>
    %max3A_1374 = arith.maximumf %max3A_1373, %concatenate3A_1046 : vector<256x75xf32>
    %max3A_1375 = vector.broadcast %get3A_1363 : vector<256x1xf32> to vector<256x75xf32>
    %max3A_1376 = arith.maximumf %max3A_1375, %concatenate3A_1047 : vector<256x75xf32>
    %min3A_1377 = vector.broadcast %get3A_1366 : vector<256x1xf32> to vector<256x75xf32>
    %min3A_1378 = arith.minimumf %min3A_1377, %concatenate3A_1048 : vector<256x75xf32>
    %min3A_1379 = vector.broadcast %get3A_1369 : vector<256x1xf32> to vector<256x75xf32>
    %min3A_1380 = arith.minimumf %min3A_1379, %concatenate3A_1049 : vector<256x75xf32>
    %sub3A_1381 = arith.subf %min3A_1378, %max3A_1374 : vector<256x75xf32>
    %jit3A_1382 = arith.constant 0.000000e+00 : f32
    %max3A_1383 = vector.broadcast %jit3A_1382 : f32 to vector<256x75xf32>
    %max3A_1384 = arith.maximumf %max3A_1383, %sub3A_1381 : vector<256x75xf32>
    %sub3A_1385 = arith.subf %min3A_1380, %max3A_1376 : vector<256x75xf32>
    %jit3A_1386 = arith.constant 0.000000e+00 : f32
    %max3A_1387 = vector.broadcast %jit3A_1386 : f32 to vector<256x75xf32>
    %max3A_1388 = arith.maximumf %max3A_1387, %sub3A_1385 : vector<256x75xf32>
    %mul3A_1389 = arith.mulf %max3A_1384, %max3A_1388 : vector<256x75xf32>
    %add3A_1390 = vector.broadcast %mul3A_1372 : vector<256x1xf32> to vector<256x75xf32>
    %add3A_1391 = arith.addf %add3A_1390, %mul3A_1089 : vector<256x75xf32>
    %sub3A_1392 = arith.subf %add3A_1391, %mul3A_1389 : vector<256x75xf32>
    %add3A_1393 = arith.constant 9.99999971E-10 : f32
    %add3A_1394 = vector.broadcast %add3A_1393 : f32 to vector<256x75xf32>
    %add3A_1395 = arith.addf %sub3A_1392, %add3A_1394 : vector<256x75xf32>
    %div3A_1396 = arith.divf %mul3A_1389, %add3A_1395 : vector<256x75xf32>
    %gt3A_1397 = arith.cmpf ogt, %div3A_1396, %select_n3A_1357 : vector<256x75xf32>
    %jit3A_1398 = arith.constant 6 : i32
    %broadcast_in_dim3A_1399 = vector.broadcast %jit3A_1398 : i32 to vector<256x75xi32>
    %select_n3A_1400 = arith.select %gt3A_1397, %broadcast_in_dim3A_1399, %select_n3A_1356 : vector<256x75xi1>, vector<256x75xi32>
    %select_n3A_1401 = arith.select %gt3A_1397, %div3A_1396, %select_n3A_1357 : vector<256x75xi1>, vector<256x75xf32>
    %get3A_1402 = arith.constant 0 : index
    %get3A_1403 = arith.constant 7 : index
    %get3A_1404 = vector.load %arg1[%get3A_1402, %get3A_1403] : memref<256x32xf32, #tpu.memory_space<vmem>>, vector<256x1xf32>
    %get3A_1405 = arith.constant 0 : index
    %get3A_1406 = arith.constant 7 : index
    %get3A_1407 = vector.load %arg2[%get3A_1405, %get3A_1406] : memref<256x32xf32, #tpu.memory_space<vmem>>, vector<256x1xf32>
    %get3A_1408 = arith.constant 0 : index
    %get3A_1409 = arith.constant 7 : index
    %get3A_1410 = vector.load %arg3[%get3A_1408, %get3A_1409] : memref<256x32xf32, #tpu.memory_space<vmem>>, vector<256x1xf32>
    %get3A_1411 = arith.constant 0 : index
    %get3A_1412 = arith.constant 7 : index
    %get3A_1413 = vector.load %arg4[%get3A_1411, %get3A_1412] : memref<256x32xf32, #tpu.memory_space<vmem>>, vector<256x1xf32>
    %sub3A_1414 = arith.subf %get3A_1410, %get3A_1404 : vector<256x1xf32>
    %sub3A_1415 = arith.subf %get3A_1413, %get3A_1407 : vector<256x1xf32>
    %mul3A_1416 = arith.mulf %sub3A_1414, %sub3A_1415 : vector<256x1xf32>
    %max3A_1417 = vector.broadcast %get3A_1404 : vector<256x1xf32> to vector<256x75xf32>
    %max3A_1418 = arith.maximumf %max3A_1417, %concatenate3A_1046 : vector<256x75xf32>
    %max3A_1419 = vector.broadcast %get3A_1407 : vector<256x1xf32> to vector<256x75xf32>
    %max3A_1420 = arith.maximumf %max3A_1419, %concatenate3A_1047 : vector<256x75xf32>
    %min3A_1421 = vector.broadcast %get3A_1410 : vector<256x1xf32> to vector<256x75xf32>
    %min3A_1422 = arith.minimumf %min3A_1421, %concatenate3A_1048 : vector<256x75xf32>
    %min3A_1423 = vector.broadcast %get3A_1413 : vector<256x1xf32> to vector<256x75xf32>
    %min3A_1424 = arith.minimumf %min3A_1423, %concatenate3A_1049 : vector<256x75xf32>
    %sub3A_1425 = arith.subf %min3A_1422, %max3A_1418 : vector<256x75xf32>
    %jit3A_1426 = arith.constant 0.000000e+00 : f32
    %max3A_1427 = vector.broadcast %jit3A_1426 : f32 to vector<256x75xf32>
    %max3A_1428 = arith.maximumf %max3A_1427, %sub3A_1425 : vector<256x75xf32>
    %sub3A_1429 = arith.subf %min3A_1424, %max3A_1420 : vector<256x75xf32>
    %jit3A_1430 = arith.constant 0.000000e+00 : f32
    %max3A_1431 = vector.broadcast %jit3A_1430 : f32 to vector<256x75xf32>
    %max3A_1432 = arith.maximumf %max3A_1431, %sub3A_1429 : vector<256x75xf32>
    %mul3A_1433 = arith.mulf %max3A_1428, %max3A_1432 : vector<256x75xf32>
    %add3A_1434 = vector.broadcast %mul3A_1416 : vector<256x1xf32> to vector<256x75xf32>
    %add3A_1435 = arith.addf %add3A_1434, %mul3A_1089 : vector<256x75xf32>
    %sub3A_1436 = arith.subf %add3A_1435, %mul3A_1433 : vector<256x75xf32>
    %add3A_1437 = arith.constant 9.99999971E-10 : f32
    %add3A_1438 = vector.broadcast %add3A_1437 : f32 to vector<256x75xf32>
    %add3A_1439 = arith.addf %sub3A_1436, %add3A_1438 : vector<256x75xf32>
    %div3A_1440 = arith.divf %mul3A_1433, %add3A_1439 : vector<256x75xf32>
    %gt3A_1441 = arith.cmpf ogt, %div3A_1440, %select_n3A_1401 : vector<256x75xf32>
    %jit3A_1442 = arith.constant 7 : i32
    %broadcast_in_dim3A_1443 = vector.broadcast %jit3A_1442 : i32 to vector<256x75xi32>
    %select_n3A_1444 = arith.select %gt3A_1441, %broadcast_in_dim3A_1443, %select_n3A_1400 : vector<256x75xi1>, vector<256x75xi32>
    %select_n3A_1445 = arith.select %gt3A_1441, %div3A_1440, %select_n3A_1401 : vector<256x75xi1>, vector<256x75xf32>
    %get3A_1446 = arith.constant 0 : index
    %get3A_1447 = arith.constant 8 : index
    %get3A_1448 = vector.load %arg1[%get3A_1446, %get3A_1447] : memref<256x32xf32, #tpu.memory_space<vmem>>, vector<256x1xf32>
    %get3A_1449 = arith.constant 0 : index
    %get3A_1450 = arith.constant 8 : index
    %get3A_1451 = vector.load %arg2[%get3A_1449, %get3A_1450] : memref<256x32xf32, #tpu.memory_space<vmem>>, vector<256x1xf32>
    %get3A_1452 = arith.constant 0 : index
    %get3A_1453 = arith.constant 8 : index
    %get3A_1454 = vector.load %arg3[%get3A_1452, %get3A_1453] : memref<256x32xf32, #tpu.memory_space<vmem>>, vector<256x1xf32>
    %get3A_1455 = arith.constant 0 : index
    %get3A_1456 = arith.constant 8 : index
    %get3A_1457 = vector.load %arg4[%get3A_1455, %get3A_1456] : memref<256x32xf32, #tpu.memory_space<vmem>>, vector<256x1xf32>
    %sub3A_1458 = arith.subf %get3A_1454, %get3A_1448 : vector<256x1xf32>
    %sub3A_1459 = arith.subf %get3A_1457, %get3A_1451 : vector<256x1xf32>
    %mul3A_1460 = arith.mulf %sub3A_1458, %sub3A_1459 : vector<256x1xf32>
    %max3A_1461 = vector.broadcast %get3A_1448 : vector<256x1xf32> to vector<256x75xf32>
    %max3A_1462 = arith.maximumf %max3A_1461, %concatenate3A_1046 : vector<256x75xf32>
    %max3A_1463 = vector.broadcast %get3A_1451 : vector<256x1xf32> to vector<256x75xf32>
    %max3A_1464 = arith.maximumf %max3A_1463, %concatenate3A_1047 : vector<256x75xf32>
    %min3A_1465 = vector.broadcast %get3A_1454 : vector<256x1xf32> to vector<256x75xf32>
    %min3A_1466 = arith.minimumf %min3A_1465, %concatenate3A_1048 : vector<256x75xf32>
    %min3A_1467 = vector.broadcast %get3A_1457 : vector<256x1xf32> to vector<256x75xf32>
    %min3A_1468 = arith.minimumf %min3A_1467, %concatenate3A_1049 : vector<256x75xf32>
    %sub3A_1469 = arith.subf %min3A_1466, %max3A_1462 : vector<256x75xf32>
    %jit3A_1470 = arith.constant 0.000000e+00 : f32
    %max3A_1471 = vector.broadcast %jit3A_1470 : f32 to vector<256x75xf32>
    %max3A_1472 = arith.maximumf %max3A_1471, %sub3A_1469 : vector<256x75xf32>
    %sub3A_1473 = arith.subf %min3A_1468, %max3A_1464 : vector<256x75xf32>
    %jit3A_1474 = arith.constant 0.000000e+00 : f32
    %max3A_1475 = vector.broadcast %jit3A_1474 : f32 to vector<256x75xf32>
    %max3A_1476 = arith.maximumf %max3A_1475, %sub3A_1473 : vector<256x75xf32>
    %mul3A_1477 = arith.mulf %max3A_1472, %max3A_1476 : vector<256x75xf32>
    %add3A_1478 = vector.broadcast %mul3A_1460 : vector<256x1xf32> to vector<256x75xf32>
    %add3A_1479 = arith.addf %add3A_1478, %mul3A_1089 : vector<256x75xf32>
    %sub3A_1480 = arith.subf %add3A_1479, %mul3A_1477 : vector<256x75xf32>
    %add3A_1481 = arith.constant 9.99999971E-10 : f32
    %add3A_1482 = vector.broadcast %add3A_1481 : f32 to vector<256x75xf32>
    %add3A_1483 = arith.addf %sub3A_1480, %add3A_1482 : vector<256x75xf32>
    %div3A_1484 = arith.divf %mul3A_1477, %add3A_1483 : vector<256x75xf32>
    %gt3A_1485 = arith.cmpf ogt, %div3A_1484, %select_n3A_1445 : vector<256x75xf32>
    %jit3A_1486 = arith.constant 8 : i32
    %broadcast_in_dim3A_1487 = vector.broadcast %jit3A_1486 : i32 to vector<256x75xi32>
    %select_n3A_1488 = arith.select %gt3A_1485, %broadcast_in_dim3A_1487, %select_n3A_1444 : vector<256x75xi1>, vector<256x75xi32>
    %select_n3A_1489 = arith.select %gt3A_1485, %div3A_1484, %select_n3A_1445 : vector<256x75xi1>, vector<256x75xf32>
    %get3A_1490 = arith.constant 0 : index
    %get3A_1491 = arith.constant 9 : index
    %get3A_1492 = vector.load %arg1[%get3A_1490, %get3A_1491] : memref<256x32xf32, #tpu.memory_space<vmem>>, vector<256x1xf32>
    %get3A_1493 = arith.constant 0 : index
    %get3A_1494 = arith.constant 9 : index
    %get3A_1495 = vector.load %arg2[%get3A_1493, %get3A_1494] : memref<256x32xf32, #tpu.memory_space<vmem>>, vector<256x1xf32>
    %get3A_1496 = arith.constant 0 : index
    %get3A_1497 = arith.constant 9 : index
    %get3A_1498 = vector.load %arg3[%get3A_1496, %get3A_1497] : memref<256x32xf32, #tpu.memory_space<vmem>>, vector<256x1xf32>
    %get3A_1499 = arith.constant 0 : index
    %get3A_1500 = arith.constant 9 : index
    %get3A_1501 = vector.load %arg4[%get3A_1499, %get3A_1500] : memref<256x32xf32, #tpu.memory_space<vmem>>, vector<256x1xf32>
    %sub3A_1502 = arith.subf %get3A_1498, %get3A_1492 : vector<256x1xf32>
    %sub3A_1503 = arith.subf %get3A_1501, %get3A_1495 : vector<256x1xf32>
    %mul3A_1504 = arith.mulf %sub3A_1502, %sub3A_1503 : vector<256x1xf32>
    %max3A_1505 = vector.broadcast %get3A_1492 : vector<256x1xf32> to vector<256x75xf32>
    %max3A_1506 = arith.maximumf %max3A_1505, %concatenate3A_1046 : vector<256x75xf32>
    %max3A_1507 = vector.broadcast %get3A_1495 : vector<256x1xf32> to vector<256x75xf32>
    %max3A_1508 = arith.maximumf %max3A_1507, %concatenate3A_1047 : vector<256x75xf32>
    %min3A_1509 = vector.broadcast %get3A_1498 : vector<256x1xf32> to vector<256x75xf32>
    %min3A_1510 = arith.minimumf %min3A_1509, %concatenate3A_1048 : vector<256x75xf32>
    %min3A_1511 = vector.broadcast %get3A_1501 : vector<256x1xf32> to vector<256x75xf32>
    %min3A_1512 = arith.minimumf %min3A_1511, %concatenate3A_1049 : vector<256x75xf32>
    %sub3A_1513 = arith.subf %min3A_1510, %max3A_1506 : vector<256x75xf32>
    %jit3A_1514 = arith.constant 0.000000e+00 : f32
    %max3A_1515 = vector.broadcast %jit3A_1514 : f32 to vector<256x75xf32>
    %max3A_1516 = arith.maximumf %max3A_1515, %sub3A_1513 : vector<256x75xf32>
    %sub3A_1517 = arith.subf %min3A_1512, %max3A_1508 : vector<256x75xf32>
    %jit3A_1518 = arith.constant 0.000000e+00 : f32
    %max3A_1519 = vector.broadcast %jit3A_1518 : f32 to vector<256x75xf32>
    %max3A_1520 = arith.maximumf %max3A_1519, %sub3A_1517 : vector<256x75xf32>
    %mul3A_1521 = arith.mulf %max3A_1516, %max3A_1520 : vector<256x75xf32>
    %add3A_1522 = vector.broadcast %mul3A_1504 : vector<256x1xf32> to vector<256x75xf32>
    %add3A_1523 = arith.addf %add3A_1522, %mul3A_1089 : vector<256x75xf32>
    %sub3A_1524 = arith.subf %add3A_1523, %mul3A_1521 : vector<256x75xf32>
    %add3A_1525 = arith.constant 9.99999971E-10 : f32
    %add3A_1526 = vector.broadcast %add3A_1525 : f32 to vector<256x75xf32>
    %add3A_1527 = arith.addf %sub3A_1524, %add3A_1526 : vector<256x75xf32>
    %div3A_1528 = arith.divf %mul3A_1521, %add3A_1527 : vector<256x75xf32>
    %gt3A_1529 = arith.cmpf ogt, %div3A_1528, %select_n3A_1489 : vector<256x75xf32>
    %jit3A_1530 = arith.constant 9 : i32
    %broadcast_in_dim3A_1531 = vector.broadcast %jit3A_1530 : i32 to vector<256x75xi32>
    %select_n3A_1532 = arith.select %gt3A_1529, %broadcast_in_dim3A_1531, %select_n3A_1488 : vector<256x75xi1>, vector<256x75xi32>
    %select_n3A_1533 = arith.select %gt3A_1529, %div3A_1528, %select_n3A_1489 : vector<256x75xi1>, vector<256x75xf32>
    %get3A_1534 = arith.constant 0 : index
    %get3A_1535 = arith.constant 10 : index
    %get3A_1536 = vector.load %arg1[%get3A_1534, %get3A_1535] : memref<256x32xf32, #tpu.memory_space<vmem>>, vector<256x1xf32>
    %get3A_1537 = arith.constant 0 : index
    %get3A_1538 = arith.constant 10 : index
    %get3A_1539 = vector.load %arg2[%get3A_1537, %get3A_1538] : memref<256x32xf32, #tpu.memory_space<vmem>>, vector<256x1xf32>
    %get3A_1540 = arith.constant 0 : index
    %get3A_1541 = arith.constant 10 : index
    %get3A_1542 = vector.load %arg3[%get3A_1540, %get3A_1541] : memref<256x32xf32, #tpu.memory_space<vmem>>, vector<256x1xf32>
    %get3A_1543 = arith.constant 0 : index
    %get3A_1544 = arith.constant 10 : index
    %get3A_1545 = vector.load %arg4[%get3A_1543, %get3A_1544] : memref<256x32xf32, #tpu.memory_space<vmem>>, vector<256x1xf32>
    %sub3A_1546 = arith.subf %get3A_1542, %get3A_1536 : vector<256x1xf32>
    %sub3A_1547 = arith.subf %get3A_1545, %get3A_1539 : vector<256x1xf32>
    %mul3A_1548 = arith.mulf %sub3A_1546, %sub3A_1547 : vector<256x1xf32>
    %max3A_1549 = vector.broadcast %get3A_1536 : vector<256x1xf32> to vector<256x75xf32>
    %max3A_1550 = arith.maximumf %max3A_1549, %concatenate3A_1046 : vector<256x75xf32>
    %max3A_1551 = vector.broadcast %get3A_1539 : vector<256x1xf32> to vector<256x75xf32>
    %max3A_1552 = arith.maximumf %max3A_1551, %concatenate3A_1047 : vector<256x75xf32>
    %min3A_1553 = vector.broadcast %get3A_1542 : vector<256x1xf32> to vector<256x75xf32>
    %min3A_1554 = arith.minimumf %min3A_1553, %concatenate3A_1048 : vector<256x75xf32>
    %min3A_1555 = vector.broadcast %get3A_1545 : vector<256x1xf32> to vector<256x75xf32>
    %min3A_1556 = arith.minimumf %min3A_1555, %concatenate3A_1049 : vector<256x75xf32>
    %sub3A_1557 = arith.subf %min3A_1554, %max3A_1550 : vector<256x75xf32>
    %jit3A_1558 = arith.constant 0.000000e+00 : f32
    %max3A_1559 = vector.broadcast %jit3A_1558 : f32 to vector<256x75xf32>
    %max3A_1560 = arith.maximumf %max3A_1559, %sub3A_1557 : vector<256x75xf32>
    %sub3A_1561 = arith.subf %min3A_1556, %max3A_1552 : vector<256x75xf32>
    %jit3A_1562 = arith.constant 0.000000e+00 : f32
    %max3A_1563 = vector.broadcast %jit3A_1562 : f32 to vector<256x75xf32>
    %max3A_1564 = arith.maximumf %max3A_1563, %sub3A_1561 : vector<256x75xf32>
    %mul3A_1565 = arith.mulf %max3A_1560, %max3A_1564 : vector<256x75xf32>
    %add3A_1566 = vector.broadcast %mul3A_1548 : vector<256x1xf32> to vector<256x75xf32>
    %add3A_1567 = arith.addf %add3A_1566, %mul3A_1089 : vector<256x75xf32>
    %sub3A_1568 = arith.subf %add3A_1567, %mul3A_1565 : vector<256x75xf32>
    %add3A_1569 = arith.constant 9.99999971E-10 : f32
    %add3A_1570 = vector.broadcast %add3A_1569 : f32 to vector<256x75xf32>
    %add3A_1571 = arith.addf %sub3A_1568, %add3A_1570 : vector<256x75xf32>
    %div3A_1572 = arith.divf %mul3A_1565, %add3A_1571 : vector<256x75xf32>
    %gt3A_1573 = arith.cmpf ogt, %div3A_1572, %select_n3A_1533 : vector<256x75xf32>
    %jit3A_1574 = arith.constant 10 : i32
    %broadcast_in_dim3A_1575 = vector.broadcast %jit3A_1574 : i32 to vector<256x75xi32>
    %select_n3A_1576 = arith.select %gt3A_1573, %broadcast_in_dim3A_1575, %select_n3A_1532 : vector<256x75xi1>, vector<256x75xi32>
    %select_n3A_1577 = arith.select %gt3A_1573, %div3A_1572, %select_n3A_1533 : vector<256x75xi1>, vector<256x75xf32>
    %get3A_1578 = arith.constant 0 : index
    %get3A_1579 = arith.constant 11 : index
    %get3A_1580 = vector.load %arg1[%get3A_1578, %get3A_1579] : memref<256x32xf32, #tpu.memory_space<vmem>>, vector<256x1xf32>
    %get3A_1581 = arith.constant 0 : index
    %get3A_1582 = arith.constant 11 : index
    %get3A_1583 = vector.load %arg2[%get3A_1581, %get3A_1582] : memref<256x32xf32, #tpu.memory_space<vmem>>, vector<256x1xf32>
    %get3A_1584 = arith.constant 0 : index
    %get3A_1585 = arith.constant 11 : index
    %get3A_1586 = vector.load %arg3[%get3A_1584, %get3A_1585] : memref<256x32xf32, #tpu.memory_space<vmem>>, vector<256x1xf32>
    %get3A_1587 = arith.constant 0 : index
    %get3A_1588 = arith.constant 11 : index
    %get3A_1589 = vector.load %arg4[%get3A_1587, %get3A_1588] : memref<256x32xf32, #tpu.memory_space<vmem>>, vector<256x1xf32>
    %sub3A_1590 = arith.subf %get3A_1586, %get3A_1580 : vector<256x1xf32>
    %sub3A_1591 = arith.subf %get3A_1589, %get3A_1583 : vector<256x1xf32>
    %mul3A_1592 = arith.mulf %sub3A_1590, %sub3A_1591 : vector<256x1xf32>
    %max3A_1593 = vector.broadcast %get3A_1580 : vector<256x1xf32> to vector<256x75xf32>
    %max3A_1594 = arith.maximumf %max3A_1593, %concatenate3A_1046 : vector<256x75xf32>
    %max3A_1595 = vector.broadcast %get3A_1583 : vector<256x1xf32> to vector<256x75xf32>
    %max3A_1596 = arith.maximumf %max3A_1595, %concatenate3A_1047 : vector<256x75xf32>
    %min3A_1597 = vector.broadcast %get3A_1586 : vector<256x1xf32> to vector<256x75xf32>
    %min3A_1598 = arith.minimumf %min3A_1597, %concatenate3A_1048 : vector<256x75xf32>
    %min3A_1599 = vector.broadcast %get3A_1589 : vector<256x1xf32> to vector<256x75xf32>
    %min3A_1600 = arith.minimumf %min3A_1599, %concatenate3A_1049 : vector<256x75xf32>
    %sub3A_1601 = arith.subf %min3A_1598, %max3A_1594 : vector<256x75xf32>
    %jit3A_1602 = arith.constant 0.000000e+00 : f32
    %max3A_1603 = vector.broadcast %jit3A_1602 : f32 to vector<256x75xf32>
    %max3A_1604 = arith.maximumf %max3A_1603, %sub3A_1601 : vector<256x75xf32>
    %sub3A_1605 = arith.subf %min3A_1600, %max3A_1596 : vector<256x75xf32>
    %jit3A_1606 = arith.constant 0.000000e+00 : f32
    %max3A_1607 = vector.broadcast %jit3A_1606 : f32 to vector<256x75xf32>
    %max3A_1608 = arith.maximumf %max3A_1607, %sub3A_1605 : vector<256x75xf32>
    %mul3A_1609 = arith.mulf %max3A_1604, %max3A_1608 : vector<256x75xf32>
    %add3A_1610 = vector.broadcast %mul3A_1592 : vector<256x1xf32> to vector<256x75xf32>
    %add3A_1611 = arith.addf %add3A_1610, %mul3A_1089 : vector<256x75xf32>
    %sub3A_1612 = arith.subf %add3A_1611, %mul3A_1609 : vector<256x75xf32>
    %add3A_1613 = arith.constant 9.99999971E-10 : f32
    %add3A_1614 = vector.broadcast %add3A_1613 : f32 to vector<256x75xf32>
    %add3A_1615 = arith.addf %sub3A_1612, %add3A_1614 : vector<256x75xf32>
    %div3A_1616 = arith.divf %mul3A_1609, %add3A_1615 : vector<256x75xf32>
    %gt3A_1617 = arith.cmpf ogt, %div3A_1616, %select_n3A_1577 : vector<256x75xf32>
    %jit3A_1618 = arith.constant 11 : i32
    %broadcast_in_dim3A_1619 = vector.broadcast %jit3A_1618 : i32 to vector<256x75xi32>
    %select_n3A_1620 = arith.select %gt3A_1617, %broadcast_in_dim3A_1619, %select_n3A_1576 : vector<256x75xi1>, vector<256x75xi32>
    %select_n3A_1621 = arith.select %gt3A_1617, %div3A_1616, %select_n3A_1577 : vector<256x75xi1>, vector<256x75xf32>
    %get3A_1622 = arith.constant 0 : index
    %get3A_1623 = arith.constant 12 : index
    %get3A_1624 = vector.load %arg1[%get3A_1622, %get3A_1623] : memref<256x32xf32, #tpu.memory_space<vmem>>, vector<256x1xf32>
    %get3A_1625 = arith.constant 0 : index
    %get3A_1626 = arith.constant 12 : index
    %get3A_1627 = vector.load %arg2[%get3A_1625, %get3A_1626] : memref<256x32xf32, #tpu.memory_space<vmem>>, vector<256x1xf32>
    %get3A_1628 = arith.constant 0 : index
    %get3A_1629 = arith.constant 12 : index
    %get3A_1630 = vector.load %arg3[%get3A_1628, %get3A_1629] : memref<256x32xf32, #tpu.memory_space<vmem>>, vector<256x1xf32>
    %get3A_1631 = arith.constant 0 : index
    %get3A_1632 = arith.constant 12 : index
    %get3A_1633 = vector.load %arg4[%get3A_1631, %get3A_1632] : memref<256x32xf32, #tpu.memory_space<vmem>>, vector<256x1xf32>
    %sub3A_1634 = arith.subf %get3A_1630, %get3A_1624 : vector<256x1xf32>
    %sub3A_1635 = arith.subf %get3A_1633, %get3A_1627 : vector<256x1xf32>
    %mul3A_1636 = arith.mulf %sub3A_1634, %sub3A_1635 : vector<256x1xf32>
    %max3A_1637 = vector.broadcast %get3A_1624 : vector<256x1xf32> to vector<256x75xf32>
    %max3A_1638 = arith.maximumf %max3A_1637, %concatenate3A_1046 : vector<256x75xf32>
    %max3A_1639 = vector.broadcast %get3A_1627 : vector<256x1xf32> to vector<256x75xf32>
    %max3A_1640 = arith.maximumf %max3A_1639, %concatenate3A_1047 : vector<256x75xf32>
    %min3A_1641 = vector.broadcast %get3A_1630 : vector<256x1xf32> to vector<256x75xf32>
    %min3A_1642 = arith.minimumf %min3A_1641, %concatenate3A_1048 : vector<256x75xf32>
    %min3A_1643 = vector.broadcast %get3A_1633 : vector<256x1xf32> to vector<256x75xf32>
    %min3A_1644 = arith.minimumf %min3A_1643, %concatenate3A_1049 : vector<256x75xf32>
    %sub3A_1645 = arith.subf %min3A_1642, %max3A_1638 : vector<256x75xf32>
    %jit3A_1646 = arith.constant 0.000000e+00 : f32
    %max3A_1647 = vector.broadcast %jit3A_1646 : f32 to vector<256x75xf32>
    %max3A_1648 = arith.maximumf %max3A_1647, %sub3A_1645 : vector<256x75xf32>
    %sub3A_1649 = arith.subf %min3A_1644, %max3A_1640 : vector<256x75xf32>
    %jit3A_1650 = arith.constant 0.000000e+00 : f32
    %max3A_1651 = vector.broadcast %jit3A_1650 : f32 to vector<256x75xf32>
    %max3A_1652 = arith.maximumf %max3A_1651, %sub3A_1649 : vector<256x75xf32>
    %mul3A_1653 = arith.mulf %max3A_1648, %max3A_1652 : vector<256x75xf32>
    %add3A_1654 = vector.broadcast %mul3A_1636 : vector<256x1xf32> to vector<256x75xf32>
    %add3A_1655 = arith.addf %add3A_1654, %mul3A_1089 : vector<256x75xf32>
    %sub3A_1656 = arith.subf %add3A_1655, %mul3A_1653 : vector<256x75xf32>
    %add3A_1657 = arith.constant 9.99999971E-10 : f32
    %add3A_1658 = vector.broadcast %add3A_1657 : f32 to vector<256x75xf32>
    %add3A_1659 = arith.addf %sub3A_1656, %add3A_1658 : vector<256x75xf32>
    %div3A_1660 = arith.divf %mul3A_1653, %add3A_1659 : vector<256x75xf32>
    %gt3A_1661 = arith.cmpf ogt, %div3A_1660, %select_n3A_1621 : vector<256x75xf32>
    %jit3A_1662 = arith.constant 12 : i32
    %broadcast_in_dim3A_1663 = vector.broadcast %jit3A_1662 : i32 to vector<256x75xi32>
    %select_n3A_1664 = arith.select %gt3A_1661, %broadcast_in_dim3A_1663, %select_n3A_1620 : vector<256x75xi1>, vector<256x75xi32>
    %select_n3A_1665 = arith.select %gt3A_1661, %div3A_1660, %select_n3A_1621 : vector<256x75xi1>, vector<256x75xf32>
    %get3A_1666 = arith.constant 0 : index
    %get3A_1667 = arith.constant 13 : index
    %get3A_1668 = vector.load %arg1[%get3A_1666, %get3A_1667] : memref<256x32xf32, #tpu.memory_space<vmem>>, vector<256x1xf32>
    %get3A_1669 = arith.constant 0 : index
    %get3A_1670 = arith.constant 13 : index
    %get3A_1671 = vector.load %arg2[%get3A_1669, %get3A_1670] : memref<256x32xf32, #tpu.memory_space<vmem>>, vector<256x1xf32>
    %get3A_1672 = arith.constant 0 : index
    %get3A_1673 = arith.constant 13 : index
    %get3A_1674 = vector.load %arg3[%get3A_1672, %get3A_1673] : memref<256x32xf32, #tpu.memory_space<vmem>>, vector<256x1xf32>
    %get3A_1675 = arith.constant 0 : index
    %get3A_1676 = arith.constant 13 : index
    %get3A_1677 = vector.load %arg4[%get3A_1675, %get3A_1676] : memref<256x32xf32, #tpu.memory_space<vmem>>, vector<256x1xf32>
    %sub3A_1678 = arith.subf %get3A_1674, %get3A_1668 : vector<256x1xf32>
    %sub3A_1679 = arith.subf %get3A_1677, %get3A_1671 : vector<256x1xf32>
    %mul3A_1680 = arith.mulf %sub3A_1678, %sub3A_1679 : vector<256x1xf32>
    %max3A_1681 = vector.broadcast %get3A_1668 : vector<256x1xf32> to vector<256x75xf32>
    %max3A_1682 = arith.maximumf %max3A_1681, %concatenate3A_1046 : vector<256x75xf32>
    %max3A_1683 = vector.broadcast %get3A_1671 : vector<256x1xf32> to vector<256x75xf32>
    %max3A_1684 = arith.maximumf %max3A_1683, %concatenate3A_1047 : vector<256x75xf32>
    %min3A_1685 = vector.broadcast %get3A_1674 : vector<256x1xf32> to vector<256x75xf32>
    %min3A_1686 = arith.minimumf %min3A_1685, %concatenate3A_1048 : vector<256x75xf32>
    %min3A_1687 = vector.broadcast %get3A_1677 : vector<256x1xf32> to vector<256x75xf32>
    %min3A_1688 = arith.minimumf %min3A_1687, %concatenate3A_1049 : vector<256x75xf32>
    %sub3A_1689 = arith.subf %min3A_1686, %max3A_1682 : vector<256x75xf32>
    %jit3A_1690 = arith.constant 0.000000e+00 : f32
    %max3A_1691 = vector.broadcast %jit3A_1690 : f32 to vector<256x75xf32>
    %max3A_1692 = arith.maximumf %max3A_1691, %sub3A_1689 : vector<256x75xf32>
    %sub3A_1693 = arith.subf %min3A_1688, %max3A_1684 : vector<256x75xf32>
    %jit3A_1694 = arith.constant 0.000000e+00 : f32
    %max3A_1695 = vector.broadcast %jit3A_1694 : f32 to vector<256x75xf32>
    %max3A_1696 = arith.maximumf %max3A_1695, %sub3A_1693 : vector<256x75xf32>
    %mul3A_1697 = arith.mulf %max3A_1692, %max3A_1696 : vector<256x75xf32>
    %add3A_1698 = vector.broadcast %mul3A_1680 : vector<256x1xf32> to vector<256x75xf32>
    %add3A_1699 = arith.addf %add3A_1698, %mul3A_1089 : vector<256x75xf32>
    %sub3A_1700 = arith.subf %add3A_1699, %mul3A_1697 : vector<256x75xf32>
    %add3A_1701 = arith.constant 9.99999971E-10 : f32
    %add3A_1702 = vector.broadcast %add3A_1701 : f32 to vector<256x75xf32>
    %add3A_1703 = arith.addf %sub3A_1700, %add3A_1702 : vector<256x75xf32>
    %div3A_1704 = arith.divf %mul3A_1697, %add3A_1703 : vector<256x75xf32>
    %gt3A_1705 = arith.cmpf ogt, %div3A_1704, %select_n3A_1665 : vector<256x75xf32>
    %jit3A_1706 = arith.constant 13 : i32
    %broadcast_in_dim3A_1707 = vector.broadcast %jit3A_1706 : i32 to vector<256x75xi32>
    %select_n3A_1708 = arith.select %gt3A_1705, %broadcast_in_dim3A_1707, %select_n3A_1664 : vector<256x75xi1>, vector<256x75xi32>
    %select_n3A_1709 = arith.select %gt3A_1705, %div3A_1704, %select_n3A_1665 : vector<256x75xi1>, vector<256x75xf32>
    %get3A_1710 = arith.constant 0 : index
    %get3A_1711 = arith.constant 14 : index
    %get3A_1712 = vector.load %arg1[%get3A_1710, %get3A_1711] : memref<256x32xf32, #tpu.memory_space<vmem>>, vector<256x1xf32>
    %get3A_1713 = arith.constant 0 : index
    %get3A_1714 = arith.constant 14 : index
    %get3A_1715 = vector.load %arg2[%get3A_1713, %get3A_1714] : memref<256x32xf32, #tpu.memory_space<vmem>>, vector<256x1xf32>
    %get3A_1716 = arith.constant 0 : index
    %get3A_1717 = arith.constant 14 : index
    %get3A_1718 = vector.load %arg3[%get3A_1716, %get3A_1717] : memref<256x32xf32, #tpu.memory_space<vmem>>, vector<256x1xf32>
    %get3A_1719 = arith.constant 0 : index
    %get3A_1720 = arith.constant 14 : index
    %get3A_1721 = vector.load %arg4[%get3A_1719, %get3A_1720] : memref<256x32xf32, #tpu.memory_space<vmem>>, vector<256x1xf32>
    %sub3A_1722 = arith.subf %get3A_1718, %get3A_1712 : vector<256x1xf32>
    %sub3A_1723 = arith.subf %get3A_1721, %get3A_1715 : vector<256x1xf32>
    %mul3A_1724 = arith.mulf %sub3A_1722, %sub3A_1723 : vector<256x1xf32>
    %max3A_1725 = vector.broadcast %get3A_1712 : vector<256x1xf32> to vector<256x75xf32>
    %max3A_1726 = arith.maximumf %max3A_1725, %concatenate3A_1046 : vector<256x75xf32>
    %max3A_1727 = vector.broadcast %get3A_1715 : vector<256x1xf32> to vector<256x75xf32>
    %max3A_1728 = arith.maximumf %max3A_1727, %concatenate3A_1047 : vector<256x75xf32>
    %min3A_1729 = vector.broadcast %get3A_1718 : vector<256x1xf32> to vector<256x75xf32>
    %min3A_1730 = arith.minimumf %min3A_1729, %concatenate3A_1048 : vector<256x75xf32>
    %min3A_1731 = vector.broadcast %get3A_1721 : vector<256x1xf32> to vector<256x75xf32>
    %min3A_1732 = arith.minimumf %min3A_1731, %concatenate3A_1049 : vector<256x75xf32>
    %sub3A_1733 = arith.subf %min3A_1730, %max3A_1726 : vector<256x75xf32>
    %jit3A_1734 = arith.constant 0.000000e+00 : f32
    %max3A_1735 = vector.broadcast %jit3A_1734 : f32 to vector<256x75xf32>
    %max3A_1736 = arith.maximumf %max3A_1735, %sub3A_1733 : vector<256x75xf32>
    %sub3A_1737 = arith.subf %min3A_1732, %max3A_1728 : vector<256x75xf32>
    %jit3A_1738 = arith.constant 0.000000e+00 : f32
    %max3A_1739 = vector.broadcast %jit3A_1738 : f32 to vector<256x75xf32>
    %max3A_1740 = arith.maximumf %max3A_1739, %sub3A_1737 : vector<256x75xf32>
    %mul3A_1741 = arith.mulf %max3A_1736, %max3A_1740 : vector<256x75xf32>
    %add3A_1742 = vector.broadcast %mul3A_1724 : vector<256x1xf32> to vector<256x75xf32>
    %add3A_1743 = arith.addf %add3A_1742, %mul3A_1089 : vector<256x75xf32>
    %sub3A_1744 = arith.subf %add3A_1743, %mul3A_1741 : vector<256x75xf32>
    %add3A_1745 = arith.constant 9.99999971E-10 : f32
    %add3A_1746 = vector.broadcast %add3A_1745 : f32 to vector<256x75xf32>
    %add3A_1747 = arith.addf %sub3A_1744, %add3A_1746 : vector<256x75xf32>
    %div3A_1748 = arith.divf %mul3A_1741, %add3A_1747 : vector<256x75xf32>
    %gt3A_1749 = arith.cmpf ogt, %div3A_1748, %select_n3A_1709 : vector<256x75xf32>
    %jit3A_1750 = arith.constant 14 : i32
    %broadcast_in_dim3A_1751 = vector.broadcast %jit3A_1750 : i32 to vector<256x75xi32>
    %select_n3A_1752 = arith.select %gt3A_1749, %broadcast_in_dim3A_1751, %select_n3A_1708 : vector<256x75xi1>, vector<256x75xi32>
    %select_n3A_1753 = arith.select %gt3A_1749, %div3A_1748, %select_n3A_1709 : vector<256x75xi1>, vector<256x75xf32>
    %get3A_1754 = arith.constant 0 : index
    %get3A_1755 = arith.constant 15 : index
    %get3A_1756 = vector.load %arg1[%get3A_1754, %get3A_1755] : memref<256x32xf32, #tpu.memory_space<vmem>>, vector<256x1xf32>
    %get3A_1757 = arith.constant 0 : index
    %get3A_1758 = arith.constant 15 : index
    %get3A_1759 = vector.load %arg2[%get3A_1757, %get3A_1758] : memref<256x32xf32, #tpu.memory_space<vmem>>, vector<256x1xf32>
    %get3A_1760 = arith.constant 0 : index
    %get3A_1761 = arith.constant 15 : index
    %get3A_1762 = vector.load %arg3[%get3A_1760, %get3A_1761] : memref<256x32xf32, #tpu.memory_space<vmem>>, vector<256x1xf32>
    %get3A_1763 = arith.constant 0 : index
    %get3A_1764 = arith.constant 15 : index
    %get3A_1765 = vector.load %arg4[%get3A_1763, %get3A_1764] : memref<256x32xf32, #tpu.memory_space<vmem>>, vector<256x1xf32>
    %sub3A_1766 = arith.subf %get3A_1762, %get3A_1756 : vector<256x1xf32>
    %sub3A_1767 = arith.subf %get3A_1765, %get3A_1759 : vector<256x1xf32>
    %mul3A_1768 = arith.mulf %sub3A_1766, %sub3A_1767 : vector<256x1xf32>
    %max3A_1769 = vector.broadcast %get3A_1756 : vector<256x1xf32> to vector<256x75xf32>
    %max3A_1770 = arith.maximumf %max3A_1769, %concatenate3A_1046 : vector<256x75xf32>
    %max3A_1771 = vector.broadcast %get3A_1759 : vector<256x1xf32> to vector<256x75xf32>
    %max3A_1772 = arith.maximumf %max3A_1771, %concatenate3A_1047 : vector<256x75xf32>
    %min3A_1773 = vector.broadcast %get3A_1762 : vector<256x1xf32> to vector<256x75xf32>
    %min3A_1774 = arith.minimumf %min3A_1773, %concatenate3A_1048 : vector<256x75xf32>
    %min3A_1775 = vector.broadcast %get3A_1765 : vector<256x1xf32> to vector<256x75xf32>
    %min3A_1776 = arith.minimumf %min3A_1775, %concatenate3A_1049 : vector<256x75xf32>
    %sub3A_1777 = arith.subf %min3A_1774, %max3A_1770 : vector<256x75xf32>
    %jit3A_1778 = arith.constant 0.000000e+00 : f32
    %max3A_1779 = vector.broadcast %jit3A_1778 : f32 to vector<256x75xf32>
    %max3A_1780 = arith.maximumf %max3A_1779, %sub3A_1777 : vector<256x75xf32>
    %sub3A_1781 = arith.subf %min3A_1776, %max3A_1772 : vector<256x75xf32>
    %jit3A_1782 = arith.constant 0.000000e+00 : f32
    %max3A_1783 = vector.broadcast %jit3A_1782 : f32 to vector<256x75xf32>
    %max3A_1784 = arith.maximumf %max3A_1783, %sub3A_1781 : vector<256x75xf32>
    %mul3A_1785 = arith.mulf %max3A_1780, %max3A_1784 : vector<256x75xf32>
    %add3A_1786 = vector.broadcast %mul3A_1768 : vector<256x1xf32> to vector<256x75xf32>
    %add3A_1787 = arith.addf %add3A_1786, %mul3A_1089 : vector<256x75xf32>
    %sub3A_1788 = arith.subf %add3A_1787, %mul3A_1785 : vector<256x75xf32>
    %add3A_1789 = arith.constant 9.99999971E-10 : f32
    %add3A_1790 = vector.broadcast %add3A_1789 : f32 to vector<256x75xf32>
    %add3A_1791 = arith.addf %sub3A_1788, %add3A_1790 : vector<256x75xf32>
    %div3A_1792 = arith.divf %mul3A_1785, %add3A_1791 : vector<256x75xf32>
    %gt3A_1793 = arith.cmpf ogt, %div3A_1792, %select_n3A_1753 : vector<256x75xf32>
    %jit3A_1794 = arith.constant 15 : i32
    %broadcast_in_dim3A_1795 = vector.broadcast %jit3A_1794 : i32 to vector<256x75xi32>
    %select_n3A_1796 = arith.select %gt3A_1793, %broadcast_in_dim3A_1795, %select_n3A_1752 : vector<256x75xi1>, vector<256x75xi32>
    %select_n3A_1797 = arith.select %gt3A_1793, %div3A_1792, %select_n3A_1753 : vector<256x75xi1>, vector<256x75xf32>
    %get3A_1798 = arith.constant 0 : index
    %get3A_1799 = arith.constant 16 : index
    %get3A_1800 = vector.load %arg1[%get3A_1798, %get3A_1799] : memref<256x32xf32, #tpu.memory_space<vmem>>, vector<256x1xf32>
    %get3A_1801 = arith.constant 0 : index
    %get3A_1802 = arith.constant 16 : index
    %get3A_1803 = vector.load %arg2[%get3A_1801, %get3A_1802] : memref<256x32xf32, #tpu.memory_space<vmem>>, vector<256x1xf32>
    %get3A_1804 = arith.constant 0 : index
    %get3A_1805 = arith.constant 16 : index
    %get3A_1806 = vector.load %arg3[%get3A_1804, %get3A_1805] : memref<256x32xf32, #tpu.memory_space<vmem>>, vector<256x1xf32>
    %get3A_1807 = arith.constant 0 : index
    %get3A_1808 = arith.constant 16 : index
    %get3A_1809 = vector.load %arg4[%get3A_1807, %get3A_1808] : memref<256x32xf32, #tpu.memory_space<vmem>>, vector<256x1xf32>
    %sub3A_1810 = arith.subf %get3A_1806, %get3A_1800 : vector<256x1xf32>
    %sub3A_1811 = arith.subf %get3A_1809, %get3A_1803 : vector<256x1xf32>
    %mul3A_1812 = arith.mulf %sub3A_1810, %sub3A_1811 : vector<256x1xf32>
    %max3A_1813 = vector.broadcast %get3A_1800 : vector<256x1xf32> to vector<256x75xf32>
    %max3A_1814 = arith.maximumf %max3A_1813, %concatenate3A_1046 : vector<256x75xf32>
    %max3A_1815 = vector.broadcast %get3A_1803 : vector<256x1xf32> to vector<256x75xf32>
    %max3A_1816 = arith.maximumf %max3A_1815, %concatenate3A_1047 : vector<256x75xf32>
    %min3A_1817 = vector.broadcast %get3A_1806 : vector<256x1xf32> to vector<256x75xf32>
    %min3A_1818 = arith.minimumf %min3A_1817, %concatenate3A_1048 : vector<256x75xf32>
    %min3A_1819 = vector.broadcast %get3A_1809 : vector<256x1xf32> to vector<256x75xf32>
    %min3A_1820 = arith.minimumf %min3A_1819, %concatenate3A_1049 : vector<256x75xf32>
    %sub3A_1821 = arith.subf %min3A_1818, %max3A_1814 : vector<256x75xf32>
    %jit3A_1822 = arith.constant 0.000000e+00 : f32
    %max3A_1823 = vector.broadcast %jit3A_1822 : f32 to vector<256x75xf32>
    %max3A_1824 = arith.maximumf %max3A_1823, %sub3A_1821 : vector<256x75xf32>
    %sub3A_1825 = arith.subf %min3A_1820, %max3A_1816 : vector<256x75xf32>
    %jit3A_1826 = arith.constant 0.000000e+00 : f32
    %max3A_1827 = vector.broadcast %jit3A_1826 : f32 to vector<256x75xf32>
    %max3A_1828 = arith.maximumf %max3A_1827, %sub3A_1825 : vector<256x75xf32>
    %mul3A_1829 = arith.mulf %max3A_1824, %max3A_1828 : vector<256x75xf32>
    %add3A_1830 = vector.broadcast %mul3A_1812 : vector<256x1xf32> to vector<256x75xf32>
    %add3A_1831 = arith.addf %add3A_1830, %mul3A_1089 : vector<256x75xf32>
    %sub3A_1832 = arith.subf %add3A_1831, %mul3A_1829 : vector<256x75xf32>
    %add3A_1833 = arith.constant 9.99999971E-10 : f32
    %add3A_1834 = vector.broadcast %add3A_1833 : f32 to vector<256x75xf32>
    %add3A_1835 = arith.addf %sub3A_1832, %add3A_1834 : vector<256x75xf32>
    %div3A_1836 = arith.divf %mul3A_1829, %add3A_1835 : vector<256x75xf32>
    %gt3A_1837 = arith.cmpf ogt, %div3A_1836, %select_n3A_1797 : vector<256x75xf32>
    %jit3A_1838 = arith.constant 16 : i32
    %broadcast_in_dim3A_1839 = vector.broadcast %jit3A_1838 : i32 to vector<256x75xi32>
    %select_n3A_1840 = arith.select %gt3A_1837, %broadcast_in_dim3A_1839, %select_n3A_1796 : vector<256x75xi1>, vector<256x75xi32>
    %select_n3A_1841 = arith.select %gt3A_1837, %div3A_1836, %select_n3A_1797 : vector<256x75xi1>, vector<256x75xf32>
    %get3A_1842 = arith.constant 0 : index
    %get3A_1843 = arith.constant 17 : index
    %get3A_1844 = vector.load %arg1[%get3A_1842, %get3A_1843] : memref<256x32xf32, #tpu.memory_space<vmem>>, vector<256x1xf32>
    %get3A_1845 = arith.constant 0 : index
    %get3A_1846 = arith.constant 17 : index
    %get3A_1847 = vector.load %arg2[%get3A_1845, %get3A_1846] : memref<256x32xf32, #tpu.memory_space<vmem>>, vector<256x1xf32>
    %get3A_1848 = arith.constant 0 : index
    %get3A_1849 = arith.constant 17 : index
    %get3A_1850 = vector.load %arg3[%get3A_1848, %get3A_1849] : memref<256x32xf32, #tpu.memory_space<vmem>>, vector<256x1xf32>
    %get3A_1851 = arith.constant 0 : index
    %get3A_1852 = arith.constant 17 : index
    %get3A_1853 = vector.load %arg4[%get3A_1851, %get3A_1852] : memref<256x32xf32, #tpu.memory_space<vmem>>, vector<256x1xf32>
    %sub3A_1854 = arith.subf %get3A_1850, %get3A_1844 : vector<256x1xf32>
    %sub3A_1855 = arith.subf %get3A_1853, %get3A_1847 : vector<256x1xf32>
    %mul3A_1856 = arith.mulf %sub3A_1854, %sub3A_1855 : vector<256x1xf32>
    %max3A_1857 = vector.broadcast %get3A_1844 : vector<256x1xf32> to vector<256x75xf32>
    %max3A_1858 = arith.maximumf %max3A_1857, %concatenate3A_1046 : vector<256x75xf32>
    %max3A_1859 = vector.broadcast %get3A_1847 : vector<256x1xf32> to vector<256x75xf32>
    %max3A_1860 = arith.maximumf %max3A_1859, %concatenate3A_1047 : vector<256x75xf32>
    %min3A_1861 = vector.broadcast %get3A_1850 : vector<256x1xf32> to vector<256x75xf32>
    %min3A_1862 = arith.minimumf %min3A_1861, %concatenate3A_1048 : vector<256x75xf32>
    %min3A_1863 = vector.broadcast %get3A_1853 : vector<256x1xf32> to vector<256x75xf32>
    %min3A_1864 = arith.minimumf %min3A_1863, %concatenate3A_1049 : vector<256x75xf32>
    %sub3A_1865 = arith.subf %min3A_1862, %max3A_1858 : vector<256x75xf32>
    %jit3A_1866 = arith.constant 0.000000e+00 : f32
    %max3A_1867 = vector.broadcast %jit3A_1866 : f32 to vector<256x75xf32>
    %max3A_1868 = arith.maximumf %max3A_1867, %sub3A_1865 : vector<256x75xf32>
    %sub3A_1869 = arith.subf %min3A_1864, %max3A_1860 : vector<256x75xf32>
    %jit3A_1870 = arith.constant 0.000000e+00 : f32
    %max3A_1871 = vector.broadcast %jit3A_1870 : f32 to vector<256x75xf32>
    %max3A_1872 = arith.maximumf %max3A_1871, %sub3A_1869 : vector<256x75xf32>
    %mul3A_1873 = arith.mulf %max3A_1868, %max3A_1872 : vector<256x75xf32>
    %add3A_1874 = vector.broadcast %mul3A_1856 : vector<256x1xf32> to vector<256x75xf32>
    %add3A_1875 = arith.addf %add3A_1874, %mul3A_1089 : vector<256x75xf32>
    %sub3A_1876 = arith.subf %add3A_1875, %mul3A_1873 : vector<256x75xf32>
    %add3A_1877 = arith.constant 9.99999971E-10 : f32
    %add3A_1878 = vector.broadcast %add3A_1877 : f32 to vector<256x75xf32>
    %add3A_1879 = arith.addf %sub3A_1876, %add3A_1878 : vector<256x75xf32>
    %div3A_1880 = arith.divf %mul3A_1873, %add3A_1879 : vector<256x75xf32>
    %gt3A_1881 = arith.cmpf ogt, %div3A_1880, %select_n3A_1841 : vector<256x75xf32>
    %jit3A_1882 = arith.constant 17 : i32
    %broadcast_in_dim3A_1883 = vector.broadcast %jit3A_1882 : i32 to vector<256x75xi32>
    %select_n3A_1884 = arith.select %gt3A_1881, %broadcast_in_dim3A_1883, %select_n3A_1840 : vector<256x75xi1>, vector<256x75xi32>
    %select_n3A_1885 = arith.select %gt3A_1881, %div3A_1880, %select_n3A_1841 : vector<256x75xi1>, vector<256x75xf32>
    %get3A_1886 = arith.constant 0 : index
    %get3A_1887 = arith.constant 18 : index
    %get3A_1888 = vector.load %arg1[%get3A_1886, %get3A_1887] : memref<256x32xf32, #tpu.memory_space<vmem>>, vector<256x1xf32>
    %get3A_1889 = arith.constant 0 : index
    %get3A_1890 = arith.constant 18 : index
    %get3A_1891 = vector.load %arg2[%get3A_1889, %get3A_1890] : memref<256x32xf32, #tpu.memory_space<vmem>>, vector<256x1xf32>
    %get3A_1892 = arith.constant 0 : index
    %get3A_1893 = arith.constant 18 : index
    %get3A_1894 = vector.load %arg3[%get3A_1892, %get3A_1893] : memref<256x32xf32, #tpu.memory_space<vmem>>, vector<256x1xf32>
    %get3A_1895 = arith.constant 0 : index
    %get3A_1896 = arith.constant 18 : index
    %get3A_1897 = vector.load %arg4[%get3A_1895, %get3A_1896] : memref<256x32xf32, #tpu.memory_space<vmem>>, vector<256x1xf32>
    %sub3A_1898 = arith.subf %get3A_1894, %get3A_1888 : vector<256x1xf32>
    %sub3A_1899 = arith.subf %get3A_1897, %get3A_1891 : vector<256x1xf32>
    %mul3A_1900 = arith.mulf %sub3A_1898, %sub3A_1899 : vector<256x1xf32>
    %max3A_1901 = vector.broadcast %get3A_1888 : vector<256x1xf32> to vector<256x75xf32>
    %max3A_1902 = arith.maximumf %max3A_1901, %concatenate3A_1046 : vector<256x75xf32>
    %max3A_1903 = vector.broadcast %get3A_1891 : vector<256x1xf32> to vector<256x75xf32>
    %max3A_1904 = arith.maximumf %max3A_1903, %concatenate3A_1047 : vector<256x75xf32>
    %min3A_1905 = vector.broadcast %get3A_1894 : vector<256x1xf32> to vector<256x75xf32>
    %min3A_1906 = arith.minimumf %min3A_1905, %concatenate3A_1048 : vector<256x75xf32>
    %min3A_1907 = vector.broadcast %get3A_1897 : vector<256x1xf32> to vector<256x75xf32>
    %min3A_1908 = arith.minimumf %min3A_1907, %concatenate3A_1049 : vector<256x75xf32>
    %sub3A_1909 = arith.subf %min3A_1906, %max3A_1902 : vector<256x75xf32>
    %jit3A_1910 = arith.constant 0.000000e+00 : f32
    %max3A_1911 = vector.broadcast %jit3A_1910 : f32 to vector<256x75xf32>
    %max3A_1912 = arith.maximumf %max3A_1911, %sub3A_1909 : vector<256x75xf32>
    %sub3A_1913 = arith.subf %min3A_1908, %max3A_1904 : vector<256x75xf32>
    %jit3A_1914 = arith.constant 0.000000e+00 : f32
    %max3A_1915 = vector.broadcast %jit3A_1914 : f32 to vector<256x75xf32>
    %max3A_1916 = arith.maximumf %max3A_1915, %sub3A_1913 : vector<256x75xf32>
    %mul3A_1917 = arith.mulf %max3A_1912, %max3A_1916 : vector<256x75xf32>
    %add3A_1918 = vector.broadcast %mul3A_1900 : vector<256x1xf32> to vector<256x75xf32>
    %add3A_1919 = arith.addf %add3A_1918, %mul3A_1089 : vector<256x75xf32>
    %sub3A_1920 = arith.subf %add3A_1919, %mul3A_1917 : vector<256x75xf32>
    %add3A_1921 = arith.constant 9.99999971E-10 : f32
    %add3A_1922 = vector.broadcast %add3A_1921 : f32 to vector<256x75xf32>
    %add3A_1923 = arith.addf %sub3A_1920, %add3A_1922 : vector<256x75xf32>
    %div3A_1924 = arith.divf %mul3A_1917, %add3A_1923 : vector<256x75xf32>
    %gt3A_1925 = arith.cmpf ogt, %div3A_1924, %select_n3A_1885 : vector<256x75xf32>
    %jit3A_1926 = arith.constant 18 : i32
    %broadcast_in_dim3A_1927 = vector.broadcast %jit3A_1926 : i32 to vector<256x75xi32>
    %select_n3A_1928 = arith.select %gt3A_1925, %broadcast_in_dim3A_1927, %select_n3A_1884 : vector<256x75xi1>, vector<256x75xi32>
    %select_n3A_1929 = arith.select %gt3A_1925, %div3A_1924, %select_n3A_1885 : vector<256x75xi1>, vector<256x75xf32>
    %get3A_1930 = arith.constant 0 : index
    %get3A_1931 = arith.constant 19 : index
    %get3A_1932 = vector.load %arg1[%get3A_1930, %get3A_1931] : memref<256x32xf32, #tpu.memory_space<vmem>>, vector<256x1xf32>
    %get3A_1933 = arith.constant 0 : index
    %get3A_1934 = arith.constant 19 : index
    %get3A_1935 = vector.load %arg2[%get3A_1933, %get3A_1934] : memref<256x32xf32, #tpu.memory_space<vmem>>, vector<256x1xf32>
    %get3A_1936 = arith.constant 0 : index
    %get3A_1937 = arith.constant 19 : index
    %get3A_1938 = vector.load %arg3[%get3A_1936, %get3A_1937] : memref<256x32xf32, #tpu.memory_space<vmem>>, vector<256x1xf32>
    %get3A_1939 = arith.constant 0 : index
    %get3A_1940 = arith.constant 19 : index
    %get3A_1941 = vector.load %arg4[%get3A_1939, %get3A_1940] : memref<256x32xf32, #tpu.memory_space<vmem>>, vector<256x1xf32>
    %sub3A_1942 = arith.subf %get3A_1938, %get3A_1932 : vector<256x1xf32>
    %sub3A_1943 = arith.subf %get3A_1941, %get3A_1935 : vector<256x1xf32>
    %mul3A_1944 = arith.mulf %sub3A_1942, %sub3A_1943 : vector<256x1xf32>
    %max3A_1945 = vector.broadcast %get3A_1932 : vector<256x1xf32> to vector<256x75xf32>
    %max3A_1946 = arith.maximumf %max3A_1945, %concatenate3A_1046 : vector<256x75xf32>
    %max3A_1947 = vector.broadcast %get3A_1935 : vector<256x1xf32> to vector<256x75xf32>
    %max3A_1948 = arith.maximumf %max3A_1947, %concatenate3A_1047 : vector<256x75xf32>
    %min3A_1949 = vector.broadcast %get3A_1938 : vector<256x1xf32> to vector<256x75xf32>
    %min3A_1950 = arith.minimumf %min3A_1949, %concatenate3A_1048 : vector<256x75xf32>
    %min3A_1951 = vector.broadcast %get3A_1941 : vector<256x1xf32> to vector<256x75xf32>
    %min3A_1952 = arith.minimumf %min3A_1951, %concatenate3A_1049 : vector<256x75xf32>
    %sub3A_1953 = arith.subf %min3A_1950, %max3A_1946 : vector<256x75xf32>
    %jit3A_1954 = arith.constant 0.000000e+00 : f32
    %max3A_1955 = vector.broadcast %jit3A_1954 : f32 to vector<256x75xf32>
    %max3A_1956 = arith.maximumf %max3A_1955, %sub3A_1953 : vector<256x75xf32>
    %sub3A_1957 = arith.subf %min3A_1952, %max3A_1948 : vector<256x75xf32>
    %jit3A_1958 = arith.constant 0.000000e+00 : f32
    %max3A_1959 = vector.broadcast %jit3A_1958 : f32 to vector<256x75xf32>
    %max3A_1960 = arith.maximumf %max3A_1959, %sub3A_1957 : vector<256x75xf32>
    %mul3A_1961 = arith.mulf %max3A_1956, %max3A_1960 : vector<256x75xf32>
    %add3A_1962 = vector.broadcast %mul3A_1944 : vector<256x1xf32> to vector<256x75xf32>
    %add3A_1963 = arith.addf %add3A_1962, %mul3A_1089 : vector<256x75xf32>
    %sub3A_1964 = arith.subf %add3A_1963, %mul3A_1961 : vector<256x75xf32>
    %add3A_1965 = arith.constant 9.99999971E-10 : f32
    %add3A_1966 = vector.broadcast %add3A_1965 : f32 to vector<256x75xf32>
    %add3A_1967 = arith.addf %sub3A_1964, %add3A_1966 : vector<256x75xf32>
    %div3A_1968 = arith.divf %mul3A_1961, %add3A_1967 : vector<256x75xf32>
    %gt3A_1969 = arith.cmpf ogt, %div3A_1968, %select_n3A_1929 : vector<256x75xf32>
    %jit3A_1970 = arith.constant 19 : i32
    %broadcast_in_dim3A_1971 = vector.broadcast %jit3A_1970 : i32 to vector<256x75xi32>
    %select_n3A_1972 = arith.select %gt3A_1969, %broadcast_in_dim3A_1971, %select_n3A_1928 : vector<256x75xi1>, vector<256x75xi32>
    %select_n3A_1973 = arith.select %gt3A_1969, %div3A_1968, %select_n3A_1929 : vector<256x75xi1>, vector<256x75xf32>
    %get3A_1974 = arith.constant 0 : index
    %get3A_1975 = arith.constant 20 : index
    %get3A_1976 = vector.load %arg1[%get3A_1974, %get3A_1975] : memref<256x32xf32, #tpu.memory_space<vmem>>, vector<256x1xf32>
    %get3A_1977 = arith.constant 0 : index
    %get3A_1978 = arith.constant 20 : index
    %get3A_1979 = vector.load %arg2[%get3A_1977, %get3A_1978] : memref<256x32xf32, #tpu.memory_space<vmem>>, vector<256x1xf32>
    %get3A_1980 = arith.constant 0 : index
    %get3A_1981 = arith.constant 20 : index
    %get3A_1982 = vector.load %arg3[%get3A_1980, %get3A_1981] : memref<256x32xf32, #tpu.memory_space<vmem>>, vector<256x1xf32>
    %get3A_1983 = arith.constant 0 : index
    %get3A_1984 = arith.constant 20 : index
    %get3A_1985 = vector.load %arg4[%get3A_1983, %get3A_1984] : memref<256x32xf32, #tpu.memory_space<vmem>>, vector<256x1xf32>
    %sub3A_1986 = arith.subf %get3A_1982, %get3A_1976 : vector<256x1xf32>
    %sub3A_1987 = arith.subf %get3A_1985, %get3A_1979 : vector<256x1xf32>
    %mul3A_1988 = arith.mulf %sub3A_1986, %sub3A_1987 : vector<256x1xf32>
    %max3A_1989 = vector.broadcast %get3A_1976 : vector<256x1xf32> to vector<256x75xf32>
    %max3A_1990 = arith.maximumf %max3A_1989, %concatenate3A_1046 : vector<256x75xf32>
    %max3A_1991 = vector.broadcast %get3A_1979 : vector<256x1xf32> to vector<256x75xf32>
    %max3A_1992 = arith.maximumf %max3A_1991, %concatenate3A_1047 : vector<256x75xf32>
    %min3A_1993 = vector.broadcast %get3A_1982 : vector<256x1xf32> to vector<256x75xf32>
    %min3A_1994 = arith.minimumf %min3A_1993, %concatenate3A_1048 : vector<256x75xf32>
    %min3A_1995 = vector.broadcast %get3A_1985 : vector<256x1xf32> to vector<256x75xf32>
    %min3A_1996 = arith.minimumf %min3A_1995, %concatenate3A_1049 : vector<256x75xf32>
    %sub3A_1997 = arith.subf %min3A_1994, %max3A_1990 : vector<256x75xf32>
    %jit3A_1998 = arith.constant 0.000000e+00 : f32
    %max3A_1999 = vector.broadcast %jit3A_1998 : f32 to vector<256x75xf32>
    %max3A_2000 = arith.maximumf %max3A_1999, %sub3A_1997 : vector<256x75xf32>
    %sub3A_2001 = arith.subf %min3A_1996, %max3A_1992 : vector<256x75xf32>
    %jit3A_2002 = arith.constant 0.000000e+00 : f32
    %max3A_2003 = vector.broadcast %jit3A_2002 : f32 to vector<256x75xf32>
    %max3A_2004 = arith.maximumf %max3A_2003, %sub3A_2001 : vector<256x75xf32>
    %mul3A_2005 = arith.mulf %max3A_2000, %max3A_2004 : vector<256x75xf32>
    %add3A_2006 = vector.broadcast %mul3A_1988 : vector<256x1xf32> to vector<256x75xf32>
    %add3A_2007 = arith.addf %add3A_2006, %mul3A_1089 : vector<256x75xf32>
    %sub3A_2008 = arith.subf %add3A_2007, %mul3A_2005 : vector<256x75xf32>
    %add3A_2009 = arith.constant 9.99999971E-10 : f32
    %add3A_2010 = vector.broadcast %add3A_2009 : f32 to vector<256x75xf32>
    %add3A_2011 = arith.addf %sub3A_2008, %add3A_2010 : vector<256x75xf32>
    %div3A_2012 = arith.divf %mul3A_2005, %add3A_2011 : vector<256x75xf32>
    %gt3A_2013 = arith.cmpf ogt, %div3A_2012, %select_n3A_1973 : vector<256x75xf32>
    %jit3A_2014 = arith.constant 20 : i32
    %broadcast_in_dim3A_2015 = vector.broadcast %jit3A_2014 : i32 to vector<256x75xi32>
    %select_n3A_2016 = arith.select %gt3A_2013, %broadcast_in_dim3A_2015, %select_n3A_1972 : vector<256x75xi1>, vector<256x75xi32>
    %select_n3A_2017 = arith.select %gt3A_2013, %div3A_2012, %select_n3A_1973 : vector<256x75xi1>, vector<256x75xf32>
    %get3A_2018 = arith.constant 0 : index
    %get3A_2019 = arith.constant 21 : index
    %get3A_2020 = vector.load %arg1[%get3A_2018, %get3A_2019] : memref<256x32xf32, #tpu.memory_space<vmem>>, vector<256x1xf32>
    %get3A_2021 = arith.constant 0 : index
    %get3A_2022 = arith.constant 21 : index
    %get3A_2023 = vector.load %arg2[%get3A_2021, %get3A_2022] : memref<256x32xf32, #tpu.memory_space<vmem>>, vector<256x1xf32>
    %get3A_2024 = arith.constant 0 : index
    %get3A_2025 = arith.constant 21 : index
    %get3A_2026 = vector.load %arg3[%get3A_2024, %get3A_2025] : memref<256x32xf32, #tpu.memory_space<vmem>>, vector<256x1xf32>
    %get3A_2027 = arith.constant 0 : index
    %get3A_2028 = arith.constant 21 : index
    %get3A_2029 = vector.load %arg4[%get3A_2027, %get3A_2028] : memref<256x32xf32, #tpu.memory_space<vmem>>, vector<256x1xf32>
    %sub3A_2030 = arith.subf %get3A_2026, %get3A_2020 : vector<256x1xf32>
    %sub3A_2031 = arith.subf %get3A_2029, %get3A_2023 : vector<256x1xf32>
    %mul3A_2032 = arith.mulf %sub3A_2030, %sub3A_2031 : vector<256x1xf32>
    %max3A_2033 = vector.broadcast %get3A_2020 : vector<256x1xf32> to vector<256x75xf32>
    %max3A_2034 = arith.maximumf %max3A_2033, %concatenate3A_1046 : vector<256x75xf32>
    %max3A_2035 = vector.broadcast %get3A_2023 : vector<256x1xf32> to vector<256x75xf32>
    %max3A_2036 = arith.maximumf %max3A_2035, %concatenate3A_1047 : vector<256x75xf32>
    %min3A_2037 = vector.broadcast %get3A_2026 : vector<256x1xf32> to vector<256x75xf32>
    %min3A_2038 = arith.minimumf %min3A_2037, %concatenate3A_1048 : vector<256x75xf32>
    %min3A_2039 = vector.broadcast %get3A_2029 : vector<256x1xf32> to vector<256x75xf32>
    %min3A_2040 = arith.minimumf %min3A_2039, %concatenate3A_1049 : vector<256x75xf32>
    %sub3A_2041 = arith.subf %min3A_2038, %max3A_2034 : vector<256x75xf32>
    %jit3A_2042 = arith.constant 0.000000e+00 : f32
    %max3A_2043 = vector.broadcast %jit3A_2042 : f32 to vector<256x75xf32>
    %max3A_2044 = arith.maximumf %max3A_2043, %sub3A_2041 : vector<256x75xf32>
    %sub3A_2045 = arith.subf %min3A_2040, %max3A_2036 : vector<256x75xf32>
    %jit3A_2046 = arith.constant 0.000000e+00 : f32
    %max3A_2047 = vector.broadcast %jit3A_2046 : f32 to vector<256x75xf32>
    %max3A_2048 = arith.maximumf %max3A_2047, %sub3A_2045 : vector<256x75xf32>
    %mul3A_2049 = arith.mulf %max3A_2044, %max3A_2048 : vector<256x75xf32>
    %add3A_2050 = vector.broadcast %mul3A_2032 : vector<256x1xf32> to vector<256x75xf32>
    %add3A_2051 = arith.addf %add3A_2050, %mul3A_1089 : vector<256x75xf32>
    %sub3A_2052 = arith.subf %add3A_2051, %mul3A_2049 : vector<256x75xf32>
    %add3A_2053 = arith.constant 9.99999971E-10 : f32
    %add3A_2054 = vector.broadcast %add3A_2053 : f32 to vector<256x75xf32>
    %add3A_2055 = arith.addf %sub3A_2052, %add3A_2054 : vector<256x75xf32>
    %div3A_2056 = arith.divf %mul3A_2049, %add3A_2055 : vector<256x75xf32>
    %gt3A_2057 = arith.cmpf ogt, %div3A_2056, %select_n3A_2017 : vector<256x75xf32>
    %jit3A_2058 = arith.constant 21 : i32
    %broadcast_in_dim3A_2059 = vector.broadcast %jit3A_2058 : i32 to vector<256x75xi32>
    %select_n3A_2060 = arith.select %gt3A_2057, %broadcast_in_dim3A_2059, %select_n3A_2016 : vector<256x75xi1>, vector<256x75xi32>
    %select_n3A_2061 = arith.select %gt3A_2057, %div3A_2056, %select_n3A_2017 : vector<256x75xi1>, vector<256x75xf32>
    %get3A_2062 = arith.constant 0 : index
    %get3A_2063 = arith.constant 22 : index
    %get3A_2064 = vector.load %arg1[%get3A_2062, %get3A_2063] : memref<256x32xf32, #tpu.memory_space<vmem>>, vector<256x1xf32>
    %get3A_2065 = arith.constant 0 : index
    %get3A_2066 = arith.constant 22 : index
    %get3A_2067 = vector.load %arg2[%get3A_2065, %get3A_2066] : memref<256x32xf32, #tpu.memory_space<vmem>>, vector<256x1xf32>
    %get3A_2068 = arith.constant 0 : index
    %get3A_2069 = arith.constant 22 : index
    %get3A_2070 = vector.load %arg3[%get3A_2068, %get3A_2069] : memref<256x32xf32, #tpu.memory_space<vmem>>, vector<256x1xf32>
    %get3A_2071 = arith.constant 0 : index
    %get3A_2072 = arith.constant 22 : index
    %get3A_2073 = vector.load %arg4[%get3A_2071, %get3A_2072] : memref<256x32xf32, #tpu.memory_space<vmem>>, vector<256x1xf32>
    %sub3A_2074 = arith.subf %get3A_2070, %get3A_2064 : vector<256x1xf32>
    %sub3A_2075 = arith.subf %get3A_2073, %get3A_2067 : vector<256x1xf32>
    %mul3A_2076 = arith.mulf %sub3A_2074, %sub3A_2075 : vector<256x1xf32>
    %max3A_2077 = vector.broadcast %get3A_2064 : vector<256x1xf32> to vector<256x75xf32>
    %max3A_2078 = arith.maximumf %max3A_2077, %concatenate3A_1046 : vector<256x75xf32>
    %max3A_2079 = vector.broadcast %get3A_2067 : vector<256x1xf32> to vector<256x75xf32>
    %max3A_2080 = arith.maximumf %max3A_2079, %concatenate3A_1047 : vector<256x75xf32>
    %min3A_2081 = vector.broadcast %get3A_2070 : vector<256x1xf32> to vector<256x75xf32>
    %min3A_2082 = arith.minimumf %min3A_2081, %concatenate3A_1048 : vector<256x75xf32>
    %min3A_2083 = vector.broadcast %get3A_2073 : vector<256x1xf32> to vector<256x75xf32>
    %min3A_2084 = arith.minimumf %min3A_2083, %concatenate3A_1049 : vector<256x75xf32>
    %sub3A_2085 = arith.subf %min3A_2082, %max3A_2078 : vector<256x75xf32>
    %jit3A_2086 = arith.constant 0.000000e+00 : f32
    %max3A_2087 = vector.broadcast %jit3A_2086 : f32 to vector<256x75xf32>
    %max3A_2088 = arith.maximumf %max3A_2087, %sub3A_2085 : vector<256x75xf32>
    %sub3A_2089 = arith.subf %min3A_2084, %max3A_2080 : vector<256x75xf32>
    %jit3A_2090 = arith.constant 0.000000e+00 : f32
    %max3A_2091 = vector.broadcast %jit3A_2090 : f32 to vector<256x75xf32>
    %max3A_2092 = arith.maximumf %max3A_2091, %sub3A_2089 : vector<256x75xf32>
    %mul3A_2093 = arith.mulf %max3A_2088, %max3A_2092 : vector<256x75xf32>
    %add3A_2094 = vector.broadcast %mul3A_2076 : vector<256x1xf32> to vector<256x75xf32>
    %add3A_2095 = arith.addf %add3A_2094, %mul3A_1089 : vector<256x75xf32>
    %sub3A_2096 = arith.subf %add3A_2095, %mul3A_2093 : vector<256x75xf32>
    %add3A_2097 = arith.constant 9.99999971E-10 : f32
    %add3A_2098 = vector.broadcast %add3A_2097 : f32 to vector<256x75xf32>
    %add3A_2099 = arith.addf %sub3A_2096, %add3A_2098 : vector<256x75xf32>
    %div3A_2100 = arith.divf %mul3A_2093, %add3A_2099 : vector<256x75xf32>
    %gt3A_2101 = arith.cmpf ogt, %div3A_2100, %select_n3A_2061 : vector<256x75xf32>
    %jit3A_2102 = arith.constant 22 : i32
    %broadcast_in_dim3A_2103 = vector.broadcast %jit3A_2102 : i32 to vector<256x75xi32>
    %select_n3A_2104 = arith.select %gt3A_2101, %broadcast_in_dim3A_2103, %select_n3A_2060 : vector<256x75xi1>, vector<256x75xi32>
    %select_n3A_2105 = arith.select %gt3A_2101, %div3A_2100, %select_n3A_2061 : vector<256x75xi1>, vector<256x75xf32>
    %get3A_2106 = arith.constant 0 : index
    %get3A_2107 = arith.constant 23 : index
    %get3A_2108 = vector.load %arg1[%get3A_2106, %get3A_2107] : memref<256x32xf32, #tpu.memory_space<vmem>>, vector<256x1xf32>
    %get3A_2109 = arith.constant 0 : index
    %get3A_2110 = arith.constant 23 : index
    %get3A_2111 = vector.load %arg2[%get3A_2109, %get3A_2110] : memref<256x32xf32, #tpu.memory_space<vmem>>, vector<256x1xf32>
    %get3A_2112 = arith.constant 0 : index
    %get3A_2113 = arith.constant 23 : index
    %get3A_2114 = vector.load %arg3[%get3A_2112, %get3A_2113] : memref<256x32xf32, #tpu.memory_space<vmem>>, vector<256x1xf32>
    %get3A_2115 = arith.constant 0 : index
    %get3A_2116 = arith.constant 23 : index
    %get3A_2117 = vector.load %arg4[%get3A_2115, %get3A_2116] : memref<256x32xf32, #tpu.memory_space<vmem>>, vector<256x1xf32>
    %sub3A_2118 = arith.subf %get3A_2114, %get3A_2108 : vector<256x1xf32>
    %sub3A_2119 = arith.subf %get3A_2117, %get3A_2111 : vector<256x1xf32>
    %mul3A_2120 = arith.mulf %sub3A_2118, %sub3A_2119 : vector<256x1xf32>
    %max3A_2121 = vector.broadcast %get3A_2108 : vector<256x1xf32> to vector<256x75xf32>
    %max3A_2122 = arith.maximumf %max3A_2121, %concatenate3A_1046 : vector<256x75xf32>
    %max3A_2123 = vector.broadcast %get3A_2111 : vector<256x1xf32> to vector<256x75xf32>
    %max3A_2124 = arith.maximumf %max3A_2123, %concatenate3A_1047 : vector<256x75xf32>
    %min3A_2125 = vector.broadcast %get3A_2114 : vector<256x1xf32> to vector<256x75xf32>
    %min3A_2126 = arith.minimumf %min3A_2125, %concatenate3A_1048 : vector<256x75xf32>
    %min3A_2127 = vector.broadcast %get3A_2117 : vector<256x1xf32> to vector<256x75xf32>
    %min3A_2128 = arith.minimumf %min3A_2127, %concatenate3A_1049 : vector<256x75xf32>
    %sub3A_2129 = arith.subf %min3A_2126, %max3A_2122 : vector<256x75xf32>
    %jit3A_2130 = arith.constant 0.000000e+00 : f32
    %max3A_2131 = vector.broadcast %jit3A_2130 : f32 to vector<256x75xf32>
    %max3A_2132 = arith.maximumf %max3A_2131, %sub3A_2129 : vector<256x75xf32>
    %sub3A_2133 = arith.subf %min3A_2128, %max3A_2124 : vector<256x75xf32>
    %jit3A_2134 = arith.constant 0.000000e+00 : f32
    %max3A_2135 = vector.broadcast %jit3A_2134 : f32 to vector<256x75xf32>
    %max3A_2136 = arith.maximumf %max3A_2135, %sub3A_2133 : vector<256x75xf32>
    %mul3A_2137 = arith.mulf %max3A_2132, %max3A_2136 : vector<256x75xf32>
    %add3A_2138 = vector.broadcast %mul3A_2120 : vector<256x1xf32> to vector<256x75xf32>
    %add3A_2139 = arith.addf %add3A_2138, %mul3A_1089 : vector<256x75xf32>
    %sub3A_2140 = arith.subf %add3A_2139, %mul3A_2137 : vector<256x75xf32>
    %add3A_2141 = arith.constant 9.99999971E-10 : f32
    %add3A_2142 = vector.broadcast %add3A_2141 : f32 to vector<256x75xf32>
    %add3A_2143 = arith.addf %sub3A_2140, %add3A_2142 : vector<256x75xf32>
    %div3A_2144 = arith.divf %mul3A_2137, %add3A_2143 : vector<256x75xf32>
    %gt3A_2145 = arith.cmpf ogt, %div3A_2144, %select_n3A_2105 : vector<256x75xf32>
    %jit3A_2146 = arith.constant 23 : i32
    %broadcast_in_dim3A_2147 = vector.broadcast %jit3A_2146 : i32 to vector<256x75xi32>
    %select_n3A_2148 = arith.select %gt3A_2145, %broadcast_in_dim3A_2147, %select_n3A_2104 : vector<256x75xi1>, vector<256x75xi32>
    %select_n3A_2149 = arith.select %gt3A_2145, %div3A_2144, %select_n3A_2105 : vector<256x75xi1>, vector<256x75xf32>
    %get3A_2150 = arith.constant 0 : index
    %get3A_2151 = arith.constant 24 : index
    %get3A_2152 = vector.load %arg1[%get3A_2150, %get3A_2151] : memref<256x32xf32, #tpu.memory_space<vmem>>, vector<256x1xf32>
    %get3A_2153 = arith.constant 0 : index
    %get3A_2154 = arith.constant 24 : index
    %get3A_2155 = vector.load %arg2[%get3A_2153, %get3A_2154] : memref<256x32xf32, #tpu.memory_space<vmem>>, vector<256x1xf32>
    %get3A_2156 = arith.constant 0 : index
    %get3A_2157 = arith.constant 24 : index
    %get3A_2158 = vector.load %arg3[%get3A_2156, %get3A_2157] : memref<256x32xf32, #tpu.memory_space<vmem>>, vector<256x1xf32>
    %get3A_2159 = arith.constant 0 : index
    %get3A_2160 = arith.constant 24 : index
    %get3A_2161 = vector.load %arg4[%get3A_2159, %get3A_2160] : memref<256x32xf32, #tpu.memory_space<vmem>>, vector<256x1xf32>
    %sub3A_2162 = arith.subf %get3A_2158, %get3A_2152 : vector<256x1xf32>
    %sub3A_2163 = arith.subf %get3A_2161, %get3A_2155 : vector<256x1xf32>
    %mul3A_2164 = arith.mulf %sub3A_2162, %sub3A_2163 : vector<256x1xf32>
    %max3A_2165 = vector.broadcast %get3A_2152 : vector<256x1xf32> to vector<256x75xf32>
    %max3A_2166 = arith.maximumf %max3A_2165, %concatenate3A_1046 : vector<256x75xf32>
    %max3A_2167 = vector.broadcast %get3A_2155 : vector<256x1xf32> to vector<256x75xf32>
    %max3A_2168 = arith.maximumf %max3A_2167, %concatenate3A_1047 : vector<256x75xf32>
    %min3A_2169 = vector.broadcast %get3A_2158 : vector<256x1xf32> to vector<256x75xf32>
    %min3A_2170 = arith.minimumf %min3A_2169, %concatenate3A_1048 : vector<256x75xf32>
    %min3A_2171 = vector.broadcast %get3A_2161 : vector<256x1xf32> to vector<256x75xf32>
    %min3A_2172 = arith.minimumf %min3A_2171, %concatenate3A_1049 : vector<256x75xf32>
    %sub3A_2173 = arith.subf %min3A_2170, %max3A_2166 : vector<256x75xf32>
    %jit3A_2174 = arith.constant 0.000000e+00 : f32
    %max3A_2175 = vector.broadcast %jit3A_2174 : f32 to vector<256x75xf32>
    %max3A_2176 = arith.maximumf %max3A_2175, %sub3A_2173 : vector<256x75xf32>
    %sub3A_2177 = arith.subf %min3A_2172, %max3A_2168 : vector<256x75xf32>
    %jit3A_2178 = arith.constant 0.000000e+00 : f32
    %max3A_2179 = vector.broadcast %jit3A_2178 : f32 to vector<256x75xf32>
    %max3A_2180 = arith.maximumf %max3A_2179, %sub3A_2177 : vector<256x75xf32>
    %mul3A_2181 = arith.mulf %max3A_2176, %max3A_2180 : vector<256x75xf32>
    %add3A_2182 = vector.broadcast %mul3A_2164 : vector<256x1xf32> to vector<256x75xf32>
    %add3A_2183 = arith.addf %add3A_2182, %mul3A_1089 : vector<256x75xf32>
    %sub3A_2184 = arith.subf %add3A_2183, %mul3A_2181 : vector<256x75xf32>
    %add3A_2185 = arith.constant 9.99999971E-10 : f32
    %add3A_2186 = vector.broadcast %add3A_2185 : f32 to vector<256x75xf32>
    %add3A_2187 = arith.addf %sub3A_2184, %add3A_2186 : vector<256x75xf32>
    %div3A_2188 = arith.divf %mul3A_2181, %add3A_2187 : vector<256x75xf32>
    %gt3A_2189 = arith.cmpf ogt, %div3A_2188, %select_n3A_2149 : vector<256x75xf32>
    %jit3A_2190 = arith.constant 24 : i32
    %broadcast_in_dim3A_2191 = vector.broadcast %jit3A_2190 : i32 to vector<256x75xi32>
    %select_n3A_2192 = arith.select %gt3A_2189, %broadcast_in_dim3A_2191, %select_n3A_2148 : vector<256x75xi1>, vector<256x75xi32>
    %select_n3A_2193 = arith.select %gt3A_2189, %div3A_2188, %select_n3A_2149 : vector<256x75xi1>, vector<256x75xf32>
    %get3A_2194 = arith.constant 0 : index
    %get3A_2195 = arith.constant 25 : index
    %get3A_2196 = vector.load %arg1[%get3A_2194, %get3A_2195] : memref<256x32xf32, #tpu.memory_space<vmem>>, vector<256x1xf32>
    %get3A_2197 = arith.constant 0 : index
    %get3A_2198 = arith.constant 25 : index
    %get3A_2199 = vector.load %arg2[%get3A_2197, %get3A_2198] : memref<256x32xf32, #tpu.memory_space<vmem>>, vector<256x1xf32>
    %get3A_2200 = arith.constant 0 : index
    %get3A_2201 = arith.constant 25 : index
    %get3A_2202 = vector.load %arg3[%get3A_2200, %get3A_2201] : memref<256x32xf32, #tpu.memory_space<vmem>>, vector<256x1xf32>
    %get3A_2203 = arith.constant 0 : index
    %get3A_2204 = arith.constant 25 : index
    %get3A_2205 = vector.load %arg4[%get3A_2203, %get3A_2204] : memref<256x32xf32, #tpu.memory_space<vmem>>, vector<256x1xf32>
    %sub3A_2206 = arith.subf %get3A_2202, %get3A_2196 : vector<256x1xf32>
    %sub3A_2207 = arith.subf %get3A_2205, %get3A_2199 : vector<256x1xf32>
    %mul3A_2208 = arith.mulf %sub3A_2206, %sub3A_2207 : vector<256x1xf32>
    %max3A_2209 = vector.broadcast %get3A_2196 : vector<256x1xf32> to vector<256x75xf32>
    %max3A_2210 = arith.maximumf %max3A_2209, %concatenate3A_1046 : vector<256x75xf32>
    %max3A_2211 = vector.broadcast %get3A_2199 : vector<256x1xf32> to vector<256x75xf32>
    %max3A_2212 = arith.maximumf %max3A_2211, %concatenate3A_1047 : vector<256x75xf32>
    %min3A_2213 = vector.broadcast %get3A_2202 : vector<256x1xf32> to vector<256x75xf32>
    %min3A_2214 = arith.minimumf %min3A_2213, %concatenate3A_1048 : vector<256x75xf32>
    %min3A_2215 = vector.broadcast %get3A_2205 : vector<256x1xf32> to vector<256x75xf32>
    %min3A_2216 = arith.minimumf %min3A_2215, %concatenate3A_1049 : vector<256x75xf32>
    %sub3A_2217 = arith.subf %min3A_2214, %max3A_2210 : vector<256x75xf32>
    %jit3A_2218 = arith.constant 0.000000e+00 : f32
    %max3A_2219 = vector.broadcast %jit3A_2218 : f32 to vector<256x75xf32>
    %max3A_2220 = arith.maximumf %max3A_2219, %sub3A_2217 : vector<256x75xf32>
    %sub3A_2221 = arith.subf %min3A_2216, %max3A_2212 : vector<256x75xf32>
    %jit3A_2222 = arith.constant 0.000000e+00 : f32
    %max3A_2223 = vector.broadcast %jit3A_2222 : f32 to vector<256x75xf32>
    %max3A_2224 = arith.maximumf %max3A_2223, %sub3A_2221 : vector<256x75xf32>
    %mul3A_2225 = arith.mulf %max3A_2220, %max3A_2224 : vector<256x75xf32>
    %add3A_2226 = vector.broadcast %mul3A_2208 : vector<256x1xf32> to vector<256x75xf32>
    %add3A_2227 = arith.addf %add3A_2226, %mul3A_1089 : vector<256x75xf32>
    %sub3A_2228 = arith.subf %add3A_2227, %mul3A_2225 : vector<256x75xf32>
    %add3A_2229 = arith.constant 9.99999971E-10 : f32
    %add3A_2230 = vector.broadcast %add3A_2229 : f32 to vector<256x75xf32>
    %add3A_2231 = arith.addf %sub3A_2228, %add3A_2230 : vector<256x75xf32>
    %div3A_2232 = arith.divf %mul3A_2225, %add3A_2231 : vector<256x75xf32>
    %gt3A_2233 = arith.cmpf ogt, %div3A_2232, %select_n3A_2193 : vector<256x75xf32>
    %jit3A_2234 = arith.constant 25 : i32
    %broadcast_in_dim3A_2235 = vector.broadcast %jit3A_2234 : i32 to vector<256x75xi32>
    %select_n3A_2236 = arith.select %gt3A_2233, %broadcast_in_dim3A_2235, %select_n3A_2192 : vector<256x75xi1>, vector<256x75xi32>
    %select_n3A_2237 = arith.select %gt3A_2233, %div3A_2232, %select_n3A_2193 : vector<256x75xi1>, vector<256x75xf32>
    %get3A_2238 = arith.constant 0 : index
    %get3A_2239 = arith.constant 26 : index
    %get3A_2240 = vector.load %arg1[%get3A_2238, %get3A_2239] : memref<256x32xf32, #tpu.memory_space<vmem>>, vector<256x1xf32>
    %get3A_2241 = arith.constant 0 : index
    %get3A_2242 = arith.constant 26 : index
    %get3A_2243 = vector.load %arg2[%get3A_2241, %get3A_2242] : memref<256x32xf32, #tpu.memory_space<vmem>>, vector<256x1xf32>
    %get3A_2244 = arith.constant 0 : index
    %get3A_2245 = arith.constant 26 : index
    %get3A_2246 = vector.load %arg3[%get3A_2244, %get3A_2245] : memref<256x32xf32, #tpu.memory_space<vmem>>, vector<256x1xf32>
    %get3A_2247 = arith.constant 0 : index
    %get3A_2248 = arith.constant 26 : index
    %get3A_2249 = vector.load %arg4[%get3A_2247, %get3A_2248] : memref<256x32xf32, #tpu.memory_space<vmem>>, vector<256x1xf32>
    %sub3A_2250 = arith.subf %get3A_2246, %get3A_2240 : vector<256x1xf32>
    %sub3A_2251 = arith.subf %get3A_2249, %get3A_2243 : vector<256x1xf32>
    %mul3A_2252 = arith.mulf %sub3A_2250, %sub3A_2251 : vector<256x1xf32>
    %max3A_2253 = vector.broadcast %get3A_2240 : vector<256x1xf32> to vector<256x75xf32>
    %max3A_2254 = arith.maximumf %max3A_2253, %concatenate3A_1046 : vector<256x75xf32>
    %max3A_2255 = vector.broadcast %get3A_2243 : vector<256x1xf32> to vector<256x75xf32>
    %max3A_2256 = arith.maximumf %max3A_2255, %concatenate3A_1047 : vector<256x75xf32>
    %min3A_2257 = vector.broadcast %get3A_2246 : vector<256x1xf32> to vector<256x75xf32>
    %min3A_2258 = arith.minimumf %min3A_2257, %concatenate3A_1048 : vector<256x75xf32>
    %min3A_2259 = vector.broadcast %get3A_2249 : vector<256x1xf32> to vector<256x75xf32>
    %min3A_2260 = arith.minimumf %min3A_2259, %concatenate3A_1049 : vector<256x75xf32>
    %sub3A_2261 = arith.subf %min3A_2258, %max3A_2254 : vector<256x75xf32>
    %jit3A_2262 = arith.constant 0.000000e+00 : f32
    %max3A_2263 = vector.broadcast %jit3A_2262 : f32 to vector<256x75xf32>
    %max3A_2264 = arith.maximumf %max3A_2263, %sub3A_2261 : vector<256x75xf32>
    %sub3A_2265 = arith.subf %min3A_2260, %max3A_2256 : vector<256x75xf32>
    %jit3A_2266 = arith.constant 0.000000e+00 : f32
    %max3A_2267 = vector.broadcast %jit3A_2266 : f32 to vector<256x75xf32>
    %max3A_2268 = arith.maximumf %max3A_2267, %sub3A_2265 : vector<256x75xf32>
    %mul3A_2269 = arith.mulf %max3A_2264, %max3A_2268 : vector<256x75xf32>
    %add3A_2270 = vector.broadcast %mul3A_2252 : vector<256x1xf32> to vector<256x75xf32>
    %add3A_2271 = arith.addf %add3A_2270, %mul3A_1089 : vector<256x75xf32>
    %sub3A_2272 = arith.subf %add3A_2271, %mul3A_2269 : vector<256x75xf32>
    %add3A_2273 = arith.constant 9.99999971E-10 : f32
    %add3A_2274 = vector.broadcast %add3A_2273 : f32 to vector<256x75xf32>
    %add3A_2275 = arith.addf %sub3A_2272, %add3A_2274 : vector<256x75xf32>
    %div3A_2276 = arith.divf %mul3A_2269, %add3A_2275 : vector<256x75xf32>
    %gt3A_2277 = arith.cmpf ogt, %div3A_2276, %select_n3A_2237 : vector<256x75xf32>
    %jit3A_2278 = arith.constant 26 : i32
    %broadcast_in_dim3A_2279 = vector.broadcast %jit3A_2278 : i32 to vector<256x75xi32>
    %select_n3A_2280 = arith.select %gt3A_2277, %broadcast_in_dim3A_2279, %select_n3A_2236 : vector<256x75xi1>, vector<256x75xi32>
    %select_n3A_2281 = arith.select %gt3A_2277, %div3A_2276, %select_n3A_2237 : vector<256x75xi1>, vector<256x75xf32>
    %get3A_2282 = arith.constant 0 : index
    %get3A_2283 = arith.constant 27 : index
    %get3A_2284 = vector.load %arg1[%get3A_2282, %get3A_2283] : memref<256x32xf32, #tpu.memory_space<vmem>>, vector<256x1xf32>
    %get3A_2285 = arith.constant 0 : index
    %get3A_2286 = arith.constant 27 : index
    %get3A_2287 = vector.load %arg2[%get3A_2285, %get3A_2286] : memref<256x32xf32, #tpu.memory_space<vmem>>, vector<256x1xf32>
    %get3A_2288 = arith.constant 0 : index
    %get3A_2289 = arith.constant 27 : index
    %get3A_2290 = vector.load %arg3[%get3A_2288, %get3A_2289] : memref<256x32xf32, #tpu.memory_space<vmem>>, vector<256x1xf32>
    %get3A_2291 = arith.constant 0 : index
    %get3A_2292 = arith.constant 27 : index
    %get3A_2293 = vector.load %arg4[%get3A_2291, %get3A_2292] : memref<256x32xf32, #tpu.memory_space<vmem>>, vector<256x1xf32>
    %sub3A_2294 = arith.subf %get3A_2290, %get3A_2284 : vector<256x1xf32>
    %sub3A_2295 = arith.subf %get3A_2293, %get3A_2287 : vector<256x1xf32>
    %mul3A_2296 = arith.mulf %sub3A_2294, %sub3A_2295 : vector<256x1xf32>
    %max3A_2297 = vector.broadcast %get3A_2284 : vector<256x1xf32> to vector<256x75xf32>
    %max3A_2298 = arith.maximumf %max3A_2297, %concatenate3A_1046 : vector<256x75xf32>
    %max3A_2299 = vector.broadcast %get3A_2287 : vector<256x1xf32> to vector<256x75xf32>
    %max3A_2300 = arith.maximumf %max3A_2299, %concatenate3A_1047 : vector<256x75xf32>
    %min3A_2301 = vector.broadcast %get3A_2290 : vector<256x1xf32> to vector<256x75xf32>
    %min3A_2302 = arith.minimumf %min3A_2301, %concatenate3A_1048 : vector<256x75xf32>
    %min3A_2303 = vector.broadcast %get3A_2293 : vector<256x1xf32> to vector<256x75xf32>
    %min3A_2304 = arith.minimumf %min3A_2303, %concatenate3A_1049 : vector<256x75xf32>
    %sub3A_2305 = arith.subf %min3A_2302, %max3A_2298 : vector<256x75xf32>
    %jit3A_2306 = arith.constant 0.000000e+00 : f32
    %max3A_2307 = vector.broadcast %jit3A_2306 : f32 to vector<256x75xf32>
    %max3A_2308 = arith.maximumf %max3A_2307, %sub3A_2305 : vector<256x75xf32>
    %sub3A_2309 = arith.subf %min3A_2304, %max3A_2300 : vector<256x75xf32>
    %jit3A_2310 = arith.constant 0.000000e+00 : f32
    %max3A_2311 = vector.broadcast %jit3A_2310 : f32 to vector<256x75xf32>
    %max3A_2312 = arith.maximumf %max3A_2311, %sub3A_2309 : vector<256x75xf32>
    %mul3A_2313 = arith.mulf %max3A_2308, %max3A_2312 : vector<256x75xf32>
    %add3A_2314 = vector.broadcast %mul3A_2296 : vector<256x1xf32> to vector<256x75xf32>
    %add3A_2315 = arith.addf %add3A_2314, %mul3A_1089 : vector<256x75xf32>
    %sub3A_2316 = arith.subf %add3A_2315, %mul3A_2313 : vector<256x75xf32>
    %add3A_2317 = arith.constant 9.99999971E-10 : f32
    %add3A_2318 = vector.broadcast %add3A_2317 : f32 to vector<256x75xf32>
    %add3A_2319 = arith.addf %sub3A_2316, %add3A_2318 : vector<256x75xf32>
    %div3A_2320 = arith.divf %mul3A_2313, %add3A_2319 : vector<256x75xf32>
    %gt3A_2321 = arith.cmpf ogt, %div3A_2320, %select_n3A_2281 : vector<256x75xf32>
    %jit3A_2322 = arith.constant 27 : i32
    %broadcast_in_dim3A_2323 = vector.broadcast %jit3A_2322 : i32 to vector<256x75xi32>
    %select_n3A_2324 = arith.select %gt3A_2321, %broadcast_in_dim3A_2323, %select_n3A_2280 : vector<256x75xi1>, vector<256x75xi32>
    %select_n3A_2325 = arith.select %gt3A_2321, %div3A_2320, %select_n3A_2281 : vector<256x75xi1>, vector<256x75xf32>
    %get3A_2326 = arith.constant 0 : index
    %get3A_2327 = arith.constant 28 : index
    %get3A_2328 = vector.load %arg1[%get3A_2326, %get3A_2327] : memref<256x32xf32, #tpu.memory_space<vmem>>, vector<256x1xf32>
    %get3A_2329 = arith.constant 0 : index
    %get3A_2330 = arith.constant 28 : index
    %get3A_2331 = vector.load %arg2[%get3A_2329, %get3A_2330] : memref<256x32xf32, #tpu.memory_space<vmem>>, vector<256x1xf32>
    %get3A_2332 = arith.constant 0 : index
    %get3A_2333 = arith.constant 28 : index
    %get3A_2334 = vector.load %arg3[%get3A_2332, %get3A_2333] : memref<256x32xf32, #tpu.memory_space<vmem>>, vector<256x1xf32>
    %get3A_2335 = arith.constant 0 : index
    %get3A_2336 = arith.constant 28 : index
    %get3A_2337 = vector.load %arg4[%get3A_2335, %get3A_2336] : memref<256x32xf32, #tpu.memory_space<vmem>>, vector<256x1xf32>
    %sub3A_2338 = arith.subf %get3A_2334, %get3A_2328 : vector<256x1xf32>
    %sub3A_2339 = arith.subf %get3A_2337, %get3A_2331 : vector<256x1xf32>
    %mul3A_2340 = arith.mulf %sub3A_2338, %sub3A_2339 : vector<256x1xf32>
    %max3A_2341 = vector.broadcast %get3A_2328 : vector<256x1xf32> to vector<256x75xf32>
    %max3A_2342 = arith.maximumf %max3A_2341, %concatenate3A_1046 : vector<256x75xf32>
    %max3A_2343 = vector.broadcast %get3A_2331 : vector<256x1xf32> to vector<256x75xf32>
    %max3A_2344 = arith.maximumf %max3A_2343, %concatenate3A_1047 : vector<256x75xf32>
    %min3A_2345 = vector.broadcast %get3A_2334 : vector<256x1xf32> to vector<256x75xf32>
    %min3A_2346 = arith.minimumf %min3A_2345, %concatenate3A_1048 : vector<256x75xf32>
    %min3A_2347 = vector.broadcast %get3A_2337 : vector<256x1xf32> to vector<256x75xf32>
    %min3A_2348 = arith.minimumf %min3A_2347, %concatenate3A_1049 : vector<256x75xf32>
    %sub3A_2349 = arith.subf %min3A_2346, %max3A_2342 : vector<256x75xf32>
    %jit3A_2350 = arith.constant 0.000000e+00 : f32
    %max3A_2351 = vector.broadcast %jit3A_2350 : f32 to vector<256x75xf32>
    %max3A_2352 = arith.maximumf %max3A_2351, %sub3A_2349 : vector<256x75xf32>
    %sub3A_2353 = arith.subf %min3A_2348, %max3A_2344 : vector<256x75xf32>
    %jit3A_2354 = arith.constant 0.000000e+00 : f32
    %max3A_2355 = vector.broadcast %jit3A_2354 : f32 to vector<256x75xf32>
    %max3A_2356 = arith.maximumf %max3A_2355, %sub3A_2353 : vector<256x75xf32>
    %mul3A_2357 = arith.mulf %max3A_2352, %max3A_2356 : vector<256x75xf32>
    %add3A_2358 = vector.broadcast %mul3A_2340 : vector<256x1xf32> to vector<256x75xf32>
    %add3A_2359 = arith.addf %add3A_2358, %mul3A_1089 : vector<256x75xf32>
    %sub3A_2360 = arith.subf %add3A_2359, %mul3A_2357 : vector<256x75xf32>
    %add3A_2361 = arith.constant 9.99999971E-10 : f32
    %add3A_2362 = vector.broadcast %add3A_2361 : f32 to vector<256x75xf32>
    %add3A_2363 = arith.addf %sub3A_2360, %add3A_2362 : vector<256x75xf32>
    %div3A_2364 = arith.divf %mul3A_2357, %add3A_2363 : vector<256x75xf32>
    %gt3A_2365 = arith.cmpf ogt, %div3A_2364, %select_n3A_2325 : vector<256x75xf32>
    %jit3A_2366 = arith.constant 28 : i32
    %broadcast_in_dim3A_2367 = vector.broadcast %jit3A_2366 : i32 to vector<256x75xi32>
    %select_n3A_2368 = arith.select %gt3A_2365, %broadcast_in_dim3A_2367, %select_n3A_2324 : vector<256x75xi1>, vector<256x75xi32>
    %select_n3A_2369 = arith.select %gt3A_2365, %div3A_2364, %select_n3A_2325 : vector<256x75xi1>, vector<256x75xf32>
    %get3A_2370 = arith.constant 0 : index
    %get3A_2371 = arith.constant 29 : index
    %get3A_2372 = vector.load %arg1[%get3A_2370, %get3A_2371] : memref<256x32xf32, #tpu.memory_space<vmem>>, vector<256x1xf32>
    %get3A_2373 = arith.constant 0 : index
    %get3A_2374 = arith.constant 29 : index
    %get3A_2375 = vector.load %arg2[%get3A_2373, %get3A_2374] : memref<256x32xf32, #tpu.memory_space<vmem>>, vector<256x1xf32>
    %get3A_2376 = arith.constant 0 : index
    %get3A_2377 = arith.constant 29 : index
    %get3A_2378 = vector.load %arg3[%get3A_2376, %get3A_2377] : memref<256x32xf32, #tpu.memory_space<vmem>>, vector<256x1xf32>
    %get3A_2379 = arith.constant 0 : index
    %get3A_2380 = arith.constant 29 : index
    %get3A_2381 = vector.load %arg4[%get3A_2379, %get3A_2380] : memref<256x32xf32, #tpu.memory_space<vmem>>, vector<256x1xf32>
    %sub3A_2382 = arith.subf %get3A_2378, %get3A_2372 : vector<256x1xf32>
    %sub3A_2383 = arith.subf %get3A_2381, %get3A_2375 : vector<256x1xf32>
    %mul3A_2384 = arith.mulf %sub3A_2382, %sub3A_2383 : vector<256x1xf32>
    %max3A_2385 = vector.broadcast %get3A_2372 : vector<256x1xf32> to vector<256x75xf32>
    %max3A_2386 = arith.maximumf %max3A_2385, %concatenate3A_1046 : vector<256x75xf32>
    %max3A_2387 = vector.broadcast %get3A_2375 : vector<256x1xf32> to vector<256x75xf32>
    %max3A_2388 = arith.maximumf %max3A_2387, %concatenate3A_1047 : vector<256x75xf32>
    %min3A_2389 = vector.broadcast %get3A_2378 : vector<256x1xf32> to vector<256x75xf32>
    %min3A_2390 = arith.minimumf %min3A_2389, %concatenate3A_1048 : vector<256x75xf32>
    %min3A_2391 = vector.broadcast %get3A_2381 : vector<256x1xf32> to vector<256x75xf32>
    %min3A_2392 = arith.minimumf %min3A_2391, %concatenate3A_1049 : vector<256x75xf32>
    %sub3A_2393 = arith.subf %min3A_2390, %max3A_2386 : vector<256x75xf32>
    %jit3A_2394 = arith.constant 0.000000e+00 : f32
    %max3A_2395 = vector.broadcast %jit3A_2394 : f32 to vector<256x75xf32>
    %max3A_2396 = arith.maximumf %max3A_2395, %sub3A_2393 : vector<256x75xf32>
    %sub3A_2397 = arith.subf %min3A_2392, %max3A_2388 : vector<256x75xf32>
    %jit3A_2398 = arith.constant 0.000000e+00 : f32
    %max3A_2399 = vector.broadcast %jit3A_2398 : f32 to vector<256x75xf32>
    %max3A_2400 = arith.maximumf %max3A_2399, %sub3A_2397 : vector<256x75xf32>
    %mul3A_2401 = arith.mulf %max3A_2396, %max3A_2400 : vector<256x75xf32>
    %add3A_2402 = vector.broadcast %mul3A_2384 : vector<256x1xf32> to vector<256x75xf32>
    %add3A_2403 = arith.addf %add3A_2402, %mul3A_1089 : vector<256x75xf32>
    %sub3A_2404 = arith.subf %add3A_2403, %mul3A_2401 : vector<256x75xf32>
    %add3A_2405 = arith.constant 9.99999971E-10 : f32
    %add3A_2406 = vector.broadcast %add3A_2405 : f32 to vector<256x75xf32>
    %add3A_2407 = arith.addf %sub3A_2404, %add3A_2406 : vector<256x75xf32>
    %div3A_2408 = arith.divf %mul3A_2401, %add3A_2407 : vector<256x75xf32>
    %gt3A_2409 = arith.cmpf ogt, %div3A_2408, %select_n3A_2369 : vector<256x75xf32>
    %jit3A_2410 = arith.constant 29 : i32
    %broadcast_in_dim3A_2411 = vector.broadcast %jit3A_2410 : i32 to vector<256x75xi32>
    %select_n3A_2412 = arith.select %gt3A_2409, %broadcast_in_dim3A_2411, %select_n3A_2368 : vector<256x75xi1>, vector<256x75xi32>
    %select_n3A_2413 = arith.select %gt3A_2409, %div3A_2408, %select_n3A_2369 : vector<256x75xi1>, vector<256x75xf32>
    %get3A_2414 = arith.constant 0 : index
    %get3A_2415 = arith.constant 30 : index
    %get3A_2416 = vector.load %arg1[%get3A_2414, %get3A_2415] : memref<256x32xf32, #tpu.memory_space<vmem>>, vector<256x1xf32>
    %get3A_2417 = arith.constant 0 : index
    %get3A_2418 = arith.constant 30 : index
    %get3A_2419 = vector.load %arg2[%get3A_2417, %get3A_2418] : memref<256x32xf32, #tpu.memory_space<vmem>>, vector<256x1xf32>
    %get3A_2420 = arith.constant 0 : index
    %get3A_2421 = arith.constant 30 : index
    %get3A_2422 = vector.load %arg3[%get3A_2420, %get3A_2421] : memref<256x32xf32, #tpu.memory_space<vmem>>, vector<256x1xf32>
    %get3A_2423 = arith.constant 0 : index
    %get3A_2424 = arith.constant 30 : index
    %get3A_2425 = vector.load %arg4[%get3A_2423, %get3A_2424] : memref<256x32xf32, #tpu.memory_space<vmem>>, vector<256x1xf32>
    %sub3A_2426 = arith.subf %get3A_2422, %get3A_2416 : vector<256x1xf32>
    %sub3A_2427 = arith.subf %get3A_2425, %get3A_2419 : vector<256x1xf32>
    %mul3A_2428 = arith.mulf %sub3A_2426, %sub3A_2427 : vector<256x1xf32>
    %max3A_2429 = vector.broadcast %get3A_2416 : vector<256x1xf32> to vector<256x75xf32>
    %max3A_2430 = arith.maximumf %max3A_2429, %concatenate3A_1046 : vector<256x75xf32>
    %max3A_2431 = vector.broadcast %get3A_2419 : vector<256x1xf32> to vector<256x75xf32>
    %max3A_2432 = arith.maximumf %max3A_2431, %concatenate3A_1047 : vector<256x75xf32>
    %min3A_2433 = vector.broadcast %get3A_2422 : vector<256x1xf32> to vector<256x75xf32>
    %min3A_2434 = arith.minimumf %min3A_2433, %concatenate3A_1048 : vector<256x75xf32>
    %min3A_2435 = vector.broadcast %get3A_2425 : vector<256x1xf32> to vector<256x75xf32>
    %min3A_2436 = arith.minimumf %min3A_2435, %concatenate3A_1049 : vector<256x75xf32>
    %sub3A_2437 = arith.subf %min3A_2434, %max3A_2430 : vector<256x75xf32>
    %jit3A_2438 = arith.constant 0.000000e+00 : f32
    %max3A_2439 = vector.broadcast %jit3A_2438 : f32 to vector<256x75xf32>
    %max3A_2440 = arith.maximumf %max3A_2439, %sub3A_2437 : vector<256x75xf32>
    %sub3A_2441 = arith.subf %min3A_2436, %max3A_2432 : vector<256x75xf32>
    %jit3A_2442 = arith.constant 0.000000e+00 : f32
    %max3A_2443 = vector.broadcast %jit3A_2442 : f32 to vector<256x75xf32>
    %max3A_2444 = arith.maximumf %max3A_2443, %sub3A_2441 : vector<256x75xf32>
    %mul3A_2445 = arith.mulf %max3A_2440, %max3A_2444 : vector<256x75xf32>
    %add3A_2446 = vector.broadcast %mul3A_2428 : vector<256x1xf32> to vector<256x75xf32>
    %add3A_2447 = arith.addf %add3A_2446, %mul3A_1089 : vector<256x75xf32>
    %sub3A_2448 = arith.subf %add3A_2447, %mul3A_2445 : vector<256x75xf32>
    %add3A_2449 = arith.constant 9.99999971E-10 : f32
    %add3A_2450 = vector.broadcast %add3A_2449 : f32 to vector<256x75xf32>
    %add3A_2451 = arith.addf %sub3A_2448, %add3A_2450 : vector<256x75xf32>
    %div3A_2452 = arith.divf %mul3A_2445, %add3A_2451 : vector<256x75xf32>
    %gt3A_2453 = arith.cmpf ogt, %div3A_2452, %select_n3A_2413 : vector<256x75xf32>
    %jit3A_2454 = arith.constant 30 : i32
    %broadcast_in_dim3A_2455 = vector.broadcast %jit3A_2454 : i32 to vector<256x75xi32>
    %select_n3A_2456 = arith.select %gt3A_2453, %broadcast_in_dim3A_2455, %select_n3A_2412 : vector<256x75xi1>, vector<256x75xi32>
    %select_n3A_2457 = arith.select %gt3A_2453, %div3A_2452, %select_n3A_2413 : vector<256x75xi1>, vector<256x75xf32>
    %get3A_2458 = arith.constant 0 : index
    %get3A_2459 = arith.constant 31 : index
    %get3A_2460 = vector.load %arg1[%get3A_2458, %get3A_2459] : memref<256x32xf32, #tpu.memory_space<vmem>>, vector<256x1xf32>
    %get3A_2461 = arith.constant 0 : index
    %get3A_2462 = arith.constant 31 : index
    %get3A_2463 = vector.load %arg2[%get3A_2461, %get3A_2462] : memref<256x32xf32, #tpu.memory_space<vmem>>, vector<256x1xf32>
    %get3A_2464 = arith.constant 0 : index
    %get3A_2465 = arith.constant 31 : index
    %get3A_2466 = vector.load %arg3[%get3A_2464, %get3A_2465] : memref<256x32xf32, #tpu.memory_space<vmem>>, vector<256x1xf32>
    %get3A_2467 = arith.constant 0 : index
    %get3A_2468 = arith.constant 31 : index
    %get3A_2469 = vector.load %arg4[%get3A_2467, %get3A_2468] : memref<256x32xf32, #tpu.memory_space<vmem>>, vector<256x1xf32>
    %sub3A_2470 = arith.subf %get3A_2466, %get3A_2460 : vector<256x1xf32>
    %sub3A_2471 = arith.subf %get3A_2469, %get3A_2463 : vector<256x1xf32>
    %mul3A_2472 = arith.mulf %sub3A_2470, %sub3A_2471 : vector<256x1xf32>
    %max3A_2473 = vector.broadcast %get3A_2460 : vector<256x1xf32> to vector<256x75xf32>
    %max3A_2474 = arith.maximumf %max3A_2473, %concatenate3A_1046 : vector<256x75xf32>
    %max3A_2475 = vector.broadcast %get3A_2463 : vector<256x1xf32> to vector<256x75xf32>
    %max3A_2476 = arith.maximumf %max3A_2475, %concatenate3A_1047 : vector<256x75xf32>
    %min3A_2477 = vector.broadcast %get3A_2466 : vector<256x1xf32> to vector<256x75xf32>
    %min3A_2478 = arith.minimumf %min3A_2477, %concatenate3A_1048 : vector<256x75xf32>
    %min3A_2479 = vector.broadcast %get3A_2469 : vector<256x1xf32> to vector<256x75xf32>
    %min3A_2480 = arith.minimumf %min3A_2479, %concatenate3A_1049 : vector<256x75xf32>
    %sub3A_2481 = arith.subf %min3A_2478, %max3A_2474 : vector<256x75xf32>
    %jit3A_2482 = arith.constant 0.000000e+00 : f32
    %max3A_2483 = vector.broadcast %jit3A_2482 : f32 to vector<256x75xf32>
    %max3A_2484 = arith.maximumf %max3A_2483, %sub3A_2481 : vector<256x75xf32>
    %sub3A_2485 = arith.subf %min3A_2480, %max3A_2476 : vector<256x75xf32>
    %jit3A_2486 = arith.constant 0.000000e+00 : f32
    %max3A_2487 = vector.broadcast %jit3A_2486 : f32 to vector<256x75xf32>
    %max3A_2488 = arith.maximumf %max3A_2487, %sub3A_2485 : vector<256x75xf32>
    %mul3A_2489 = arith.mulf %max3A_2484, %max3A_2488 : vector<256x75xf32>
    %add3A_2490 = vector.broadcast %mul3A_2472 : vector<256x1xf32> to vector<256x75xf32>
    %add3A_2491 = arith.addf %add3A_2490, %mul3A_1089 : vector<256x75xf32>
    %sub3A_2492 = arith.subf %add3A_2491, %mul3A_2489 : vector<256x75xf32>
    %add3A_2493 = arith.constant 9.99999971E-10 : f32
    %add3A_2494 = vector.broadcast %add3A_2493 : f32 to vector<256x75xf32>
    %add3A_2495 = arith.addf %sub3A_2492, %add3A_2494 : vector<256x75xf32>
    %div3A_2496 = arith.divf %mul3A_2489, %add3A_2495 : vector<256x75xf32>
    %gt3A_2497 = arith.cmpf ogt, %div3A_2496, %select_n3A_2457 : vector<256x75xf32>
    %jit3A_2498 = arith.constant 31 : i32
    %broadcast_in_dim3A_2499 = vector.broadcast %jit3A_2498 : i32 to vector<256x75xi32>
    %select_n3A_2500 = arith.select %gt3A_2497, %broadcast_in_dim3A_2499, %select_n3A_2456 : vector<256x75xi1>, vector<256x75xi32>
    %iota3A_2501 = tpu.iota {dimensions = array<i32: 0>} : vector<256x1xi32>
    %shift_right_logical3A = arith.constant 5 : i32
    %shift_right_logical3A_2502 = vector.broadcast %shift_right_logical3A : i32 to vector<256x1xi32>
    %shift_right_logical3A_2503 = arith.shrui %iota3A_2501, %shift_right_logical3A_2502 : vector<256x1xi32>
    %mul3A_2504 = arith.constant 32 : i32
    %mul3A_2505 = vector.broadcast %mul3A_2504 : i32 to vector<256x1xi32>
    %mul3A_2506 = arith.muli %shift_right_logical3A_2503, %mul3A_2505 : vector<256x1xi32>
    %sub3A_2507 = arith.subi %iota3A_2501, %mul3A_2506 : vector<256x1xi32>
    %mul3A_2508 = arith.constant 1024 : i32
    %mul3A_2509 = vector.broadcast %mul3A_2508 : i32 to vector<256x1xi32>
    %mul3A_2510 = arith.muli %sub3A_2507, %mul3A_2509 : vector<256x1xi32>
    %add3A_2511 = arith.constant 1048576 : i32
    %add3A_2512 = vector.broadcast %add3A_2511 : i32 to vector<256x1xi32>
    %add3A_2513 = arith.addi %add3A_2512, %mul3A_2510 : vector<256x1xi32>
    %add3A_2514 = vector.broadcast %add3A_2513 : vector<256x1xi32> to vector<256x75xi32>
    %add3A_2515 = arith.addi %add3A_2514, %select_n3A_2500 : vector<256x75xi32>
    %jit3A_2516 = arith.constant 0 : i32
    %broadcast_in_dim3A_2517 = vector.broadcast %jit3A_2516 : i32 to vector<256x75xi32>
    %select_n3A_2518 = arith.select %and3A_1086, %add3A_2515, %broadcast_in_dim3A_2517 : vector<256x75xi1>, vector<256x75xi32>
    %broadcast_in_dim3A_2519 = arith.constant 0 : i32
    %broadcast_in_dim3A_2520 = vector.broadcast %broadcast_in_dim3A_2519 : i32 to vector<256x5xi32>
    %concatenate3A_2521 = tpu.concatenate %concatenate3A_1044, %broadcast_in_dim3A_2520 in 1 : vector<256x75xi32>, vector<256x5xi32> -> vector<256x80xi32>
    %swap3A = arith.constant 0 : index
    %swap3A_2522 = arith.constant 0 : index
    %swap3A_2523 = vector.load %arg6[%swap3A, %swap3A_2522] : memref<256x80xi32, #tpu.memory_space<vmem>>, vector<256x80xi32>
    tpu.vector_store %arg6[%swap3A, %swap3A_2522], %concatenate3A_2521 {strides = array<i32>} : memref<256x80xi32, #tpu.memory_space<vmem>>, vector<256x80xi32>,
    %concatenate3A_2524 = tpu.concatenate %select_n3A_2518, %broadcast_in_dim3A_2520 in 1 : vector<256x75xi32>, vector<256x5xi32> -> vector<256x80xi32>
    %swap3A_2525 = arith.constant 0 : index
    %swap3A_2526 = arith.constant 0 : index
    %swap3A_2527 = vector.load %arg7[%swap3A_2525, %swap3A_2526] : memref<256x80xi32, #tpu.memory_space<vmem>>, vector<256x80xi32>
    tpu.vector_store %arg7[%swap3A_2525, %swap3A_2526], %concatenate3A_2524 {strides = array<i32>} : memref<256x80xi32, #tpu.memory_space<vmem>>, vector<256x80xi32>,
    return
  }
}

module attributes {stable_mosaic.version = 14 : i64} {
  func.func @_expand_body(%arg0: i32, %arg1: i32, %arg2: memref<1x1x1x4200xi32, #tpu.memory_space<vmem>>, %arg3: memref<1x32x4xf32, #tpu.memory_space<vmem>>, %arg4: memref<1x32x1xf32, #tpu.memory_space<vmem>>, %arg5: memref<1x4200x4xf32, #tpu.memory_space<vmem>>, %arg6: memref<1x1x1x4200xi32, #tpu.memory_space<vmem>>, %arg7: memref<1x1x1x4200xi32, #tpu.memory_space<vmem>>, %arg8: memref<1x4200x4xf32, #tpu.memory_space<vmem>>, %arg9: memref<1x4200x80xf32, #tpu.memory_space<vmem>>) attributes {dimension_semantics = [#tpu.dimension_semantics<arbitrary>, #tpu.dimension_semantics<arbitrary>], iteration_bounds = array<i64: 8, 8>, scalar_prefetch = 0 : i64, scratch_operands = 0 : i64, tpu.core_type = #tpu.core_type<tc>, window_params = [{transform_indices = @transform_0, window_bounds = array<i64: 1, 1, 1, 4200>}, {transform_indices = @transform_1, window_bounds = array<i64: 1, 32, 4>}, {transform_indices = @transform_2, window_bounds = array<i64: 1, 32, 1>}, {transform_indices = @transform_3, window_bounds = array<i64: 1, 4200, 4>}, {transform_indices = @transform_4, window_bounds = array<i64: 1, 1, 1, 4200>}, {transform_indices = @transform_5, window_bounds = array<i64: 1, 1, 1, 4200>}, {transform_indices = @transform_6, window_bounds = array<i64: 1, 4200, 4>}, {transform_indices = @transform_7, window_bounds = array<i64: 1, 4200, 80>}]} {
    %get3A = arith.constant 0 : index
    %get3A_0 = arith.constant 0 : index
    %get3A_1 = arith.constant 0 : index
    %get3A_2 = arith.constant 0 : index
    %get3A_3 = vector.load %arg2[%get3A, %get3A_0, %get3A_1, %get3A_2] : memref<1x1x1x4200xi32, #tpu.memory_space<vmem>>, vector<1x1x1x4200xi32>
    %get3A_4 = vector.shape_cast %get3A_3 : vector<1x1x1x4200xi32> to vector<1x4200xi32>
    %reshape3A = vector.shape_cast %get3A_4 : vector<1x4200xi32> to vector<4200x1xi32>
    %shift_right_logical3A = arith.constant 20 : i32
    %shift_right_logical3A_5 = vector.broadcast %shift_right_logical3A : i32 to vector<4200x1xi32>
    %shift_right_logical3A_6 = arith.shrui %reshape3A, %shift_right_logical3A_5 : vector<4200x1xi32>
    %shift_right_logical3A_7 = arith.constant 10 : i32
    %shift_right_logical3A_8 = vector.broadcast %shift_right_logical3A_7 : i32 to vector<4200x1xi32>
    %shift_right_logical3A_9 = arith.shrui %reshape3A, %shift_right_logical3A_8 : vector<4200x1xi32>
    %and3A = arith.constant 1023 : i32
    %and3A_10 = vector.broadcast %and3A : i32 to vector<4200x1xi32>
    %and3A_11 = arith.andi %shift_right_logical3A_9, %and3A_10 : vector<4200x1xi32>
    %and3A_12 = arith.constant 1023 : i32
    %and3A_13 = vector.broadcast %and3A_12 : i32 to vector<4200x1xi32>
    %and3A_14 = arith.andi %reshape3A, %and3A_13 : vector<4200x1xi32>
    %convert_element_type3A = arith.sitofp %shift_right_logical3A_6 : vector<4200x1xi32> to vector<4200x1xf32>
    %convert_element_type3A_15 = arith.sitofp %and3A_14 : vector<4200x1xi32> to vector<4200x1xf32>
    %max3A = arith.constant 1.000000e+00 : f32
    %max3A_16 = vector.broadcast %max3A : f32 to vector<4200x1xf32>
    %max3A_17 = arith.maximumf %convert_element_type3A, %max3A_16 : vector<4200x1xf32>
    %div3A = arith.divf %convert_element_type3A_15, %max3A_17 : vector<4200x1xf32>
    %convert_element_type3A_18 = arith.fptosi %div3A : vector<4200x1xf32> to vector<4200x1xi32>
    %gt3A = arith.constant 1 : i32
    %gt3A_19 = vector.broadcast %gt3A : i32 to vector<4200x1xi32>
    %gt3A_20 = arith.cmpi sgt, %shift_right_logical3A_6, %gt3A_19 : vector<4200x1xi32>
    %select_n3A = arith.select %gt3A_20, %convert_element_type3A_18, %and3A_11 : vector<4200x1xi1>, vector<4200x1xi32>
    %iota3A = tpu.iota {dimensions = array<i32: 1>} : vector<4200x32xi32>
    %eq3A = vector.broadcast %select_n3A : vector<4200x1xi32> to vector<4200x32xi32>
    %eq3A_21 = arith.cmpi eq, %eq3A, %iota3A : vector<4200x32xi32>
    %convert_element_type3A_22 = arith.extui %eq3A_21 : vector<4200x32xi1> to vector<4200x32xi32>
    %convert_element_type3A_23 = arith.sitofp %convert_element_type3A_22 : vector<4200x32xi32> to vector<4200x32xf32>
    %get3A_24 = arith.constant 0 : index
    %get3A_25 = arith.constant 0 : index
    %get3A_26 = arith.constant 0 : index
    %get3A_27 = vector.load %arg3[%get3A_24, %get3A_25, %get3A_26] : memref<1x32x4xf32, #tpu.memory_space<vmem>>, vector<1x32x4xf32>
    %get3A_28 = vector.shape_cast %get3A_27 : vector<1x32x4xf32> to vector<32x4xf32>
    %get3A_29 = arith.constant 0 : index
    %get3A_30 = arith.constant 0 : index
    %get3A_31 = arith.constant 0 : index
    %get3A_32 = vector.load %arg4[%get3A_29, %get3A_30, %get3A_31] : memref<1x32x1xf32, #tpu.memory_space<vmem>>, vector<1x32x1xf32>
    %get3A_33 = vector.shape_cast %get3A_32 : vector<1x32x1xf32> to vector<32x1xf32>
    %concatenate3A = tpu.concatenate %get3A_28, %get3A_33 in 1 : vector<32x4xf32>, vector<32x1xf32> -> vector<32x5xf32>
    %dot_general3A = arith.constant dense<0.000000e+00> : vector<4200x5xf32>
    %dot_general3A_34 = tpu.matmul %convert_element_type3A_23, %concatenate3A, %dot_general3A {dimension_numbers = #tpu.dot_dimension_numbers<[1], [0], [0], [1], [0, 0, 1, 1], [], []>, precision = #tpu.contract_precision<fp32>, transpose_lhs_hint = false} : vector<4200x32xf32>, vector<32x5xf32>, vector<4200x5xf32> -> vector<4200x5xf32>
    %slice3A = vector.extract_strided_slice %dot_general3A_34 {offsets = [0, 0], sizes = [4200, 1], strides = [1, 1]} : vector<4200x5xf32> to vector<4200x1xf32>
    %slice3A_35 = vector.extract_strided_slice %dot_general3A_34 {offsets = [0, 1], sizes = [4200, 1], strides = [1, 1]} : vector<4200x5xf32> to vector<4200x1xf32>
    %slice3A_36 = vector.extract_strided_slice %dot_general3A_34 {offsets = [0, 2], sizes = [4200, 1], strides = [1, 1]} : vector<4200x5xf32> to vector<4200x1xf32>
    %slice3A_37 = vector.extract_strided_slice %dot_general3A_34 {offsets = [0, 3], sizes = [4200, 1], strides = [1, 1]} : vector<4200x5xf32> to vector<4200x1xf32>
    %slice3A_38 = vector.extract_strided_slice %dot_general3A_34 {offsets = [0, 4], sizes = [4200, 1], strides = [1, 1]} : vector<4200x5xf32> to vector<4200x1xf32>
    %get3A_39 = arith.constant 0 : index
    %get3A_40 = arith.constant 0 : index
    %get3A_41 = arith.constant 0 : index
    %get3A_42 = vector.load %arg5[%get3A_39, %get3A_40, %get3A_41] : memref<1x4200x4xf32, #tpu.memory_space<vmem>>, vector<1x4200x4xf32>
    %get3A_43 = vector.shape_cast %get3A_42 : vector<1x4200x4xf32> to vector<4200x4xf32>
    %slice3A_44 = vector.extract_strided_slice %get3A_43 {offsets = [0, 0], sizes = [4200, 1], strides = [1, 1]} : vector<4200x4xf32> to vector<4200x1xf32>
    %slice3A_45 = vector.extract_strided_slice %get3A_43 {offsets = [0, 1], sizes = [4200, 1], strides = [1, 1]} : vector<4200x4xf32> to vector<4200x1xf32>
    %slice3A_46 = vector.extract_strided_slice %get3A_43 {offsets = [0, 2], sizes = [4200, 1], strides = [1, 1]} : vector<4200x4xf32> to vector<4200x1xf32>
    %slice3A_47 = vector.extract_strided_slice %get3A_43 {offsets = [0, 3], sizes = [4200, 1], strides = [1, 1]} : vector<4200x4xf32> to vector<4200x1xf32>
    %sub3A = arith.subf %slice3A_36, %slice3A : vector<4200x1xf32>
    %sub3A_48 = arith.subf %slice3A_37, %slice3A_35 : vector<4200x1xf32>
    %mul3A = arith.mulf %sub3A, %sub3A_48 : vector<4200x1xf32>
    %sub3A_49 = arith.subf %slice3A_46, %slice3A_44 : vector<4200x1xf32>
    %sub3A_50 = arith.subf %slice3A_47, %slice3A_45 : vector<4200x1xf32>
    %mul3A_51 = arith.mulf %sub3A_49, %sub3A_50 : vector<4200x1xf32>
    %max3A_52 = arith.maximumf %slice3A, %slice3A_44 : vector<4200x1xf32>
    %max3A_53 = arith.maximumf %slice3A_35, %slice3A_45 : vector<4200x1xf32>
    %min3A = arith.minimumf %slice3A_36, %slice3A_46 : vector<4200x1xf32>
    %min3A_54 = arith.minimumf %slice3A_37, %slice3A_47 : vector<4200x1xf32>
    %sub3A_55 = arith.subf %min3A, %max3A_52 : vector<4200x1xf32>
    %jit3A = arith.constant 0.000000e+00 : f32
    %max3A_56 = vector.broadcast %jit3A : f32 to vector<4200x1xf32>
    %max3A_57 = arith.maximumf %max3A_56, %sub3A_55 : vector<4200x1xf32>
    %sub3A_58 = arith.subf %min3A_54, %max3A_53 : vector<4200x1xf32>
    %jit3A_59 = arith.constant 0.000000e+00 : f32
    %max3A_60 = vector.broadcast %jit3A_59 : f32 to vector<4200x1xf32>
    %max3A_61 = arith.maximumf %max3A_60, %sub3A_58 : vector<4200x1xf32>
    %mul3A_62 = arith.mulf %max3A_57, %max3A_61 : vector<4200x1xf32>
    %add3A = arith.addf %mul3A, %mul3A_51 : vector<4200x1xf32>
    %sub3A_63 = arith.subf %add3A, %mul3A_62 : vector<4200x1xf32>
    %add3A_64 = arith.constant 9.99999971E-10 : f32
    %add3A_65 = vector.broadcast %add3A_64 : f32 to vector<4200x1xf32>
    %add3A_66 = arith.addf %sub3A_63, %add3A_65 : vector<4200x1xf32>
    %div3A_67 = arith.divf %mul3A_62, %add3A_66 : vector<4200x1xf32>
    %gt3A_68 = arith.constant 0 : i32
    %gt3A_69 = vector.broadcast %gt3A_68 : i32 to vector<4200x1xi32>
    %gt3A_70 = arith.cmpi sgt, %shift_right_logical3A_6, %gt3A_69 : vector<4200x1xi32>
    %jit3A_71 = arith.constant 0.000000e+00 : f32
    %broadcast_in_dim3A = vector.broadcast %jit3A_71 : f32 to vector<4200x1xf32>
    %select_n3A_72 = arith.select %gt3A_70, %div3A_67, %broadcast_in_dim3A : vector<4200x1xi1>, vector<4200x1xf32>
    %convert_element_type3A_73 = arith.fptosi %slice3A_38 : vector<4200x1xf32> to vector<4200x1xi32>
    %jit3A_74 = arith.constant 80 : i32
    %broadcast_in_dim3A_75 = vector.broadcast %jit3A_74 : i32 to vector<4200x1xi32>
    %select_n3A_76 = arith.select %gt3A_70, %convert_element_type3A_73, %broadcast_in_dim3A_75 : vector<4200x1xi1>, vector<4200x1xi32>
    %iota3A_77 = tpu.iota {dimensions = array<i32: 1>} : vector<4200x80xi32>
    %eq3A_78 = vector.broadcast %select_n3A_76 : vector<4200x1xi32> to vector<4200x80xi32>
    %eq3A_79 = arith.cmpi eq, %eq3A_78, %iota3A_77 : vector<4200x80xi32>
    %jit3A_80 = arith.constant 0.000000e+00 : f32
    %broadcast_in_dim3A_81 = vector.shape_cast %select_n3A_72 : vector<4200x1xf32> to vector<4200x1xf32>
    %broadcast_in_dim3A_82 = vector.broadcast %broadcast_in_dim3A_81 : vector<4200x1xf32> to vector<4200x80xf32>
    %broadcast_in_dim3A_83 = vector.broadcast %jit3A_80 : f32 to vector<4200x80xf32>
    %select_n3A_84 = arith.select %eq3A_79, %broadcast_in_dim3A_82, %broadcast_in_dim3A_83 : vector<4200x80xi1>, vector<4200x80xf32>
    %reshape3A_85 = vector.shape_cast %select_n3A_76 : vector<4200x1xi32> to vector<1x4200xi32>
    %swap3A = arith.constant 0 : index
    %swap3A_86 = arith.constant 0 : index
    %swap3A_87 = arith.constant 0 : index
    %swap3A_88 = arith.constant 0 : index
    %swap3A_89 = vector.load %arg6[%swap3A, %swap3A_86, %swap3A_87, %swap3A_88] : memref<1x1x1x4200xi32, #tpu.memory_space<vmem>>, vector<1x1x1x4200xi32>
    %swap3A_90 = vector.shape_cast %swap3A_89 : vector<1x1x1x4200xi32> to vector<1x4200xi32>
    %swap3A_91 = vector.shape_cast %reshape3A_85 : vector<1x4200xi32> to vector<1x1x1x4200xi32>
    tpu.vector_store %arg6[%swap3A, %swap3A_86, %swap3A_87, %swap3A_88], %swap3A_91 {strides = array<i32>} : memref<1x1x1x4200xi32, #tpu.memory_space<vmem>>, vector<1x1x1x4200xi32>,
    %convert_element_type3A_92 = arith.extui %gt3A_70 : vector<4200x1xi1> to vector<4200x1xi32>
    %reshape3A_93 = vector.shape_cast %convert_element_type3A_92 : vector<4200x1xi32> to vector<1x4200xi32>
    %swap3A_94 = arith.constant 0 : index
    %swap3A_95 = arith.constant 0 : index
    %swap3A_96 = arith.constant 0 : index
    %swap3A_97 = arith.constant 0 : index
    %swap3A_98 = vector.load %arg7[%swap3A_94, %swap3A_95, %swap3A_96, %swap3A_97] : memref<1x1x1x4200xi32, #tpu.memory_space<vmem>>, vector<1x1x1x4200xi32>
    %swap3A_99 = vector.shape_cast %swap3A_98 : vector<1x1x1x4200xi32> to vector<1x4200xi32>
    %swap3A_100 = vector.shape_cast %reshape3A_93 : vector<1x4200xi32> to vector<1x1x1x4200xi32>
    tpu.vector_store %arg7[%swap3A_94, %swap3A_95, %swap3A_96, %swap3A_97], %swap3A_100 {strides = array<i32>} : memref<1x1x1x4200xi32, #tpu.memory_space<vmem>>, vector<1x1x1x4200xi32>,
    %slice3A_101 = vector.extract_strided_slice %dot_general3A_34 {offsets = [0, 0], sizes = [4200, 4], strides = [1, 1]} : vector<4200x5xf32> to vector<4200x4xf32>
    %swap3A_102 = arith.constant 0 : index
    %swap3A_103 = arith.constant 0 : index
    %swap3A_104 = arith.constant 0 : index
    %swap3A_105 = vector.load %arg8[%swap3A_102, %swap3A_103, %swap3A_104] : memref<1x4200x4xf32, #tpu.memory_space<vmem>>, vector<1x4200x4xf32>
    %swap3A_106 = vector.shape_cast %swap3A_105 : vector<1x4200x4xf32> to vector<4200x4xf32>
    %swap3A_107 = vector.shape_cast %slice3A_101 : vector<4200x4xf32> to vector<1x4200x4xf32>
    tpu.vector_store %arg8[%swap3A_102, %swap3A_103, %swap3A_104], %swap3A_107 {strides = array<i32>} : memref<1x4200x4xf32, #tpu.memory_space<vmem>>, vector<1x4200x4xf32>,
    %swap3A_108 = arith.constant 0 : index
    %swap3A_109 = arith.constant 0 : index
    %swap3A_110 = arith.constant 0 : index
    %swap3A_111 = vector.load %arg9[%swap3A_108, %swap3A_109, %swap3A_110] : memref<1x4200x80xf32, #tpu.memory_space<vmem>>, vector<1x4200x80xf32>
    %swap3A_112 = vector.shape_cast %swap3A_111 : vector<1x4200x80xf32> to vector<4200x80xf32>
    %swap3A_113 = vector.shape_cast %select_n3A_84 : vector<4200x80xf32> to vector<1x4200x80xf32>
    tpu.vector_store %arg9[%swap3A_108, %swap3A_109, %swap3A_110], %swap3A_113 {strides = array<i32>} : memref<1x4200x80xf32, #tpu.memory_space<vmem>>, vector<1x4200x80xf32>,
    return
  }
  func.func @transform_0(%arg0: i32, %arg1: i32) -> (i32, i32, i32, i32) {
    %c0_i32 = arith.constant 0 : i32
    %c0_i32_0 = arith.constant 0 : i32
    %c0_i32_1 = arith.constant 0 : i32
    return %arg0, %arg1, %c0_i32, %c0_i32_0 : i32, i32, i32, i32
  }
  func.func @transform_1(%arg0: i32, %arg1: i32) -> (i32, i32, i32) {
    %c0_i32 = arith.constant 0 : i32
    %c0_i32_0 = arith.constant 0 : i32
    %c0_i32_1 = arith.constant 0 : i32
    return %arg0, %c0_i32, %c0_i32_0 : i32, i32, i32
  }
  func.func @transform_2(%arg0: i32, %arg1: i32) -> (i32, i32, i32) {
    %c0_i32 = arith.constant 0 : i32
    %c0_i32_0 = arith.constant 0 : i32
    %c0_i32_1 = arith.constant 0 : i32
    return %arg0, %c0_i32, %c0_i32_0 : i32, i32, i32
  }
  func.func @transform_3(%arg0: i32, %arg1: i32) -> (i32, i32, i32) {
    %c0_i32 = arith.constant 0 : i32
    %c0_i32_0 = arith.constant 0 : i32
    return %arg0, %arg1, %c0_i32 : i32, i32, i32
  }
  func.func @transform_4(%arg0: i32, %arg1: i32) -> (i32, i32, i32, i32) {
    %c0_i32 = arith.constant 0 : i32
    %c0_i32_0 = arith.constant 0 : i32
    %c0_i32_1 = arith.constant 0 : i32
    return %arg0, %arg1, %c0_i32, %c0_i32_0 : i32, i32, i32, i32
  }
  func.func @transform_5(%arg0: i32, %arg1: i32) -> (i32, i32, i32, i32) {
    %c0_i32 = arith.constant 0 : i32
    %c0_i32_0 = arith.constant 0 : i32
    %c0_i32_1 = arith.constant 0 : i32
    return %arg0, %arg1, %c0_i32, %c0_i32_0 : i32, i32, i32, i32
  }
  func.func @transform_6(%arg0: i32, %arg1: i32) -> (i32, i32, i32) {
    %c0_i32 = arith.constant 0 : i32
    %c0_i32_0 = arith.constant 0 : i32
    return %arg0, %arg1, %c0_i32 : i32, i32, i32
  }
  func.func @transform_7(%arg0: i32, %arg1: i32) -> (i32, i32, i32) {
    %c0_i32 = arith.constant 0 : i32
    %c0_i32_0 = arith.constant 0 : i32
    return %arg0, %arg1, %c0_i32 : i32, i32, i32
  }
}

</mosaic_0001>

<sc_bundles>
// kernel: kernel.5.cloned.1.call-start
scs
__scs_entry_jumppad:
0x0: {  	(pc) =	sbr.rel $0x88, $3  }
0x1: {  	(tag) =	ssettag $0x0;
	lr =	simm.s32 $0x1  }
0x2: {  	[smem:$0x3F9D] =	sst lr;
	_ =	strace $0xD0000000  }
0x3: {  	_ = 	snop  }
0x4: {  	_ = 	snop  }
0x5: {  	_ = 	snop  }
0x6: {  	_ = 	snop  }
0x7: {  	_ = 	snop  }
__scs_overlays_trampoline_lowered:
0x8: {  	[smem:$0x3FAC] =	sst s0  }
0x9: {  	[smem:$0x3FAD] =	sst s1  }
0xa: {  	[smem:$0x3FAE] =	sst s2  }
0xb: {  	[smem:$0x3FAF] =	sst s3  }
0xc: {  	[smem:$0x3FB0] =	sst s4  }
0xd: {  	[smem:$0x3FB1] =	sst s5  }
0xe: {  	[smem:$0x3FB2] =	sst s6  }
0xf: {  	[smem:$0x3FB3] =	sst s7  }
0x10: {  	[smem:$0x3FB4] =	sst s8  }
0x11: {  	[smem:$0x3FB5] =	sst s9;
	s0 =	simm.s32 @!p0 $0x0  }
0x12: {  	s1 =	sld [smem:$0x3F9B];
	s0 =	simm.s32 @p0 $0x1  }
0x13: {  	[smem:$0x3FB6] =	sst s0;
	s0 =	simm.s32 @!p1 $0x0  }
0x14: {  	s2 =	sld [smem:$0x3F9A];
	s0 =	simm.s32 @p1 $0x1  }
0x15: {  	[smem:$0x3FB7] =	sst s0;
	s0 =	simm.s32 @!p2 $0x0  }
0x16: {  	s3 =	sld [smem:$0x3FDB];
	s0 =	simm.s32 @p2 $0x1  }
0x17: {  	s4 =	simm.s32 $0x1BF5;
	[smem:$0x3FB9] =	sst s0  }
0x18: {  	s0 =	sld [smem:$0x3F9C];
	_ =	swait.ge [sflag:s4], $0x0  }
0x19: {  	s7 =	sld [smem:$0x3F9D]  }
0x1a: {  	s8 =	sadd.s32 $0xFFFFE003, lr  }
0x1b: {  	s9 =	sadd.s32 $0xFFFFFEF7, lr;
	s5 =	simm.s32 $0xFFFFFFFF;
	p2 =	slt.u32 s8, $0xFFFFF086  }
0x1c: {  	p1 =	slt.u32 s9, $0xF7A;
	s5 =	simm.s32 @!p2 $0x0  }
0x1d: {  	s5 =	simm.s32 @p1 $0x1;
	p0 =	seq.s32 s7, s2  }
0x1e: {  	s7 =	smul.u32 @!p0 $0xF7A, s2;
	p2 =	seq.s32 @!p0 s5, $0x0  }
0x1f: {  	s9 =	smul.u32 $0xF7A, s1;
	s8 =	simm.s32 @!p0 $0x1BF5;
	p2 =	por !p2, p0  }
0x20: {  	[sflag:s8] =	ssyncset.s32 @!p0 $0xFFFFF086;
	s6 =	sadd.s32 @!p0 s3, s7;
	s7 =	simm.s32 @!p0 $0x108  }
0x21: {  	s3 =	sadd.s32 s3, s9;
	s6 =	sadd.s32 @!p0 $0x88, s6;
	s7 =	simm.s32 @p2 $0x1082  }
0x22: {  	[simem:s7], [sflag:s8] =	dma.local @!p0 [hbm:s6], $0xF7A  }
0x23: {  	s9 =	sor.u32 $0xD0000000, s2;
	s6 =	simm.s32 $0x108;
	_ =	swait.ge @!p0 [sflag:s8], $0x0  }
0x24: {  	s3 =	sadd.s32 $0x88, s3;
	s6 =	simm.s32 @!p1 $0x1082;
	[sflag:s4] =	ssyncset.s32 $0xFFFFF086  }
0x25: {  	[simem:s6], [sflag:s4] =	dma.local [hbm:s3], $0xF7A  }
0x26: {  	[smem:$0x3F9D] =	sst s1;
	(tag) =	ssettag s2;
	_ =	strace s9  }
0x27: {  	s1 =	sld [smem:$0x3FAD]  }
0x28: {  	s2 =	sld [smem:$0x3FAE]  }
0x29: {  	s4 =	sld [smem:$0x3FB0]  }
0x2a: {  	p0 =	seq.s32 s5, $0x0;
	s5 =	sld [smem:$0x3FB1]  }
0x2b: {  	s6 =	sld [smem:$0x3FB2]  }
0x2c: {  	s7 =	sld [smem:$0x3FB3]  }
0x2d: {  	s3 =	simm.s32 $0x108;
	s8 =	sld [smem:$0x3FB4]  }
0x2e: {  	s3 =	simm.s32 @!p0 $0x1082;
	s9 =	sld [smem:$0x3FB5]  }
0x2f: {  	lr =	sadd.s32 s0, s3;
	s0 =	sld [smem:$0x3FAC]  }
0x30: {  	s3 =	sld [smem:$0x3FAF]  }
0x31: {  	[smem:$0x3FB8] =	sst s10  }
0x32: {  	s10 =	sld [smem:$0x3FB6];
	_ =	sdelay $0x3  }
0x33: {  	p0 =	seq.s32 s10, $0x1;
	s10 =	sld [smem:$0x3FB8];
	_ =	sdelay $0x3  }
0x34: {  	[smem:$0x3FB8] =	sst s10  }
0x35: {  	s10 =	sld [smem:$0x3FB7];
	_ =	sdelay $0x3  }
0x36: {  	p1 =	seq.s32 s10, $0x1;
	s10 =	sld [smem:$0x3FB8];
	_ =	sdelay $0x3  }
0x37: {  	[smem:$0x3FB8] =	sst s10  }
0x38: {  	s10 =	sld [smem:$0x3FB9]  }
0x39: {  	_ = 	snop;
	(pc) =	sbr.ind lr, $3  }
0x3a: {  	_ = 	snop  }
0x3b: {  	_ = 	snop  }
0x3c: {  	p2 =	seq.s32 s10, $0x1;
	s10 =	sld [smem:$0x3FB8]  }
0x3d: {  	_ =	shalt  }
0x3e: {  	_ =	shalt  }
0x3f: {  	_ =	shalt  }
0x40: {  	_ =	shalt  }
0x41: {  	_ =	shalt  }
0x42: {  	_ =	shalt  }
0x43: {  	_ =	shalt  }
0x44: {  	_ =	shalt  }
0x45: {  	_ =	shalt  }
0x46: {  	_ =	shalt  }
0x47: {  	_ =	shalt  }
0x48: {  	_ =	shalt  }
0x49: {  	_ =	shalt  }
0x4a: {  	_ =	shalt  }
0x4b: {  	_ =	shalt  }
0x4c: {  	_ =	shalt  }
0x4d: {  	_ =	shalt  }
0x4e: {  	_ =	shalt  }
0x4f: {  	_ =	shalt  }
0x50: {  	_ =	shalt  }
0x51: {  	_ =	shalt  }
0x52: {  	_ =	shalt  }
0x53: {  	_ =	shalt  }
0x54: {  	_ =	shalt  }
0x55: {  	_ =	shalt  }
0x56: {  	_ =	shalt  }
0x57: {  	_ =	shalt  }
0x58: {  	_ =	shalt  }
0x59: {  	_ =	shalt  }
0x5a: {  	_ =	shalt  }
0x5b: {  	_ =	shalt  }
0x5c: {  	_ =	shalt  }
0x5d: {  	_ =	shalt  }
0x5e: {  	_ =	shalt  }
0x5f: {  	_ =	shalt  }
0x60: {  	_ =	shalt  }
0x61: {  	_ =	shalt  }
0x62: {  	_ =	shalt  }
0x63: {  	_ =	shalt  }
0x64: {  	_ =	shalt  }
0x65: {  	_ =	shalt  }
0x66: {  	_ =	shalt  }
0x67: {  	_ =	shalt  }
0x68: {  	_ =	shalt  }
0x69: {  	_ =	shalt  }
0x6a: {  	_ =	shalt  }
0x6b: {  	_ =	shalt  }
0x6c: {  	_ =	shalt  }
0x6d: {  	_ =	shalt  }
0x6e: {  	_ =	shalt  }
0x6f: {  	_ =	shalt  }
0x70: {  	_ =	shalt  }
0x71: {  	_ =	shalt  }
0x72: {  	_ =	shalt  }
0x73: {  	_ =	shalt  }
0x74: {  	_ =	shalt  }
0x75: {  	_ =	shalt  }
0x76: {  	_ =	shalt  }
0x77: {  	_ =	shalt  }
0x78: {  	_ =	shalt  }
0x79: {  	_ =	shalt  }
0x7a: {  	_ =	shalt  }
0x7b: {  	_ =	shalt  }
0x7c: {  	_ =	shalt  }
0x7d: {  	_ =	shalt  }
0x7e: {  	_ =	shalt  }
0x7f: {  	_ =	shalt  }
0x80: {  	_ =	shalt  }
0x81: {  	_ =	shalt  }
0x82: {  	_ =	shalt  }
0x83: {  	_ =	shalt  }
0x84: {  	_ =	shalt  }
0x85: {  	_ =	shalt  }
0x86: {  	_ =	shalt  }
0x87: {  	_ =	shalt  }
.Lfunc_end0:
.L_simem_size_0:
called_computation_lowered:
.L_overlay_start_0:
0x88: {  	s2 =	sld [smem:$0x3FD9]  }
0x89: {  	s3 =	sld [smem:$0x3FFE];
	_ =	sdelay $0x1  }
0x8a: {  	s1 =	srdreg.scid  }
0x8b: {  	s0 =	sand.u32 $0x1, s1  }
0x8c: {  	s15 =	sshll.u32 s0, $0xA;
	s2 =	sadd.s32 s3, s2  }
0x8d: {  	s2 =	sadd.s32 s2, s15  }
0x8e: {  	[smem:$0x3FC4] =	sst s2  }
0x8f: {  	_ = 	snop  }
0x90: {  	s2 =	sld [smem:$0x3FD0];
	_ =	sdelay $0x2  }
0x91: {  	s16 =	simm.s32 $0xA;
	s4 =	simm.s32 $0x10  }
0x92: {  	[smem:s4], [sflag:s16] =	dma.local [hbm:s2], $0x1  }
0x93: {  	_ =	swait.eq [sflag:s16], $0x1  }
0x94: {  	s17 =	sld [smem:$0x10]  }
0x95: {  	s18 =	sld [smem:$0x11];
	[sflag:s16] =	ssyncset.done $0x0  }
0x96: {  	s5 =	sld [smem:$0x12];
	[sflag:s16] =	ssyncadd.s32 $0xFFFFFFFF  }
0x97: {  	s19 =	sld [smem:$0x13];
	(tm) =	ssettm $0x1  }
0x98: {  	s6 =	sld [smem:$0x3FFB];
	_ =	sdelay $0x3  }
0x99: {  	_ =	strace s6  }
0x9a: {  	s6 =	sld [smem:$0x3FFC];
	_ =	sdelay $0x3  }
0x9b: {  	_ =	strace s6  }
0x9c: {  	s6 =	sld [smem:$0x3FFD];
	_ =	sdelay $0x3  }
0x9d: {  	_ =	strace s6  }
0x9e: {  	_ =	strace $0x8FFFFFFF  }
0x9f: {  	s20 =	sld [smem:$0x3FDB];
	_ =	sdelay $0x1  }
0xa0: {  	s7 =	simm.s32 $_scs_section_size  }
0xa1: {  	s8 =	simm.s32 $_size__tile_overlayer_lowered;
	s9 =	simm.s32 $_tile_overlayer_lowered  }
0xa2: {  	s23 =	simm.s32 $0x1BFF;
	s22 =	sshll.u32 s9, $0x1;
	s6 =	sadd.s32 s7, s20  }
0xa3: {  	s10 =	simm.s32 $0x0;
	s21 =	sshll.u32 s8, $0x1;
	s8 =	sadd.s32 s22, s6  }
0xa4: {  	[timem:s10], [sflag:s23] =	dma.local [hbm:s8], s21  }
0xa5: {  	_ =	swait.ge [sflag:s23], s21  }
0xa6: {  	s7 =	ssub.s32 $0x0, s21;
	[sflag:s23] =	ssyncset.done $0x0  }
0xa7: {  	[sflag:s23] =	ssyncadd.s32 s7;
	_ =	sdelay $0x1  }
0xa8: {  	s24 =	simm.s32 $0x1B8B  }
0xa9: {  	_ =	swait.ge [sflag:s24], $0x1  }
0xaa: {  	[sflag:s24] =	ssyncset.done $0x0  }
0xab: {  	s25 =	simm.s32 $0x1B8E;
	[sflag:s24] =	ssyncadd.s32 $0xFFFFFFFF  }
0xac: {  	s26 =	simm.s32 $execute0_lowered;
	[smem:$0x3FD2] =	sst s25  }
0xad: {  	s7 =	sshll.u32 s26, $0x1;
	_ =	strace $0x80000046;
	[dreg:$0x1] =	wrdreg $0xFFFFFFFF  }
0xae: {  	s28 =	simm.s32 $_size_execute0_lowered;
	s6 =	sadd.s32 s6, s7;
	[dreg:$0x0] =	wrdreg $0x0  }
0xaf: {  	s7 =	sshll.u32 s28, $0x1;
	[dreg:$0x2] =	wrdreg s6  }
0xb0: {  	[dreg:$0x3] =	wrdreg s7  }
0xb1: {  	[dreg:$0x4] =	wrdreg $0xC0  }
0xb2: {  	_ =	task [dreg:s10], $0x5FFFF  }
0xb3: {  	[dreg:$0x1] =	wrdreg $0xFFFFFFFF  }
0xb4: {  	[dreg:$0x0] =	wrdreg $0x60  }
0xb5: {  	[dreg:$0x2] =	wrdreg s18  }
0xb6: {  	[dreg:$0x3] =	wrdreg s5  }
0xb7: {  	[dreg:$0x4] =	wrdreg s19  }
0xb8: {  	[dreg:$0x5] =	wrdreg s17  }
0xb9: {  	[dreg:$0x6] =	wrdreg $0x9  }
0xba: {  	_ =	task.clear_ibuf [dreg:s10], $0x7FFFF;
	_ =	strace $0x90000046  }
0xbb: {  	s29 =	simm.s32 $0x9;
	_ =	strace $0x80000048  }
0xbc: {  	_ =	swait.ge [sflag:s29], $0x1  }
0xbd: {  	[sflag:s29] =	ssyncadd.s32 $0xFFFFFFFF  }
0xbe: {  	_ =	strace $0x90000048  }
0xbf: {  	_ =	sfence  }
0xc0: {  	s30 =	sld [smem:$0x0];
	_ =	sdelay $0x2  }
0xc1: {  	s31 =	sshll.u32 s1, $0xD;
	s1 =	sshrl.u32 s1, $0x2  }
0xc2: {  	s3 =	sand.u32 $0x4000, s31;
	s1 =	sadd.s32 s1, s30  }
0xc3: {  	s0 =	sor.u32 s3, s0;
	s1 =	sshll.u32 s1, $0x11  }
0xc4: {  	s0 =	sor.u32 s1, s0  }
0xc5: {  	s0 =	sadd.s32 $0x8F2B, s0  }
0xc6: {  	[sflag:s0] =	ssyncadd.remote.s32 $0x1  }
0xc7: {  	_ =	sfence.sel $0xFFFF  }
0xc8: {  	[dreg:$0x0] =	wrdreg $0xFFFFFFFF;
	(pc) =	sbr.abs _section_cstart, $3  }
0xc9: {  	[dreg:$0x1] =	wrdreg $0xFFFFFFFF  }
0xca: {  	_ =	task.clear_ibuf [dreg:s10], $0x2FFFF;
	_ =	strace $0x9FFFFFFF  }
0xcb: {  	(tm) =	ssettm $0x7FFFFFFF  }
tec
execute0_lowered:
.L_overlay_start_1:
0x0: {  	(tag) =	ssettag $0x1  }
0x1: {  	s1 =	stileid.u32  }
0x2: {  	s4 =	rddreg [dreg:$0x0];
	p0 =	sgt.u32 s1, $0x3  }
.Ltmp0:
0x3: {  	s5 =	rddreg [dreg:$0x1];
	(pc) =	sbr.rel @p0 .LBB2_3-.Ltmp0, $4  }
0x4: {  	s2 =	rddreg [dreg:$0x2]  }
0x5: {  	s6 =	rddreg [dreg:$0x3];
	s3 =	simm.s32 $0x0  }
0x6: {  	[smem:$0x7FF] =	sst s3  }
0x7: {  	s0 =	rddreg [dreg:$0x4];
	_ =	strace $0x80000047  }
0x8: {  	s7 =	srdreg.scid  }
0x9: {  	s8 =	sshll.u32 s1, $0x1;
	s7 =	sand.u32 $0x1, s7  }
0xa: {  	s8 =	sor.u32 s7, s8  }
0xb: {  	s7 =	ssub.s32 $0x2, s7;
	s9 =	smul.u32 $0x140, s8  }
0xc: {  	s8 =	smul.u32 $0x1068, s8;
	s10 =	sshrl.u32 s7, $0x1  }
0xd: {  	s7 =	ssub.s32 s7, s10;
	s10 =	simm.s32 $0x8D80  }
0xe: {  	s4 =	sadd.s32 s4, s9;
	s5 =	sadd.s32 s5, s9;
	s6 =	sadd.s32 s6, s8  }
0xf: {  	s7 =	smax.u32 s7, $0x1;
	s8 =	simm.s32 $0x1;
	s9 =	simm.s32 $0x8380  }
.LBB2_2:
0x10: {  	[tilespmem:s3], [sflag:$0x1] =	stream.linear.gather [hbm4b:s2+s3], $0x8380, $0x38;
	[tilespmem:$0x9780] =	vst v63  }
0x11: {  	_ =	swait.ge [sflag:s8], $0x8380  }
0x12: {  	[sflag:s8] =	ssyncset.done $0x0  }
0x13: {  	[sflag:s8] =	ssyncadd.s32 $0xFFFF7C80  }
0x14: {  	[tilespmem:s9], [sflag:$0x1] =	stream.linear.gather [hbm4b:s4+s3], $0xA00, $0x38;
	[tilespmem:$0x9780] =	vst v63  }
0x15: {  	_ =	swait.ge [sflag:s8], $0xA00  }
0x16: {  	[sflag:s8] =	ssyncset.done $0x0  }
0x17: {  	[sflag:s8] =	ssyncadd.s32 $0xFFFFF600  }
0x18: {  	[tilespmem:s10], [sflag:$0x1] =	stream.linear.gather [hbm4b:s5+s3], $0xA00, $0x38;
	[tilespmem:$0x9780] =	vst v63  }
0x19: {  	_ =	swait.ge [sflag:s8], $0xA00  }
0x1a: {  	[sflag:s8] =	ssyncset.done $0x0  }
0x1b: {  	[sflag:s8] =	ssyncadd.s32 $0xFFFFF600  }
0x1c: {  	v0 =	vld [tilespmem:$0x8D80];
	_ =	sdelay $0x2  }
0x1d: {  	v1 =	vld [tilespmem:$0x8380];
	_ =	sdelay $0x1  }
0x1e: {  	vm0 =	vne.s32 v0, $0x0;
	_ =	sdelay $0x5  }
0x1f: {  	[tilespmem:v1+s3+$0x0] =	vst.idx.add.s32.msk vm0, v0  }
0x20: {  	v0 =	vld [tilespmem:$0x8D90];
	_ =	sdelay $0x2  }
0x21: {  	v1 =	vld [tilespmem:$0x8390];
	_ =	sdelay $0x1  }
0x22: {  	vm13 =	vne.s32 v0, $0x0;
	_ =	sdelay $0x5  }
0x23: {  	[tilespmem:v1+s3+$0x0] =	vst.idx.add.s32.msk vm13, v0  }
0x24: {  	v0 =	vld [tilespmem:$0x8DA0];
	_ =	sdelay $0x2  }
0x25: {  	v1 =	vld [tilespmem:$0x83A0];
	_ =	sdelay $0x1  }
0x26: {  	vm14 =	vne.s32 v0, $0x0;
	_ =	sdelay $0x5  }
0x27: {  	[tilespmem:v1+s3+$0x0] =	vst.idx.add.s32.msk vm14, v0  }
0x28: {  	v0 =	vld [tilespmem:$0x8DB0];
	_ =	sdelay $0x2  }
0x29: {  	v1 =	vld [tilespmem:$0x83B0];
	_ =	sdelay $0x1  }
0x2a: {  	vm15 =	vne.s32 v0, $0x0;
	_ =	sdelay $0x5  }
0x2b: {  	[tilespmem:v1+s3+$0x0] =	vst.idx.add.s32.msk vm15, v0  }
0x2c: {  	v0 =	vld [tilespmem:$0x8DC0];
	_ =	sdelay $0x2  }
0x2d: {  	v1 =	vld [tilespmem:$0x83C0];
	_ =	sdelay $0x1  }
0x2e: {  	vm4 =	vne.s32 v0, $0x0;
	_ =	sdelay $0x5  }
0x2f: {  	[tilespmem:v1+s3+$0x0] =	vst.idx.add.s32.msk vm4, v0  }
0x30: {  	v0 =	vld [tilespmem:$0x8DD0];
	_ =	sdelay $0x2  }
0x31: {  	v1 =	vld [tilespmem:$0x83D0];
	_ =	sdelay $0x1  }
0x32: {  	vm5 =	vne.s32 v0, $0x0;
	_ =	sdelay $0x5  }
0x33: {  	[tilespmem:v1+s3+$0x0] =	vst.idx.add.s32.msk vm5, v0  }
0x34: {  	v0 =	vld [tilespmem:$0x8DE0];
	_ =	sdelay $0x2  }
0x35: {  	v1 =	vld [tilespmem:$0x83E0];
	_ =	sdelay $0x1  }
0x36: {  	vm6 =	vne.s32 v0, $0x0;
	_ =	sdelay $0x5  }
0x37: {  	[tilespmem:v1+s3+$0x0] =	vst.idx.add.s32.msk vm6, v0  }
0x38: {  	v0 =	vld [tilespmem:$0x8DF0];
	_ =	sdelay $0x2  }
0x39: {  	v1 =	vld [tilespmem:$0x83F0];
	_ =	sdelay $0x1  }
0x3a: {  	vm7 =	vne.s32 v0, $0x0;
	_ =	sdelay $0x5  }
0x3b: {  	[tilespmem:v1+s3+$0x0] =	vst.idx.add.s32.msk vm7, v0  }
0x3c: {  	v0 =	vld [tilespmem:$0x8E00];
	_ =	sdelay $0x2  }
0x3d: {  	v1 =	vld [tilespmem:$0x8400];
	_ =	sdelay $0x1  }
0x3e: {  	vm8 =	vne.s32 v0, $0x0;
	_ =	sdelay $0x5  }
0x3f: {  	[tilespmem:v1+s3+$0x0] =	vst.idx.add.s32.msk vm8, v0  }
0x40: {  	v0 =	vld [tilespmem:$0x8E10];
	_ =	sdelay $0x2  }
0x41: {  	v1 =	vld [tilespmem:$0x8410];
	_ =	sdelay $0x1  }
0x42: {  	vm9 =	vne.s32 v0, $0x0;
	_ =	sdelay $0x5  }
0x43: {  	[tilespmem:v1+s3+$0x0] =	vst.idx.add.s32.msk vm9, v0  }
0x44: {  	v0 =	vld [tilespmem:$0x8E20];
	_ =	sdelay $0x2  }
0x45: {  	v1 =	vld [tilespmem:$0x8420];
	_ =	sdelay $0x1  }
0x46: {  	vm10 =	vne.s32 v0, $0x0;
	_ =	sdelay $0x5  }
0x47: {  	[tilespmem:v1+s3+$0x0] =	vst.idx.add.s32.msk vm10, v0  }
0x48: {  	v0 =	vld [tilespmem:$0x8E30];
	_ =	sdelay $0x2  }
0x49: {  	v1 =	vld [tilespmem:$0x8430];
	_ =	sdelay $0x1  }
0x4a: {  	vm11 =	vne.s32 v0, $0x0;
	_ =	sdelay $0x5  }
0x4b: {  	[tilespmem:v1+s3+$0x0] =	vst.idx.add.s32.msk vm11, v0  }
0x4c: {  	v0 =	vld [tilespmem:$0x8E40];
	_ =	sdelay $0x2  }
0x4d: {  	v1 =	vld [tilespmem:$0x8440];
	_ =	sdelay $0x1  }
0x4e: {  	vm12 =	vne.s32 v0, $0x0;
	_ =	sdelay $0x5  }
0x4f: {  	[tilespmem:v1+s3+$0x0] =	vst.idx.add.s32.msk vm12, v0  }
0x50: {  	v0 =	vld [tilespmem:$0x8E50];
	_ =	sdelay $0x2  }
0x51: {  	v1 =	vld [tilespmem:$0x8450];
	_ =	sdelay $0x1  }
0x52: {  	vm13 =	vne.s32 v0, $0x0;
	_ =	sdelay $0x5  }
0x53: {  	[tilespmem:v1+s3+$0x0] =	vst.idx.add.s32.msk vm13, v0  }
0x54: {  	v0 =	vld [tilespmem:$0x8E60];
	_ =	sdelay $0x2  }
0x55: {  	v1 =	vld [tilespmem:$0x8460];
	_ =	sdelay $0x1  }
0x56: {  	vm14 =	vne.s32 v0, $0x0;
	_ =	sdelay $0x5  }
0x57: {  	[tilespmem:v1+s3+$0x0] =	vst.idx.add.s32.msk vm14, v0  }
0x58: {  	v0 =	vld [tilespmem:$0x8E70];
	_ =	sdelay $0x2  }
0x59: {  	v1 =	vld [tilespmem:$0x8470];
	_ =	sdelay $0x1  }
0x5a: {  	vm15 =	vne.s32 v0, $0x0;
	_ =	sdelay $0x5  }
0x5b: {  	[tilespmem:v1+s3+$0x0] =	vst.idx.add.s32.msk vm15, v0  }
0x5c: {  	v0 =	vld [tilespmem:$0x8E80];
	_ =	sdelay $0x2  }
0x5d: {  	v1 =	vld [tilespmem:$0x8480];
	_ =	sdelay $0x1  }
0x5e: {  	vm4 =	vne.s32 v0, $0x0;
	_ =	sdelay $0x5  }
0x5f: {  	[tilespmem:v1+s3+$0x0] =	vst.idx.add.s32.msk vm4, v0  }
0x60: {  	v0 =	vld [tilespmem:$0x8E90];
	_ =	sdelay $0x2  }
0x61: {  	v1 =	vld [tilespmem:$0x8490];
	_ =	sdelay $0x1  }
0x62: {  	vm5 =	vne.s32 v0, $0x0;
	_ =	sdelay $0x5  }
0x63: {  	[tilespmem:v1+s3+$0x0] =	vst.idx.add.s32.msk vm5, v0  }
0x64: {  	v0 =	vld [tilespmem:$0x8EA0];
	_ =	sdelay $0x2  }
0x65: {  	v1 =	vld [tilespmem:$0x84A0];
	_ =	sdelay $0x1  }
0x66: {  	vm6 =	vne.s32 v0, $0x0;
	_ =	sdelay $0x5  }
0x67: {  	[tilespmem:v1+s3+$0x0] =	vst.idx.add.s32.msk vm6, v0  }
0x68: {  	v0 =	vld [tilespmem:$0x8EB0];
	_ =	sdelay $0x2  }
0x69: {  	v1 =	vld [tilespmem:$0x84B0];
	_ =	sdelay $0x1  }
0x6a: {  	vm7 =	vne.s32 v0, $0x0;
	_ =	sdelay $0x5  }
0x6b: {  	[tilespmem:v1+s3+$0x0] =	vst.idx.add.s32.msk vm7, v0  }
0x6c: {  	v0 =	vld [tilespmem:$0x8EC0];
	_ =	sdelay $0x2  }
0x6d: {  	v1 =	vld [tilespmem:$0x84C0];
	_ =	sdelay $0x1  }
0x6e: {  	vm8 =	vne.s32 v0, $0x0;
	_ =	sdelay $0x5  }
0x6f: {  	[tilespmem:v1+s3+$0x0] =	vst.idx.add.s32.msk vm8, v0  }
0x70: {  	v0 =	vld [tilespmem:$0x8ED0];
	_ =	sdelay $0x2  }
0x71: {  	v1 =	vld [tilespmem:$0x84D0];
	_ =	sdelay $0x1  }
0x72: {  	vm9 =	vne.s32 v0, $0x0;
	_ =	sdelay $0x5  }
0x73: {  	[tilespmem:v1+s3+$0x0] =	vst.idx.add.s32.msk vm9, v0  }
0x74: {  	v0 =	vld [tilespmem:$0x8EE0];
	_ =	sdelay $0x2  }
0x75: {  	v1 =	vld [tilespmem:$0x84E0];
	_ =	sdelay $0x1  }
0x76: {  	vm10 =	vne.s32 v0, $0x0;
	_ =	sdelay $0x5  }
0x77: {  	[tilespmem:v1+s3+$0x0] =	vst.idx.add.s32.msk vm10, v0  }
0x78: {  	v0 =	vld [tilespmem:$0x8EF0];
	_ =	sdelay $0x2  }
0x79: {  	v1 =	vld [tilespmem:$0x84F0];
	_ =	sdelay $0x1  }
0x7a: {  	vm11 =	vne.s32 v0, $0x0;
	_ =	sdelay $0x5  }
0x7b: {  	[tilespmem:v1+s3+$0x0] =	vst.idx.add.s32.msk vm11, v0  }
0x7c: {  	v0 =	vld [tilespmem:$0x8F00];
	_ =	sdelay $0x2  }
0x7d: {  	v1 =	vld [tilespmem:$0x8500];
	_ =	sdelay $0x1  }
0x7e: {  	vm12 =	vne.s32 v0, $0x0;
	_ =	sdelay $0x5  }
0x7f: {  	[tilespmem:v1+s3+$0x0] =	vst.idx.add.s32.msk vm12, v0  }
0x80: {  	v0 =	vld [tilespmem:$0x8F10];
	_ =	sdelay $0x2  }
0x81: {  	v1 =	vld [tilespmem:$0x8510];
	_ =	sdelay $0x1  }
0x82: {  	vm13 =	vne.s32 v0, $0x0;
	_ =	sdelay $0x5  }
0x83: {  	[tilespmem:v1+s3+$0x0] =	vst.idx.add.s32.msk vm13, v0  }
0x84: {  	v0 =	vld [tilespmem:$0x8F20];
	_ =	sdelay $0x2  }
0x85: {  	v1 =	vld [tilespmem:$0x8520];
	_ =	sdelay $0x1  }
0x86: {  	vm14 =	vne.s32 v0, $0x0;
	_ =	sdelay $0x5  }
0x87: {  	[tilespmem:v1+s3+$0x0] =	vst.idx.add.s32.msk vm14, v0  }
0x88: {  	v0 =	vld [tilespmem:$0x8F30];
	_ =	sdelay $0x2  }
0x89: {  	v1 =	vld [tilespmem:$0x8530];
	_ =	sdelay $0x1  }
0x8a: {  	vm15 =	vne.s32 v0, $0x0;
	_ =	sdelay $0x5  }
0x8b: {  	[tilespmem:v1+s3+$0x0] =	vst.idx.add.s32.msk vm15, v0  }
0x8c: {  	v0 =	vld [tilespmem:$0x8F40];
	_ =	sdelay $0x2  }
0x8d: {  	v1 =	vld [tilespmem:$0x8540];
	_ =	sdelay $0x1  }
0x8e: {  	vm4 =	vne.s32 v0, $0x0;
	_ =	sdelay $0x5  }
0x8f: {  	[tilespmem:v1+s3+$0x0] =	vst.idx.add.s32.msk vm4, v0  }
0x90: {  	v0 =	vld [tilespmem:$0x8F50];
	_ =	sdelay $0x2  }
0x91: {  	v1 =	vld [tilespmem:$0x8550];
	_ =	sdelay $0x1  }
0x92: {  	vm5 =	vne.s32 v0, $0x0;
	_ =	sdelay $0x5  }
0x93: {  	[tilespmem:v1+s3+$0x0] =	vst.idx.add.s32.msk vm5, v0  }
0x94: {  	v0 =	vld [tilespmem:$0x8F60];
	_ =	sdelay $0x2  }
0x95: {  	v1 =	vld [tilespmem:$0x8560];
	_ =	sdelay $0x1  }
0x96: {  	vm6 =	vne.s32 v0, $0x0;
	_ =	sdelay $0x5  }
0x97: {  	[tilespmem:v1+s3+$0x0] =	vst.idx.add.s32.msk vm6, v0  }
0x98: {  	v0 =	vld [tilespmem:$0x8F70];
	_ =	sdelay $0x2  }
0x99: {  	v1 =	vld [tilespmem:$0x8570];
	_ =	sdelay $0x1  }
0x9a: {  	vm7 =	vne.s32 v0, $0x0;
	_ =	sdelay $0x5  }
0x9b: {  	[tilespmem:v1+s3+$0x0] =	vst.idx.add.s32.msk vm7, v0  }
0x9c: {  	v0 =	vld [tilespmem:$0x8F80];
	_ =	sdelay $0x2  }
0x9d: {  	v1 =	vld [tilespmem:$0x8580];
	_ =	sdelay $0x1  }
0x9e: {  	vm8 =	vne.s32 v0, $0x0;
	_ =	sdelay $0x5  }
0x9f: {  	[tilespmem:v1+s3+$0x0] =	vst.idx.add.s32.msk vm8, v0  }
0xa0: {  	v0 =	vld [tilespmem:$0x8F90];
	_ =	sdelay $0x2  }
0xa1: {  	v1 =	vld [tilespmem:$0x8590];
	_ =	sdelay $0x1  }
0xa2: {  	vm9 =	vne.s32 v0, $0x0;
	_ =	sdelay $0x5  }
0xa3: {  	[tilespmem:v1+s3+$0x0] =	vst.idx.add.s32.msk vm9, v0  }
0xa4: {  	v0 =	vld [tilespmem:$0x8FA0];
	_ =	sdelay $0x2  }
0xa5: {  	v1 =	vld [tilespmem:$0x85A0];
	_ =	sdelay $0x1  }
0xa6: {  	vm10 =	vne.s32 v0, $0x0;
	_ =	sdelay $0x5  }
0xa7: {  	[tilespmem:v1+s3+$0x0] =	vst.idx.add.s32.msk vm10, v0  }
0xa8: {  	v0 =	vld [tilespmem:$0x8FB0];
	_ =	sdelay $0x2  }
0xa9: {  	v1 =	vld [tilespmem:$0x85B0];
	_ =	sdelay $0x1  }
0xaa: {  	vm11 =	vne.s32 v0, $0x0;
	_ =	sdelay $0x5  }
0xab: {  	[tilespmem:v1+s3+$0x0] =	vst.idx.add.s32.msk vm11, v0  }
0xac: {  	v0 =	vld [tilespmem:$0x8FC0];
	_ =	sdelay $0x2  }
0xad: {  	v1 =	vld [tilespmem:$0x85C0];
	_ =	sdelay $0x1  }
0xae: {  	vm12 =	vne.s32 v0, $0x0;
	_ =	sdelay $0x5  }
0xaf: {  	[tilespmem:v1+s3+$0x0] =	vst.idx.add.s32.msk vm12, v0  }
0xb0: {  	v0 =	vld [tilespmem:$0x8FD0];
	_ =	sdelay $0x2  }
0xb1: {  	v1 =	vld [tilespmem:$0x85D0];
	_ =	sdelay $0x1  }
0xb2: {  	vm13 =	vne.s32 v0, $0x0;
	_ =	sdelay $0x5  }
0xb3: {  	[tilespmem:v1+s3+$0x0] =	vst.idx.add.s32.msk vm13, v0  }
0xb4: {  	v0 =	vld [tilespmem:$0x8FE0];
	_ =	sdelay $0x2  }
0xb5: {  	v1 =	vld [tilespmem:$0x85E0];
	_ =	sdelay $0x1  }
0xb6: {  	vm14 =	vne.s32 v0, $0x0;
	_ =	sdelay $0x5  }
0xb7: {  	[tilespmem:v1+s3+$0x0] =	vst.idx.add.s32.msk vm14, v0  }
0xb8: {  	v0 =	vld [tilespmem:$0x8FF0];
	_ =	sdelay $0x2  }
0xb9: {  	v1 =	vld [tilespmem:$0x85F0];
	_ =	sdelay $0x1  }
0xba: {  	vm15 =	vne.s32 v0, $0x0;
	_ =	sdelay $0x5  }
0xbb: {  	[tilespmem:v1+s3+$0x0] =	vst.idx.add.s32.msk vm15, v0  }
0xbc: {  	v0 =	vld [tilespmem:$0x9000];
	_ =	sdelay $0x2  }
0xbd: {  	v1 =	vld [tilespmem:$0x8600];
	_ =	sdelay $0x1  }
0xbe: {  	vm4 =	vne.s32 v0, $0x0;
	_ =	sdelay $0x5  }
0xbf: {  	[tilespmem:v1+s3+$0x0] =	vst.idx.add.s32.msk vm4, v0  }
0xc0: {  	v0 =	vld [tilespmem:$0x9010];
	_ =	sdelay $0x2  }
0xc1: {  	v1 =	vld [tilespmem:$0x8610];
	_ =	sdelay $0x1  }
0xc2: {  	vm5 =	vne.s32 v0, $0x0;
	_ =	sdelay $0x5  }
0xc3: {  	[tilespmem:v1+s3+$0x0] =	vst.idx.add.s32.msk vm5, v0  }
0xc4: {  	v0 =	vld [tilespmem:$0x9020];
	_ =	sdelay $0x2  }
0xc5: {  	v1 =	vld [tilespmem:$0x8620];
	_ =	sdelay $0x1  }
0xc6: {  	vm6 =	vne.s32 v0, $0x0;
	_ =	sdelay $0x5  }
0xc7: {  	[tilespmem:v1+s3+$0x0] =	vst.idx.add.s32.msk vm6, v0  }
0xc8: {  	v0 =	vld [tilespmem:$0x9030];
	_ =	sdelay $0x2  }
0xc9: {  	v1 =	vld [tilespmem:$0x8630];
	_ =	sdelay $0x1  }
0xca: {  	vm7 =	vne.s32 v0, $0x0;
	_ =	sdelay $0x5  }
0xcb: {  	[tilespmem:v1+s3+$0x0] =	vst.idx.add.s32.msk vm7, v0  }
0xcc: {  	v0 =	vld [tilespmem:$0x9040];
	_ =	sdelay $0x2  }
0xcd: {  	v1 =	vld [tilespmem:$0x8640];
	_ =	sdelay $0x1  }
0xce: {  	vm8 =	vne.s32 v0, $0x0;
	_ =	sdelay $0x5  }
0xcf: {  	[tilespmem:v1+s3+$0x0] =	vst.idx.add.s32.msk vm8, v0  }
0xd0: {  	v0 =	vld [tilespmem:$0x9050];
	_ =	sdelay $0x2  }
0xd1: {  	v1 =	vld [tilespmem:$0x8650];
	_ =	sdelay $0x1  }
0xd2: {  	vm9 =	vne.s32 v0, $0x0;
	_ =	sdelay $0x5  }
0xd3: {  	[tilespmem:v1+s3+$0x0] =	vst.idx.add.s32.msk vm9, v0  }
0xd4: {  	v0 =	vld [tilespmem:$0x9060];
	_ =	sdelay $0x2  }
0xd5: {  	v1 =	vld [tilespmem:$0x8660];
	_ =	sdelay $0x1  }
0xd6: {  	vm10 =	vne.s32 v0, $0x0;
	_ =	sdelay $0x5  }
0xd7: {  	[tilespmem:v1+s3+$0x0] =	vst.idx.add.s32.msk vm10, v0  }
0xd8: {  	v0 =	vld [tilespmem:$0x9070];
	_ =	sdelay $0x2  }
0xd9: {  	v1 =	vld [tilespmem:$0x8670];
	_ =	sdelay $0x1  }
0xda: {  	vm11 =	vne.s32 v0, $0x0;
	_ =	sdelay $0x5  }
0xdb: {  	[tilespmem:v1+s3+$0x0] =	vst.idx.add.s32.msk vm11, v0  }
0xdc: {  	v0 =	vld [tilespmem:$0x9080];
	_ =	sdelay $0x2  }
0xdd: {  	v1 =	vld [tilespmem:$0x8680];
	_ =	sdelay $0x1  }
0xde: {  	vm12 =	vne.s32 v0, $0x0;
	_ =	sdelay $0x5  }
0xdf: {  	[tilespmem:v1+s3+$0x0] =	vst.idx.add.s32.msk vm12, v0  }
0xe0: {  	v0 =	vld [tilespmem:$0x9090];
	_ =	sdelay $0x2  }
0xe1: {  	v1 =	vld [tilespmem:$0x8690];
	_ =	sdelay $0x1  }
0xe2: {  	vm13 =	vne.s32 v0, $0x0;
	_ =	sdelay $0x5  }
0xe3: {  	[tilespmem:v1+s3+$0x0] =	vst.idx.add.s32.msk vm13, v0  }
0xe4: {  	v0 =	vld [tilespmem:$0x90A0];
	_ =	sdelay $0x2  }
0xe5: {  	v1 =	vld [tilespmem:$0x86A0];
	_ =	sdelay $0x1  }
0xe6: {  	vm14 =	vne.s32 v0, $0x0;
	_ =	sdelay $0x5  }
0xe7: {  	[tilespmem:v1+s3+$0x0] =	vst.idx.add.s32.msk vm14, v0  }
0xe8: {  	v0 =	vld [tilespmem:$0x90B0];
	_ =	sdelay $0x2  }
0xe9: {  	v1 =	vld [tilespmem:$0x86B0];
	_ =	sdelay $0x1  }
0xea: {  	vm15 =	vne.s32 v0, $0x0;
	_ =	sdelay $0x5  }
0xeb: {  	[tilespmem:v1+s3+$0x0] =	vst.idx.add.s32.msk vm15, v0  }
0xec: {  	v0 =	vld [tilespmem:$0x90C0];
	_ =	sdelay $0x2  }
0xed: {  	v1 =	vld [tilespmem:$0x86C0];
	_ =	sdelay $0x1  }
0xee: {  	vm4 =	vne.s32 v0, $0x0;
	_ =	sdelay $0x5  }
0xef: {  	[tilespmem:v1+s3+$0x0] =	vst.idx.add.s32.msk vm4, v0  }
0xf0: {  	v0 =	vld [tilespmem:$0x90D0];
	_ =	sdelay $0x2  }
0xf1: {  	v1 =	vld [tilespmem:$0x86D0];
	_ =	sdelay $0x1  }
0xf2: {  	vm5 =	vne.s32 v0, $0x0;
	_ =	sdelay $0x5  }
0xf3: {  	[tilespmem:v1+s3+$0x0] =	vst.idx.add.s32.msk vm5, v0  }
0xf4: {  	v0 =	vld [tilespmem:$0x90E0];
	_ =	sdelay $0x2  }
0xf5: {  	v1 =	vld [tilespmem:$0x86E0];
	_ =	sdelay $0x1  }
0xf6: {  	vm6 =	vne.s32 v0, $0x0;
	_ =	sdelay $0x5  }
0xf7: {  	[tilespmem:v1+s3+$0x0] =	vst.idx.add.s32.msk vm6, v0  }
0xf8: {  	v0 =	vld [tilespmem:$0x90F0];
	_ =	sdelay $0x2  }
0xf9: {  	v1 =	vld [tilespmem:$0x86F0];
	_ =	sdelay $0x1  }
0xfa: {  	vm7 =	vne.s32 v0, $0x0;
	_ =	sdelay $0x5  }
0xfb: {  	[tilespmem:v1+s3+$0x0] =	vst.idx.add.s32.msk vm7, v0  }
0xfc: {  	v0 =	vld [tilespmem:$0x9100];
	_ =	sdelay $0x2  }
0xfd: {  	v1 =	vld [tilespmem:$0x8700];
	_ =	sdelay $0x1  }
0xfe: {  	vm8 =	vne.s32 v0, $0x0;
	_ =	sdelay $0x5  }
0xff: {  	[tilespmem:v1+s3+$0x0] =	vst.idx.add.s32.msk vm8, v0  }
0x100: {  	v0 =	vld [tilespmem:$0x9110];
	_ =	sdelay $0x2  }
0x101: {  	v1 =	vld [tilespmem:$0x8710];
	_ =	sdelay $0x1  }
0x102: {  	vm9 =	vne.s32 v0, $0x0;
	_ =	sdelay $0x5  }
0x103: {  	[tilespmem:v1+s3+$0x0] =	vst.idx.add.s32.msk vm9, v0  }
0x104: {  	v0 =	vld [tilespmem:$0x9120];
	_ =	sdelay $0x2  }
0x105: {  	v1 =	vld [tilespmem:$0x8720];
	_ =	sdelay $0x1  }
0x106: {  	vm10 =	vne.s32 v0, $0x0;
	_ =	sdelay $0x5  }
0x107: {  	[tilespmem:v1+s3+$0x0] =	vst.idx.add.s32.msk vm10, v0  }
0x108: {  	v0 =	vld [tilespmem:$0x9130];
	_ =	sdelay $0x2  }
0x109: {  	v1 =	vld [tilespmem:$0x8730];
	_ =	sdelay $0x1  }
0x10a: {  	vm11 =	vne.s32 v0, $0x0;
	_ =	sdelay $0x5  }
0x10b: {  	[tilespmem:v1+s3+$0x0] =	vst.idx.add.s32.msk vm11, v0  }
0x10c: {  	v0 =	vld [tilespmem:$0x9140];
	_ =	sdelay $0x2  }
0x10d: {  	v1 =	vld [tilespmem:$0x8740];
	_ =	sdelay $0x1  }
0x10e: {  	vm12 =	vne.s32 v0, $0x0;
	_ =	sdelay $0x5  }
0x10f: {  	[tilespmem:v1+s3+$0x0] =	vst.idx.add.s32.msk vm12, v0  }
0x110: {  	v0 =	vld [tilespmem:$0x9150];
	_ =	sdelay $0x2  }
0x111: {  	v1 =	vld [tilespmem:$0x8750];
	_ =	sdelay $0x1  }
0x112: {  	vm13 =	vne.s32 v0, $0x0;
	_ =	sdelay $0x5  }
0x113: {  	[tilespmem:v1+s3+$0x0] =	vst.idx.add.s32.msk vm13, v0  }
0x114: {  	v0 =	vld [tilespmem:$0x9160];
	_ =	sdelay $0x2  }
0x115: {  	v1 =	vld [tilespmem:$0x8760];
	_ =	sdelay $0x1  }
0x116: {  	vm14 =	vne.s32 v0, $0x0;
	_ =	sdelay $0x5  }
0x117: {  	[tilespmem:v1+s3+$0x0] =	vst.idx.add.s32.msk vm14, v0  }
0x118: {  	v0 =	vld [tilespmem:$0x9170];
	_ =	sdelay $0x2  }
0x119: {  	v1 =	vld [tilespmem:$0x8770];
	_ =	sdelay $0x1  }
0x11a: {  	vm15 =	vne.s32 v0, $0x0;
	_ =	sdelay $0x5  }
0x11b: {  	[tilespmem:v1+s3+$0x0] =	vst.idx.add.s32.msk vm15, v0  }
0x11c: {  	v0 =	vld [tilespmem:$0x9180];
	_ =	sdelay $0x2  }
0x11d: {  	v1 =	vld [tilespmem:$0x8780];
	_ =	sdelay $0x1  }
0x11e: {  	vm4 =	vne.s32 v0, $0x0;
	_ =	sdelay $0x5  }
0x11f: {  	[tilespmem:v1+s3+$0x0] =	vst.idx.add.s32.msk vm4, v0  }
0x120: {  	v0 =	vld [tilespmem:$0x9190];
	_ =	sdelay $0x2  }
0x121: {  	v1 =	vld [tilespmem:$0x8790];
	_ =	sdelay $0x1  }
0x122: {  	vm5 =	vne.s32 v0, $0x0;
	_ =	sdelay $0x5  }
0x123: {  	[tilespmem:v1+s3+$0x0] =	vst.idx.add.s32.msk vm5, v0  }
0x124: {  	v0 =	vld [tilespmem:$0x91A0];
	_ =	sdelay $0x2  }
0x125: {  	v1 =	vld [tilespmem:$0x87A0];
	_ =	sdelay $0x1  }
0x126: {  	vm6 =	vne.s32 v0, $0x0;
	_ =	sdelay $0x5  }
0x127: {  	[tilespmem:v1+s3+$0x0] =	vst.idx.add.s32.msk vm6, v0  }
0x128: {  	v0 =	vld [tilespmem:$0x91B0];
	_ =	sdelay $0x2  }
0x129: {  	v1 =	vld [tilespmem:$0x87B0];
	_ =	sdelay $0x1  }
0x12a: {  	vm7 =	vne.s32 v0, $0x0;
	_ =	sdelay $0x5  }
0x12b: {  	[tilespmem:v1+s3+$0x0] =	vst.idx.add.s32.msk vm7, v0  }
0x12c: {  	v0 =	vld [tilespmem:$0x91C0];
	_ =	sdelay $0x2  }
0x12d: {  	v1 =	vld [tilespmem:$0x87C0];
	_ =	sdelay $0x1  }
0x12e: {  	vm8 =	vne.s32 v0, $0x0;
	_ =	sdelay $0x5  }
0x12f: {  	[tilespmem:v1+s3+$0x0] =	vst.idx.add.s32.msk vm8, v0  }
0x130: {  	v0 =	vld [tilespmem:$0x91D0];
	_ =	sdelay $0x2  }
0x131: {  	v1 =	vld [tilespmem:$0x87D0];
	_ =	sdelay $0x1  }
0x132: {  	vm9 =	vne.s32 v0, $0x0;
	_ =	sdelay $0x5  }
0x133: {  	[tilespmem:v1+s3+$0x0] =	vst.idx.add.s32.msk vm9, v0  }
0x134: {  	v0 =	vld [tilespmem:$0x91E0];
	_ =	sdelay $0x2  }
0x135: {  	v1 =	vld [tilespmem:$0x87E0];
	_ =	sdelay $0x1  }
0x136: {  	vm10 =	vne.s32 v0, $0x0;
	_ =	sdelay $0x5  }
0x137: {  	[tilespmem:v1+s3+$0x0] =	vst.idx.add.s32.msk vm10, v0  }
0x138: {  	v0 =	vld [tilespmem:$0x91F0];
	_ =	sdelay $0x2  }
0x139: {  	v1 =	vld [tilespmem:$0x87F0];
	_ =	sdelay $0x1  }
0x13a: {  	vm11 =	vne.s32 v0, $0x0;
	_ =	sdelay $0x5  }
0x13b: {  	[tilespmem:v1+s3+$0x0] =	vst.idx.add.s32.msk vm11, v0  }
0x13c: {  	v0 =	vld [tilespmem:$0x9200];
	_ =	sdelay $0x2  }
0x13d: {  	v1 =	vld [tilespmem:$0x8800];
	_ =	sdelay $0x1  }
0x13e: {  	vm12 =	vne.s32 v0, $0x0;
	_ =	sdelay $0x5  }
0x13f: {  	[tilespmem:v1+s3+$0x0] =	vst.idx.add.s32.msk vm12, v0  }
0x140: {  	v0 =	vld [tilespmem:$0x9210];
	_ =	sdelay $0x2  }
0x141: {  	v1 =	vld [tilespmem:$0x8810];
	_ =	sdelay $0x1  }
0x142: {  	vm13 =	vne.s32 v0, $0x0;
	_ =	sdelay $0x5  }
0x143: {  	[tilespmem:v1+s3+$0x0] =	vst.idx.add.s32.msk vm13, v0  }
0x144: {  	v0 =	vld [tilespmem:$0x9220];
	_ =	sdelay $0x2  }
0x145: {  	v1 =	vld [tilespmem:$0x8820];
	_ =	sdelay $0x1  }
0x146: {  	vm14 =	vne.s32 v0, $0x0;
	_ =	sdelay $0x5  }
0x147: {  	[tilespmem:v1+s3+$0x0] =	vst.idx.add.s32.msk vm14, v0  }
0x148: {  	v0 =	vld [tilespmem:$0x9230];
	_ =	sdelay $0x2  }
0x149: {  	v1 =	vld [tilespmem:$0x8830];
	_ =	sdelay $0x1  }
0x14a: {  	vm15 =	vne.s32 v0, $0x0;
	_ =	sdelay $0x5  }
0x14b: {  	[tilespmem:v1+s3+$0x0] =	vst.idx.add.s32.msk vm15, v0  }
0x14c: {  	v0 =	vld [tilespmem:$0x9240];
	_ =	sdelay $0x2  }
0x14d: {  	v1 =	vld [tilespmem:$0x8840];
	_ =	sdelay $0x1  }
0x14e: {  	vm4 =	vne.s32 v0, $0x0;
	_ =	sdelay $0x5  }
0x14f: {  	[tilespmem:v1+s3+$0x0] =	vst.idx.add.s32.msk vm4, v0  }
0x150: {  	v0 =	vld [tilespmem:$0x9250];
	_ =	sdelay $0x2  }
0x151: {  	v1 =	vld [tilespmem:$0x8850];
	_ =	sdelay $0x1  }
0x152: {  	vm5 =	vne.s32 v0, $0x0;
	_ =	sdelay $0x5  }
0x153: {  	[tilespmem:v1+s3+$0x0] =	vst.idx.add.s32.msk vm5, v0  }
0x154: {  	v0 =	vld [tilespmem:$0x9260];
	_ =	sdelay $0x2  }
0x155: {  	v1 =	vld [tilespmem:$0x8860];
	_ =	sdelay $0x1  }
0x156: {  	vm6 =	vne.s32 v0, $0x0;
	_ =	sdelay $0x5  }
0x157: {  	[tilespmem:v1+s3+$0x0] =	vst.idx.add.s32.msk vm6, v0  }
0x158: {  	v0 =	vld [tilespmem:$0x9270];
	_ =	sdelay $0x2  }
0x159: {  	v1 =	vld [tilespmem:$0x8870];
	_ =	sdelay $0x1  }
0x15a: {  	vm7 =	vne.s32 v0, $0x0;
	_ =	sdelay $0x5  }
0x15b: {  	[tilespmem:v1+s3+$0x0] =	vst.idx.add.s32.msk vm7, v0  }
0x15c: {  	v0 =	vld [tilespmem:$0x9280];
	_ =	sdelay $0x2  }
0x15d: {  	v1 =	vld [tilespmem:$0x8880];
	_ =	sdelay $0x1  }
0x15e: {  	vm8 =	vne.s32 v0, $0x0;
	_ =	sdelay $0x5  }
0x15f: {  	[tilespmem:v1+s3+$0x0] =	vst.idx.add.s32.msk vm8, v0  }
0x160: {  	v0 =	vld [tilespmem:$0x9290];
	_ =	sdelay $0x2  }
0x161: {  	v1 =	vld [tilespmem:$0x8890];
	_ =	sdelay $0x1  }
0x162: {  	vm9 =	vne.s32 v0, $0x0;
	_ =	sdelay $0x5  }
0x163: {  	[tilespmem:v1+s3+$0x0] =	vst.idx.add.s32.msk vm9, v0  }
0x164: {  	v0 =	vld [tilespmem:$0x92A0];
	_ =	sdelay $0x2  }
0x165: {  	v1 =	vld [tilespmem:$0x88A0];
	_ =	sdelay $0x1  }
0x166: {  	vm10 =	vne.s32 v0, $0x0;
	_ =	sdelay $0x5  }
0x167: {  	[tilespmem:v1+s3+$0x0] =	vst.idx.add.s32.msk vm10, v0  }
0x168: {  	v0 =	vld [tilespmem:$0x92B0];
	_ =	sdelay $0x2  }
0x169: {  	v1 =	vld [tilespmem:$0x88B0];
	_ =	sdelay $0x1  }
0x16a: {  	vm11 =	vne.s32 v0, $0x0;
	_ =	sdelay $0x5  }
0x16b: {  	[tilespmem:v1+s3+$0x0] =	vst.idx.add.s32.msk vm11, v0  }
0x16c: {  	v0 =	vld [tilespmem:$0x92C0];
	_ =	sdelay $0x2  }
0x16d: {  	v1 =	vld [tilespmem:$0x88C0];
	_ =	sdelay $0x1  }
0x16e: {  	vm12 =	vne.s32 v0, $0x0;
	_ =	sdelay $0x5  }
0x16f: {  	[tilespmem:v1+s3+$0x0] =	vst.idx.add.s32.msk vm12, v0  }
0x170: {  	v0 =	vld [tilespmem:$0x92D0];
	_ =	sdelay $0x2  }
0x171: {  	v1 =	vld [tilespmem:$0x88D0];
	_ =	sdelay $0x1  }
0x172: {  	vm13 =	vne.s32 v0, $0x0;
	_ =	sdelay $0x5  }
0x173: {  	[tilespmem:v1+s3+$0x0] =	vst.idx.add.s32.msk vm13, v0  }
0x174: {  	v0 =	vld [tilespmem:$0x92E0];
	_ =	sdelay $0x2  }
0x175: {  	v1 =	vld [tilespmem:$0x88E0];
	_ =	sdelay $0x1  }
0x176: {  	vm14 =	vne.s32 v0, $0x0;
	_ =	sdelay $0x5  }
0x177: {  	[tilespmem:v1+s3+$0x0] =	vst.idx.add.s32.msk vm14, v0  }
0x178: {  	v0 =	vld [tilespmem:$0x92F0];
	_ =	sdelay $0x2  }
0x179: {  	v1 =	vld [tilespmem:$0x88F0];
	_ =	sdelay $0x1  }
0x17a: {  	vm15 =	vne.s32 v0, $0x0;
	_ =	sdelay $0x5  }
0x17b: {  	[tilespmem:v1+s3+$0x0] =	vst.idx.add.s32.msk vm15, v0  }
0x17c: {  	v0 =	vld [tilespmem:$0x9300];
	_ =	sdelay $0x2  }
0x17d: {  	v1 =	vld [tilespmem:$0x8900];
	_ =	sdelay $0x1  }
0x17e: {  	vm4 =	vne.s32 v0, $0x0;
	_ =	sdelay $0x5  }
0x17f: {  	[tilespmem:v1+s3+$0x0] =	vst.idx.add.s32.msk vm4, v0  }
0x180: {  	v0 =	vld [tilespmem:$0x9310];
	_ =	sdelay $0x2  }
0x181: {  	v1 =	vld [tilespmem:$0x8910];
	_ =	sdelay $0x1  }
0x182: {  	vm5 =	vne.s32 v0, $0x0;
	_ =	sdelay $0x5  }
0x183: {  	[tilespmem:v1+s3+$0x0] =	vst.idx.add.s32.msk vm5, v0  }
0x184: {  	v0 =	vld [tilespmem:$0x9320];
	_ =	sdelay $0x2  }
0x185: {  	v1 =	vld [tilespmem:$0x8920];
	_ =	sdelay $0x1  }
0x186: {  	vm6 =	vne.s32 v0, $0x0;
	_ =	sdelay $0x5  }
0x187: {  	[tilespmem:v1+s3+$0x0] =	vst.idx.add.s32.msk vm6, v0  }
0x188: {  	v0 =	vld [tilespmem:$0x9330];
	_ =	sdelay $0x2  }
0x189: {  	v1 =	vld [tilespmem:$0x8930];
	_ =	sdelay $0x1  }
0x18a: {  	vm7 =	vne.s32 v0, $0x0;
	_ =	sdelay $0x5  }
0x18b: {  	[tilespmem:v1+s3+$0x0] =	vst.idx.add.s32.msk vm7, v0  }
0x18c: {  	v0 =	vld [tilespmem:$0x9340];
	_ =	sdelay $0x2  }
0x18d: {  	v1 =	vld [tilespmem:$0x8940];
	_ =	sdelay $0x1  }
0x18e: {  	vm8 =	vne.s32 v0, $0x0;
	_ =	sdelay $0x5  }
0x18f: {  	[tilespmem:v1+s3+$0x0] =	vst.idx.add.s32.msk vm8, v0  }
0x190: {  	v0 =	vld [tilespmem:$0x9350];
	_ =	sdelay $0x2  }
0x191: {  	v1 =	vld [tilespmem:$0x8950];
	_ =	sdelay $0x1  }
0x192: {  	vm9 =	vne.s32 v0, $0x0;
	_ =	sdelay $0x5  }
0x193: {  	[tilespmem:v1+s3+$0x0] =	vst.idx.add.s32.msk vm9, v0  }
0x194: {  	v0 =	vld [tilespmem:$0x9360];
	_ =	sdelay $0x2  }
0x195: {  	v1 =	vld [tilespmem:$0x8960];
	_ =	sdelay $0x1  }
0x196: {  	vm10 =	vne.s32 v0, $0x0;
	_ =	sdelay $0x5  }
0x197: {  	[tilespmem:v1+s3+$0x0] =	vst.idx.add.s32.msk vm10, v0  }
0x198: {  	v0 =	vld [tilespmem:$0x9370];
	_ =	sdelay $0x2  }
0x199: {  	v1 =	vld [tilespmem:$0x8970];
	_ =	sdelay $0x1  }
0x19a: {  	vm11 =	vne.s32 v0, $0x0;
	_ =	sdelay $0x5  }
0x19b: {  	[tilespmem:v1+s3+$0x0] =	vst.idx.add.s32.msk vm11, v0  }
0x19c: {  	v0 =	vld [tilespmem:$0x9380];
	_ =	sdelay $0x2  }
0x19d: {  	v1 =	vld [tilespmem:$0x8980];
	_ =	sdelay $0x1  }
0x19e: {  	vm12 =	vne.s32 v0, $0x0;
	_ =	sdelay $0x5  }
0x19f: {  	[tilespmem:v1+s3+$0x0] =	vst.idx.add.s32.msk vm12, v0  }
0x1a0: {  	v0 =	vld [tilespmem:$0x9390];
	_ =	sdelay $0x2  }
0x1a1: {  	v1 =	vld [tilespmem:$0x8990];
	_ =	sdelay $0x1  }
0x1a2: {  	vm13 =	vne.s32 v0, $0x0;
	_ =	sdelay $0x5  }
0x1a3: {  	[tilespmem:v1+s3+$0x0] =	vst.idx.add.s32.msk vm13, v0  }
0x1a4: {  	v0 =	vld [tilespmem:$0x93A0];
	_ =	sdelay $0x2  }
0x1a5: {  	v1 =	vld [tilespmem:$0x89A0];
	_ =	sdelay $0x1  }
0x1a6: {  	vm14 =	vne.s32 v0, $0x0;
	_ =	sdelay $0x5  }
0x1a7: {  	[tilespmem:v1+s3+$0x0] =	vst.idx.add.s32.msk vm14, v0  }
0x1a8: {  	v0 =	vld [tilespmem:$0x93B0];
	_ =	sdelay $0x2  }
0x1a9: {  	v1 =	vld [tilespmem:$0x89B0];
	_ =	sdelay $0x1  }
0x1aa: {  	vm15 =	vne.s32 v0, $0x0;
	_ =	sdelay $0x5  }
0x1ab: {  	[tilespmem:v1+s3+$0x0] =	vst.idx.add.s32.msk vm15, v0  }
0x1ac: {  	v0 =	vld [tilespmem:$0x93C0];
	_ =	sdelay $0x2  }
0x1ad: {  	v1 =	vld [tilespmem:$0x89C0];
	_ =	sdelay $0x1  }
0x1ae: {  	vm4 =	vne.s32 v0, $0x0;
	_ =	sdelay $0x5  }
0x1af: {  	[tilespmem:v1+s3+$0x0] =	vst.idx.add.s32.msk vm4, v0  }
0x1b0: {  	v0 =	vld [tilespmem:$0x93D0];
	_ =	sdelay $0x2  }
0x1b1: {  	v1 =	vld [tilespmem:$0x89D0];
	_ =	sdelay $0x1  }
0x1b2: {  	vm5 =	vne.s32 v0, $0x0;
	_ =	sdelay $0x5  }
0x1b3: {  	[tilespmem:v1+s3+$0x0] =	vst.idx.add.s32.msk vm5, v0  }
0x1b4: {  	v0 =	vld [tilespmem:$0x93E0];
	_ =	sdelay $0x2  }
0x1b5: {  	v1 =	vld [tilespmem:$0x89E0];
	_ =	sdelay $0x1  }
0x1b6: {  	vm6 =	vne.s32 v0, $0x0;
	_ =	sdelay $0x5  }
0x1b7: {  	[tilespmem:v1+s3+$0x0] =	vst.idx.add.s32.msk vm6, v0  }
0x1b8: {  	v0 =	vld [tilespmem:$0x93F0];
	_ =	sdelay $0x2  }
0x1b9: {  	v1 =	vld [tilespmem:$0x89F0];
	_ =	sdelay $0x1  }
0x1ba: {  	vm7 =	vne.s32 v0, $0x0;
	_ =	sdelay $0x5  }
0x1bb: {  	[tilespmem:v1+s3+$0x0] =	vst.idx.add.s32.msk vm7, v0  }
0x1bc: {  	v0 =	vld [tilespmem:$0x9400];
	_ =	sdelay $0x2  }
0x1bd: {  	v1 =	vld [tilespmem:$0x8A00];
	_ =	sdelay $0x1  }
0x1be: {  	vm8 =	vne.s32 v0, $0x0;
	_ =	sdelay $0x5  }
0x1bf: {  	[tilespmem:v1+s3+$0x0] =	vst.idx.add.s32.msk vm8, v0  }
0x1c0: {  	v0 =	vld [tilespmem:$0x9410];
	_ =	sdelay $0x2  }
0x1c1: {  	v1 =	vld [tilespmem:$0x8A10];
	_ =	sdelay $0x1  }
0x1c2: {  	vm9 =	vne.s32 v0, $0x0;
	_ =	sdelay $0x5  }
0x1c3: {  	[tilespmem:v1+s3+$0x0] =	vst.idx.add.s32.msk vm9, v0  }
0x1c4: {  	v0 =	vld [tilespmem:$0x9420];
	_ =	sdelay $0x2  }
0x1c5: {  	v1 =	vld [tilespmem:$0x8A20];
	_ =	sdelay $0x1  }
0x1c6: {  	vm10 =	vne.s32 v0, $0x0;
	_ =	sdelay $0x5  }
0x1c7: {  	[tilespmem:v1+s3+$0x0] =	vst.idx.add.s32.msk vm10, v0  }
0x1c8: {  	v0 =	vld [tilespmem:$0x9430];
	_ =	sdelay $0x2  }
0x1c9: {  	v1 =	vld [tilespmem:$0x8A30];
	_ =	sdelay $0x1  }
0x1ca: {  	vm11 =	vne.s32 v0, $0x0;
	_ =	sdelay $0x5  }
0x1cb: {  	[tilespmem:v1+s3+$0x0] =	vst.idx.add.s32.msk vm11, v0  }
0x1cc: {  	v0 =	vld [tilespmem:$0x9440];
	_ =	sdelay $0x2  }
0x1cd: {  	v1 =	vld [tilespmem:$0x8A40];
	_ =	sdelay $0x1  }
0x1ce: {  	vm12 =	vne.s32 v0, $0x0;
	_ =	sdelay $0x5  }
0x1cf: {  	[tilespmem:v1+s3+$0x0] =	vst.idx.add.s32.msk vm12, v0  }
0x1d0: {  	v0 =	vld [tilespmem:$0x9450];
	_ =	sdelay $0x2  }
0x1d1: {  	v1 =	vld [tilespmem:$0x8A50];
	_ =	sdelay $0x1  }
0x1d2: {  	vm13 =	vne.s32 v0, $0x0;
	_ =	sdelay $0x5  }
0x1d3: {  	[tilespmem:v1+s3+$0x0] =	vst.idx.add.s32.msk vm13, v0  }
0x1d4: {  	v0 =	vld [tilespmem:$0x9460];
	_ =	sdelay $0x2  }
0x1d5: {  	v1 =	vld [tilespmem:$0x8A60];
	_ =	sdelay $0x1  }
0x1d6: {  	vm14 =	vne.s32 v0, $0x0;
	_ =	sdelay $0x5  }
0x1d7: {  	[tilespmem:v1+s3+$0x0] =	vst.idx.add.s32.msk vm14, v0  }
0x1d8: {  	v0 =	vld [tilespmem:$0x9470];
	_ =	sdelay $0x2  }
0x1d9: {  	v1 =	vld [tilespmem:$0x8A70];
	_ =	sdelay $0x1  }
0x1da: {  	vm15 =	vne.s32 v0, $0x0;
	_ =	sdelay $0x5  }
0x1db: {  	[tilespmem:v1+s3+$0x0] =	vst.idx.add.s32.msk vm15, v0  }
0x1dc: {  	v0 =	vld [tilespmem:$0x9480];
	_ =	sdelay $0x2  }
0x1dd: {  	v1 =	vld [tilespmem:$0x8A80];
	_ =	sdelay $0x1  }
0x1de: {  	vm4 =	vne.s32 v0, $0x0;
	_ =	sdelay $0x5  }
0x1df: {  	[tilespmem:v1+s3+$0x0] =	vst.idx.add.s32.msk vm4, v0  }
0x1e0: {  	v0 =	vld [tilespmem:$0x9490];
	_ =	sdelay $0x2  }
0x1e1: {  	v1 =	vld [tilespmem:$0x8A90];
	_ =	sdelay $0x1  }
0x1e2: {  	vm5 =	vne.s32 v0, $0x0;
	_ =	sdelay $0x5  }
0x1e3: {  	[tilespmem:v1+s3+$0x0] =	vst.idx.add.s32.msk vm5, v0  }
0x1e4: {  	v0 =	vld [tilespmem:$0x94A0];
	_ =	sdelay $0x2  }
0x1e5: {  	v1 =	vld [tilespmem:$0x8AA0];
	_ =	sdelay $0x1  }
0x1e6: {  	vm6 =	vne.s32 v0, $0x0;
	_ =	sdelay $0x5  }
0x1e7: {  	[tilespmem:v1+s3+$0x0] =	vst.idx.add.s32.msk vm6, v0  }
0x1e8: {  	v0 =	vld [tilespmem:$0x94B0];
	_ =	sdelay $0x2  }
0x1e9: {  	v1 =	vld [tilespmem:$0x8AB0];
	_ =	sdelay $0x1  }
0x1ea: {  	vm7 =	vne.s32 v0, $0x0;
	_ =	sdelay $0x5  }
0x1eb: {  	[tilespmem:v1+s3+$0x0] =	vst.idx.add.s32.msk vm7, v0  }
0x1ec: {  	v0 =	vld [tilespmem:$0x94C0];
	_ =	sdelay $0x2  }
0x1ed: {  	v1 =	vld [tilespmem:$0x8AC0];
	_ =	sdelay $0x1  }
0x1ee: {  	vm8 =	vne.s32 v0, $0x0;
	_ =	sdelay $0x5  }
0x1ef: {  	[tilespmem:v1+s3+$0x0] =	vst.idx.add.s32.msk vm8, v0  }
0x1f0: {  	v0 =	vld [tilespmem:$0x94D0];
	_ =	sdelay $0x2  }
0x1f1: {  	v1 =	vld [tilespmem:$0x8AD0];
	_ =	sdelay $0x1  }
0x1f2: {  	vm9 =	vne.s32 v0, $0x0;
	_ =	sdelay $0x5  }
0x1f3: {  	[tilespmem:v1+s3+$0x0] =	vst.idx.add.s32.msk vm9, v0  }
0x1f4: {  	v0 =	vld [tilespmem:$0x94E0];
	_ =	sdelay $0x2  }
0x1f5: {  	v1 =	vld [tilespmem:$0x8AE0];
	_ =	sdelay $0x1  }
0x1f6: {  	vm10 =	vne.s32 v0, $0x0;
	_ =	sdelay $0x5  }
0x1f7: {  	[tilespmem:v1+s3+$0x0] =	vst.idx.add.s32.msk vm10, v0  }
0x1f8: {  	v0 =	vld [tilespmem:$0x94F0];
	_ =	sdelay $0x2  }
0x1f9: {  	v1 =	vld [tilespmem:$0x8AF0];
	_ =	sdelay $0x1  }
0x1fa: {  	vm11 =	vne.s32 v0, $0x0;
	_ =	sdelay $0x5  }
0x1fb: {  	[tilespmem:v1+s3+$0x0] =	vst.idx.add.s32.msk vm11, v0  }
0x1fc: {  	v0 =	vld [tilespmem:$0x9500];
	_ =	sdelay $0x2  }
0x1fd: {  	v1 =	vld [tilespmem:$0x8B00];
	_ =	sdelay $0x1  }
0x1fe: {  	vm12 =	vne.s32 v0, $0x0;
	_ =	sdelay $0x5  }
0x1ff: {  	[tilespmem:v1+s3+$0x0] =	vst.idx.add.s32.msk vm12, v0  }
0x200: {  	v0 =	vld [tilespmem:$0x9510];
	_ =	sdelay $0x2  }
0x201: {  	v1 =	vld [tilespmem:$0x8B10];
	_ =	sdelay $0x1  }
0x202: {  	vm13 =	vne.s32 v0, $0x0;
	_ =	sdelay $0x5  }
0x203: {  	[tilespmem:v1+s3+$0x0] =	vst.idx.add.s32.msk vm13, v0  }
0x204: {  	v0 =	vld [tilespmem:$0x9520];
	_ =	sdelay $0x2  }
0x205: {  	v1 =	vld [tilespmem:$0x8B20];
	_ =	sdelay $0x1  }
0x206: {  	vm14 =	vne.s32 v0, $0x0;
	_ =	sdelay $0x5  }
0x207: {  	[tilespmem:v1+s3+$0x0] =	vst.idx.add.s32.msk vm14, v0  }
0x208: {  	v0 =	vld [tilespmem:$0x9530];
	_ =	sdelay $0x2  }
0x209: {  	v1 =	vld [tilespmem:$0x8B30];
	_ =	sdelay $0x1  }
0x20a: {  	vm15 =	vne.s32 v0, $0x0;
	_ =	sdelay $0x5  }
0x20b: {  	[tilespmem:v1+s3+$0x0] =	vst.idx.add.s32.msk vm15, v0  }
0x20c: {  	v0 =	vld [tilespmem:$0x9540];
	_ =	sdelay $0x2  }
0x20d: {  	v1 =	vld [tilespmem:$0x8B40];
	_ =	sdelay $0x1  }
0x20e: {  	vm4 =	vne.s32 v0, $0x0;
	_ =	sdelay $0x5  }
0x20f: {  	[tilespmem:v1+s3+$0x0] =	vst.idx.add.s32.msk vm4, v0  }
0x210: {  	v0 =	vld [tilespmem:$0x9550];
	_ =	sdelay $0x2  }
0x211: {  	v1 =	vld [tilespmem:$0x8B50];
	_ =	sdelay $0x1  }
0x212: {  	vm5 =	vne.s32 v0, $0x0;
	_ =	sdelay $0x5  }
0x213: {  	[tilespmem:v1+s3+$0x0] =	vst.idx.add.s32.msk vm5, v0  }
0x214: {  	v0 =	vld [tilespmem:$0x9560];
	_ =	sdelay $0x2  }
0x215: {  	v1 =	vld [tilespmem:$0x8B60];
	_ =	sdelay $0x1  }
0x216: {  	vm6 =	vne.s32 v0, $0x0;
	_ =	sdelay $0x5  }
0x217: {  	[tilespmem:v1+s3+$0x0] =	vst.idx.add.s32.msk vm6, v0  }
0x218: {  	v0 =	vld [tilespmem:$0x9570];
	_ =	sdelay $0x2  }
0x219: {  	v1 =	vld [tilespmem:$0x8B70];
	_ =	sdelay $0x1  }
0x21a: {  	vm7 =	vne.s32 v0, $0x0;
	_ =	sdelay $0x5  }
0x21b: {  	[tilespmem:v1+s3+$0x0] =	vst.idx.add.s32.msk vm7, v0  }
0x21c: {  	v0 =	vld [tilespmem:$0x9580];
	_ =	sdelay $0x2  }
0x21d: {  	v1 =	vld [tilespmem:$0x8B80];
	_ =	sdelay $0x1  }
0x21e: {  	vm8 =	vne.s32 v0, $0x0;
	_ =	sdelay $0x5  }
0x21f: {  	[tilespmem:v1+s3+$0x0] =	vst.idx.add.s32.msk vm8, v0  }
0x220: {  	v0 =	vld [tilespmem:$0x9590];
	_ =	sdelay $0x2  }
0x221: {  	v1 =	vld [tilespmem:$0x8B90];
	_ =	sdelay $0x1  }
0x222: {  	vm9 =	vne.s32 v0, $0x0;
	_ =	sdelay $0x5  }
0x223: {  	[tilespmem:v1+s3+$0x0] =	vst.idx.add.s32.msk vm9, v0  }
0x224: {  	v0 =	vld [tilespmem:$0x95A0];
	_ =	sdelay $0x2  }
0x225: {  	v1 =	vld [tilespmem:$0x8BA0];
	_ =	sdelay $0x1  }
0x226: {  	vm10 =	vne.s32 v0, $0x0;
	_ =	sdelay $0x5  }
0x227: {  	[tilespmem:v1+s3+$0x0] =	vst.idx.add.s32.msk vm10, v0  }
0x228: {  	v0 =	vld [tilespmem:$0x95B0];
	_ =	sdelay $0x2  }
0x229: {  	v1 =	vld [tilespmem:$0x8BB0];
	_ =	sdelay $0x1  }
0x22a: {  	vm11 =	vne.s32 v0, $0x0;
	_ =	sdelay $0x5  }
0x22b: {  	[tilespmem:v1+s3+$0x0] =	vst.idx.add.s32.msk vm11, v0  }
0x22c: {  	v0 =	vld [tilespmem:$0x95C0];
	_ =	sdelay $0x2  }
0x22d: {  	v1 =	vld [tilespmem:$0x8BC0];
	_ =	sdelay $0x1  }
0x22e: {  	vm12 =	vne.s32 v0, $0x0;
	_ =	sdelay $0x5  }
0x22f: {  	[tilespmem:v1+s3+$0x0] =	vst.idx.add.s32.msk vm12, v0  }
0x230: {  	v0 =	vld [tilespmem:$0x95D0];
	_ =	sdelay $0x2  }
0x231: {  	v1 =	vld [tilespmem:$0x8BD0];
	_ =	sdelay $0x1  }
0x232: {  	vm13 =	vne.s32 v0, $0x0;
	_ =	sdelay $0x5  }
0x233: {  	[tilespmem:v1+s3+$0x0] =	vst.idx.add.s32.msk vm13, v0  }
0x234: {  	v0 =	vld [tilespmem:$0x95E0];
	_ =	sdelay $0x2  }
0x235: {  	v1 =	vld [tilespmem:$0x8BE0];
	_ =	sdelay $0x1  }
0x236: {  	vm14 =	vne.s32 v0, $0x0;
	_ =	sdelay $0x5  }
0x237: {  	[tilespmem:v1+s3+$0x0] =	vst.idx.add.s32.msk vm14, v0  }
0x238: {  	v0 =	vld [tilespmem:$0x95F0];
	_ =	sdelay $0x2  }
0x239: {  	v1 =	vld [tilespmem:$0x8BF0];
	_ =	sdelay $0x1  }
0x23a: {  	vm15 =	vne.s32 v0, $0x0;
	_ =	sdelay $0x5  }
0x23b: {  	[tilespmem:v1+s3+$0x0] =	vst.idx.add.s32.msk vm15, v0  }
0x23c: {  	v0 =	vld [tilespmem:$0x9600];
	_ =	sdelay $0x2  }
0x23d: {  	v1 =	vld [tilespmem:$0x8C00];
	_ =	sdelay $0x1  }
0x23e: {  	vm4 =	vne.s32 v0, $0x0;
	_ =	sdelay $0x5  }
0x23f: {  	[tilespmem:v1+s3+$0x0] =	vst.idx.add.s32.msk vm4, v0  }
0x240: {  	v0 =	vld [tilespmem:$0x9610];
	_ =	sdelay $0x2  }
0x241: {  	v1 =	vld [tilespmem:$0x8C10];
	_ =	sdelay $0x1  }
0x242: {  	vm5 =	vne.s32 v0, $0x0;
	_ =	sdelay $0x5  }
0x243: {  	[tilespmem:v1+s3+$0x0] =	vst.idx.add.s32.msk vm5, v0  }
0x244: {  	v0 =	vld [tilespmem:$0x9620];
	_ =	sdelay $0x2  }
0x245: {  	v1 =	vld [tilespmem:$0x8C20];
	_ =	sdelay $0x1  }
0x246: {  	vm6 =	vne.s32 v0, $0x0;
	_ =	sdelay $0x5  }
0x247: {  	[tilespmem:v1+s3+$0x0] =	vst.idx.add.s32.msk vm6, v0  }
0x248: {  	v0 =	vld [tilespmem:$0x9630];
	_ =	sdelay $0x2  }
0x249: {  	v1 =	vld [tilespmem:$0x8C30];
	_ =	sdelay $0x1  }
0x24a: {  	vm7 =	vne.s32 v0, $0x0;
	_ =	sdelay $0x5  }
0x24b: {  	[tilespmem:v1+s3+$0x0] =	vst.idx.add.s32.msk vm7, v0  }
0x24c: {  	v0 =	vld [tilespmem:$0x9640];
	_ =	sdelay $0x2  }
0x24d: {  	v1 =	vld [tilespmem:$0x8C40];
	_ =	sdelay $0x1  }
0x24e: {  	vm8 =	vne.s32 v0, $0x0;
	_ =	sdelay $0x5  }
0x24f: {  	[tilespmem:v1+s3+$0x0] =	vst.idx.add.s32.msk vm8, v0  }
0x250: {  	v0 =	vld [tilespmem:$0x9650];
	_ =	sdelay $0x2  }
0x251: {  	v1 =	vld [tilespmem:$0x8C50];
	_ =	sdelay $0x1  }
0x252: {  	vm9 =	vne.s32 v0, $0x0;
	_ =	sdelay $0x5  }
0x253: {  	[tilespmem:v1+s3+$0x0] =	vst.idx.add.s32.msk vm9, v0  }
0x254: {  	v0 =	vld [tilespmem:$0x9660];
	_ =	sdelay $0x2  }
0x255: {  	v1 =	vld [tilespmem:$0x8C60];
	_ =	sdelay $0x1  }
0x256: {  	vm10 =	vne.s32 v0, $0x0;
	_ =	sdelay $0x5  }
0x257: {  	[tilespmem:v1+s3+$0x0] =	vst.idx.add.s32.msk vm10, v0  }
0x258: {  	v0 =	vld [tilespmem:$0x9670];
	_ =	sdelay $0x2  }
0x259: {  	v1 =	vld [tilespmem:$0x8C70];
	_ =	sdelay $0x1  }
0x25a: {  	vm11 =	vne.s32 v0, $0x0;
	_ =	sdelay $0x5  }
0x25b: {  	[tilespmem:v1+s3+$0x0] =	vst.idx.add.s32.msk vm11, v0  }
0x25c: {  	v0 =	vld [tilespmem:$0x9680];
	_ =	sdelay $0x2  }
0x25d: {  	v1 =	vld [tilespmem:$0x8C80];
	_ =	sdelay $0x1  }
0x25e: {  	vm12 =	vne.s32 v0, $0x0;
	_ =	sdelay $0x5  }
0x25f: {  	[tilespmem:v1+s3+$0x0] =	vst.idx.add.s32.msk vm12, v0  }
0x260: {  	v0 =	vld [tilespmem:$0x9690];
	_ =	sdelay $0x2  }
0x261: {  	v1 =	vld [tilespmem:$0x8C90];
	_ =	sdelay $0x1  }
0x262: {  	vm13 =	vne.s32 v0, $0x0;
	_ =	sdelay $0x5  }
0x263: {  	[tilespmem:v1+s3+$0x0] =	vst.idx.add.s32.msk vm13, v0  }
0x264: {  	v0 =	vld [tilespmem:$0x96A0];
	_ =	sdelay $0x2  }
0x265: {  	v1 =	vld [tilespmem:$0x8CA0];
	_ =	sdelay $0x1  }
0x266: {  	vm14 =	vne.s32 v0, $0x0;
	_ =	sdelay $0x5  }
0x267: {  	[tilespmem:v1+s3+$0x0] =	vst.idx.add.s32.msk vm14, v0  }
0x268: {  	v0 =	vld [tilespmem:$0x96B0];
	_ =	sdelay $0x2  }
0x269: {  	v1 =	vld [tilespmem:$0x8CB0];
	_ =	sdelay $0x1  }
0x26a: {  	vm15 =	vne.s32 v0, $0x0;
	_ =	sdelay $0x5  }
0x26b: {  	[tilespmem:v1+s3+$0x0] =	vst.idx.add.s32.msk vm15, v0  }
0x26c: {  	v0 =	vld [tilespmem:$0x96C0];
	_ =	sdelay $0x2  }
0x26d: {  	v1 =	vld [tilespmem:$0x8CC0];
	_ =	sdelay $0x1  }
0x26e: {  	vm4 =	vne.s32 v0, $0x0;
	_ =	sdelay $0x5  }
0x26f: {  	[tilespmem:v1+s3+$0x0] =	vst.idx.add.s32.msk vm4, v0  }
0x270: {  	v0 =	vld [tilespmem:$0x96D0];
	_ =	sdelay $0x2  }
0x271: {  	v1 =	vld [tilespmem:$0x8CD0];
	_ =	sdelay $0x1  }
0x272: {  	vm5 =	vne.s32 v0, $0x0;
	_ =	sdelay $0x5  }
0x273: {  	[tilespmem:v1+s3+$0x0] =	vst.idx.add.s32.msk vm5, v0  }
0x274: {  	v0 =	vld [tilespmem:$0x96E0];
	_ =	sdelay $0x2  }
0x275: {  	v1 =	vld [tilespmem:$0x8CE0];
	_ =	sdelay $0x1  }
0x276: {  	vm6 =	vne.s32 v0, $0x0;
	_ =	sdelay $0x5  }
0x277: {  	[tilespmem:v1+s3+$0x0] =	vst.idx.add.s32.msk vm6, v0  }
0x278: {  	v0 =	vld [tilespmem:$0x96F0];
	_ =	sdelay $0x2  }
0x279: {  	v1 =	vld [tilespmem:$0x8CF0];
	_ =	sdelay $0x1  }
0x27a: {  	vm7 =	vne.s32 v0, $0x0;
	_ =	sdelay $0x5  }
0x27b: {  	[tilespmem:v1+s3+$0x0] =	vst.idx.add.s32.msk vm7, v0  }
0x27c: {  	v0 =	vld [tilespmem:$0x9700];
	_ =	sdelay $0x2  }
0x27d: {  	v1 =	vld [tilespmem:$0x8D00];
	_ =	sdelay $0x1  }
0x27e: {  	vm8 =	vne.s32 v0, $0x0;
	_ =	sdelay $0x5  }
0x27f: {  	[tilespmem:v1+s3+$0x0] =	vst.idx.add.s32.msk vm8, v0  }
0x280: {  	v0 =	vld [tilespmem:$0x9710];
	_ =	sdelay $0x2  }
0x281: {  	v1 =	vld [tilespmem:$0x8D10];
	_ =	sdelay $0x1  }
0x282: {  	vm9 =	vne.s32 v0, $0x0;
	_ =	sdelay $0x5  }
0x283: {  	[tilespmem:v1+s3+$0x0] =	vst.idx.add.s32.msk vm9, v0  }
0x284: {  	v0 =	vld [tilespmem:$0x9720];
	_ =	sdelay $0x2  }
0x285: {  	v1 =	vld [tilespmem:$0x8D20];
	_ =	sdelay $0x1  }
0x286: {  	vm10 =	vne.s32 v0, $0x0;
	_ =	sdelay $0x5  }
0x287: {  	[tilespmem:v1+s3+$0x0] =	vst.idx.add.s32.msk vm10, v0  }
0x288: {  	v0 =	vld [tilespmem:$0x9730];
	_ =	sdelay $0x2  }
0x289: {  	v1 =	vld [tilespmem:$0x8D30];
	_ =	sdelay $0x1  }
0x28a: {  	vm11 =	vne.s32 v0, $0x0;
	_ =	sdelay $0x5  }
0x28b: {  	[tilespmem:v1+s3+$0x0] =	vst.idx.add.s32.msk vm11, v0  }
0x28c: {  	v0 =	vld [tilespmem:$0x9740];
	_ =	sdelay $0x2  }
0x28d: {  	v1 =	vld [tilespmem:$0x8D40];
	_ =	sdelay $0x1  }
0x28e: {  	vm12 =	vne.s32 v0, $0x0;
	_ =	sdelay $0x5  }
0x28f: {  	[tilespmem:v1+s3+$0x0] =	vst.idx.add.s32.msk vm12, v0  }
0x290: {  	v0 =	vld [tilespmem:$0x9750];
	_ =	sdelay $0x2  }
0x291: {  	v1 =	vld [tilespmem:$0x8D50];
	_ =	sdelay $0x1  }
0x292: {  	vm13 =	vne.s32 v0, $0x0;
	_ =	sdelay $0x5  }
0x293: {  	[tilespmem:v1+s3+$0x0] =	vst.idx.add.s32.msk vm13, v0  }
0x294: {  	v0 =	vld [tilespmem:$0x9760];
	_ =	sdelay $0x2  }
0x295: {  	v1 =	vld [tilespmem:$0x8D60];
	_ =	sdelay $0x1  }
0x296: {  	vm14 =	vne.s32 v0, $0x0;
	_ =	sdelay $0x5  }
0x297: {  	[tilespmem:v1+s3+$0x0] =	vst.idx.add.s32.msk vm14, v0  }
0x298: {  	v0 =	vld [tilespmem:$0x9770];
	_ =	sdelay $0x2  }
0x299: {  	v1 =	vld [tilespmem:$0x8D70];
	_ =	sdelay $0x1  }
0x29a: {  	vm15 =	vne.s32 v0, $0x0;
	_ =	sdelay $0x4  }
0x29b: {  	p0 =	sne.s32 s7, $0x1  }
.Ltmp1:
0x29c: {  	[tilespmem:v1+s3+$0x0] =	vst.idx.add.s32.msk vm15, v0;
	(pc) =	sbr.rel @p0 .LBB2_2-.Ltmp1, $4  }
0x29d: {  	[hbm4b:s6+s3] =	stream.linear.scatter [tilespmem:s3], [sflag:$0x1], $0x8340, $0x38;
	[tilespmem:$0x9780] =	vst v63  }
0x29e: {  	_ =	swait.ge [sflag:s8], $0x8340  }
0x29f: {  	[sflag:s8] =	ssyncset.done $0x0  }
0x2a0: {  	s7 =	sadd.s32 $0xFFFFFFFF, s7;
	[sflag:s8] =	ssyncadd.s32 $0xFFFF7CC0  }
.LBB2_3:
0x2a1: {  	_ =	sfence.sel $0x180000  }
0x2a2: {  	[bflag:$0x0] =	sbarrier.arrive $0xFFFF  }
0x2a3: {  	p0 =	sne.s32 s1, $0x0;
	_ =	strace $0x90000047  }
0x2a4: {  	s0 =	sadd.s32 @!p0 $0x100000, s0;
	[bflag:$0x2] =	sbarrier.arrive $0xFFFF  }
0x2a5: {  	[sflag:s0] =	ssyncadd.tile.s32 @!p0 $0x1;
	_ =	shalt  }
.Lfunc_end2:
_tile_overlayer_lowered:
.L_overlay_start_2:
0x2a6: {  	(tag) =	ssettag $0x2  }
0x2a7: {  	s0 =	rddreg [dreg:$0x0];
	s2 =	stileid.u32  }
0x2a8: {  	s1 =	rddreg [dreg:$0x1];
	p0 =	sne.s32 s2, $0x0  }
0x2a9: {  	s3 =	rddreg [dreg:$0x2];
	[bflag:$0x3] =	sbarrier.arrive $0xFFFF;
	s2 =	simm.s32 @!p0 $0x1C01  }
0x2aa: {  	[timem:s3], [sflag:s2] =	dma.local @!p0 [hbm:s0], s1  }
0x2ab: {  	s0 =	simm.s32 @!p0 $0x1  }
0x2ac: {  	_ =	swait.ge @!p0 [sflag:s0], s1  }
0x2ad: {  	s1 =	ssub.s32 @!p0 $0x0, s1;
	[sflag:s0] =	ssyncset.done @!p0 $0x0  }
0x2ae: {  	[sflag:s0] =	ssyncadd.s32 @!p0 s1  }
0x2af: {  	[bflag:$0x3] =	sbarrier.arrive $0xFFFF  }
0x2b0: {  	_ =	shalt  }

</sc_bundles>
